<compile_context>
chip_gen: v7x
topology: tpu7x:2x2x1
jax: 0.10.2.dev20260603
libtpu: 0.0.44.dev20260713+nightly
codegen_flags: <defaults>
</compile_context>

<pallas_src>
import functools

import jax
import jax.numpy as jnp
from jax import lax
from jax.experimental import pallas as pl
from jax.experimental.pallas import tpu as pltpu
from jax.experimental.pallas import tpu_sc as plsc

B = 16384
V = 100001
EMB = 64
NFEAT = 4
OUT_D = NFEAT * EMB

_info = plsc.get_sparse_core_info()
_NC, _NS = _info.num_cores, _info.num_subcores
_NW = _NC * _NS
_DPW = NFEAT * EMB // _NW
_Q = B // 4


def _body(w0, w1, w2, w3, xT, out, idx_v, slab, obuf, osem0, osem1):
    wid = lax.axis_index("s") * _NC + lax.axis_index("c")
    f = wid // _DPW
    pltpu.sync_copy(xT.at[pl.ds(f, 1)], idx_v)

    tables = (w0, w1, w2, w3)
    zeros = jnp.zeros((16,), jnp.int32)
    osems = (osem0, osem1)
    writes = []
    for ei in range(_DPW):
        e = (wid % _DPW) * _DPW + ei
        for fi in range(NFEAT):
            @pl.when(f == fi)
            def _():
                pltpu.sync_copy(tables[fi].at[pl.ds(e, 1)], slab)
        for h in range(4):
            if len(writes) >= 2:
                writes.pop(0).wait()

            @plsc.parallel_loop(0, _Q // 16, unroll=8)
            def grp(g):
                iv = idx_v[0, pl.ds(h * _Q + g * 16, 16)]
                vals = plsc.load_gather(slab, [zeros, iv])
                obuf[h % 2, 0, pl.ds(g * 16, 16)] = vals
            writes.append(pltpu.async_copy(
                obuf.at[h % 2],
                out.at[pl.ds(f * EMB + e, 1), pl.ds(h * _Q, _Q)],
                osems[h % 2]))
    for wcp in writes:
        wcp.wait()


@jax.jit
def _encode(w0, w1, w2, w3, xT):
    mesh = plsc.VectorSubcoreMesh(core_axis_name="c", subcore_axis_name="s")
    k = functools.partial(
        pl.kernel,
        mesh=mesh,
        compiler_params=pltpu.CompilerParams(needs_layout_passes=False),
        out_type=jax.ShapeDtypeStruct((OUT_D, B), jnp.float32),
        scratch_types=[
            pltpu.VMEM((1, B), jnp.int32),
            pltpu.VMEM((1, V), jnp.float32),
            pltpu.VMEM((2, 1, _Q), jnp.float32),
            pltpu.SemaphoreType.DMA,
            pltpu.SemaphoreType.DMA,
        ],
    )(_body)
    return k(w0, w1, w2, w3, xT)


def kernel(X_cat, W_zipcode, W_category, W_brand, W_platform):
    outT = _encode(W_zipcode.T, W_category.T, W_brand.T, W_platform.T,
                   X_cat.T)
    return outT.T

# --- scband reference (transcript-rebuilt; emitter-appended) ---
"""Pipeline reference for scband-embedding-encoder-60430189854970 (READ-ONLY COPY).

The authoritative reference and input builder live on the scoring server;
editing this copy changes nothing except your own understanding.
"""

import jax, jax.numpy as jnp
import numpy as np

B = 16384
VOCAB = 100000  # each of zipcode, category, brand, platform
EMB = 64
FEATS = ["zipcode", "category", "brand", "platform"]


def setup_inputs(seed: int = 0) -> dict:
    key = jax.random.key(seed)
    ks = jax.random.split(key, 1 + len(FEATS))
    X_cat = jax.random.randint(ks[0], (B, len(FEATS)), 0, VOCAB + 1, dtype=jnp.int32)
    inp = {"X_cat": X_cat}
    for i, feat in enumerate(FEATS):
        W = jax.random.normal(ks[1 + i], (VOCAB + 1, EMB), dtype=jnp.float32) * 0.02
        W = W.at[0].set(0.0)  # padding_idx=0 row is zeros in nn.Embedding
        inp[f"W_{feat}"] = W
    return inp


def reference(X_cat, W_zipcode, W_category, W_brand, W_platform):
    tables = [W_zipcode, W_category, W_brand, W_platform]
    emb_list = [jnp.take(tables[i], X_cat[:, i], axis=0) for i in range(len(tables))]
    return jnp.concatenate(emb_list, axis=-1)

if __name__ == "__main__":
    import jax
    _d = setup_inputs()
    print(jax.jit(kernel)(*tuple(_d.values())))

</pallas_src>

<mosaic_0001>
#map = affine_map<(d0, d1) -> (0, 0)>
module attributes {stable_mosaic.version = 14 : i64} {
  func.func @_body(%arg0: i32, %arg1: i32, %arg2: memref<64x100001xf32, #tpu.memory_space<hbm>>, %arg3: memref<64x100001xf32, #tpu.memory_space<hbm>>, %arg4: memref<64x100001xf32, #tpu.memory_space<hbm>>, %arg5: memref<64x100001xf32, #tpu.memory_space<hbm>>, %arg6: memref<4x16384xi32, #tpu.memory_space<hbm>>, %arg7: memref<256x16384xf32, #tpu.memory_space<hbm>>, %arg8: memref<1x16384xi32, #tpu.memory_space<vmem>>, %arg9: memref<1x100001xf32, #tpu.memory_space<vmem>>, %arg10: memref<2x1x4096xf32, #tpu.memory_space<vmem>>, %arg11: memref<!tpu.dma_semaphore, #tpu.memory_space<semaphore_mem>>, %arg12: memref<!tpu.dma_semaphore, #tpu.memory_space<semaphore_mem>>) attributes {dimension_semantics = [#tpu.dimension_semantics<core_parallel>, #tpu.dimension_semantics<subcore_parallel>], iteration_bounds = array<i64: 2, 16>, scalar_prefetch = 0 : i64, scratch_operands = 5 : i64, tpu.core_type = #tpu.core_type<sc_vector_subcore>, window_params = [{transform_indices = #map}, {transform_indices = #map}, {transform_indices = #map}, {transform_indices = #map}, {transform_indices = #map}, {transform_indices = #map}]} {
    %mul3A = arith.constant 2 : i32
    %mul3A_0 = arith.muli %arg1, %mul3A : i32
    %add3A = arith.addi %mul3A_0, %arg0 : i32
    %jit3A = arith.constant 8 : i32
    %div3A = arith.divsi %add3A, %jit3A : i32
    %sign3A = arith.constant 0 : i32
    %sign3A_1 = arith.cmpi sgt, %add3A, %sign3A : i32
    %sign3A_2 = arith.extui %sign3A_1 : i1 to i32
    %sign3A_3 = arith.constant 0 : i32
    %sign3A_4 = arith.cmpi slt, %add3A, %sign3A_3 : i32
    %sign3A_5 = arith.extui %sign3A_4 : i1 to i32
    %sign3A_6 = arith.subi %sign3A_2, %sign3A_5 : i32
    %sign3A_7 = arith.constant 0 : i32
    %sign3A_8 = arith.cmpi sgt, %jit3A, %sign3A_7 : i32
    %sign3A_9 = arith.extui %sign3A_8 : i1 to i32
    %sign3A_10 = arith.constant 0 : i32
    %sign3A_11 = arith.cmpi slt, %jit3A, %sign3A_10 : i32
    %sign3A_12 = arith.extui %sign3A_11 : i1 to i32
    %sign3A_13 = arith.subi %sign3A_9, %sign3A_12 : i32
    %ne3A = arith.cmpi ne, %sign3A_6, %sign3A_13 : i32
    %rem3A = arith.remsi %add3A, %jit3A : i32
    %ne3A_14 = arith.constant 0 : i32
    %ne3A_15 = arith.cmpi ne, %rem3A, %ne3A_14 : i32
    %and3A = arith.andi %ne3A, %ne3A_15 : i1
    %sub3A = arith.constant 1 : i32
    %sub3A_16 = arith.subi %div3A, %sub3A : i32
    %select_n3A = arith.select %and3A, %sub3A_16, %div3A : i32
    "tpu.region"() ({
      %run_scoped3A = tpu.sem_alloc : memref<!tpu.dma_semaphore, #tpu.memory_space<semaphore_mem>>
      %dma_start3A_1355 = arith.constant 0 : i32
      %dma_start3A_1356 = tpu.memref_slice %arg6[%select_n3A, %dma_start3A_1355] : memref<4x16384xi32, #tpu.memory_space<hbm>> -> memref<1x16384xi32, #tpu.memory_space<hbm>>
      %dma_start3A_1357 = arith.constant 0 : i32
      %dma_start3A_1358 = tpu.memref_slice %arg6[%select_n3A, %dma_start3A_1357] : memref<4x16384xi32, #tpu.memory_space<hbm>> -> memref<1x16384xi32, #tpu.memory_space<hbm>>
      tpu.enqueue_dma source(%dma_start3A_1358 : memref<1x16384xi32, #tpu.memory_space<hbm>>) target(%arg8 : memref<1x16384xi32, #tpu.memory_space<vmem>>) target_semaphore(%run_scoped3A : memref<!tpu.dma_semaphore, #tpu.memory_space<semaphore_mem>>)
      %dma_wait3A_1359 = arith.constant 0 : i32
      %dma_wait3A_1360 = tpu.memref_slice %arg6[%select_n3A, %dma_wait3A_1359] : memref<4x16384xi32, #tpu.memory_space<hbm>> -> memref<1x16384xi32, #tpu.memory_space<hbm>>
      %dma_wait3A_1361 = arith.constant 0 : i32
      %dma_wait3A_1362 = tpu.memref_slice %arg6[%select_n3A, %dma_wait3A_1361] : memref<4x16384xi32, #tpu.memory_space<hbm>> -> memref<1x16384xi32, #tpu.memory_space<hbm>>
      tpu.wait_dma2 semaphore(%run_scoped3A : memref<!tpu.dma_semaphore, #tpu.memory_space<semaphore_mem>>) src(%dma_wait3A_1362 : memref<1x16384xi32, #tpu.memory_space<hbm>>) dst(%arg8 : memref<1x16384xi32, #tpu.memory_space<vmem>>)
      tpu.yield
    }) : () -> ()
    %broadcast_in_dim3A = arith.constant 0 : i32
    %broadcast_in_dim3A_17 = vector.broadcast %broadcast_in_dim3A : i32 to vector<16xi32>
    %jit3A_18 = arith.constant 8 : i32
    %eq3A = arith.constant 0 : i32
    %eq3A_19 = arith.cmpi eq, %jit3A_18, %eq3A : i32
    %jit3A_20 = arith.constant 1 : i32
    %select_n3A_21 = arith.select %eq3A_19, %jit3A_20, %jit3A_18 : i32
    %rem3A_22 = arith.remsi %add3A, %select_n3A_21 : i32
    %ne3A_23 = arith.constant 0 : i32
    %ne3A_24 = arith.cmpi ne, %rem3A_22, %ne3A_23 : i32
    %lt3A = arith.constant 0 : i32
    %lt3A_25 = arith.cmpi slt, %rem3A_22, %lt3A : i32
    %lt3A_26 = arith.constant 0 : i32
    %lt3A_27 = arith.cmpi slt, %select_n3A_21, %lt3A_26 : i32
    %ne3A_28 = arith.xori %lt3A_25, %lt3A_27 : i1
    %and3A_29 = arith.andi %ne3A_28, %ne3A_24 : i1
    %add3A_30 = arith.addi %rem3A_22, %select_n3A_21 : i32
    %select_n3A_31 = arith.select %and3A_29, %add3A_30, %rem3A_22 : i32
    %mul3A_32 = arith.constant 8 : i32
    %mul3A_33 = arith.muli %select_n3A_31, %mul3A_32 : i32
    %add3A_34 = arith.constant 0 : i32
    %add3A_35 = arith.addi %mul3A_33, %add3A_34 : i32
    %eq3A_36 = arith.constant 0 : i32
    %eq3A_37 = arith.cmpi eq, %select_n3A, %eq3A_36 : i32
    %convert_element_type3A = arith.extui %eq3A_37 : i1 to i32
    %cond3A = arith.constant 0 : i32
    %cond3A_38 = arith.cmpi ne, %convert_element_type3A, %cond3A : i32
    scf.if %cond3A_38 {
      "tpu.region"() ({
        %run_scoped3A = tpu.sem_alloc : memref<!tpu.dma_semaphore, #tpu.memory_space<semaphore_mem>>
        %dma_start3A_1355 = arith.constant 0 : i32
        %dma_start3A_1356 = tpu.memref_slice %arg2[%add3A_35, %dma_start3A_1355] : memref<64x100001xf32, #tpu.memory_space<hbm>> -> memref<1x100001xf32, #tpu.memory_space<hbm>>
        %dma_start3A_1357 = arith.constant 0 : i32
        %dma_start3A_1358 = tpu.memref_slice %arg2[%add3A_35, %dma_start3A_1357] : memref<64x100001xf32, #tpu.memory_space<hbm>> -> memref<1x100001xf32, #tpu.memory_space<hbm>>
        tpu.enqueue_dma source(%dma_start3A_1358 : memref<1x100001xf32, #tpu.memory_space<hbm>>) target(%arg9 : memref<1x100001xf32, #tpu.memory_space<vmem>>) target_semaphore(%run_scoped3A : memref<!tpu.dma_semaphore, #tpu.memory_space<semaphore_mem>>)
        %dma_wait3A_1359 = arith.constant 0 : i32
        %dma_wait3A_1360 = tpu.memref_slice %arg2[%add3A_35, %dma_wait3A_1359] : memref<64x100001xf32, #tpu.memory_space<hbm>> -> memref<1x100001xf32, #tpu.memory_space<hbm>>
        %dma_wait3A_1361 = arith.constant 0 : i32
        %dma_wait3A_1362 = tpu.memref_slice %arg2[%add3A_35, %dma_wait3A_1361] : memref<64x100001xf32, #tpu.memory_space<hbm>> -> memref<1x100001xf32, #tpu.memory_space<hbm>>
        tpu.wait_dma2 semaphore(%run_scoped3A : memref<!tpu.dma_semaphore, #tpu.memory_space<semaphore_mem>>) src(%dma_wait3A_1362 : memref<1x100001xf32, #tpu.memory_space<hbm>>) dst(%arg9 : memref<1x100001xf32, #tpu.memory_space<vmem>>)
        tpu.yield
      }) : () -> ()
    } else {
    }
    %eq3A_39 = arith.constant 1 : i32
    %eq3A_40 = arith.cmpi eq, %select_n3A, %eq3A_39 : i32
    %convert_element_type3A_41 = arith.extui %eq3A_40 : i1 to i32
    %cond3A_42 = arith.constant 0 : i32
    %cond3A_43 = arith.cmpi ne, %convert_element_type3A_41, %cond3A_42 : i32
    scf.if %cond3A_43 {
      "tpu.region"() ({
        %run_scoped3A = tpu.sem_alloc : memref<!tpu.dma_semaphore, #tpu.memory_space<semaphore_mem>>
        %dma_start3A_1355 = arith.constant 0 : i32
        %dma_start3A_1356 = tpu.memref_slice %arg3[%add3A_35, %dma_start3A_1355] : memref<64x100001xf32, #tpu.memory_space<hbm>> -> memref<1x100001xf32, #tpu.memory_space<hbm>>
        %dma_start3A_1357 = arith.constant 0 : i32
        %dma_start3A_1358 = tpu.memref_slice %arg3[%add3A_35, %dma_start3A_1357] : memref<64x100001xf32, #tpu.memory_space<hbm>> -> memref<1x100001xf32, #tpu.memory_space<hbm>>
        tpu.enqueue_dma source(%dma_start3A_1358 : memref<1x100001xf32, #tpu.memory_space<hbm>>) target(%arg9 : memref<1x100001xf32, #tpu.memory_space<vmem>>) target_semaphore(%run_scoped3A : memref<!tpu.dma_semaphore, #tpu.memory_space<semaphore_mem>>)
        %dma_wait3A_1359 = arith.constant 0 : i32
        %dma_wait3A_1360 = tpu.memref_slice %arg3[%add3A_35, %dma_wait3A_1359] : memref<64x100001xf32, #tpu.memory_space<hbm>> -> memref<1x100001xf32, #tpu.memory_space<hbm>>
        %dma_wait3A_1361 = arith.constant 0 : i32
        %dma_wait3A_1362 = tpu.memref_slice %arg3[%add3A_35, %dma_wait3A_1361] : memref<64x100001xf32, #tpu.memory_space<hbm>> -> memref<1x100001xf32, #tpu.memory_space<hbm>>
        tpu.wait_dma2 semaphore(%run_scoped3A : memref<!tpu.dma_semaphore, #tpu.memory_space<semaphore_mem>>) src(%dma_wait3A_1362 : memref<1x100001xf32, #tpu.memory_space<hbm>>) dst(%arg9 : memref<1x100001xf32, #tpu.memory_space<vmem>>)
        tpu.yield
      }) : () -> ()
    } else {
    }
    %eq3A_44 = arith.constant 2 : i32
    %eq3A_45 = arith.cmpi eq, %select_n3A, %eq3A_44 : i32
    %convert_element_type3A_46 = arith.extui %eq3A_45 : i1 to i32
    %cond3A_47 = arith.constant 0 : i32
    %cond3A_48 = arith.cmpi ne, %convert_element_type3A_46, %cond3A_47 : i32
    scf.if %cond3A_48 {
      "tpu.region"() ({
        %run_scoped3A = tpu.sem_alloc : memref<!tpu.dma_semaphore, #tpu.memory_space<semaphore_mem>>
        %dma_start3A_1355 = arith.constant 0 : i32
        %dma_start3A_1356 = tpu.memref_slice %arg4[%add3A_35, %dma_start3A_1355] : memref<64x100001xf32, #tpu.memory_space<hbm>> -> memref<1x100001xf32, #tpu.memory_space<hbm>>
        %dma_start3A_1357 = arith.constant 0 : i32
        %dma_start3A_1358 = tpu.memref_slice %arg4[%add3A_35, %dma_start3A_1357] : memref<64x100001xf32, #tpu.memory_space<hbm>> -> memref<1x100001xf32, #tpu.memory_space<hbm>>
        tpu.enqueue_dma source(%dma_start3A_1358 : memref<1x100001xf32, #tpu.memory_space<hbm>>) target(%arg9 : memref<1x100001xf32, #tpu.memory_space<vmem>>) target_semaphore(%run_scoped3A : memref<!tpu.dma_semaphore, #tpu.memory_space<semaphore_mem>>)
        %dma_wait3A_1359 = arith.constant 0 : i32
        %dma_wait3A_1360 = tpu.memref_slice %arg4[%add3A_35, %dma_wait3A_1359] : memref<64x100001xf32, #tpu.memory_space<hbm>> -> memref<1x100001xf32, #tpu.memory_space<hbm>>
        %dma_wait3A_1361 = arith.constant 0 : i32
        %dma_wait3A_1362 = tpu.memref_slice %arg4[%add3A_35, %dma_wait3A_1361] : memref<64x100001xf32, #tpu.memory_space<hbm>> -> memref<1x100001xf32, #tpu.memory_space<hbm>>
        tpu.wait_dma2 semaphore(%run_scoped3A : memref<!tpu.dma_semaphore, #tpu.memory_space<semaphore_mem>>) src(%dma_wait3A_1362 : memref<1x100001xf32, #tpu.memory_space<hbm>>) dst(%arg9 : memref<1x100001xf32, #tpu.memory_space<vmem>>)
        tpu.yield
      }) : () -> ()
    } else {
    }
    %eq3A_49 = arith.constant 3 : i32
    %eq3A_50 = arith.cmpi eq, %select_n3A, %eq3A_49 : i32
    %convert_element_type3A_51 = arith.extui %eq3A_50 : i1 to i32
    %cond3A_52 = arith.constant 0 : i32
    %cond3A_53 = arith.cmpi ne, %convert_element_type3A_51, %cond3A_52 : i32
    scf.if %cond3A_53 {
      "tpu.region"() ({
        %run_scoped3A = tpu.sem_alloc : memref<!tpu.dma_semaphore, #tpu.memory_space<semaphore_mem>>
        %dma_start3A_1355 = arith.constant 0 : i32
        %dma_start3A_1356 = tpu.memref_slice %arg5[%add3A_35, %dma_start3A_1355] : memref<64x100001xf32, #tpu.memory_space<hbm>> -> memref<1x100001xf32, #tpu.memory_space<hbm>>
        %dma_start3A_1357 = arith.constant 0 : i32
        %dma_start3A_1358 = tpu.memref_slice %arg5[%add3A_35, %dma_start3A_1357] : memref<64x100001xf32, #tpu.memory_space<hbm>> -> memref<1x100001xf32, #tpu.memory_space<hbm>>
        tpu.enqueue_dma source(%dma_start3A_1358 : memref<1x100001xf32, #tpu.memory_space<hbm>>) target(%arg9 : memref<1x100001xf32, #tpu.memory_space<vmem>>) target_semaphore(%run_scoped3A : memref<!tpu.dma_semaphore, #tpu.memory_space<semaphore_mem>>)
        %dma_wait3A_1359 = arith.constant 0 : i32
        %dma_wait3A_1360 = tpu.memref_slice %arg5[%add3A_35, %dma_wait3A_1359] : memref<64x100001xf32, #tpu.memory_space<hbm>> -> memref<1x100001xf32, #tpu.memory_space<hbm>>
        %dma_wait3A_1361 = arith.constant 0 : i32
        %dma_wait3A_1362 = tpu.memref_slice %arg5[%add3A_35, %dma_wait3A_1361] : memref<64x100001xf32, #tpu.memory_space<hbm>> -> memref<1x100001xf32, #tpu.memory_space<hbm>>
        tpu.wait_dma2 semaphore(%run_scoped3A : memref<!tpu.dma_semaphore, #tpu.memory_space<semaphore_mem>>) src(%dma_wait3A_1362 : memref<1x100001xf32, #tpu.memory_space<hbm>>) dst(%arg9 : memref<1x100001xf32, #tpu.memory_space<vmem>>)
        tpu.yield
      }) : () -> ()
    } else {
    }
    %parallel_loop3A = arith.constant 0 : i32
    %parallel_loop3A_54 = arith.constant 256 : i32
    %parallel_loop3A_55 = arith.constant 1 : i32
    scf.for %parallel_loop3A_1355 = %parallel_loop3A to %parallel_loop3A_54 step %parallel_loop3A_55  : i32 {
      %parallel_loop3A_1356 = arith.constant 16 : i32
      %parallel_loop3A_1357 = arith.muli %parallel_loop3A_1355, %parallel_loop3A_1356 : i32
      %parallel_loop3A_1358 = arith.constant 0 : i32
      %parallel_loop3A_1359 = arith.addi %parallel_loop3A_1358, %parallel_loop3A_1357 : i32
      %parallel_loop3A_1360 = arith.constant 0 : i32
      %parallel_loop3A_1361 = arith.index_cast %parallel_loop3A_1360 : i32 to index
      %parallel_loop3A_1362 = arith.index_cast %parallel_loop3A_1359 : i32 to index
      %parallel_loop3A_1363 = tpu.vector_load %arg8[%parallel_loop3A_1361, %parallel_loop3A_1362] {strides = array<i32>} : memref<1x16384xi32, #tpu.memory_space<vmem>>, vector<16xi32>,
      %parallel_loop3A_1364 = tpu.vector_load_idx %arg9[%broadcast_in_dim3A_17, %parallel_loop3A_1363] : memref<1x100001xf32, #tpu.memory_space<vmem>>[vector<16xi32>, vector<16xi32>], vector<16xf32>,
      %parallel_loop3A_1365 = arith.constant 16 : i32
      %parallel_loop3A_1366 = arith.muli %parallel_loop3A_1355, %parallel_loop3A_1365 : i32
      %parallel_loop3A_1367 = arith.constant 0 : i32
      %parallel_loop3A_1368 = arith.constant 0 : i32
      %parallel_loop3A_1369 = arith.index_cast %parallel_loop3A_1367 : i32 to index
      %parallel_loop3A_1370 = arith.index_cast %parallel_loop3A_1368 : i32 to index
      %parallel_loop3A_1371 = arith.index_cast %parallel_loop3A_1366 : i32 to index
      %parallel_loop3A_1372 = tpu.vector_load %arg10[%parallel_loop3A_1369, %parallel_loop3A_1370, %parallel_loop3A_1371] {strides = array<i32>} : memref<2x1x4096xf32, #tpu.memory_space<vmem>>, vector<16xf32>,
      tpu.vector_store %arg10[%parallel_loop3A_1369, %parallel_loop3A_1370, %parallel_loop3A_1371], %parallel_loop3A_1364 {strides = array<i32>} : memref<2x1x4096xf32, #tpu.memory_space<vmem>>, vector<16xf32>,
    } {sc.loop_unroll_factor = 8 : i64, sc.parallel_access}
    %mul3A_56 = arith.constant 64 : i32
    %mul3A_57 = arith.muli %select_n3A, %mul3A_56 : i32
    %add3A_58 = arith.addi %mul3A_57, %add3A_35 : i32
    %dma_start3A = arith.constant 0 : i32
    %dma_start3A_59 = arith.constant 0 : i32
    %dma_start3A_60 = arith.constant 0 : i32
    %dma_start3A_61 = tpu.memref_slice %arg10[%dma_start3A, %dma_start3A_59, %dma_start3A_60] : memref<2x1x4096xf32, #tpu.memory_space<vmem>> -> memref<1x1x4096xf32, #tpu.memory_space<vmem>>
    %dma_start3A_62 = tpu.memref_squeeze %dma_start3A_61 : memref<1x1x4096xf32, #tpu.memory_space<vmem>> -> memref<1x4096xf32, #tpu.memory_space<vmem>>
    %dma_start3A_63 = arith.constant 0 : i32
    %dma_start3A_64 = tpu.memref_slice %arg7[%add3A_58, %dma_start3A_63] : memref<256x16384xf32, #tpu.memory_space<hbm>> -> memref<1x4096xf32, #tpu.memory_space<hbm>>
    %dma_start3A_65 = arith.constant 0 : i32
    %dma_start3A_66 = tpu.memref_slice %arg7[%add3A_58, %dma_start3A_65] : memref<256x16384xf32, #tpu.memory_space<hbm>> -> memref<1x4096xf32, #tpu.memory_space<hbm>>
    %dma_start3A_67 = arith.constant 0 : i32
    %dma_start3A_68 = arith.constant 0 : i32
    %dma_start3A_69 = tpu.memref_slice %arg10[%dma_start3A, %dma_start3A_67, %dma_start3A_68] : memref<2x1x4096xf32, #tpu.memory_space<vmem>> -> memref<1x1x4096xf32, #tpu.memory_space<vmem>>
    %dma_start3A_70 = tpu.memref_squeeze %dma_start3A_69 : memref<1x1x4096xf32, #tpu.memory_space<vmem>> -> memref<1x4096xf32, #tpu.memory_space<vmem>>
    tpu.enqueue_dma source(%dma_start3A_70 : memref<1x4096xf32, #tpu.memory_space<vmem>>) target(%dma_start3A_66 : memref<1x4096xf32, #tpu.memory_space<hbm>>) target_semaphore(%arg11 : memref<!tpu.dma_semaphore, #tpu.memory_space<semaphore_mem>>)
    %parallel_loop3A_71 = arith.constant 0 : i32
    %parallel_loop3A_72 = arith.constant 256 : i32
    %parallel_loop3A_73 = arith.constant 1 : i32
    scf.for %parallel_loop3A_1355 = %parallel_loop3A_71 to %parallel_loop3A_72 step %parallel_loop3A_73  : i32 {
      %parallel_loop3A_1356 = arith.constant 16 : i32
      %parallel_loop3A_1357 = arith.muli %parallel_loop3A_1355, %parallel_loop3A_1356 : i32
      %parallel_loop3A_1358 = arith.constant 4096 : i32
      %parallel_loop3A_1359 = arith.addi %parallel_loop3A_1358, %parallel_loop3A_1357 : i32
      %parallel_loop3A_1360 = arith.constant 0 : i32
      %parallel_loop3A_1361 = arith.index_cast %parallel_loop3A_1360 : i32 to index
      %parallel_loop3A_1362 = arith.index_cast %parallel_loop3A_1359 : i32 to index
      %parallel_loop3A_1363 = tpu.vector_load %arg8[%parallel_loop3A_1361, %parallel_loop3A_1362] {strides = array<i32>} : memref<1x16384xi32, #tpu.memory_space<vmem>>, vector<16xi32>,
      %parallel_loop3A_1364 = tpu.vector_load_idx %arg9[%broadcast_in_dim3A_17, %parallel_loop3A_1363] : memref<1x100001xf32, #tpu.memory_space<vmem>>[vector<16xi32>, vector<16xi32>], vector<16xf32>,
      %parallel_loop3A_1365 = arith.constant 16 : i32
      %parallel_loop3A_1366 = arith.muli %parallel_loop3A_1355, %parallel_loop3A_1365 : i32
      %parallel_loop3A_1367 = arith.constant 1 : i32
      %parallel_loop3A_1368 = arith.constant 0 : i32
      %parallel_loop3A_1369 = arith.index_cast %parallel_loop3A_1367 : i32 to index
      %parallel_loop3A_1370 = arith.index_cast %parallel_loop3A_1368 : i32 to index
      %parallel_loop3A_1371 = arith.index_cast %parallel_loop3A_1366 : i32 to index
      %parallel_loop3A_1372 = tpu.vector_load %arg10[%parallel_loop3A_1369, %parallel_loop3A_1370, %parallel_loop3A_1371] {strides = array<i32>} : memref<2x1x4096xf32, #tpu.memory_space<vmem>>, vector<16xf32>,
      tpu.vector_store %arg10[%parallel_loop3A_1369, %parallel_loop3A_1370, %parallel_loop3A_1371], %parallel_loop3A_1364 {strides = array<i32>} : memref<2x1x4096xf32, #tpu.memory_space<vmem>>, vector<16xf32>,
    } {sc.loop_unroll_factor = 8 : i64, sc.parallel_access}
    %mul3A_74 = arith.constant 64 : i32
    %mul3A_75 = arith.muli %select_n3A, %mul3A_74 : i32
    %add3A_76 = arith.addi %mul3A_75, %add3A_35 : i32
    %dma_start3A_77 = arith.constant 1 : i32
    %dma_start3A_78 = arith.constant 0 : i32
    %dma_start3A_79 = arith.constant 0 : i32
    %dma_start3A_80 = tpu.memref_slice %arg10[%dma_start3A_77, %dma_start3A_78, %dma_start3A_79] : memref<2x1x4096xf32, #tpu.memory_space<vmem>> -> memref<1x1x4096xf32, #tpu.memory_space<vmem>>
    %dma_start3A_81 = tpu.memref_squeeze %dma_start3A_80 : memref<1x1x4096xf32, #tpu.memory_space<vmem>> -> memref<1x4096xf32, #tpu.memory_space<vmem>>
    %dma_start3A_82 = arith.constant 4096 : i32
    %dma_start3A_83 = tpu.memref_slice %arg7[%add3A_76, %dma_start3A_82] : memref<256x16384xf32, #tpu.memory_space<hbm>> -> memref<1x4096xf32, #tpu.memory_space<hbm>>
    %dma_start3A_84 = arith.constant 4096 : i32
    %dma_start3A_85 = tpu.memref_slice %arg7[%add3A_76, %dma_start3A_84] : memref<256x16384xf32, #tpu.memory_space<hbm>> -> memref<1x4096xf32, #tpu.memory_space<hbm>>
    %dma_start3A_86 = arith.constant 0 : i32
    %dma_start3A_87 = arith.constant 0 : i32
    %dma_start3A_88 = tpu.memref_slice %arg10[%dma_start3A_77, %dma_start3A_86, %dma_start3A_87] : memref<2x1x4096xf32, #tpu.memory_space<vmem>> -> memref<1x1x4096xf32, #tpu.memory_space<vmem>>
    %dma_start3A_89 = tpu.memref_squeeze %dma_start3A_88 : memref<1x1x4096xf32, #tpu.memory_space<vmem>> -> memref<1x4096xf32, #tpu.memory_space<vmem>>
    tpu.enqueue_dma source(%dma_start3A_89 : memref<1x4096xf32, #tpu.memory_space<vmem>>) target(%dma_start3A_85 : memref<1x4096xf32, #tpu.memory_space<hbm>>) target_semaphore(%arg12 : memref<!tpu.dma_semaphore, #tpu.memory_space<semaphore_mem>>)
    %dma_wait3A = arith.constant 0 : i32
    %dma_wait3A_90 = arith.constant 0 : i32
    %dma_wait3A_91 = arith.constant 0 : i32
    %dma_wait3A_92 = tpu.memref_slice %arg10[%dma_wait3A, %dma_wait3A_90, %dma_wait3A_91] : memref<2x1x4096xf32, #tpu.memory_space<vmem>> -> memref<1x1x4096xf32, #tpu.memory_space<vmem>>
    %dma_wait3A_93 = tpu.memref_squeeze %dma_wait3A_92 : memref<1x1x4096xf32, #tpu.memory_space<vmem>> -> memref<1x4096xf32, #tpu.memory_space<vmem>>
    %dma_wait3A_94 = arith.constant 0 : i32
    %dma_wait3A_95 = tpu.memref_slice %arg7[%add3A_58, %dma_wait3A_94] : memref<256x16384xf32, #tpu.memory_space<hbm>> -> memref<1x4096xf32, #tpu.memory_space<hbm>>
    %dma_wait3A_96 = arith.constant 0 : i32
    %dma_wait3A_97 = tpu.memref_slice %arg7[%add3A_58, %dma_wait3A_96] : memref<256x16384xf32, #tpu.memory_space<hbm>> -> memref<1x4096xf32, #tpu.memory_space<hbm>>
    %dma_wait3A_98 = arith.constant 0 : i32
    %dma_wait3A_99 = arith.constant 0 : i32
    %dma_wait3A_100 = tpu.memref_slice %arg10[%dma_wait3A, %dma_wait3A_98, %dma_wait3A_99] : memref<2x1x4096xf32, #tpu.memory_space<vmem>> -> memref<1x1x4096xf32, #tpu.memory_space<vmem>>
    %dma_wait3A_101 = tpu.memref_squeeze %dma_wait3A_100 : memref<1x1x4096xf32, #tpu.memory_space<vmem>> -> memref<1x4096xf32, #tpu.memory_space<vmem>>
    tpu.wait_dma2 semaphore(%arg11 : memref<!tpu.dma_semaphore, #tpu.memory_space<semaphore_mem>>) src(%dma_wait3A_101 : memref<1x4096xf32, #tpu.memory_space<vmem>>) dst(%dma_wait3A_97 : memref<1x4096xf32, #tpu.memory_space<hbm>>)
    %parallel_loop3A_102 = arith.constant 0 : i32
    %parallel_loop3A_103 = arith.constant 256 : i32
    %parallel_loop3A_104 = arith.constant 1 : i32
    scf.for %parallel_loop3A_1355 = %parallel_loop3A_102 to %parallel_loop3A_103 step %parallel_loop3A_104  : i32 {
      %parallel_loop3A_1356 = arith.constant 16 : i32
      %parallel_loop3A_1357 = arith.muli %parallel_loop3A_1355, %parallel_loop3A_1356 : i32
      %parallel_loop3A_1358 = arith.constant 8192 : i32
      %parallel_loop3A_1359 = arith.addi %parallel_loop3A_1358, %parallel_loop3A_1357 : i32
      %parallel_loop3A_1360 = arith.constant 0 : i32
      %parallel_loop3A_1361 = arith.index_cast %parallel_loop3A_1360 : i32 to index
      %parallel_loop3A_1362 = arith.index_cast %parallel_loop3A_1359 : i32 to index
      %parallel_loop3A_1363 = tpu.vector_load %arg8[%parallel_loop3A_1361, %parallel_loop3A_1362] {strides = array<i32>} : memref<1x16384xi32, #tpu.memory_space<vmem>>, vector<16xi32>,
      %parallel_loop3A_1364 = tpu.vector_load_idx %arg9[%broadcast_in_dim3A_17, %parallel_loop3A_1363] : memref<1x100001xf32, #tpu.memory_space<vmem>>[vector<16xi32>, vector<16xi32>], vector<16xf32>,
      %parallel_loop3A_1365 = arith.constant 16 : i32
      %parallel_loop3A_1366 = arith.muli %parallel_loop3A_1355, %parallel_loop3A_1365 : i32
      %parallel_loop3A_1367 = arith.constant 0 : i32
      %parallel_loop3A_1368 = arith.constant 0 : i32
      %parallel_loop3A_1369 = arith.index_cast %parallel_loop3A_1367 : i32 to index
      %parallel_loop3A_1370 = arith.index_cast %parallel_loop3A_1368 : i32 to index
      %parallel_loop3A_1371 = arith.index_cast %parallel_loop3A_1366 : i32 to index
      %parallel_loop3A_1372 = tpu.vector_load %arg10[%parallel_loop3A_1369, %parallel_loop3A_1370, %parallel_loop3A_1371] {strides = array<i32>} : memref<2x1x4096xf32, #tpu.memory_space<vmem>>, vector<16xf32>,
      tpu.vector_store %arg10[%parallel_loop3A_1369, %parallel_loop3A_1370, %parallel_loop3A_1371], %parallel_loop3A_1364 {strides = array<i32>} : memref<2x1x4096xf32, #tpu.memory_space<vmem>>, vector<16xf32>,
    } {sc.loop_unroll_factor = 8 : i64, sc.parallel_access}
    %mul3A_105 = arith.constant 64 : i32
    %mul3A_106 = arith.muli %select_n3A, %mul3A_105 : i32
    %add3A_107 = arith.addi %mul3A_106, %add3A_35 : i32
    %dma_start3A_108 = arith.constant 0 : i32
    %dma_start3A_109 = arith.constant 0 : i32
    %dma_start3A_110 = arith.constant 0 : i32
    %dma_start3A_111 = tpu.memref_slice %arg10[%dma_start3A_108, %dma_start3A_109, %dma_start3A_110] : memref<2x1x4096xf32, #tpu.memory_space<vmem>> -> memref<1x1x4096xf32, #tpu.memory_space<vmem>>
    %dma_start3A_112 = tpu.memref_squeeze %dma_start3A_111 : memref<1x1x4096xf32, #tpu.memory_space<vmem>> -> memref<1x4096xf32, #tpu.memory_space<vmem>>
    %dma_start3A_113 = arith.constant 8192 : i32
    %dma_start3A_114 = tpu.memref_slice %arg7[%add3A_107, %dma_start3A_113] : memref<256x16384xf32, #tpu.memory_space<hbm>> -> memref<1x4096xf32, #tpu.memory_space<hbm>>
    %dma_start3A_115 = arith.constant 8192 : i32
    %dma_start3A_116 = tpu.memref_slice %arg7[%add3A_107, %dma_start3A_115] : memref<256x16384xf32, #tpu.memory_space<hbm>> -> memref<1x4096xf32, #tpu.memory_space<hbm>>
    %dma_start3A_117 = arith.constant 0 : i32
    %dma_start3A_118 = arith.constant 0 : i32
    %dma_start3A_119 = tpu.memref_slice %arg10[%dma_start3A_108, %dma_start3A_117, %dma_start3A_118] : memref<2x1x4096xf32, #tpu.memory_space<vmem>> -> memref<1x1x4096xf32, #tpu.memory_space<vmem>>
    %dma_start3A_120 = tpu.memref_squeeze %dma_start3A_119 : memref<1x1x4096xf32, #tpu.memory_space<vmem>> -> memref<1x4096xf32, #tpu.memory_space<vmem>>
    tpu.enqueue_dma source(%dma_start3A_120 : memref<1x4096xf32, #tpu.memory_space<vmem>>) target(%dma_start3A_116 : memref<1x4096xf32, #tpu.memory_space<hbm>>) target_semaphore(%arg11 : memref<!tpu.dma_semaphore, #tpu.memory_space<semaphore_mem>>)
    %dma_wait3A_121 = arith.constant 1 : i32
    %dma_wait3A_122 = arith.constant 0 : i32
    %dma_wait3A_123 = arith.constant 0 : i32
    %dma_wait3A_124 = tpu.memref_slice %arg10[%dma_wait3A_121, %dma_wait3A_122, %dma_wait3A_123] : memref<2x1x4096xf32, #tpu.memory_space<vmem>> -> memref<1x1x4096xf32, #tpu.memory_space<vmem>>
    %dma_wait3A_125 = tpu.memref_squeeze %dma_wait3A_124 : memref<1x1x4096xf32, #tpu.memory_space<vmem>> -> memref<1x4096xf32, #tpu.memory_space<vmem>>
    %dma_wait3A_126 = arith.constant 4096 : i32
    %dma_wait3A_127 = tpu.memref_slice %arg7[%add3A_76, %dma_wait3A_126] : memref<256x16384xf32, #tpu.memory_space<hbm>> -> memref<1x4096xf32, #tpu.memory_space<hbm>>
    %dma_wait3A_128 = arith.constant 4096 : i32
    %dma_wait3A_129 = tpu.memref_slice %arg7[%add3A_76, %dma_wait3A_128] : memref<256x16384xf32, #tpu.memory_space<hbm>> -> memref<1x4096xf32, #tpu.memory_space<hbm>>
    %dma_wait3A_130 = arith.constant 0 : i32
    %dma_wait3A_131 = arith.constant 0 : i32
    %dma_wait3A_132 = tpu.memref_slice %arg10[%dma_wait3A_121, %dma_wait3A_130, %dma_wait3A_131] : memref<2x1x4096xf32, #tpu.memory_space<vmem>> -> memref<1x1x4096xf32, #tpu.memory_space<vmem>>
    %dma_wait3A_133 = tpu.memref_squeeze %dma_wait3A_132 : memref<1x1x4096xf32, #tpu.memory_space<vmem>> -> memref<1x4096xf32, #tpu.memory_space<vmem>>
    tpu.wait_dma2 semaphore(%arg12 : memref<!tpu.dma_semaphore, #tpu.memory_space<semaphore_mem>>) src(%dma_wait3A_133 : memref<1x4096xf32, #tpu.memory_space<vmem>>) dst(%dma_wait3A_129 : memref<1x4096xf32, #tpu.memory_space<hbm>>)
    %parallel_loop3A_134 = arith.constant 0 : i32
    %parallel_loop3A_135 = arith.constant 256 : i32
    %parallel_loop3A_136 = arith.constant 1 : i32
    scf.for %parallel_loop3A_1355 = %parallel_loop3A_134 to %parallel_loop3A_135 step %parallel_loop3A_136  : i32 {
      %parallel_loop3A_1356 = arith.constant 16 : i32
      %parallel_loop3A_1357 = arith.muli %parallel_loop3A_1355, %parallel_loop3A_1356 : i32
      %parallel_loop3A_1358 = arith.constant 12288 : i32
      %parallel_loop3A_1359 = arith.addi %parallel_loop3A_1358, %parallel_loop3A_1357 : i32
      %parallel_loop3A_1360 = arith.constant 0 : i32
      %parallel_loop3A_1361 = arith.index_cast %parallel_loop3A_1360 : i32 to index
      %parallel_loop3A_1362 = arith.index_cast %parallel_loop3A_1359 : i32 to index
      %parallel_loop3A_1363 = tpu.vector_load %arg8[%parallel_loop3A_1361, %parallel_loop3A_1362] {strides = array<i32>} : memref<1x16384xi32, #tpu.memory_space<vmem>>, vector<16xi32>,
      %parallel_loop3A_1364 = tpu.vector_load_idx %arg9[%broadcast_in_dim3A_17, %parallel_loop3A_1363] : memref<1x100001xf32, #tpu.memory_space<vmem>>[vector<16xi32>, vector<16xi32>], vector<16xf32>,
      %parallel_loop3A_1365 = arith.constant 16 : i32
      %parallel_loop3A_1366 = arith.muli %parallel_loop3A_1355, %parallel_loop3A_1365 : i32
      %parallel_loop3A_1367 = arith.constant 1 : i32
      %parallel_loop3A_1368 = arith.constant 0 : i32
      %parallel_loop3A_1369 = arith.index_cast %parallel_loop3A_1367 : i32 to index
      %parallel_loop3A_1370 = arith.index_cast %parallel_loop3A_1368 : i32 to index
      %parallel_loop3A_1371 = arith.index_cast %parallel_loop3A_1366 : i32 to index
      %parallel_loop3A_1372 = tpu.vector_load %arg10[%parallel_loop3A_1369, %parallel_loop3A_1370, %parallel_loop3A_1371] {strides = array<i32>} : memref<2x1x4096xf32, #tpu.memory_space<vmem>>, vector<16xf32>,
      tpu.vector_store %arg10[%parallel_loop3A_1369, %parallel_loop3A_1370, %parallel_loop3A_1371], %parallel_loop3A_1364 {strides = array<i32>} : memref<2x1x4096xf32, #tpu.memory_space<vmem>>, vector<16xf32>,
    } {sc.loop_unroll_factor = 8 : i64, sc.parallel_access}
    %mul3A_137 = arith.constant 64 : i32
    %mul3A_138 = arith.muli %select_n3A, %mul3A_137 : i32
    %add3A_139 = arith.addi %mul3A_138, %add3A_35 : i32
    %dma_start3A_140 = arith.constant 1 : i32
    %dma_start3A_141 = arith.constant 0 : i32
    %dma_start3A_142 = arith.constant 0 : i32
    %dma_start3A_143 = tpu.memref_slice %arg10[%dma_start3A_140, %dma_start3A_141, %dma_start3A_142] : memref<2x1x4096xf32, #tpu.memory_space<vmem>> -> memref<1x1x4096xf32, #tpu.memory_space<vmem>>
    %dma_start3A_144 = tpu.memref_squeeze %dma_start3A_143 : memref<1x1x4096xf32, #tpu.memory_space<vmem>> -> memref<1x4096xf32, #tpu.memory_space<vmem>>
    %dma_start3A_145 = arith.constant 12288 : i32
    %dma_start3A_146 = tpu.memref_slice %arg7[%add3A_139, %dma_start3A_145] : memref<256x16384xf32, #tpu.memory_space<hbm>> -> memref<1x4096xf32, #tpu.memory_space<hbm>>
    %dma_start3A_147 = arith.constant 12288 : i32
    %dma_start3A_148 = tpu.memref_slice %arg7[%add3A_139, %dma_start3A_147] : memref<256x16384xf32, #tpu.memory_space<hbm>> -> memref<1x4096xf32, #tpu.memory_space<hbm>>
    %dma_start3A_149 = arith.constant 0 : i32
    %dma_start3A_150 = arith.constant 0 : i32
    %dma_start3A_151 = tpu.memref_slice %arg10[%dma_start3A_140, %dma_start3A_149, %dma_start3A_150] : memref<2x1x4096xf32, #tpu.memory_space<vmem>> -> memref<1x1x4096xf32, #tpu.memory_space<vmem>>
    %dma_start3A_152 = tpu.memref_squeeze %dma_start3A_151 : memref<1x1x4096xf32, #tpu.memory_space<vmem>> -> memref<1x4096xf32, #tpu.memory_space<vmem>>
    tpu.enqueue_dma source(%dma_start3A_152 : memref<1x4096xf32, #tpu.memory_space<vmem>>) target(%dma_start3A_148 : memref<1x4096xf32, #tpu.memory_space<hbm>>) target_semaphore(%arg12 : memref<!tpu.dma_semaphore, #tpu.memory_space<semaphore_mem>>)
    %jit3A_153 = arith.constant 8 : i32
    %eq3A_154 = arith.constant 0 : i32
    %eq3A_155 = arith.cmpi eq, %jit3A_153, %eq3A_154 : i32
    %jit3A_156 = arith.constant 1 : i32
    %select_n3A_157 = arith.select %eq3A_155, %jit3A_156, %jit3A_153 : i32
    %rem3A_158 = arith.remsi %add3A, %select_n3A_157 : i32
    %ne3A_159 = arith.constant 0 : i32
    %ne3A_160 = arith.cmpi ne, %rem3A_158, %ne3A_159 : i32
    %lt3A_161 = arith.constant 0 : i32
    %lt3A_162 = arith.cmpi slt, %rem3A_158, %lt3A_161 : i32
    %lt3A_163 = arith.constant 0 : i32
    %lt3A_164 = arith.cmpi slt, %select_n3A_157, %lt3A_163 : i32
    %ne3A_165 = arith.xori %lt3A_162, %lt3A_164 : i1
    %and3A_166 = arith.andi %ne3A_165, %ne3A_160 : i1
    %add3A_167 = arith.addi %rem3A_158, %select_n3A_157 : i32
    %select_n3A_168 = arith.select %and3A_166, %add3A_167, %rem3A_158 : i32
    %mul3A_169 = arith.constant 8 : i32
    %mul3A_170 = arith.muli %select_n3A_168, %mul3A_169 : i32
    %add3A_171 = arith.constant 1 : i32
    %add3A_172 = arith.addi %mul3A_170, %add3A_171 : i32
    %eq3A_173 = arith.constant 0 : i32
    %eq3A_174 = arith.cmpi eq, %select_n3A, %eq3A_173 : i32
    %convert_element_type3A_175 = arith.extui %eq3A_174 : i1 to i32
    %cond3A_176 = arith.constant 0 : i32
    %cond3A_177 = arith.cmpi ne, %convert_element_type3A_175, %cond3A_176 : i32
    scf.if %cond3A_177 {
      "tpu.region"() ({
        %run_scoped3A = tpu.sem_alloc : memref<!tpu.dma_semaphore, #tpu.memory_space<semaphore_mem>>
        %dma_start3A_1355 = arith.constant 0 : i32
        %dma_start3A_1356 = tpu.memref_slice %arg2[%add3A_172, %dma_start3A_1355] : memref<64x100001xf32, #tpu.memory_space<hbm>> -> memref<1x100001xf32, #tpu.memory_space<hbm>>
        %dma_start3A_1357 = arith.constant 0 : i32
        %dma_start3A_1358 = tpu.memref_slice %arg2[%add3A_172, %dma_start3A_1357] : memref<64x100001xf32, #tpu.memory_space<hbm>> -> memref<1x100001xf32, #tpu.memory_space<hbm>>
        tpu.enqueue_dma source(%dma_start3A_1358 : memref<1x100001xf32, #tpu.memory_space<hbm>>) target(%arg9 : memref<1x100001xf32, #tpu.memory_space<vmem>>) target_semaphore(%run_scoped3A : memref<!tpu.dma_semaphore, #tpu.memory_space<semaphore_mem>>)
        %dma_wait3A_1359 = arith.constant 0 : i32
        %dma_wait3A_1360 = tpu.memref_slice %arg2[%add3A_172, %dma_wait3A_1359] : memref<64x100001xf32, #tpu.memory_space<hbm>> -> memref<1x100001xf32, #tpu.memory_space<hbm>>
        %dma_wait3A_1361 = arith.constant 0 : i32
        %dma_wait3A_1362 = tpu.memref_slice %arg2[%add3A_172, %dma_wait3A_1361] : memref<64x100001xf32, #tpu.memory_space<hbm>> -> memref<1x100001xf32, #tpu.memory_space<hbm>>
        tpu.wait_dma2 semaphore(%run_scoped3A : memref<!tpu.dma_semaphore, #tpu.memory_space<semaphore_mem>>) src(%dma_wait3A_1362 : memref<1x100001xf32, #tpu.memory_space<hbm>>) dst(%arg9 : memref<1x100001xf32, #tpu.memory_space<vmem>>)
        tpu.yield
      }) : () -> ()
    } else {
    }
    %eq3A_178 = arith.constant 1 : i32
    %eq3A_179 = arith.cmpi eq, %select_n3A, %eq3A_178 : i32
    %convert_element_type3A_180 = arith.extui %eq3A_179 : i1 to i32
    %cond3A_181 = arith.constant 0 : i32
    %cond3A_182 = arith.cmpi ne, %convert_element_type3A_180, %cond3A_181 : i32
    scf.if %cond3A_182 {
      "tpu.region"() ({
        %run_scoped3A = tpu.sem_alloc : memref<!tpu.dma_semaphore, #tpu.memory_space<semaphore_mem>>
        %dma_start3A_1355 = arith.constant 0 : i32
        %dma_start3A_1356 = tpu.memref_slice %arg3[%add3A_172, %dma_start3A_1355] : memref<64x100001xf32, #tpu.memory_space<hbm>> -> memref<1x100001xf32, #tpu.memory_space<hbm>>
        %dma_start3A_1357 = arith.constant 0 : i32
        %dma_start3A_1358 = tpu.memref_slice %arg3[%add3A_172, %dma_start3A_1357] : memref<64x100001xf32, #tpu.memory_space<hbm>> -> memref<1x100001xf32, #tpu.memory_space<hbm>>
        tpu.enqueue_dma source(%dma_start3A_1358 : memref<1x100001xf32, #tpu.memory_space<hbm>>) target(%arg9 : memref<1x100001xf32, #tpu.memory_space<vmem>>) target_semaphore(%run_scoped3A : memref<!tpu.dma_semaphore, #tpu.memory_space<semaphore_mem>>)
        %dma_wait3A_1359 = arith.constant 0 : i32
        %dma_wait3A_1360 = tpu.memref_slice %arg3[%add3A_172, %dma_wait3A_1359] : memref<64x100001xf32, #tpu.memory_space<hbm>> -> memref<1x100001xf32, #tpu.memory_space<hbm>>
        %dma_wait3A_1361 = arith.constant 0 : i32
        %dma_wait3A_1362 = tpu.memref_slice %arg3[%add3A_172, %dma_wait3A_1361] : memref<64x100001xf32, #tpu.memory_space<hbm>> -> memref<1x100001xf32, #tpu.memory_space<hbm>>
        tpu.wait_dma2 semaphore(%run_scoped3A : memref<!tpu.dma_semaphore, #tpu.memory_space<semaphore_mem>>) src(%dma_wait3A_1362 : memref<1x100001xf32, #tpu.memory_space<hbm>>) dst(%arg9 : memref<1x100001xf32, #tpu.memory_space<vmem>>)
        tpu.yield
      }) : () -> ()
    } else {
    }
    %eq3A_183 = arith.constant 2 : i32
    %eq3A_184 = arith.cmpi eq, %select_n3A, %eq3A_183 : i32
    %convert_element_type3A_185 = arith.extui %eq3A_184 : i1 to i32
    %cond3A_186 = arith.constant 0 : i32
    %cond3A_187 = arith.cmpi ne, %convert_element_type3A_185, %cond3A_186 : i32
    scf.if %cond3A_187 {
      "tpu.region"() ({
        %run_scoped3A = tpu.sem_alloc : memref<!tpu.dma_semaphore, #tpu.memory_space<semaphore_mem>>
        %dma_start3A_1355 = arith.constant 0 : i32
        %dma_start3A_1356 = tpu.memref_slice %arg4[%add3A_172, %dma_start3A_1355] : memref<64x100001xf32, #tpu.memory_space<hbm>> -> memref<1x100001xf32, #tpu.memory_space<hbm>>
        %dma_start3A_1357 = arith.constant 0 : i32
        %dma_start3A_1358 = tpu.memref_slice %arg4[%add3A_172, %dma_start3A_1357] : memref<64x100001xf32, #tpu.memory_space<hbm>> -> memref<1x100001xf32, #tpu.memory_space<hbm>>
        tpu.enqueue_dma source(%dma_start3A_1358 : memref<1x100001xf32, #tpu.memory_space<hbm>>) target(%arg9 : memref<1x100001xf32, #tpu.memory_space<vmem>>) target_semaphore(%run_scoped3A : memref<!tpu.dma_semaphore, #tpu.memory_space<semaphore_mem>>)
        %dma_wait3A_1359 = arith.constant 0 : i32
        %dma_wait3A_1360 = tpu.memref_slice %arg4[%add3A_172, %dma_wait3A_1359] : memref<64x100001xf32, #tpu.memory_space<hbm>> -> memref<1x100001xf32, #tpu.memory_space<hbm>>
        %dma_wait3A_1361 = arith.constant 0 : i32
        %dma_wait3A_1362 = tpu.memref_slice %arg4[%add3A_172, %dma_wait3A_1361] : memref<64x100001xf32, #tpu.memory_space<hbm>> -> memref<1x100001xf32, #tpu.memory_space<hbm>>
        tpu.wait_dma2 semaphore(%run_scoped3A : memref<!tpu.dma_semaphore, #tpu.memory_space<semaphore_mem>>) src(%dma_wait3A_1362 : memref<1x100001xf32, #tpu.memory_space<hbm>>) dst(%arg9 : memref<1x100001xf32, #tpu.memory_space<vmem>>)
        tpu.yield
      }) : () -> ()
    } else {
    }
    %eq3A_188 = arith.constant 3 : i32
    %eq3A_189 = arith.cmpi eq, %select_n3A, %eq3A_188 : i32
    %convert_element_type3A_190 = arith.extui %eq3A_189 : i1 to i32
    %cond3A_191 = arith.constant 0 : i32
    %cond3A_192 = arith.cmpi ne, %convert_element_type3A_190, %cond3A_191 : i32
    scf.if %cond3A_192 {
      "tpu.region"() ({
        %run_scoped3A = tpu.sem_alloc : memref<!tpu.dma_semaphore, #tpu.memory_space<semaphore_mem>>
        %dma_start3A_1355 = arith.constant 0 : i32
        %dma_start3A_1356 = tpu.memref_slice %arg5[%add3A_172, %dma_start3A_1355] : memref<64x100001xf32, #tpu.memory_space<hbm>> -> memref<1x100001xf32, #tpu.memory_space<hbm>>
        %dma_start3A_1357 = arith.constant 0 : i32
        %dma_start3A_1358 = tpu.memref_slice %arg5[%add3A_172, %dma_start3A_1357] : memref<64x100001xf32, #tpu.memory_space<hbm>> -> memref<1x100001xf32, #tpu.memory_space<hbm>>
        tpu.enqueue_dma source(%dma_start3A_1358 : memref<1x100001xf32, #tpu.memory_space<hbm>>) target(%arg9 : memref<1x100001xf32, #tpu.memory_space<vmem>>) target_semaphore(%run_scoped3A : memref<!tpu.dma_semaphore, #tpu.memory_space<semaphore_mem>>)
        %dma_wait3A_1359 = arith.constant 0 : i32
        %dma_wait3A_1360 = tpu.memref_slice %arg5[%add3A_172, %dma_wait3A_1359] : memref<64x100001xf32, #tpu.memory_space<hbm>> -> memref<1x100001xf32, #tpu.memory_space<hbm>>
        %dma_wait3A_1361 = arith.constant 0 : i32
        %dma_wait3A_1362 = tpu.memref_slice %arg5[%add3A_172, %dma_wait3A_1361] : memref<64x100001xf32, #tpu.memory_space<hbm>> -> memref<1x100001xf32, #tpu.memory_space<hbm>>
        tpu.wait_dma2 semaphore(%run_scoped3A : memref<!tpu.dma_semaphore, #tpu.memory_space<semaphore_mem>>) src(%dma_wait3A_1362 : memref<1x100001xf32, #tpu.memory_space<hbm>>) dst(%arg9 : memref<1x100001xf32, #tpu.memory_space<vmem>>)
        tpu.yield
      }) : () -> ()
    } else {
    }
    %dma_wait3A_193 = arith.constant 0 : i32
    %dma_wait3A_194 = arith.constant 0 : i32
    %dma_wait3A_195 = arith.constant 0 : i32
    %dma_wait3A_196 = tpu.memref_slice %arg10[%dma_wait3A_193, %dma_wait3A_194, %dma_wait3A_195] : memref<2x1x4096xf32, #tpu.memory_space<vmem>> -> memref<1x1x4096xf32, #tpu.memory_space<vmem>>
    %dma_wait3A_197 = tpu.memref_squeeze %dma_wait3A_196 : memref<1x1x4096xf32, #tpu.memory_space<vmem>> -> memref<1x4096xf32, #tpu.memory_space<vmem>>
    %dma_wait3A_198 = arith.constant 8192 : i32
    %dma_wait3A_199 = tpu.memref_slice %arg7[%add3A_107, %dma_wait3A_198] : memref<256x16384xf32, #tpu.memory_space<hbm>> -> memref<1x4096xf32, #tpu.memory_space<hbm>>
    %dma_wait3A_200 = arith.constant 8192 : i32
    %dma_wait3A_201 = tpu.memref_slice %arg7[%add3A_107, %dma_wait3A_200] : memref<256x16384xf32, #tpu.memory_space<hbm>> -> memref<1x4096xf32, #tpu.memory_space<hbm>>
    %dma_wait3A_202 = arith.constant 0 : i32
    %dma_wait3A_203 = arith.constant 0 : i32
    %dma_wait3A_204 = tpu.memref_slice %arg10[%dma_wait3A_193, %dma_wait3A_202, %dma_wait3A_203] : memref<2x1x4096xf32, #tpu.memory_space<vmem>> -> memref<1x1x4096xf32, #tpu.memory_space<vmem>>
    %dma_wait3A_205 = tpu.memref_squeeze %dma_wait3A_204 : memref<1x1x4096xf32, #tpu.memory_space<vmem>> -> memref<1x4096xf32, #tpu.memory_space<vmem>>
    tpu.wait_dma2 semaphore(%arg11 : memref<!tpu.dma_semaphore, #tpu.memory_space<semaphore_mem>>) src(%dma_wait3A_205 : memref<1x4096xf32, #tpu.memory_space<vmem>>) dst(%dma_wait3A_201 : memref<1x4096xf32, #tpu.memory_space<hbm>>)
    %parallel_loop3A_206 = arith.constant 0 : i32
    %parallel_loop3A_207 = arith.constant 256 : i32
    %parallel_loop3A_208 = arith.constant 1 : i32
    scf.for %parallel_loop3A_1355 = %parallel_loop3A_206 to %parallel_loop3A_207 step %parallel_loop3A_208  : i32 {
      %parallel_loop3A_1356 = arith.constant 16 : i32
      %parallel_loop3A_1357 = arith.muli %parallel_loop3A_1355, %parallel_loop3A_1356 : i32
      %parallel_loop3A_1358 = arith.constant 0 : i32
      %parallel_loop3A_1359 = arith.addi %parallel_loop3A_1358, %parallel_loop3A_1357 : i32
      %parallel_loop3A_1360 = arith.constant 0 : i32
      %parallel_loop3A_1361 = arith.index_cast %parallel_loop3A_1360 : i32 to index
      %parallel_loop3A_1362 = arith.index_cast %parallel_loop3A_1359 : i32 to index
      %parallel_loop3A_1363 = tpu.vector_load %arg8[%parallel_loop3A_1361, %parallel_loop3A_1362] {strides = array<i32>} : memref<1x16384xi32, #tpu.memory_space<vmem>>, vector<16xi32>,
      %parallel_loop3A_1364 = tpu.vector_load_idx %arg9[%broadcast_in_dim3A_17, %parallel_loop3A_1363] : memref<1x100001xf32, #tpu.memory_space<vmem>>[vector<16xi32>, vector<16xi32>], vector<16xf32>,
      %parallel_loop3A_1365 = arith.constant 16 : i32
      %parallel_loop3A_1366 = arith.muli %parallel_loop3A_1355, %parallel_loop3A_1365 : i32
      %parallel_loop3A_1367 = arith.constant 0 : i32
      %parallel_loop3A_1368 = arith.constant 0 : i32
      %parallel_loop3A_1369 = arith.index_cast %parallel_loop3A_1367 : i32 to index
      %parallel_loop3A_1370 = arith.index_cast %parallel_loop3A_1368 : i32 to index
      %parallel_loop3A_1371 = arith.index_cast %parallel_loop3A_1366 : i32 to index
      %parallel_loop3A_1372 = tpu.vector_load %arg10[%parallel_loop3A_1369, %parallel_loop3A_1370, %parallel_loop3A_1371] {strides = array<i32>} : memref<2x1x4096xf32, #tpu.memory_space<vmem>>, vector<16xf32>,
      tpu.vector_store %arg10[%parallel_loop3A_1369, %parallel_loop3A_1370, %parallel_loop3A_1371], %parallel_loop3A_1364 {strides = array<i32>} : memref<2x1x4096xf32, #tpu.memory_space<vmem>>, vector<16xf32>,
    } {sc.loop_unroll_factor = 8 : i64, sc.parallel_access}
    %mul3A_209 = arith.constant 64 : i32
    %mul3A_210 = arith.muli %select_n3A, %mul3A_209 : i32
    %add3A_211 = arith.addi %mul3A_210, %add3A_172 : i32
    %dma_start3A_212 = arith.constant 0 : i32
    %dma_start3A_213 = arith.constant 0 : i32
    %dma_start3A_214 = arith.constant 0 : i32
    %dma_start3A_215 = tpu.memref_slice %arg10[%dma_start3A_212, %dma_start3A_213, %dma_start3A_214] : memref<2x1x4096xf32, #tpu.memory_space<vmem>> -> memref<1x1x4096xf32, #tpu.memory_space<vmem>>
    %dma_start3A_216 = tpu.memref_squeeze %dma_start3A_215 : memref<1x1x4096xf32, #tpu.memory_space<vmem>> -> memref<1x4096xf32, #tpu.memory_space<vmem>>
    %dma_start3A_217 = arith.constant 0 : i32
    %dma_start3A_218 = tpu.memref_slice %arg7[%add3A_211, %dma_start3A_217] : memref<256x16384xf32, #tpu.memory_space<hbm>> -> memref<1x4096xf32, #tpu.memory_space<hbm>>
    %dma_start3A_219 = arith.constant 0 : i32
    %dma_start3A_220 = tpu.memref_slice %arg7[%add3A_211, %dma_start3A_219] : memref<256x16384xf32, #tpu.memory_space<hbm>> -> memref<1x4096xf32, #tpu.memory_space<hbm>>
    %dma_start3A_221 = arith.constant 0 : i32
    %dma_start3A_222 = arith.constant 0 : i32
    %dma_start3A_223 = tpu.memref_slice %arg10[%dma_start3A_212, %dma_start3A_221, %dma_start3A_222] : memref<2x1x4096xf32, #tpu.memory_space<vmem>> -> memref<1x1x4096xf32, #tpu.memory_space<vmem>>
    %dma_start3A_224 = tpu.memref_squeeze %dma_start3A_223 : memref<1x1x4096xf32, #tpu.memory_space<vmem>> -> memref<1x4096xf32, #tpu.memory_space<vmem>>
    tpu.enqueue_dma source(%dma_start3A_224 : memref<1x4096xf32, #tpu.memory_space<vmem>>) target(%dma_start3A_220 : memref<1x4096xf32, #tpu.memory_space<hbm>>) target_semaphore(%arg11 : memref<!tpu.dma_semaphore, #tpu.memory_space<semaphore_mem>>)
    %dma_wait3A_225 = arith.constant 1 : i32
    %dma_wait3A_226 = arith.constant 0 : i32
    %dma_wait3A_227 = arith.constant 0 : i32
    %dma_wait3A_228 = tpu.memref_slice %arg10[%dma_wait3A_225, %dma_wait3A_226, %dma_wait3A_227] : memref<2x1x4096xf32, #tpu.memory_space<vmem>> -> memref<1x1x4096xf32, #tpu.memory_space<vmem>>
    %dma_wait3A_229 = tpu.memref_squeeze %dma_wait3A_228 : memref<1x1x4096xf32, #tpu.memory_space<vmem>> -> memref<1x4096xf32, #tpu.memory_space<vmem>>
    %dma_wait3A_230 = arith.constant 12288 : i32
    %dma_wait3A_231 = tpu.memref_slice %arg7[%add3A_139, %dma_wait3A_230] : memref<256x16384xf32, #tpu.memory_space<hbm>> -> memref<1x4096xf32, #tpu.memory_space<hbm>>
    %dma_wait3A_232 = arith.constant 12288 : i32
    %dma_wait3A_233 = tpu.memref_slice %arg7[%add3A_139, %dma_wait3A_232] : memref<256x16384xf32, #tpu.memory_space<hbm>> -> memref<1x4096xf32, #tpu.memory_space<hbm>>
    %dma_wait3A_234 = arith.constant 0 : i32
    %dma_wait3A_235 = arith.constant 0 : i32
    %dma_wait3A_236 = tpu.memref_slice %arg10[%dma_wait3A_225, %dma_wait3A_234, %dma_wait3A_235] : memref<2x1x4096xf32, #tpu.memory_space<vmem>> -> memref<1x1x4096xf32, #tpu.memory_space<vmem>>
    %dma_wait3A_237 = tpu.memref_squeeze %dma_wait3A_236 : memref<1x1x4096xf32, #tpu.memory_space<vmem>> -> memref<1x4096xf32, #tpu.memory_space<vmem>>
    tpu.wait_dma2 semaphore(%arg12 : memref<!tpu.dma_semaphore, #tpu.memory_space<semaphore_mem>>) src(%dma_wait3A_237 : memref<1x4096xf32, #tpu.memory_space<vmem>>) dst(%dma_wait3A_233 : memref<1x4096xf32, #tpu.memory_space<hbm>>)
    %parallel_loop3A_238 = arith.constant 0 : i32
    %parallel_loop3A_239 = arith.constant 256 : i32
    %parallel_loop3A_240 = arith.constant 1 : i32
    scf.for %parallel_loop3A_1355 = %parallel_loop3A_238 to %parallel_loop3A_239 step %parallel_loop3A_240  : i32 {
      %parallel_loop3A_1356 = arith.constant 16 : i32
      %parallel_loop3A_1357 = arith.muli %parallel_loop3A_1355, %parallel_loop3A_1356 : i32
      %parallel_loop3A_1358 = arith.constant 4096 : i32
      %parallel_loop3A_1359 = arith.addi %parallel_loop3A_1358, %parallel_loop3A_1357 : i32
      %parallel_loop3A_1360 = arith.constant 0 : i32
      %parallel_loop3A_1361 = arith.index_cast %parallel_loop3A_1360 : i32 to index
      %parallel_loop3A_1362 = arith.index_cast %parallel_loop3A_1359 : i32 to index
      %parallel_loop3A_1363 = tpu.vector_load %arg8[%parallel_loop3A_1361, %parallel_loop3A_1362] {strides = array<i32>} : memref<1x16384xi32, #tpu.memory_space<vmem>>, vector<16xi32>,
      %parallel_loop3A_1364 = tpu.vector_load_idx %arg9[%broadcast_in_dim3A_17, %parallel_loop3A_1363] : memref<1x100001xf32, #tpu.memory_space<vmem>>[vector<16xi32>, vector<16xi32>], vector<16xf32>,
      %parallel_loop3A_1365 = arith.constant 16 : i32
      %parallel_loop3A_1366 = arith.muli %parallel_loop3A_1355, %parallel_loop3A_1365 : i32
      %parallel_loop3A_1367 = arith.constant 1 : i32
      %parallel_loop3A_1368 = arith.constant 0 : i32
      %parallel_loop3A_1369 = arith.index_cast %parallel_loop3A_1367 : i32 to index
      %parallel_loop3A_1370 = arith.index_cast %parallel_loop3A_1368 : i32 to index
      %parallel_loop3A_1371 = arith.index_cast %parallel_loop3A_1366 : i32 to index
      %parallel_loop3A_1372 = tpu.vector_load %arg10[%parallel_loop3A_1369, %parallel_loop3A_1370, %parallel_loop3A_1371] {strides = array<i32>} : memref<2x1x4096xf32, #tpu.memory_space<vmem>>, vector<16xf32>,
      tpu.vector_store %arg10[%parallel_loop3A_1369, %parallel_loop3A_1370, %parallel_loop3A_1371], %parallel_loop3A_1364 {strides = array<i32>} : memref<2x1x4096xf32, #tpu.memory_space<vmem>>, vector<16xf32>,
    } {sc.loop_unroll_factor = 8 : i64, sc.parallel_access}
    %mul3A_241 = arith.constant 64 : i32
    %mul3A_242 = arith.muli %select_n3A, %mul3A_241 : i32
    %add3A_243 = arith.addi %mul3A_242, %add3A_172 : i32
    %dma_start3A_244 = arith.constant 1 : i32
    %dma_start3A_245 = arith.constant 0 : i32
    %dma_start3A_246 = arith.constant 0 : i32
    %dma_start3A_247 = tpu.memref_slice %arg10[%dma_start3A_244, %dma_start3A_245, %dma_start3A_246] : memref<2x1x4096xf32, #tpu.memory_space<vmem>> -> memref<1x1x4096xf32, #tpu.memory_space<vmem>>
    %dma_start3A_248 = tpu.memref_squeeze %dma_start3A_247 : memref<1x1x4096xf32, #tpu.memory_space<vmem>> -> memref<1x4096xf32, #tpu.memory_space<vmem>>
    %dma_start3A_249 = arith.constant 4096 : i32
    %dma_start3A_250 = tpu.memref_slice %arg7[%add3A_243, %dma_start3A_249] : memref<256x16384xf32, #tpu.memory_space<hbm>> -> memref<1x4096xf32, #tpu.memory_space<hbm>>
    %dma_start3A_251 = arith.constant 4096 : i32
    %dma_start3A_252 = tpu.memref_slice %arg7[%add3A_243, %dma_start3A_251] : memref<256x16384xf32, #tpu.memory_space<hbm>> -> memref<1x4096xf32, #tpu.memory_space<hbm>>
    %dma_start3A_253 = arith.constant 0 : i32
    %dma_start3A_254 = arith.constant 0 : i32
    %dma_start3A_255 = tpu.memref_slice %arg10[%dma_start3A_244, %dma_start3A_253, %dma_start3A_254] : memref<2x1x4096xf32, #tpu.memory_space<vmem>> -> memref<1x1x4096xf32, #tpu.memory_space<vmem>>
    %dma_start3A_256 = tpu.memref_squeeze %dma_start3A_255 : memref<1x1x4096xf32, #tpu.memory_space<vmem>> -> memref<1x4096xf32, #tpu.memory_space<vmem>>
    tpu.enqueue_dma source(%dma_start3A_256 : memref<1x4096xf32, #tpu.memory_space<vmem>>) target(%dma_start3A_252 : memref<1x4096xf32, #tpu.memory_space<hbm>>) target_semaphore(%arg12 : memref<!tpu.dma_semaphore, #tpu.memory_space<semaphore_mem>>)
    %dma_wait3A_257 = arith.constant 0 : i32
    %dma_wait3A_258 = arith.constant 0 : i32
    %dma_wait3A_259 = arith.constant 0 : i32
    %dma_wait3A_260 = tpu.memref_slice %arg10[%dma_wait3A_257, %dma_wait3A_258, %dma_wait3A_259] : memref<2x1x4096xf32, #tpu.memory_space<vmem>> -> memref<1x1x4096xf32, #tpu.memory_space<vmem>>
    %dma_wait3A_261 = tpu.memref_squeeze %dma_wait3A_260 : memref<1x1x4096xf32, #tpu.memory_space<vmem>> -> memref<1x4096xf32, #tpu.memory_space<vmem>>
    %dma_wait3A_262 = arith.constant 0 : i32
    %dma_wait3A_263 = tpu.memref_slice %arg7[%add3A_211, %dma_wait3A_262] : memref<256x16384xf32, #tpu.memory_space<hbm>> -> memref<1x4096xf32, #tpu.memory_space<hbm>>
    %dma_wait3A_264 = arith.constant 0 : i32
    %dma_wait3A_265 = tpu.memref_slice %arg7[%add3A_211, %dma_wait3A_264] : memref<256x16384xf32, #tpu.memory_space<hbm>> -> memref<1x4096xf32, #tpu.memory_space<hbm>>
    %dma_wait3A_266 = arith.constant 0 : i32
    %dma_wait3A_267 = arith.constant 0 : i32
    %dma_wait3A_268 = tpu.memref_slice %arg10[%dma_wait3A_257, %dma_wait3A_266, %dma_wait3A_267] : memref<2x1x4096xf32, #tpu.memory_space<vmem>> -> memref<1x1x4096xf32, #tpu.memory_space<vmem>>
    %dma_wait3A_269 = tpu.memref_squeeze %dma_wait3A_268 : memref<1x1x4096xf32, #tpu.memory_space<vmem>> -> memref<1x4096xf32, #tpu.memory_space<vmem>>
    tpu.wait_dma2 semaphore(%arg11 : memref<!tpu.dma_semaphore, #tpu.memory_space<semaphore_mem>>) src(%dma_wait3A_269 : memref<1x4096xf32, #tpu.memory_space<vmem>>) dst(%dma_wait3A_265 : memref<1x4096xf32, #tpu.memory_space<hbm>>)
    %parallel_loop3A_270 = arith.constant 0 : i32
    %parallel_loop3A_271 = arith.constant 256 : i32
    %parallel_loop3A_272 = arith.constant 1 : i32
    scf.for %parallel_loop3A_1355 = %parallel_loop3A_270 to %parallel_loop3A_271 step %parallel_loop3A_272  : i32 {
      %parallel_loop3A_1356 = arith.constant 16 : i32
      %parallel_loop3A_1357 = arith.muli %parallel_loop3A_1355, %parallel_loop3A_1356 : i32
      %parallel_loop3A_1358 = arith.constant 8192 : i32
      %parallel_loop3A_1359 = arith.addi %parallel_loop3A_1358, %parallel_loop3A_1357 : i32
      %parallel_loop3A_1360 = arith.constant 0 : i32
      %parallel_loop3A_1361 = arith.index_cast %parallel_loop3A_1360 : i32 to index
      %parallel_loop3A_1362 = arith.index_cast %parallel_loop3A_1359 : i32 to index
      %parallel_loop3A_1363 = tpu.vector_load %arg8[%parallel_loop3A_1361, %parallel_loop3A_1362] {strides = array<i32>} : memref<1x16384xi32, #tpu.memory_space<vmem>>, vector<16xi32>,
      %parallel_loop3A_1364 = tpu.vector_load_idx %arg9[%broadcast_in_dim3A_17, %parallel_loop3A_1363] : memref<1x100001xf32, #tpu.memory_space<vmem>>[vector<16xi32>, vector<16xi32>], vector<16xf32>,
      %parallel_loop3A_1365 = arith.constant 16 : i32
      %parallel_loop3A_1366 = arith.muli %parallel_loop3A_1355, %parallel_loop3A_1365 : i32
      %parallel_loop3A_1367 = arith.constant 0 : i32
      %parallel_loop3A_1368 = arith.constant 0 : i32
      %parallel_loop3A_1369 = arith.index_cast %parallel_loop3A_1367 : i32 to index
      %parallel_loop3A_1370 = arith.index_cast %parallel_loop3A_1368 : i32 to index
      %parallel_loop3A_1371 = arith.index_cast %parallel_loop3A_1366 : i32 to index
      %parallel_loop3A_1372 = tpu.vector_load %arg10[%parallel_loop3A_1369, %parallel_loop3A_1370, %parallel_loop3A_1371] {strides = array<i32>} : memref<2x1x4096xf32, #tpu.memory_space<vmem>>, vector<16xf32>,
      tpu.vector_store %arg10[%parallel_loop3A_1369, %parallel_loop3A_1370, %parallel_loop3A_1371], %parallel_loop3A_1364 {strides = array<i32>} : memref<2x1x4096xf32, #tpu.memory_space<vmem>>, vector<16xf32>,
    } {sc.loop_unroll_factor = 8 : i64, sc.parallel_access}
    %mul3A_273 = arith.constant 64 : i32
    %mul3A_274 = arith.muli %select_n3A, %mul3A_273 : i32
    %add3A_275 = arith.addi %mul3A_274, %add3A_172 : i32
    %dma_start3A_276 = arith.constant 0 : i32
    %dma_start3A_277 = arith.constant 0 : i32
    %dma_start3A_278 = arith.constant 0 : i32
    %dma_start3A_279 = tpu.memref_slice %arg10[%dma_start3A_276, %dma_start3A_277, %dma_start3A_278] : memref<2x1x4096xf32, #tpu.memory_space<vmem>> -> memref<1x1x4096xf32, #tpu.memory_space<vmem>>
    %dma_start3A_280 = tpu.memref_squeeze %dma_start3A_279 : memref<1x1x4096xf32, #tpu.memory_space<vmem>> -> memref<1x4096xf32, #tpu.memory_space<vmem>>
    %dma_start3A_281 = arith.constant 8192 : i32
    %dma_start3A_282 = tpu.memref_slice %arg7[%add3A_275, %dma_start3A_281] : memref<256x16384xf32, #tpu.memory_space<hbm>> -> memref<1x4096xf32, #tpu.memory_space<hbm>>
    %dma_start3A_283 = arith.constant 8192 : i32
    %dma_start3A_284 = tpu.memref_slice %arg7[%add3A_275, %dma_start3A_283] : memref<256x16384xf32, #tpu.memory_space<hbm>> -> memref<1x4096xf32, #tpu.memory_space<hbm>>
    %dma_start3A_285 = arith.constant 0 : i32
    %dma_start3A_286 = arith.constant 0 : i32
    %dma_start3A_287 = tpu.memref_slice %arg10[%dma_start3A_276, %dma_start3A_285, %dma_start3A_286] : memref<2x1x4096xf32, #tpu.memory_space<vmem>> -> memref<1x1x4096xf32, #tpu.memory_space<vmem>>
    %dma_start3A_288 = tpu.memref_squeeze %dma_start3A_287 : memref<1x1x4096xf32, #tpu.memory_space<vmem>> -> memref<1x4096xf32, #tpu.memory_space<vmem>>
    tpu.enqueue_dma source(%dma_start3A_288 : memref<1x4096xf32, #tpu.memory_space<vmem>>) target(%dma_start3A_284 : memref<1x4096xf32, #tpu.memory_space<hbm>>) target_semaphore(%arg11 : memref<!tpu.dma_semaphore, #tpu.memory_space<semaphore_mem>>)
    %dma_wait3A_289 = arith.constant 1 : i32
    %dma_wait3A_290 = arith.constant 0 : i32
    %dma_wait3A_291 = arith.constant 0 : i32
    %dma_wait3A_292 = tpu.memref_slice %arg10[%dma_wait3A_289, %dma_wait3A_290, %dma_wait3A_291] : memref<2x1x4096xf32, #tpu.memory_space<vmem>> -> memref<1x1x4096xf32, #tpu.memory_space<vmem>>
    %dma_wait3A_293 = tpu.memref_squeeze %dma_wait3A_292 : memref<1x1x4096xf32, #tpu.memory_space<vmem>> -> memref<1x4096xf32, #tpu.memory_space<vmem>>
    %dma_wait3A_294 = arith.constant 4096 : i32
    %dma_wait3A_295 = tpu.memref_slice %arg7[%add3A_243, %dma_wait3A_294] : memref<256x16384xf32, #tpu.memory_space<hbm>> -> memref<1x4096xf32, #tpu.memory_space<hbm>>
    %dma_wait3A_296 = arith.constant 4096 : i32
    %dma_wait3A_297 = tpu.memref_slice %arg7[%add3A_243, %dma_wait3A_296] : memref<256x16384xf32, #tpu.memory_space<hbm>> -> memref<1x4096xf32, #tpu.memory_space<hbm>>
    %dma_wait3A_298 = arith.constant 0 : i32
    %dma_wait3A_299 = arith.constant 0 : i32
    %dma_wait3A_300 = tpu.memref_slice %arg10[%dma_wait3A_289, %dma_wait3A_298, %dma_wait3A_299] : memref<2x1x4096xf32, #tpu.memory_space<vmem>> -> memref<1x1x4096xf32, #tpu.memory_space<vmem>>
    %dma_wait3A_301 = tpu.memref_squeeze %dma_wait3A_300 : memref<1x1x4096xf32, #tpu.memory_space<vmem>> -> memref<1x4096xf32, #tpu.memory_space<vmem>>
    tpu.wait_dma2 semaphore(%arg12 : memref<!tpu.dma_semaphore, #tpu.memory_space<semaphore_mem>>) src(%dma_wait3A_301 : memref<1x4096xf32, #tpu.memory_space<vmem>>) dst(%dma_wait3A_297 : memref<1x4096xf32, #tpu.memory_space<hbm>>)
    %parallel_loop3A_302 = arith.constant 0 : i32
    %parallel_loop3A_303 = arith.constant 256 : i32
    %parallel_loop3A_304 = arith.constant 1 : i32
    scf.for %parallel_loop3A_1355 = %parallel_loop3A_302 to %parallel_loop3A_303 step %parallel_loop3A_304  : i32 {
      %parallel_loop3A_1356 = arith.constant 16 : i32
      %parallel_loop3A_1357 = arith.muli %parallel_loop3A_1355, %parallel_loop3A_1356 : i32
      %parallel_loop3A_1358 = arith.constant 12288 : i32
      %parallel_loop3A_1359 = arith.addi %parallel_loop3A_1358, %parallel_loop3A_1357 : i32
      %parallel_loop3A_1360 = arith.constant 0 : i32
      %parallel_loop3A_1361 = arith.index_cast %parallel_loop3A_1360 : i32 to index
      %parallel_loop3A_1362 = arith.index_cast %parallel_loop3A_1359 : i32 to index
      %parallel_loop3A_1363 = tpu.vector_load %arg8[%parallel_loop3A_1361, %parallel_loop3A_1362] {strides = array<i32>} : memref<1x16384xi32, #tpu.memory_space<vmem>>, vector<16xi32>,
      %parallel_loop3A_1364 = tpu.vector_load_idx %arg9[%broadcast_in_dim3A_17, %parallel_loop3A_1363] : memref<1x100001xf32, #tpu.memory_space<vmem>>[vector<16xi32>, vector<16xi32>], vector<16xf32>,
      %parallel_loop3A_1365 = arith.constant 16 : i32
      %parallel_loop3A_1366 = arith.muli %parallel_loop3A_1355, %parallel_loop3A_1365 : i32
      %parallel_loop3A_1367 = arith.constant 1 : i32
      %parallel_loop3A_1368 = arith.constant 0 : i32
      %parallel_loop3A_1369 = arith.index_cast %parallel_loop3A_1367 : i32 to index
      %parallel_loop3A_1370 = arith.index_cast %parallel_loop3A_1368 : i32 to index
      %parallel_loop3A_1371 = arith.index_cast %parallel_loop3A_1366 : i32 to index
      %parallel_loop3A_1372 = tpu.vector_load %arg10[%parallel_loop3A_1369, %parallel_loop3A_1370, %parallel_loop3A_1371] {strides = array<i32>} : memref<2x1x4096xf32, #tpu.memory_space<vmem>>, vector<16xf32>,
      tpu.vector_store %arg10[%parallel_loop3A_1369, %parallel_loop3A_1370, %parallel_loop3A_1371], %parallel_loop3A_1364 {strides = array<i32>} : memref<2x1x4096xf32, #tpu.memory_space<vmem>>, vector<16xf32>,
    } {sc.loop_unroll_factor = 8 : i64, sc.parallel_access}
    %mul3A_305 = arith.constant 64 : i32
    %mul3A_306 = arith.muli %select_n3A, %mul3A_305 : i32
    %add3A_307 = arith.addi %mul3A_306, %add3A_172 : i32
    %dma_start3A_308 = arith.constant 1 : i32
    %dma_start3A_309 = arith.constant 0 : i32
    %dma_start3A_310 = arith.constant 0 : i32
    %dma_start3A_311 = tpu.memref_slice %arg10[%dma_start3A_308, %dma_start3A_309, %dma_start3A_310] : memref<2x1x4096xf32, #tpu.memory_space<vmem>> -> memref<1x1x4096xf32, #tpu.memory_space<vmem>>
    %dma_start3A_312 = tpu.memref_squeeze %dma_start3A_311 : memref<1x1x4096xf32, #tpu.memory_space<vmem>> -> memref<1x4096xf32, #tpu.memory_space<vmem>>
    %dma_start3A_313 = arith.constant 12288 : i32
    %dma_start3A_314 = tpu.memref_slice %arg7[%add3A_307, %dma_start3A_313] : memref<256x16384xf32, #tpu.memory_space<hbm>> -> memref<1x4096xf32, #tpu.memory_space<hbm>>
    %dma_start3A_315 = arith.constant 12288 : i32
    %dma_start3A_316 = tpu.memref_slice %arg7[%add3A_307, %dma_start3A_315] : memref<256x16384xf32, #tpu.memory_space<hbm>> -> memref<1x4096xf32, #tpu.memory_space<hbm>>
    %dma_start3A_317 = arith.constant 0 : i32
    %dma_start3A_318 = arith.constant 0 : i32
    %dma_start3A_319 = tpu.memref_slice %arg10[%dma_start3A_308, %dma_start3A_317, %dma_start3A_318] : memref<2x1x4096xf32, #tpu.memory_space<vmem>> -> memref<1x1x4096xf32, #tpu.memory_space<vmem>>
    %dma_start3A_320 = tpu.memref_squeeze %dma_start3A_319 : memref<1x1x4096xf32, #tpu.memory_space<vmem>> -> memref<1x4096xf32, #tpu.memory_space<vmem>>
    tpu.enqueue_dma source(%dma_start3A_320 : memref<1x4096xf32, #tpu.memory_space<vmem>>) target(%dma_start3A_316 : memref<1x4096xf32, #tpu.memory_space<hbm>>) target_semaphore(%arg12 : memref<!tpu.dma_semaphore, #tpu.memory_space<semaphore_mem>>)
    %jit3A_321 = arith.constant 8 : i32
    %eq3A_322 = arith.constant 0 : i32
    %eq3A_323 = arith.cmpi eq, %jit3A_321, %eq3A_322 : i32
    %jit3A_324 = arith.constant 1 : i32
    %select_n3A_325 = arith.select %eq3A_323, %jit3A_324, %jit3A_321 : i32
    %rem3A_326 = arith.remsi %add3A, %select_n3A_325 : i32
    %ne3A_327 = arith.constant 0 : i32
    %ne3A_328 = arith.cmpi ne, %rem3A_326, %ne3A_327 : i32
    %lt3A_329 = arith.constant 0 : i32
    %lt3A_330 = arith.cmpi slt, %rem3A_326, %lt3A_329 : i32
    %lt3A_331 = arith.constant 0 : i32
    %lt3A_332 = arith.cmpi slt, %select_n3A_325, %lt3A_331 : i32
    %ne3A_333 = arith.xori %lt3A_330, %lt3A_332 : i1
    %and3A_334 = arith.andi %ne3A_333, %ne3A_328 : i1
    %add3A_335 = arith.addi %rem3A_326, %select_n3A_325 : i32
    %select_n3A_336 = arith.select %and3A_334, %add3A_335, %rem3A_326 : i32
    %mul3A_337 = arith.constant 8 : i32
    %mul3A_338 = arith.muli %select_n3A_336, %mul3A_337 : i32
    %add3A_339 = arith.constant 2 : i32
    %add3A_340 = arith.addi %mul3A_338, %add3A_339 : i32
    %eq3A_341 = arith.constant 0 : i32
    %eq3A_342 = arith.cmpi eq, %select_n3A, %eq3A_341 : i32
    %convert_element_type3A_343 = arith.extui %eq3A_342 : i1 to i32
    %cond3A_344 = arith.constant 0 : i32
    %cond3A_345 = arith.cmpi ne, %convert_element_type3A_343, %cond3A_344 : i32
    scf.if %cond3A_345 {
      "tpu.region"() ({
        %run_scoped3A = tpu.sem_alloc : memref<!tpu.dma_semaphore, #tpu.memory_space<semaphore_mem>>
        %dma_start3A_1355 = arith.constant 0 : i32
        %dma_start3A_1356 = tpu.memref_slice %arg2[%add3A_340, %dma_start3A_1355] : memref<64x100001xf32, #tpu.memory_space<hbm>> -> memref<1x100001xf32, #tpu.memory_space<hbm>>
        %dma_start3A_1357 = arith.constant 0 : i32
        %dma_start3A_1358 = tpu.memref_slice %arg2[%add3A_340, %dma_start3A_1357] : memref<64x100001xf32, #tpu.memory_space<hbm>> -> memref<1x100001xf32, #tpu.memory_space<hbm>>
        tpu.enqueue_dma source(%dma_start3A_1358 : memref<1x100001xf32, #tpu.memory_space<hbm>>) target(%arg9 : memref<1x100001xf32, #tpu.memory_space<vmem>>) target_semaphore(%run_scoped3A : memref<!tpu.dma_semaphore, #tpu.memory_space<semaphore_mem>>)
        %dma_wait3A_1359 = arith.constant 0 : i32
        %dma_wait3A_1360 = tpu.memref_slice %arg2[%add3A_340, %dma_wait3A_1359] : memref<64x100001xf32, #tpu.memory_space<hbm>> -> memref<1x100001xf32, #tpu.memory_space<hbm>>
        %dma_wait3A_1361 = arith.constant 0 : i32
        %dma_wait3A_1362 = tpu.memref_slice %arg2[%add3A_340, %dma_wait3A_1361] : memref<64x100001xf32, #tpu.memory_space<hbm>> -> memref<1x100001xf32, #tpu.memory_space<hbm>>
        tpu.wait_dma2 semaphore(%run_scoped3A : memref<!tpu.dma_semaphore, #tpu.memory_space<semaphore_mem>>) src(%dma_wait3A_1362 : memref<1x100001xf32, #tpu.memory_space<hbm>>) dst(%arg9 : memref<1x100001xf32, #tpu.memory_space<vmem>>)
        tpu.yield
      }) : () -> ()
    } else {
    }
    %eq3A_346 = arith.constant 1 : i32
    %eq3A_347 = arith.cmpi eq, %select_n3A, %eq3A_346 : i32
    %convert_element_type3A_348 = arith.extui %eq3A_347 : i1 to i32
    %cond3A_349 = arith.constant 0 : i32
    %cond3A_350 = arith.cmpi ne, %convert_element_type3A_348, %cond3A_349 : i32
    scf.if %cond3A_350 {
      "tpu.region"() ({
        %run_scoped3A = tpu.sem_alloc : memref<!tpu.dma_semaphore, #tpu.memory_space<semaphore_mem>>
        %dma_start3A_1355 = arith.constant 0 : i32
        %dma_start3A_1356 = tpu.memref_slice %arg3[%add3A_340, %dma_start3A_1355] : memref<64x100001xf32, #tpu.memory_space<hbm>> -> memref<1x100001xf32, #tpu.memory_space<hbm>>
        %dma_start3A_1357 = arith.constant 0 : i32
        %dma_start3A_1358 = tpu.memref_slice %arg3[%add3A_340, %dma_start3A_1357] : memref<64x100001xf32, #tpu.memory_space<hbm>> -> memref<1x100001xf32, #tpu.memory_space<hbm>>
        tpu.enqueue_dma source(%dma_start3A_1358 : memref<1x100001xf32, #tpu.memory_space<hbm>>) target(%arg9 : memref<1x100001xf32, #tpu.memory_space<vmem>>) target_semaphore(%run_scoped3A : memref<!tpu.dma_semaphore, #tpu.memory_space<semaphore_mem>>)
        %dma_wait3A_1359 = arith.constant 0 : i32
        %dma_wait3A_1360 = tpu.memref_slice %arg3[%add3A_340, %dma_wait3A_1359] : memref<64x100001xf32, #tpu.memory_space<hbm>> -> memref<1x100001xf32, #tpu.memory_space<hbm>>
        %dma_wait3A_1361 = arith.constant 0 : i32
        %dma_wait3A_1362 = tpu.memref_slice %arg3[%add3A_340, %dma_wait3A_1361] : memref<64x100001xf32, #tpu.memory_space<hbm>> -> memref<1x100001xf32, #tpu.memory_space<hbm>>
        tpu.wait_dma2 semaphore(%run_scoped3A : memref<!tpu.dma_semaphore, #tpu.memory_space<semaphore_mem>>) src(%dma_wait3A_1362 : memref<1x100001xf32, #tpu.memory_space<hbm>>) dst(%arg9 : memref<1x100001xf32, #tpu.memory_space<vmem>>)
        tpu.yield
      }) : () -> ()
    } else {
    }
    %eq3A_351 = arith.constant 2 : i32
    %eq3A_352 = arith.cmpi eq, %select_n3A, %eq3A_351 : i32
    %convert_element_type3A_353 = arith.extui %eq3A_352 : i1 to i32
    %cond3A_354 = arith.constant 0 : i32
    %cond3A_355 = arith.cmpi ne, %convert_element_type3A_353, %cond3A_354 : i32
    scf.if %cond3A_355 {
      "tpu.region"() ({
        %run_scoped3A = tpu.sem_alloc : memref<!tpu.dma_semaphore, #tpu.memory_space<semaphore_mem>>
        %dma_start3A_1355 = arith.constant 0 : i32
        %dma_start3A_1356 = tpu.memref_slice %arg4[%add3A_340, %dma_start3A_1355] : memref<64x100001xf32, #tpu.memory_space<hbm>> -> memref<1x100001xf32, #tpu.memory_space<hbm>>
        %dma_start3A_1357 = arith.constant 0 : i32
        %dma_start3A_1358 = tpu.memref_slice %arg4[%add3A_340, %dma_start3A_1357] : memref<64x100001xf32, #tpu.memory_space<hbm>> -> memref<1x100001xf32, #tpu.memory_space<hbm>>
        tpu.enqueue_dma source(%dma_start3A_1358 : memref<1x100001xf32, #tpu.memory_space<hbm>>) target(%arg9 : memref<1x100001xf32, #tpu.memory_space<vmem>>) target_semaphore(%run_scoped3A : memref<!tpu.dma_semaphore, #tpu.memory_space<semaphore_mem>>)
        %dma_wait3A_1359 = arith.constant 0 : i32
        %dma_wait3A_1360 = tpu.memref_slice %arg4[%add3A_340, %dma_wait3A_1359] : memref<64x100001xf32, #tpu.memory_space<hbm>> -> memref<1x100001xf32, #tpu.memory_space<hbm>>
        %dma_wait3A_1361 = arith.constant 0 : i32
        %dma_wait3A_1362 = tpu.memref_slice %arg4[%add3A_340, %dma_wait3A_1361] : memref<64x100001xf32, #tpu.memory_space<hbm>> -> memref<1x100001xf32, #tpu.memory_space<hbm>>
        tpu.wait_dma2 semaphore(%run_scoped3A : memref<!tpu.dma_semaphore, #tpu.memory_space<semaphore_mem>>) src(%dma_wait3A_1362 : memref<1x100001xf32, #tpu.memory_space<hbm>>) dst(%arg9 : memref<1x100001xf32, #tpu.memory_space<vmem>>)
        tpu.yield
      }) : () -> ()
    } else {
    }
    %eq3A_356 = arith.constant 3 : i32
    %eq3A_357 = arith.cmpi eq, %select_n3A, %eq3A_356 : i32
    %convert_element_type3A_358 = arith.extui %eq3A_357 : i1 to i32
    %cond3A_359 = arith.constant 0 : i32
    %cond3A_360 = arith.cmpi ne, %convert_element_type3A_358, %cond3A_359 : i32
    scf.if %cond3A_360 {
      "tpu.region"() ({
        %run_scoped3A = tpu.sem_alloc : memref<!tpu.dma_semaphore, #tpu.memory_space<semaphore_mem>>
        %dma_start3A_1355 = arith.constant 0 : i32
        %dma_start3A_1356 = tpu.memref_slice %arg5[%add3A_340, %dma_start3A_1355] : memref<64x100001xf32, #tpu.memory_space<hbm>> -> memref<1x100001xf32, #tpu.memory_space<hbm>>
        %dma_start3A_1357 = arith.constant 0 : i32
        %dma_start3A_1358 = tpu.memref_slice %arg5[%add3A_340, %dma_start3A_1357] : memref<64x100001xf32, #tpu.memory_space<hbm>> -> memref<1x100001xf32, #tpu.memory_space<hbm>>
        tpu.enqueue_dma source(%dma_start3A_1358 : memref<1x100001xf32, #tpu.memory_space<hbm>>) target(%arg9 : memref<1x100001xf32, #tpu.memory_space<vmem>>) target_semaphore(%run_scoped3A : memref<!tpu.dma_semaphore, #tpu.memory_space<semaphore_mem>>)
        %dma_wait3A_1359 = arith.constant 0 : i32
        %dma_wait3A_1360 = tpu.memref_slice %arg5[%add3A_340, %dma_wait3A_1359] : memref<64x100001xf32, #tpu.memory_space<hbm>> -> memref<1x100001xf32, #tpu.memory_space<hbm>>
        %dma_wait3A_1361 = arith.constant 0 : i32
        %dma_wait3A_1362 = tpu.memref_slice %arg5[%add3A_340, %dma_wait3A_1361] : memref<64x100001xf32, #tpu.memory_space<hbm>> -> memref<1x100001xf32, #tpu.memory_space<hbm>>
        tpu.wait_dma2 semaphore(%run_scoped3A : memref<!tpu.dma_semaphore, #tpu.memory_space<semaphore_mem>>) src(%dma_wait3A_1362 : memref<1x100001xf32, #tpu.memory_space<hbm>>) dst(%arg9 : memref<1x100001xf32, #tpu.memory_space<vmem>>)
        tpu.yield
      }) : () -> ()
    } else {
    }
    %dma_wait3A_361 = arith.constant 0 : i32
    %dma_wait3A_362 = arith.constant 0 : i32
    %dma_wait3A_363 = arith.constant 0 : i32
    %dma_wait3A_364 = tpu.memref_slice %arg10[%dma_wait3A_361, %dma_wait3A_362, %dma_wait3A_363] : memref<2x1x4096xf32, #tpu.memory_space<vmem>> -> memref<1x1x4096xf32, #tpu.memory_space<vmem>>
    %dma_wait3A_365 = tpu.memref_squeeze %dma_wait3A_364 : memref<1x1x4096xf32, #tpu.memory_space<vmem>> -> memref<1x4096xf32, #tpu.memory_space<vmem>>
    %dma_wait3A_366 = arith.constant 8192 : i32
    %dma_wait3A_367 = tpu.memref_slice %arg7[%add3A_275, %dma_wait3A_366] : memref<256x16384xf32, #tpu.memory_space<hbm>> -> memref<1x4096xf32, #tpu.memory_space<hbm>>
    %dma_wait3A_368 = arith.constant 8192 : i32
    %dma_wait3A_369 = tpu.memref_slice %arg7[%add3A_275, %dma_wait3A_368] : memref<256x16384xf32, #tpu.memory_space<hbm>> -> memref<1x4096xf32, #tpu.memory_space<hbm>>
    %dma_wait3A_370 = arith.constant 0 : i32
    %dma_wait3A_371 = arith.constant 0 : i32
    %dma_wait3A_372 = tpu.memref_slice %arg10[%dma_wait3A_361, %dma_wait3A_370, %dma_wait3A_371] : memref<2x1x4096xf32, #tpu.memory_space<vmem>> -> memref<1x1x4096xf32, #tpu.memory_space<vmem>>
    %dma_wait3A_373 = tpu.memref_squeeze %dma_wait3A_372 : memref<1x1x4096xf32, #tpu.memory_space<vmem>> -> memref<1x4096xf32, #tpu.memory_space<vmem>>
    tpu.wait_dma2 semaphore(%arg11 : memref<!tpu.dma_semaphore, #tpu.memory_space<semaphore_mem>>) src(%dma_wait3A_373 : memref<1x4096xf32, #tpu.memory_space<vmem>>) dst(%dma_wait3A_369 : memref<1x4096xf32, #tpu.memory_space<hbm>>)
    %parallel_loop3A_374 = arith.constant 0 : i32
    %parallel_loop3A_375 = arith.constant 256 : i32
    %parallel_loop3A_376 = arith.constant 1 : i32
    scf.for %parallel_loop3A_1355 = %parallel_loop3A_374 to %parallel_loop3A_375 step %parallel_loop3A_376  : i32 {
      %parallel_loop3A_1356 = arith.constant 16 : i32
      %parallel_loop3A_1357 = arith.muli %parallel_loop3A_1355, %parallel_loop3A_1356 : i32
      %parallel_loop3A_1358 = arith.constant 0 : i32
      %parallel_loop3A_1359 = arith.addi %parallel_loop3A_1358, %parallel_loop3A_1357 : i32
      %parallel_loop3A_1360 = arith.constant 0 : i32
      %parallel_loop3A_1361 = arith.index_cast %parallel_loop3A_1360 : i32 to index
      %parallel_loop3A_1362 = arith.index_cast %parallel_loop3A_1359 : i32 to index
      %parallel_loop3A_1363 = tpu.vector_load %arg8[%parallel_loop3A_1361, %parallel_loop3A_1362] {strides = array<i32>} : memref<1x16384xi32, #tpu.memory_space<vmem>>, vector<16xi32>,
      %parallel_loop3A_1364 = tpu.vector_load_idx %arg9[%broadcast_in_dim3A_17, %parallel_loop3A_1363] : memref<1x100001xf32, #tpu.memory_space<vmem>>[vector<16xi32>, vector<16xi32>], vector<16xf32>,
      %parallel_loop3A_1365 = arith.constant 16 : i32
      %parallel_loop3A_1366 = arith.muli %parallel_loop3A_1355, %parallel_loop3A_1365 : i32
      %parallel_loop3A_1367 = arith.constant 0 : i32
      %parallel_loop3A_1368 = arith.constant 0 : i32
      %parallel_loop3A_1369 = arith.index_cast %parallel_loop3A_1367 : i32 to index
      %parallel_loop3A_1370 = arith.index_cast %parallel_loop3A_1368 : i32 to index
      %parallel_loop3A_1371 = arith.index_cast %parallel_loop3A_1366 : i32 to index
      %parallel_loop3A_1372 = tpu.vector_load %arg10[%parallel_loop3A_1369, %parallel_loop3A_1370, %parallel_loop3A_1371] {strides = array<i32>} : memref<2x1x4096xf32, #tpu.memory_space<vmem>>, vector<16xf32>,
      tpu.vector_store %arg10[%parallel_loop3A_1369, %parallel_loop3A_1370, %parallel_loop3A_1371], %parallel_loop3A_1364 {strides = array<i32>} : memref<2x1x4096xf32, #tpu.memory_space<vmem>>, vector<16xf32>,
    } {sc.loop_unroll_factor = 8 : i64, sc.parallel_access}
    %mul3A_377 = arith.constant 64 : i32
    %mul3A_378 = arith.muli %select_n3A, %mul3A_377 : i32
    %add3A_379 = arith.addi %mul3A_378, %add3A_340 : i32
    %dma_start3A_380 = arith.constant 0 : i32
    %dma_start3A_381 = arith.constant 0 : i32
    %dma_start3A_382 = arith.constant 0 : i32
    %dma_start3A_383 = tpu.memref_slice %arg10[%dma_start3A_380, %dma_start3A_381, %dma_start3A_382] : memref<2x1x4096xf32, #tpu.memory_space<vmem>> -> memref<1x1x4096xf32, #tpu.memory_space<vmem>>
    %dma_start3A_384 = tpu.memref_squeeze %dma_start3A_383 : memref<1x1x4096xf32, #tpu.memory_space<vmem>> -> memref<1x4096xf32, #tpu.memory_space<vmem>>
    %dma_start3A_385 = arith.constant 0 : i32
    %dma_start3A_386 = tpu.memref_slice %arg7[%add3A_379, %dma_start3A_385] : memref<256x16384xf32, #tpu.memory_space<hbm>> -> memref<1x4096xf32, #tpu.memory_space<hbm>>
    %dma_start3A_387 = arith.constant 0 : i32
    %dma_start3A_388 = tpu.memref_slice %arg7[%add3A_379, %dma_start3A_387] : memref<256x16384xf32, #tpu.memory_space<hbm>> -> memref<1x4096xf32, #tpu.memory_space<hbm>>
    %dma_start3A_389 = arith.constant 0 : i32
    %dma_start3A_390 = arith.constant 0 : i32
    %dma_start3A_391 = tpu.memref_slice %arg10[%dma_start3A_380, %dma_start3A_389, %dma_start3A_390] : memref<2x1x4096xf32, #tpu.memory_space<vmem>> -> memref<1x1x4096xf32, #tpu.memory_space<vmem>>
    %dma_start3A_392 = tpu.memref_squeeze %dma_start3A_391 : memref<1x1x4096xf32, #tpu.memory_space<vmem>> -> memref<1x4096xf32, #tpu.memory_space<vmem>>
    tpu.enqueue_dma source(%dma_start3A_392 : memref<1x4096xf32, #tpu.memory_space<vmem>>) target(%dma_start3A_388 : memref<1x4096xf32, #tpu.memory_space<hbm>>) target_semaphore(%arg11 : memref<!tpu.dma_semaphore, #tpu.memory_space<semaphore_mem>>)
    %dma_wait3A_393 = arith.constant 1 : i32
    %dma_wait3A_394 = arith.constant 0 : i32
    %dma_wait3A_395 = arith.constant 0 : i32
    %dma_wait3A_396 = tpu.memref_slice %arg10[%dma_wait3A_393, %dma_wait3A_394, %dma_wait3A_395] : memref<2x1x4096xf32, #tpu.memory_space<vmem>> -> memref<1x1x4096xf32, #tpu.memory_space<vmem>>
    %dma_wait3A_397 = tpu.memref_squeeze %dma_wait3A_396 : memref<1x1x4096xf32, #tpu.memory_space<vmem>> -> memref<1x4096xf32, #tpu.memory_space<vmem>>
    %dma_wait3A_398 = arith.constant 12288 : i32
    %dma_wait3A_399 = tpu.memref_slice %arg7[%add3A_307, %dma_wait3A_398] : memref<256x16384xf32, #tpu.memory_space<hbm>> -> memref<1x4096xf32, #tpu.memory_space<hbm>>
    %dma_wait3A_400 = arith.constant 12288 : i32
    %dma_wait3A_401 = tpu.memref_slice %arg7[%add3A_307, %dma_wait3A_400] : memref<256x16384xf32, #tpu.memory_space<hbm>> -> memref<1x4096xf32, #tpu.memory_space<hbm>>
    %dma_wait3A_402 = arith.constant 0 : i32
    %dma_wait3A_403 = arith.constant 0 : i32
    %dma_wait3A_404 = tpu.memref_slice %arg10[%dma_wait3A_393, %dma_wait3A_402, %dma_wait3A_403] : memref<2x1x4096xf32, #tpu.memory_space<vmem>> -> memref<1x1x4096xf32, #tpu.memory_space<vmem>>
    %dma_wait3A_405 = tpu.memref_squeeze %dma_wait3A_404 : memref<1x1x4096xf32, #tpu.memory_space<vmem>> -> memref<1x4096xf32, #tpu.memory_space<vmem>>
    tpu.wait_dma2 semaphore(%arg12 : memref<!tpu.dma_semaphore, #tpu.memory_space<semaphore_mem>>) src(%dma_wait3A_405 : memref<1x4096xf32, #tpu.memory_space<vmem>>) dst(%dma_wait3A_401 : memref<1x4096xf32, #tpu.memory_space<hbm>>)
    %parallel_loop3A_406 = arith.constant 0 : i32
    %parallel_loop3A_407 = arith.constant 256 : i32
    %parallel_loop3A_408 = arith.constant 1 : i32
    scf.for %parallel_loop3A_1355 = %parallel_loop3A_406 to %parallel_loop3A_407 step %parallel_loop3A_408  : i32 {
      %parallel_loop3A_1356 = arith.constant 16 : i32
      %parallel_loop3A_1357 = arith.muli %parallel_loop3A_1355, %parallel_loop3A_1356 : i32
      %parallel_loop3A_1358 = arith.constant 4096 : i32
      %parallel_loop3A_1359 = arith.addi %parallel_loop3A_1358, %parallel_loop3A_1357 : i32
      %parallel_loop3A_1360 = arith.constant 0 : i32
      %parallel_loop3A_1361 = arith.index_cast %parallel_loop3A_1360 : i32 to index
      %parallel_loop3A_1362 = arith.index_cast %parallel_loop3A_1359 : i32 to index
      %parallel_loop3A_1363 = tpu.vector_load %arg8[%parallel_loop3A_1361, %parallel_loop3A_1362] {strides = array<i32>} : memref<1x16384xi32, #tpu.memory_space<vmem>>, vector<16xi32>,
      %parallel_loop3A_1364 = tpu.vector_load_idx %arg9[%broadcast_in_dim3A_17, %parallel_loop3A_1363] : memref<1x100001xf32, #tpu.memory_space<vmem>>[vector<16xi32>, vector<16xi32>], vector<16xf32>,
      %parallel_loop3A_1365 = arith.constant 16 : i32
      %parallel_loop3A_1366 = arith.muli %parallel_loop3A_1355, %parallel_loop3A_1365 : i32
      %parallel_loop3A_1367 = arith.constant 1 : i32
      %parallel_loop3A_1368 = arith.constant 0 : i32
      %parallel_loop3A_1369 = arith.index_cast %parallel_loop3A_1367 : i32 to index
      %parallel_loop3A_1370 = arith.index_cast %parallel_loop3A_1368 : i32 to index
      %parallel_loop3A_1371 = arith.index_cast %parallel_loop3A_1366 : i32 to index
      %parallel_loop3A_1372 = tpu.vector_load %arg10[%parallel_loop3A_1369, %parallel_loop3A_1370, %parallel_loop3A_1371] {strides = array<i32>} : memref<2x1x4096xf32, #tpu.memory_space<vmem>>, vector<16xf32>,
      tpu.vector_store %arg10[%parallel_loop3A_1369, %parallel_loop3A_1370, %parallel_loop3A_1371], %parallel_loop3A_1364 {strides = array<i32>} : memref<2x1x4096xf32, #tpu.memory_space<vmem>>, vector<16xf32>,
    } {sc.loop_unroll_factor = 8 : i64, sc.parallel_access}
    %mul3A_409 = arith.constant 64 : i32
    %mul3A_410 = arith.muli %select_n3A, %mul3A_409 : i32
    %add3A_411 = arith.addi %mul3A_410, %add3A_340 : i32
    %dma_start3A_412 = arith.constant 1 : i32
    %dma_start3A_413 = arith.constant 0 : i32
    %dma_start3A_414 = arith.constant 0 : i32
    %dma_start3A_415 = tpu.memref_slice %arg10[%dma_start3A_412, %dma_start3A_413, %dma_start3A_414] : memref<2x1x4096xf32, #tpu.memory_space<vmem>> -> memref<1x1x4096xf32, #tpu.memory_space<vmem>>
    %dma_start3A_416 = tpu.memref_squeeze %dma_start3A_415 : memref<1x1x4096xf32, #tpu.memory_space<vmem>> -> memref<1x4096xf32, #tpu.memory_space<vmem>>
    %dma_start3A_417 = arith.constant 4096 : i32
    %dma_start3A_418 = tpu.memref_slice %arg7[%add3A_411, %dma_start3A_417] : memref<256x16384xf32, #tpu.memory_space<hbm>> -> memref<1x4096xf32, #tpu.memory_space<hbm>>
    %dma_start3A_419 = arith.constant 4096 : i32
    %dma_start3A_420 = tpu.memref_slice %arg7[%add3A_411, %dma_start3A_419] : memref<256x16384xf32, #tpu.memory_space<hbm>> -> memref<1x4096xf32, #tpu.memory_space<hbm>>
    %dma_start3A_421 = arith.constant 0 : i32
    %dma_start3A_422 = arith.constant 0 : i32
    %dma_start3A_423 = tpu.memref_slice %arg10[%dma_start3A_412, %dma_start3A_421, %dma_start3A_422] : memref<2x1x4096xf32, #tpu.memory_space<vmem>> -> memref<1x1x4096xf32, #tpu.memory_space<vmem>>
    %dma_start3A_424 = tpu.memref_squeeze %dma_start3A_423 : memref<1x1x4096xf32, #tpu.memory_space<vmem>> -> memref<1x4096xf32, #tpu.memory_space<vmem>>
    tpu.enqueue_dma source(%dma_start3A_424 : memref<1x4096xf32, #tpu.memory_space<vmem>>) target(%dma_start3A_420 : memref<1x4096xf32, #tpu.memory_space<hbm>>) target_semaphore(%arg12 : memref<!tpu.dma_semaphore, #tpu.memory_space<semaphore_mem>>)
    %dma_wait3A_425 = arith.constant 0 : i32
    %dma_wait3A_426 = arith.constant 0 : i32
    %dma_wait3A_427 = arith.constant 0 : i32
    %dma_wait3A_428 = tpu.memref_slice %arg10[%dma_wait3A_425, %dma_wait3A_426, %dma_wait3A_427] : memref<2x1x4096xf32, #tpu.memory_space<vmem>> -> memref<1x1x4096xf32, #tpu.memory_space<vmem>>
    %dma_wait3A_429 = tpu.memref_squeeze %dma_wait3A_428 : memref<1x1x4096xf32, #tpu.memory_space<vmem>> -> memref<1x4096xf32, #tpu.memory_space<vmem>>
    %dma_wait3A_430 = arith.constant 0 : i32
    %dma_wait3A_431 = tpu.memref_slice %arg7[%add3A_379, %dma_wait3A_430] : memref<256x16384xf32, #tpu.memory_space<hbm>> -> memref<1x4096xf32, #tpu.memory_space<hbm>>
    %dma_wait3A_432 = arith.constant 0 : i32
    %dma_wait3A_433 = tpu.memref_slice %arg7[%add3A_379, %dma_wait3A_432] : memref<256x16384xf32, #tpu.memory_space<hbm>> -> memref<1x4096xf32, #tpu.memory_space<hbm>>
    %dma_wait3A_434 = arith.constant 0 : i32
    %dma_wait3A_435 = arith.constant 0 : i32
    %dma_wait3A_436 = tpu.memref_slice %arg10[%dma_wait3A_425, %dma_wait3A_434, %dma_wait3A_435] : memref<2x1x4096xf32, #tpu.memory_space<vmem>> -> memref<1x1x4096xf32, #tpu.memory_space<vmem>>
    %dma_wait3A_437 = tpu.memref_squeeze %dma_wait3A_436 : memref<1x1x4096xf32, #tpu.memory_space<vmem>> -> memref<1x4096xf32, #tpu.memory_space<vmem>>
    tpu.wait_dma2 semaphore(%arg11 : memref<!tpu.dma_semaphore, #tpu.memory_space<semaphore_mem>>) src(%dma_wait3A_437 : memref<1x4096xf32, #tpu.memory_space<vmem>>) dst(%dma_wait3A_433 : memref<1x4096xf32, #tpu.memory_space<hbm>>)
    %parallel_loop3A_438 = arith.constant 0 : i32
    %parallel_loop3A_439 = arith.constant 256 : i32
    %parallel_loop3A_440 = arith.constant 1 : i32
    scf.for %parallel_loop3A_1355 = %parallel_loop3A_438 to %parallel_loop3A_439 step %parallel_loop3A_440  : i32 {
      %parallel_loop3A_1356 = arith.constant 16 : i32
      %parallel_loop3A_1357 = arith.muli %parallel_loop3A_1355, %parallel_loop3A_1356 : i32
      %parallel_loop3A_1358 = arith.constant 8192 : i32
      %parallel_loop3A_1359 = arith.addi %parallel_loop3A_1358, %parallel_loop3A_1357 : i32
      %parallel_loop3A_1360 = arith.constant 0 : i32
      %parallel_loop3A_1361 = arith.index_cast %parallel_loop3A_1360 : i32 to index
      %parallel_loop3A_1362 = arith.index_cast %parallel_loop3A_1359 : i32 to index
      %parallel_loop3A_1363 = tpu.vector_load %arg8[%parallel_loop3A_1361, %parallel_loop3A_1362] {strides = array<i32>} : memref<1x16384xi32, #tpu.memory_space<vmem>>, vector<16xi32>,
      %parallel_loop3A_1364 = tpu.vector_load_idx %arg9[%broadcast_in_dim3A_17, %parallel_loop3A_1363] : memref<1x100001xf32, #tpu.memory_space<vmem>>[vector<16xi32>, vector<16xi32>], vector<16xf32>,
      %parallel_loop3A_1365 = arith.constant 16 : i32
      %parallel_loop3A_1366 = arith.muli %parallel_loop3A_1355, %parallel_loop3A_1365 : i32
      %parallel_loop3A_1367 = arith.constant 0 : i32
      %parallel_loop3A_1368 = arith.constant 0 : i32
      %parallel_loop3A_1369 = arith.index_cast %parallel_loop3A_1367 : i32 to index
      %parallel_loop3A_1370 = arith.index_cast %parallel_loop3A_1368 : i32 to index
      %parallel_loop3A_1371 = arith.index_cast %parallel_loop3A_1366 : i32 to index
      %parallel_loop3A_1372 = tpu.vector_load %arg10[%parallel_loop3A_1369, %parallel_loop3A_1370, %parallel_loop3A_1371] {strides = array<i32>} : memref<2x1x4096xf32, #tpu.memory_space<vmem>>, vector<16xf32>,
      tpu.vector_store %arg10[%parallel_loop3A_1369, %parallel_loop3A_1370, %parallel_loop3A_1371], %parallel_loop3A_1364 {strides = array<i32>} : memref<2x1x4096xf32, #tpu.memory_space<vmem>>, vector<16xf32>,
    } {sc.loop_unroll_factor = 8 : i64, sc.parallel_access}
    %mul3A_441 = arith.constant 64 : i32
    %mul3A_442 = arith.muli %select_n3A, %mul3A_441 : i32
    %add3A_443 = arith.addi %mul3A_442, %add3A_340 : i32
    %dma_start3A_444 = arith.constant 0 : i32
    %dma_start3A_445 = arith.constant 0 : i32
    %dma_start3A_446 = arith.constant 0 : i32
    %dma_start3A_447 = tpu.memref_slice %arg10[%dma_start3A_444, %dma_start3A_445, %dma_start3A_446] : memref<2x1x4096xf32, #tpu.memory_space<vmem>> -> memref<1x1x4096xf32, #tpu.memory_space<vmem>>
    %dma_start3A_448 = tpu.memref_squeeze %dma_start3A_447 : memref<1x1x4096xf32, #tpu.memory_space<vmem>> -> memref<1x4096xf32, #tpu.memory_space<vmem>>
    %dma_start3A_449 = arith.constant 8192 : i32
    %dma_start3A_450 = tpu.memref_slice %arg7[%add3A_443, %dma_start3A_449] : memref<256x16384xf32, #tpu.memory_space<hbm>> -> memref<1x4096xf32, #tpu.memory_space<hbm>>
    %dma_start3A_451 = arith.constant 8192 : i32
    %dma_start3A_452 = tpu.memref_slice %arg7[%add3A_443, %dma_start3A_451] : memref<256x16384xf32, #tpu.memory_space<hbm>> -> memref<1x4096xf32, #tpu.memory_space<hbm>>
    %dma_start3A_453 = arith.constant 0 : i32
    %dma_start3A_454 = arith.constant 0 : i32
    %dma_start3A_455 = tpu.memref_slice %arg10[%dma_start3A_444, %dma_start3A_453, %dma_start3A_454] : memref<2x1x4096xf32, #tpu.memory_space<vmem>> -> memref<1x1x4096xf32, #tpu.memory_space<vmem>>
    %dma_start3A_456 = tpu.memref_squeeze %dma_start3A_455 : memref<1x1x4096xf32, #tpu.memory_space<vmem>> -> memref<1x4096xf32, #tpu.memory_space<vmem>>
    tpu.enqueue_dma source(%dma_start3A_456 : memref<1x4096xf32, #tpu.memory_space<vmem>>) target(%dma_start3A_452 : memref<1x4096xf32, #tpu.memory_space<hbm>>) target_semaphore(%arg11 : memref<!tpu.dma_semaphore, #tpu.memory_space<semaphore_mem>>)
    %dma_wait3A_457 = arith.constant 1 : i32
    %dma_wait3A_458 = arith.constant 0 : i32
    %dma_wait3A_459 = arith.constant 0 : i32
    %dma_wait3A_460 = tpu.memref_slice %arg10[%dma_wait3A_457, %dma_wait3A_458, %dma_wait3A_459] : memref<2x1x4096xf32, #tpu.memory_space<vmem>> -> memref<1x1x4096xf32, #tpu.memory_space<vmem>>
    %dma_wait3A_461 = tpu.memref_squeeze %dma_wait3A_460 : memref<1x1x4096xf32, #tpu.memory_space<vmem>> -> memref<1x4096xf32, #tpu.memory_space<vmem>>
    %dma_wait3A_462 = arith.constant 4096 : i32
    %dma_wait3A_463 = tpu.memref_slice %arg7[%add3A_411, %dma_wait3A_462] : memref<256x16384xf32, #tpu.memory_space<hbm>> -> memref<1x4096xf32, #tpu.memory_space<hbm>>
    %dma_wait3A_464 = arith.constant 4096 : i32
    %dma_wait3A_465 = tpu.memref_slice %arg7[%add3A_411, %dma_wait3A_464] : memref<256x16384xf32, #tpu.memory_space<hbm>> -> memref<1x4096xf32, #tpu.memory_space<hbm>>
    %dma_wait3A_466 = arith.constant 0 : i32
    %dma_wait3A_467 = arith.constant 0 : i32
    %dma_wait3A_468 = tpu.memref_slice %arg10[%dma_wait3A_457, %dma_wait3A_466, %dma_wait3A_467] : memref<2x1x4096xf32, #tpu.memory_space<vmem>> -> memref<1x1x4096xf32, #tpu.memory_space<vmem>>
    %dma_wait3A_469 = tpu.memref_squeeze %dma_wait3A_468 : memref<1x1x4096xf32, #tpu.memory_space<vmem>> -> memref<1x4096xf32, #tpu.memory_space<vmem>>
    tpu.wait_dma2 semaphore(%arg12 : memref<!tpu.dma_semaphore, #tpu.memory_space<semaphore_mem>>) src(%dma_wait3A_469 : memref<1x4096xf32, #tpu.memory_space<vmem>>) dst(%dma_wait3A_465 : memref<1x4096xf32, #tpu.memory_space<hbm>>)
    %parallel_loop3A_470 = arith.constant 0 : i32
    %parallel_loop3A_471 = arith.constant 256 : i32
    %parallel_loop3A_472 = arith.constant 1 : i32
    scf.for %parallel_loop3A_1355 = %parallel_loop3A_470 to %parallel_loop3A_471 step %parallel_loop3A_472  : i32 {
      %parallel_loop3A_1356 = arith.constant 16 : i32
      %parallel_loop3A_1357 = arith.muli %parallel_loop3A_1355, %parallel_loop3A_1356 : i32
      %parallel_loop3A_1358 = arith.constant 12288 : i32
      %parallel_loop3A_1359 = arith.addi %parallel_loop3A_1358, %parallel_loop3A_1357 : i32
      %parallel_loop3A_1360 = arith.constant 0 : i32
      %parallel_loop3A_1361 = arith.index_cast %parallel_loop3A_1360 : i32 to index
      %parallel_loop3A_1362 = arith.index_cast %parallel_loop3A_1359 : i32 to index
      %parallel_loop3A_1363 = tpu.vector_load %arg8[%parallel_loop3A_1361, %parallel_loop3A_1362] {strides = array<i32>} : memref<1x16384xi32, #tpu.memory_space<vmem>>, vector<16xi32>,
      %parallel_loop3A_1364 = tpu.vector_load_idx %arg9[%broadcast_in_dim3A_17, %parallel_loop3A_1363] : memref<1x100001xf32, #tpu.memory_space<vmem>>[vector<16xi32>, vector<16xi32>], vector<16xf32>,
      %parallel_loop3A_1365 = arith.constant 16 : i32
      %parallel_loop3A_1366 = arith.muli %parallel_loop3A_1355, %parallel_loop3A_1365 : i32
      %parallel_loop3A_1367 = arith.constant 1 : i32
      %parallel_loop3A_1368 = arith.constant 0 : i32
      %parallel_loop3A_1369 = arith.index_cast %parallel_loop3A_1367 : i32 to index
      %parallel_loop3A_1370 = arith.index_cast %parallel_loop3A_1368 : i32 to index
      %parallel_loop3A_1371 = arith.index_cast %parallel_loop3A_1366 : i32 to index
      %parallel_loop3A_1372 = tpu.vector_load %arg10[%parallel_loop3A_1369, %parallel_loop3A_1370, %parallel_loop3A_1371] {strides = array<i32>} : memref<2x1x4096xf32, #tpu.memory_space<vmem>>, vector<16xf32>,
      tpu.vector_store %arg10[%parallel_loop3A_1369, %parallel_loop3A_1370, %parallel_loop3A_1371], %parallel_loop3A_1364 {strides = array<i32>} : memref<2x1x4096xf32, #tpu.memory_space<vmem>>, vector<16xf32>,
    } {sc.loop_unroll_factor = 8 : i64, sc.parallel_access}
    %mul3A_473 = arith.constant 64 : i32
    %mul3A_474 = arith.muli %select_n3A, %mul3A_473 : i32
    %add3A_475 = arith.addi %mul3A_474, %add3A_340 : i32
    %dma_start3A_476 = arith.constant 1 : i32
    %dma_start3A_477 = arith.constant 0 : i32
    %dma_start3A_478 = arith.constant 0 : i32
    %dma_start3A_479 = tpu.memref_slice %arg10[%dma_start3A_476, %dma_start3A_477, %dma_start3A_478] : memref<2x1x4096xf32, #tpu.memory_space<vmem>> -> memref<1x1x4096xf32, #tpu.memory_space<vmem>>
    %dma_start3A_480 = tpu.memref_squeeze %dma_start3A_479 : memref<1x1x4096xf32, #tpu.memory_space<vmem>> -> memref<1x4096xf32, #tpu.memory_space<vmem>>
    %dma_start3A_481 = arith.constant 12288 : i32
    %dma_start3A_482 = tpu.memref_slice %arg7[%add3A_475, %dma_start3A_481] : memref<256x16384xf32, #tpu.memory_space<hbm>> -> memref<1x4096xf32, #tpu.memory_space<hbm>>
    %dma_start3A_483 = arith.constant 12288 : i32
    %dma_start3A_484 = tpu.memref_slice %arg7[%add3A_475, %dma_start3A_483] : memref<256x16384xf32, #tpu.memory_space<hbm>> -> memref<1x4096xf32, #tpu.memory_space<hbm>>
    %dma_start3A_485 = arith.constant 0 : i32
    %dma_start3A_486 = arith.constant 0 : i32
    %dma_start3A_487 = tpu.memref_slice %arg10[%dma_start3A_476, %dma_start3A_485, %dma_start3A_486] : memref<2x1x4096xf32, #tpu.memory_space<vmem>> -> memref<1x1x4096xf32, #tpu.memory_space<vmem>>
    %dma_start3A_488 = tpu.memref_squeeze %dma_start3A_487 : memref<1x1x4096xf32, #tpu.memory_space<vmem>> -> memref<1x4096xf32, #tpu.memory_space<vmem>>
    tpu.enqueue_dma source(%dma_start3A_488 : memref<1x4096xf32, #tpu.memory_space<vmem>>) target(%dma_start3A_484 : memref<1x4096xf32, #tpu.memory_space<hbm>>) target_semaphore(%arg12 : memref<!tpu.dma_semaphore, #tpu.memory_space<semaphore_mem>>)
    %jit3A_489 = arith.constant 8 : i32
    %eq3A_490 = arith.constant 0 : i32
    %eq3A_491 = arith.cmpi eq, %jit3A_489, %eq3A_490 : i32
    %jit3A_492 = arith.constant 1 : i32
    %select_n3A_493 = arith.select %eq3A_491, %jit3A_492, %jit3A_489 : i32
    %rem3A_494 = arith.remsi %add3A, %select_n3A_493 : i32
    %ne3A_495 = arith.constant 0 : i32
    %ne3A_496 = arith.cmpi ne, %rem3A_494, %ne3A_495 : i32
    %lt3A_497 = arith.constant 0 : i32
    %lt3A_498 = arith.cmpi slt, %rem3A_494, %lt3A_497 : i32
    %lt3A_499 = arith.constant 0 : i32
    %lt3A_500 = arith.cmpi slt, %select_n3A_493, %lt3A_499 : i32
    %ne3A_501 = arith.xori %lt3A_498, %lt3A_500 : i1
    %and3A_502 = arith.andi %ne3A_501, %ne3A_496 : i1
    %add3A_503 = arith.addi %rem3A_494, %select_n3A_493 : i32
    %select_n3A_504 = arith.select %and3A_502, %add3A_503, %rem3A_494 : i32
    %mul3A_505 = arith.constant 8 : i32
    %mul3A_506 = arith.muli %select_n3A_504, %mul3A_505 : i32
    %add3A_507 = arith.constant 3 : i32
    %add3A_508 = arith.addi %mul3A_506, %add3A_507 : i32
    %eq3A_509 = arith.constant 0 : i32
    %eq3A_510 = arith.cmpi eq, %select_n3A, %eq3A_509 : i32
    %convert_element_type3A_511 = arith.extui %eq3A_510 : i1 to i32
    %cond3A_512 = arith.constant 0 : i32
    %cond3A_513 = arith.cmpi ne, %convert_element_type3A_511, %cond3A_512 : i32
    scf.if %cond3A_513 {
      "tpu.region"() ({
        %run_scoped3A = tpu.sem_alloc : memref<!tpu.dma_semaphore, #tpu.memory_space<semaphore_mem>>
        %dma_start3A_1355 = arith.constant 0 : i32
        %dma_start3A_1356 = tpu.memref_slice %arg2[%add3A_508, %dma_start3A_1355] : memref<64x100001xf32, #tpu.memory_space<hbm>> -> memref<1x100001xf32, #tpu.memory_space<hbm>>
        %dma_start3A_1357 = arith.constant 0 : i32
        %dma_start3A_1358 = tpu.memref_slice %arg2[%add3A_508, %dma_start3A_1357] : memref<64x100001xf32, #tpu.memory_space<hbm>> -> memref<1x100001xf32, #tpu.memory_space<hbm>>
        tpu.enqueue_dma source(%dma_start3A_1358 : memref<1x100001xf32, #tpu.memory_space<hbm>>) target(%arg9 : memref<1x100001xf32, #tpu.memory_space<vmem>>) target_semaphore(%run_scoped3A : memref<!tpu.dma_semaphore, #tpu.memory_space<semaphore_mem>>)
        %dma_wait3A_1359 = arith.constant 0 : i32
        %dma_wait3A_1360 = tpu.memref_slice %arg2[%add3A_508, %dma_wait3A_1359] : memref<64x100001xf32, #tpu.memory_space<hbm>> -> memref<1x100001xf32, #tpu.memory_space<hbm>>
        %dma_wait3A_1361 = arith.constant 0 : i32
        %dma_wait3A_1362 = tpu.memref_slice %arg2[%add3A_508, %dma_wait3A_1361] : memref<64x100001xf32, #tpu.memory_space<hbm>> -> memref<1x100001xf32, #tpu.memory_space<hbm>>
        tpu.wait_dma2 semaphore(%run_scoped3A : memref<!tpu.dma_semaphore, #tpu.memory_space<semaphore_mem>>) src(%dma_wait3A_1362 : memref<1x100001xf32, #tpu.memory_space<hbm>>) dst(%arg9 : memref<1x100001xf32, #tpu.memory_space<vmem>>)
        tpu.yield
      }) : () -> ()
    } else {
    }
    %eq3A_514 = arith.constant 1 : i32
    %eq3A_515 = arith.cmpi eq, %select_n3A, %eq3A_514 : i32
    %convert_element_type3A_516 = arith.extui %eq3A_515 : i1 to i32
    %cond3A_517 = arith.constant 0 : i32
    %cond3A_518 = arith.cmpi ne, %convert_element_type3A_516, %cond3A_517 : i32
    scf.if %cond3A_518 {
      "tpu.region"() ({
        %run_scoped3A = tpu.sem_alloc : memref<!tpu.dma_semaphore, #tpu.memory_space<semaphore_mem>>
        %dma_start3A_1355 = arith.constant 0 : i32
        %dma_start3A_1356 = tpu.memref_slice %arg3[%add3A_508, %dma_start3A_1355] : memref<64x100001xf32, #tpu.memory_space<hbm>> -> memref<1x100001xf32, #tpu.memory_space<hbm>>
        %dma_start3A_1357 = arith.constant 0 : i32
        %dma_start3A_1358 = tpu.memref_slice %arg3[%add3A_508, %dma_start3A_1357] : memref<64x100001xf32, #tpu.memory_space<hbm>> -> memref<1x100001xf32, #tpu.memory_space<hbm>>
        tpu.enqueue_dma source(%dma_start3A_1358 : memref<1x100001xf32, #tpu.memory_space<hbm>>) target(%arg9 : memref<1x100001xf32, #tpu.memory_space<vmem>>) target_semaphore(%run_scoped3A : memref<!tpu.dma_semaphore, #tpu.memory_space<semaphore_mem>>)
        %dma_wait3A_1359 = arith.constant 0 : i32
        %dma_wait3A_1360 = tpu.memref_slice %arg3[%add3A_508, %dma_wait3A_1359] : memref<64x100001xf32, #tpu.memory_space<hbm>> -> memref<1x100001xf32, #tpu.memory_space<hbm>>
        %dma_wait3A_1361 = arith.constant 0 : i32
        %dma_wait3A_1362 = tpu.memref_slice %arg3[%add3A_508, %dma_wait3A_1361] : memref<64x100001xf32, #tpu.memory_space<hbm>> -> memref<1x100001xf32, #tpu.memory_space<hbm>>
        tpu.wait_dma2 semaphore(%run_scoped3A : memref<!tpu.dma_semaphore, #tpu.memory_space<semaphore_mem>>) src(%dma_wait3A_1362 : memref<1x100001xf32, #tpu.memory_space<hbm>>) dst(%arg9 : memref<1x100001xf32, #tpu.memory_space<vmem>>)
        tpu.yield
      }) : () -> ()
    } else {
    }
    %eq3A_519 = arith.constant 2 : i32
    %eq3A_520 = arith.cmpi eq, %select_n3A, %eq3A_519 : i32
    %convert_element_type3A_521 = arith.extui %eq3A_520 : i1 to i32
    %cond3A_522 = arith.constant 0 : i32
    %cond3A_523 = arith.cmpi ne, %convert_element_type3A_521, %cond3A_522 : i32
    scf.if %cond3A_523 {
      "tpu.region"() ({
        %run_scoped3A = tpu.sem_alloc : memref<!tpu.dma_semaphore, #tpu.memory_space<semaphore_mem>>
        %dma_start3A_1355 = arith.constant 0 : i32
        %dma_start3A_1356 = tpu.memref_slice %arg4[%add3A_508, %dma_start3A_1355] : memref<64x100001xf32, #tpu.memory_space<hbm>> -> memref<1x100001xf32, #tpu.memory_space<hbm>>
        %dma_start3A_1357 = arith.constant 0 : i32
        %dma_start3A_1358 = tpu.memref_slice %arg4[%add3A_508, %dma_start3A_1357] : memref<64x100001xf32, #tpu.memory_space<hbm>> -> memref<1x100001xf32, #tpu.memory_space<hbm>>
        tpu.enqueue_dma source(%dma_start3A_1358 : memref<1x100001xf32, #tpu.memory_space<hbm>>) target(%arg9 : memref<1x100001xf32, #tpu.memory_space<vmem>>) target_semaphore(%run_scoped3A : memref<!tpu.dma_semaphore, #tpu.memory_space<semaphore_mem>>)
        %dma_wait3A_1359 = arith.constant 0 : i32
        %dma_wait3A_1360 = tpu.memref_slice %arg4[%add3A_508, %dma_wait3A_1359] : memref<64x100001xf32, #tpu.memory_space<hbm>> -> memref<1x100001xf32, #tpu.memory_space<hbm>>
        %dma_wait3A_1361 = arith.constant 0 : i32
        %dma_wait3A_1362 = tpu.memref_slice %arg4[%add3A_508, %dma_wait3A_1361] : memref<64x100001xf32, #tpu.memory_space<hbm>> -> memref<1x100001xf32, #tpu.memory_space<hbm>>
        tpu.wait_dma2 semaphore(%run_scoped3A : memref<!tpu.dma_semaphore, #tpu.memory_space<semaphore_mem>>) src(%dma_wait3A_1362 : memref<1x100001xf32, #tpu.memory_space<hbm>>) dst(%arg9 : memref<1x100001xf32, #tpu.memory_space<vmem>>)
        tpu.yield
      }) : () -> ()
    } else {
    }
    %eq3A_524 = arith.constant 3 : i32
    %eq3A_525 = arith.cmpi eq, %select_n3A, %eq3A_524 : i32
    %convert_element_type3A_526 = arith.extui %eq3A_525 : i1 to i32
    %cond3A_527 = arith.constant 0 : i32
    %cond3A_528 = arith.cmpi ne, %convert_element_type3A_526, %cond3A_527 : i32
    scf.if %cond3A_528 {
      "tpu.region"() ({
        %run_scoped3A = tpu.sem_alloc : memref<!tpu.dma_semaphore, #tpu.memory_space<semaphore_mem>>
        %dma_start3A_1355 = arith.constant 0 : i32
        %dma_start3A_1356 = tpu.memref_slice %arg5[%add3A_508, %dma_start3A_1355] : memref<64x100001xf32, #tpu.memory_space<hbm>> -> memref<1x100001xf32, #tpu.memory_space<hbm>>
        %dma_start3A_1357 = arith.constant 0 : i32
        %dma_start3A_1358 = tpu.memref_slice %arg5[%add3A_508, %dma_start3A_1357] : memref<64x100001xf32, #tpu.memory_space<hbm>> -> memref<1x100001xf32, #tpu.memory_space<hbm>>
        tpu.enqueue_dma source(%dma_start3A_1358 : memref<1x100001xf32, #tpu.memory_space<hbm>>) target(%arg9 : memref<1x100001xf32, #tpu.memory_space<vmem>>) target_semaphore(%run_scoped3A : memref<!tpu.dma_semaphore, #tpu.memory_space<semaphore_mem>>)
        %dma_wait3A_1359 = arith.constant 0 : i32
        %dma_wait3A_1360 = tpu.memref_slice %arg5[%add3A_508, %dma_wait3A_1359] : memref<64x100001xf32, #tpu.memory_space<hbm>> -> memref<1x100001xf32, #tpu.memory_space<hbm>>
        %dma_wait3A_1361 = arith.constant 0 : i32
        %dma_wait3A_1362 = tpu.memref_slice %arg5[%add3A_508, %dma_wait3A_1361] : memref<64x100001xf32, #tpu.memory_space<hbm>> -> memref<1x100001xf32, #tpu.memory_space<hbm>>
        tpu.wait_dma2 semaphore(%run_scoped3A : memref<!tpu.dma_semaphore, #tpu.memory_space<semaphore_mem>>) src(%dma_wait3A_1362 : memref<1x100001xf32, #tpu.memory_space<hbm>>) dst(%arg9 : memref<1x100001xf32, #tpu.memory_space<vmem>>)
        tpu.yield
      }) : () -> ()
    } else {
    }
    %dma_wait3A_529 = arith.constant 0 : i32
    %dma_wait3A_530 = arith.constant 0 : i32
    %dma_wait3A_531 = arith.constant 0 : i32
    %dma_wait3A_532 = tpu.memref_slice %arg10[%dma_wait3A_529, %dma_wait3A_530, %dma_wait3A_531] : memref<2x1x4096xf32, #tpu.memory_space<vmem>> -> memref<1x1x4096xf32, #tpu.memory_space<vmem>>
    %dma_wait3A_533 = tpu.memref_squeeze %dma_wait3A_532 : memref<1x1x4096xf32, #tpu.memory_space<vmem>> -> memref<1x4096xf32, #tpu.memory_space<vmem>>
    %dma_wait3A_534 = arith.constant 8192 : i32
    %dma_wait3A_535 = tpu.memref_slice %arg7[%add3A_443, %dma_wait3A_534] : memref<256x16384xf32, #tpu.memory_space<hbm>> -> memref<1x4096xf32, #tpu.memory_space<hbm>>
    %dma_wait3A_536 = arith.constant 8192 : i32
    %dma_wait3A_537 = tpu.memref_slice %arg7[%add3A_443, %dma_wait3A_536] : memref<256x16384xf32, #tpu.memory_space<hbm>> -> memref<1x4096xf32, #tpu.memory_space<hbm>>
    %dma_wait3A_538 = arith.constant 0 : i32
    %dma_wait3A_539 = arith.constant 0 : i32
    %dma_wait3A_540 = tpu.memref_slice %arg10[%dma_wait3A_529, %dma_wait3A_538, %dma_wait3A_539] : memref<2x1x4096xf32, #tpu.memory_space<vmem>> -> memref<1x1x4096xf32, #tpu.memory_space<vmem>>
    %dma_wait3A_541 = tpu.memref_squeeze %dma_wait3A_540 : memref<1x1x4096xf32, #tpu.memory_space<vmem>> -> memref<1x4096xf32, #tpu.memory_space<vmem>>
    tpu.wait_dma2 semaphore(%arg11 : memref<!tpu.dma_semaphore, #tpu.memory_space<semaphore_mem>>) src(%dma_wait3A_541 : memref<1x4096xf32, #tpu.memory_space<vmem>>) dst(%dma_wait3A_537 : memref<1x4096xf32, #tpu.memory_space<hbm>>)
    %parallel_loop3A_542 = arith.constant 0 : i32
    %parallel_loop3A_543 = arith.constant 256 : i32
    %parallel_loop3A_544 = arith.constant 1 : i32
    scf.for %parallel_loop3A_1355 = %parallel_loop3A_542 to %parallel_loop3A_543 step %parallel_loop3A_544  : i32 {
      %parallel_loop3A_1356 = arith.constant 16 : i32
      %parallel_loop3A_1357 = arith.muli %parallel_loop3A_1355, %parallel_loop3A_1356 : i32
      %parallel_loop3A_1358 = arith.constant 0 : i32
      %parallel_loop3A_1359 = arith.addi %parallel_loop3A_1358, %parallel_loop3A_1357 : i32
      %parallel_loop3A_1360 = arith.constant 0 : i32
      %parallel_loop3A_1361 = arith.index_cast %parallel_loop3A_1360 : i32 to index
      %parallel_loop3A_1362 = arith.index_cast %parallel_loop3A_1359 : i32 to index
      %parallel_loop3A_1363 = tpu.vector_load %arg8[%parallel_loop3A_1361, %parallel_loop3A_1362] {strides = array<i32>} : memref<1x16384xi32, #tpu.memory_space<vmem>>, vector<16xi32>,
      %parallel_loop3A_1364 = tpu.vector_load_idx %arg9[%broadcast_in_dim3A_17, %parallel_loop3A_1363] : memref<1x100001xf32, #tpu.memory_space<vmem>>[vector<16xi32>, vector<16xi32>], vector<16xf32>,
      %parallel_loop3A_1365 = arith.constant 16 : i32
      %parallel_loop3A_1366 = arith.muli %parallel_loop3A_1355, %parallel_loop3A_1365 : i32
      %parallel_loop3A_1367 = arith.constant 0 : i32
      %parallel_loop3A_1368 = arith.constant 0 : i32
      %parallel_loop3A_1369 = arith.index_cast %parallel_loop3A_1367 : i32 to index
      %parallel_loop3A_1370 = arith.index_cast %parallel_loop3A_1368 : i32 to index
      %parallel_loop3A_1371 = arith.index_cast %parallel_loop3A_1366 : i32 to index
      %parallel_loop3A_1372 = tpu.vector_load %arg10[%parallel_loop3A_1369, %parallel_loop3A_1370, %parallel_loop3A_1371] {strides = array<i32>} : memref<2x1x4096xf32, #tpu.memory_space<vmem>>, vector<16xf32>,
      tpu.vector_store %arg10[%parallel_loop3A_1369, %parallel_loop3A_1370, %parallel_loop3A_1371], %parallel_loop3A_1364 {strides = array<i32>} : memref<2x1x4096xf32, #tpu.memory_space<vmem>>, vector<16xf32>,
    } {sc.loop_unroll_factor = 8 : i64, sc.parallel_access}
    %mul3A_545 = arith.constant 64 : i32
    %mul3A_546 = arith.muli %select_n3A, %mul3A_545 : i32
    %add3A_547 = arith.addi %mul3A_546, %add3A_508 : i32
    %dma_start3A_548 = arith.constant 0 : i32
    %dma_start3A_549 = arith.constant 0 : i32
    %dma_start3A_550 = arith.constant 0 : i32
    %dma_start3A_551 = tpu.memref_slice %arg10[%dma_start3A_548, %dma_start3A_549, %dma_start3A_550] : memref<2x1x4096xf32, #tpu.memory_space<vmem>> -> memref<1x1x4096xf32, #tpu.memory_space<vmem>>
    %dma_start3A_552 = tpu.memref_squeeze %dma_start3A_551 : memref<1x1x4096xf32, #tpu.memory_space<vmem>> -> memref<1x4096xf32, #tpu.memory_space<vmem>>
    %dma_start3A_553 = arith.constant 0 : i32
    %dma_start3A_554 = tpu.memref_slice %arg7[%add3A_547, %dma_start3A_553] : memref<256x16384xf32, #tpu.memory_space<hbm>> -> memref<1x4096xf32, #tpu.memory_space<hbm>>
    %dma_start3A_555 = arith.constant 0 : i32
    %dma_start3A_556 = tpu.memref_slice %arg7[%add3A_547, %dma_start3A_555] : memref<256x16384xf32, #tpu.memory_space<hbm>> -> memref<1x4096xf32, #tpu.memory_space<hbm>>
    %dma_start3A_557 = arith.constant 0 : i32
    %dma_start3A_558 = arith.constant 0 : i32
    %dma_start3A_559 = tpu.memref_slice %arg10[%dma_start3A_548, %dma_start3A_557, %dma_start3A_558] : memref<2x1x4096xf32, #tpu.memory_space<vmem>> -> memref<1x1x4096xf32, #tpu.memory_space<vmem>>
    %dma_start3A_560 = tpu.memref_squeeze %dma_start3A_559 : memref<1x1x4096xf32, #tpu.memory_space<vmem>> -> memref<1x4096xf32, #tpu.memory_space<vmem>>
    tpu.enqueue_dma source(%dma_start3A_560 : memref<1x4096xf32, #tpu.memory_space<vmem>>) target(%dma_start3A_556 : memref<1x4096xf32, #tpu.memory_space<hbm>>) target_semaphore(%arg11 : memref<!tpu.dma_semaphore, #tpu.memory_space<semaphore_mem>>)
    %dma_wait3A_561 = arith.constant 1 : i32
    %dma_wait3A_562 = arith.constant 0 : i32
    %dma_wait3A_563 = arith.constant 0 : i32
    %dma_wait3A_564 = tpu.memref_slice %arg10[%dma_wait3A_561, %dma_wait3A_562, %dma_wait3A_563] : memref<2x1x4096xf32, #tpu.memory_space<vmem>> -> memref<1x1x4096xf32, #tpu.memory_space<vmem>>
    %dma_wait3A_565 = tpu.memref_squeeze %dma_wait3A_564 : memref<1x1x4096xf32, #tpu.memory_space<vmem>> -> memref<1x4096xf32, #tpu.memory_space<vmem>>
    %dma_wait3A_566 = arith.constant 12288 : i32
    %dma_wait3A_567 = tpu.memref_slice %arg7[%add3A_475, %dma_wait3A_566] : memref<256x16384xf32, #tpu.memory_space<hbm>> -> memref<1x4096xf32, #tpu.memory_space<hbm>>
    %dma_wait3A_568 = arith.constant 12288 : i32
    %dma_wait3A_569 = tpu.memref_slice %arg7[%add3A_475, %dma_wait3A_568] : memref<256x16384xf32, #tpu.memory_space<hbm>> -> memref<1x4096xf32, #tpu.memory_space<hbm>>
    %dma_wait3A_570 = arith.constant 0 : i32
    %dma_wait3A_571 = arith.constant 0 : i32
    %dma_wait3A_572 = tpu.memref_slice %arg10[%dma_wait3A_561, %dma_wait3A_570, %dma_wait3A_571] : memref<2x1x4096xf32, #tpu.memory_space<vmem>> -> memref<1x1x4096xf32, #tpu.memory_space<vmem>>
    %dma_wait3A_573 = tpu.memref_squeeze %dma_wait3A_572 : memref<1x1x4096xf32, #tpu.memory_space<vmem>> -> memref<1x4096xf32, #tpu.memory_space<vmem>>
    tpu.wait_dma2 semaphore(%arg12 : memref<!tpu.dma_semaphore, #tpu.memory_space<semaphore_mem>>) src(%dma_wait3A_573 : memref<1x4096xf32, #tpu.memory_space<vmem>>) dst(%dma_wait3A_569 : memref<1x4096xf32, #tpu.memory_space<hbm>>)
    %parallel_loop3A_574 = arith.constant 0 : i32
    %parallel_loop3A_575 = arith.constant 256 : i32
    %parallel_loop3A_576 = arith.constant 1 : i32
    scf.for %parallel_loop3A_1355 = %parallel_loop3A_574 to %parallel_loop3A_575 step %parallel_loop3A_576  : i32 {
      %parallel_loop3A_1356 = arith.constant 16 : i32
      %parallel_loop3A_1357 = arith.muli %parallel_loop3A_1355, %parallel_loop3A_1356 : i32
      %parallel_loop3A_1358 = arith.constant 4096 : i32
      %parallel_loop3A_1359 = arith.addi %parallel_loop3A_1358, %parallel_loop3A_1357 : i32
      %parallel_loop3A_1360 = arith.constant 0 : i32
      %parallel_loop3A_1361 = arith.index_cast %parallel_loop3A_1360 : i32 to index
      %parallel_loop3A_1362 = arith.index_cast %parallel_loop3A_1359 : i32 to index
      %parallel_loop3A_1363 = tpu.vector_load %arg8[%parallel_loop3A_1361, %parallel_loop3A_1362] {strides = array<i32>} : memref<1x16384xi32, #tpu.memory_space<vmem>>, vector<16xi32>,
      %parallel_loop3A_1364 = tpu.vector_load_idx %arg9[%broadcast_in_dim3A_17, %parallel_loop3A_1363] : memref<1x100001xf32, #tpu.memory_space<vmem>>[vector<16xi32>, vector<16xi32>], vector<16xf32>,
      %parallel_loop3A_1365 = arith.constant 16 : i32
      %parallel_loop3A_1366 = arith.muli %parallel_loop3A_1355, %parallel_loop3A_1365 : i32
      %parallel_loop3A_1367 = arith.constant 1 : i32
      %parallel_loop3A_1368 = arith.constant 0 : i32
      %parallel_loop3A_1369 = arith.index_cast %parallel_loop3A_1367 : i32 to index
      %parallel_loop3A_1370 = arith.index_cast %parallel_loop3A_1368 : i32 to index
      %parallel_loop3A_1371 = arith.index_cast %parallel_loop3A_1366 : i32 to index
      %parallel_loop3A_1372 = tpu.vector_load %arg10[%parallel_loop3A_1369, %parallel_loop3A_1370, %parallel_loop3A_1371] {strides = array<i32>} : memref<2x1x4096xf32, #tpu.memory_space<vmem>>, vector<16xf32>,
      tpu.vector_store %arg10[%parallel_loop3A_1369, %parallel_loop3A_1370, %parallel_loop3A_1371], %parallel_loop3A_1364 {strides = array<i32>} : memref<2x1x4096xf32, #tpu.memory_space<vmem>>, vector<16xf32>,
    } {sc.loop_unroll_factor = 8 : i64, sc.parallel_access}
    %mul3A_577 = arith.constant 64 : i32
    %mul3A_578 = arith.muli %select_n3A, %mul3A_577 : i32
    %add3A_579 = arith.addi %mul3A_578, %add3A_508 : i32
    %dma_start3A_580 = arith.constant 1 : i32
    %dma_start3A_581 = arith.constant 0 : i32
    %dma_start3A_582 = arith.constant 0 : i32
    %dma_start3A_583 = tpu.memref_slice %arg10[%dma_start3A_580, %dma_start3A_581, %dma_start3A_582] : memref<2x1x4096xf32, #tpu.memory_space<vmem>> -> memref<1x1x4096xf32, #tpu.memory_space<vmem>>
    %dma_start3A_584 = tpu.memref_squeeze %dma_start3A_583 : memref<1x1x4096xf32, #tpu.memory_space<vmem>> -> memref<1x4096xf32, #tpu.memory_space<vmem>>
    %dma_start3A_585 = arith.constant 4096 : i32
    %dma_start3A_586 = tpu.memref_slice %arg7[%add3A_579, %dma_start3A_585] : memref<256x16384xf32, #tpu.memory_space<hbm>> -> memref<1x4096xf32, #tpu.memory_space<hbm>>
    %dma_start3A_587 = arith.constant 4096 : i32
    %dma_start3A_588 = tpu.memref_slice %arg7[%add3A_579, %dma_start3A_587] : memref<256x16384xf32, #tpu.memory_space<hbm>> -> memref<1x4096xf32, #tpu.memory_space<hbm>>
    %dma_start3A_589 = arith.constant 0 : i32
    %dma_start3A_590 = arith.constant 0 : i32
    %dma_start3A_591 = tpu.memref_slice %arg10[%dma_start3A_580, %dma_start3A_589, %dma_start3A_590] : memref<2x1x4096xf32, #tpu.memory_space<vmem>> -> memref<1x1x4096xf32, #tpu.memory_space<vmem>>
    %dma_start3A_592 = tpu.memref_squeeze %dma_start3A_591 : memref<1x1x4096xf32, #tpu.memory_space<vmem>> -> memref<1x4096xf32, #tpu.memory_space<vmem>>
    tpu.enqueue_dma source(%dma_start3A_592 : memref<1x4096xf32, #tpu.memory_space<vmem>>) target(%dma_start3A_588 : memref<1x4096xf32, #tpu.memory_space<hbm>>) target_semaphore(%arg12 : memref<!tpu.dma_semaphore, #tpu.memory_space<semaphore_mem>>)
    %dma_wait3A_593 = arith.constant 0 : i32
    %dma_wait3A_594 = arith.constant 0 : i32
    %dma_wait3A_595 = arith.constant 0 : i32
    %dma_wait3A_596 = tpu.memref_slice %arg10[%dma_wait3A_593, %dma_wait3A_594, %dma_wait3A_595] : memref<2x1x4096xf32, #tpu.memory_space<vmem>> -> memref<1x1x4096xf32, #tpu.memory_space<vmem>>
    %dma_wait3A_597 = tpu.memref_squeeze %dma_wait3A_596 : memref<1x1x4096xf32, #tpu.memory_space<vmem>> -> memref<1x4096xf32, #tpu.memory_space<vmem>>
    %dma_wait3A_598 = arith.constant 0 : i32
    %dma_wait3A_599 = tpu.memref_slice %arg7[%add3A_547, %dma_wait3A_598] : memref<256x16384xf32, #tpu.memory_space<hbm>> -> memref<1x4096xf32, #tpu.memory_space<hbm>>
    %dma_wait3A_600 = arith.constant 0 : i32
    %dma_wait3A_601 = tpu.memref_slice %arg7[%add3A_547, %dma_wait3A_600] : memref<256x16384xf32, #tpu.memory_space<hbm>> -> memref<1x4096xf32, #tpu.memory_space<hbm>>
    %dma_wait3A_602 = arith.constant 0 : i32
    %dma_wait3A_603 = arith.constant 0 : i32
    %dma_wait3A_604 = tpu.memref_slice %arg10[%dma_wait3A_593, %dma_wait3A_602, %dma_wait3A_603] : memref<2x1x4096xf32, #tpu.memory_space<vmem>> -> memref<1x1x4096xf32, #tpu.memory_space<vmem>>
    %dma_wait3A_605 = tpu.memref_squeeze %dma_wait3A_604 : memref<1x1x4096xf32, #tpu.memory_space<vmem>> -> memref<1x4096xf32, #tpu.memory_space<vmem>>
    tpu.wait_dma2 semaphore(%arg11 : memref<!tpu.dma_semaphore, #tpu.memory_space<semaphore_mem>>) src(%dma_wait3A_605 : memref<1x4096xf32, #tpu.memory_space<vmem>>) dst(%dma_wait3A_601 : memref<1x4096xf32, #tpu.memory_space<hbm>>)
    %parallel_loop3A_606 = arith.constant 0 : i32
    %parallel_loop3A_607 = arith.constant 256 : i32
    %parallel_loop3A_608 = arith.constant 1 : i32
    scf.for %parallel_loop3A_1355 = %parallel_loop3A_606 to %parallel_loop3A_607 step %parallel_loop3A_608  : i32 {
      %parallel_loop3A_1356 = arith.constant 16 : i32
      %parallel_loop3A_1357 = arith.muli %parallel_loop3A_1355, %parallel_loop3A_1356 : i32
      %parallel_loop3A_1358 = arith.constant 8192 : i32
      %parallel_loop3A_1359 = arith.addi %parallel_loop3A_1358, %parallel_loop3A_1357 : i32
      %parallel_loop3A_1360 = arith.constant 0 : i32
      %parallel_loop3A_1361 = arith.index_cast %parallel_loop3A_1360 : i32 to index
      %parallel_loop3A_1362 = arith.index_cast %parallel_loop3A_1359 : i32 to index
      %parallel_loop3A_1363 = tpu.vector_load %arg8[%parallel_loop3A_1361, %parallel_loop3A_1362] {strides = array<i32>} : memref<1x16384xi32, #tpu.memory_space<vmem>>, vector<16xi32>,
      %parallel_loop3A_1364 = tpu.vector_load_idx %arg9[%broadcast_in_dim3A_17, %parallel_loop3A_1363] : memref<1x100001xf32, #tpu.memory_space<vmem>>[vector<16xi32>, vector<16xi32>], vector<16xf32>,
      %parallel_loop3A_1365 = arith.constant 16 : i32
      %parallel_loop3A_1366 = arith.muli %parallel_loop3A_1355, %parallel_loop3A_1365 : i32
      %parallel_loop3A_1367 = arith.constant 0 : i32
      %parallel_loop3A_1368 = arith.constant 0 : i32
      %parallel_loop3A_1369 = arith.index_cast %parallel_loop3A_1367 : i32 to index
      %parallel_loop3A_1370 = arith.index_cast %parallel_loop3A_1368 : i32 to index
      %parallel_loop3A_1371 = arith.index_cast %parallel_loop3A_1366 : i32 to index
      %parallel_loop3A_1372 = tpu.vector_load %arg10[%parallel_loop3A_1369, %parallel_loop3A_1370, %parallel_loop3A_1371] {strides = array<i32>} : memref<2x1x4096xf32, #tpu.memory_space<vmem>>, vector<16xf32>,
      tpu.vector_store %arg10[%parallel_loop3A_1369, %parallel_loop3A_1370, %parallel_loop3A_1371], %parallel_loop3A_1364 {strides = array<i32>} : memref<2x1x4096xf32, #tpu.memory_space<vmem>>, vector<16xf32>,
    } {sc.loop_unroll_factor = 8 : i64, sc.parallel_access}
    %mul3A_609 = arith.constant 64 : i32
    %mul3A_610 = arith.muli %select_n3A, %mul3A_609 : i32
    %add3A_611 = arith.addi %mul3A_610, %add3A_508 : i32
    %dma_start3A_612 = arith.constant 0 : i32
    %dma_start3A_613 = arith.constant 0 : i32
    %dma_start3A_614 = arith.constant 0 : i32
    %dma_start3A_615 = tpu.memref_slice %arg10[%dma_start3A_612, %dma_start3A_613, %dma_start3A_614] : memref<2x1x4096xf32, #tpu.memory_space<vmem>> -> memref<1x1x4096xf32, #tpu.memory_space<vmem>>
    %dma_start3A_616 = tpu.memref_squeeze %dma_start3A_615 : memref<1x1x4096xf32, #tpu.memory_space<vmem>> -> memref<1x4096xf32, #tpu.memory_space<vmem>>
    %dma_start3A_617 = arith.constant 8192 : i32
    %dma_start3A_618 = tpu.memref_slice %arg7[%add3A_611, %dma_start3A_617] : memref<256x16384xf32, #tpu.memory_space<hbm>> -> memref<1x4096xf32, #tpu.memory_space<hbm>>
    %dma_start3A_619 = arith.constant 8192 : i32
    %dma_start3A_620 = tpu.memref_slice %arg7[%add3A_611, %dma_start3A_619] : memref<256x16384xf32, #tpu.memory_space<hbm>> -> memref<1x4096xf32, #tpu.memory_space<hbm>>
    %dma_start3A_621 = arith.constant 0 : i32
    %dma_start3A_622 = arith.constant 0 : i32
    %dma_start3A_623 = tpu.memref_slice %arg10[%dma_start3A_612, %dma_start3A_621, %dma_start3A_622] : memref<2x1x4096xf32, #tpu.memory_space<vmem>> -> memref<1x1x4096xf32, #tpu.memory_space<vmem>>
    %dma_start3A_624 = tpu.memref_squeeze %dma_start3A_623 : memref<1x1x4096xf32, #tpu.memory_space<vmem>> -> memref<1x4096xf32, #tpu.memory_space<vmem>>
    tpu.enqueue_dma source(%dma_start3A_624 : memref<1x4096xf32, #tpu.memory_space<vmem>>) target(%dma_start3A_620 : memref<1x4096xf32, #tpu.memory_space<hbm>>) target_semaphore(%arg11 : memref<!tpu.dma_semaphore, #tpu.memory_space<semaphore_mem>>)
    %dma_wait3A_625 = arith.constant 1 : i32
    %dma_wait3A_626 = arith.constant 0 : i32
    %dma_wait3A_627 = arith.constant 0 : i32
    %dma_wait3A_628 = tpu.memref_slice %arg10[%dma_wait3A_625, %dma_wait3A_626, %dma_wait3A_627] : memref<2x1x4096xf32, #tpu.memory_space<vmem>> -> memref<1x1x4096xf32, #tpu.memory_space<vmem>>
    %dma_wait3A_629 = tpu.memref_squeeze %dma_wait3A_628 : memref<1x1x4096xf32, #tpu.memory_space<vmem>> -> memref<1x4096xf32, #tpu.memory_space<vmem>>
    %dma_wait3A_630 = arith.constant 4096 : i32
    %dma_wait3A_631 = tpu.memref_slice %arg7[%add3A_579, %dma_wait3A_630] : memref<256x16384xf32, #tpu.memory_space<hbm>> -> memref<1x4096xf32, #tpu.memory_space<hbm>>
    %dma_wait3A_632 = arith.constant 4096 : i32
    %dma_wait3A_633 = tpu.memref_slice %arg7[%add3A_579, %dma_wait3A_632] : memref<256x16384xf32, #tpu.memory_space<hbm>> -> memref<1x4096xf32, #tpu.memory_space<hbm>>
    %dma_wait3A_634 = arith.constant 0 : i32
    %dma_wait3A_635 = arith.constant 0 : i32
    %dma_wait3A_636 = tpu.memref_slice %arg10[%dma_wait3A_625, %dma_wait3A_634, %dma_wait3A_635] : memref<2x1x4096xf32, #tpu.memory_space<vmem>> -> memref<1x1x4096xf32, #tpu.memory_space<vmem>>
    %dma_wait3A_637 = tpu.memref_squeeze %dma_wait3A_636 : memref<1x1x4096xf32, #tpu.memory_space<vmem>> -> memref<1x4096xf32, #tpu.memory_space<vmem>>
    tpu.wait_dma2 semaphore(%arg12 : memref<!tpu.dma_semaphore, #tpu.memory_space<semaphore_mem>>) src(%dma_wait3A_637 : memref<1x4096xf32, #tpu.memory_space<vmem>>) dst(%dma_wait3A_633 : memref<1x4096xf32, #tpu.memory_space<hbm>>)
    %parallel_loop3A_638 = arith.constant 0 : i32
    %parallel_loop3A_639 = arith.constant 256 : i32
    %parallel_loop3A_640 = arith.constant 1 : i32
    scf.for %parallel_loop3A_1355 = %parallel_loop3A_638 to %parallel_loop3A_639 step %parallel_loop3A_640  : i32 {
      %parallel_loop3A_1356 = arith.constant 16 : i32
      %parallel_loop3A_1357 = arith.muli %parallel_loop3A_1355, %parallel_loop3A_1356 : i32
      %parallel_loop3A_1358 = arith.constant 12288 : i32
      %parallel_loop3A_1359 = arith.addi %parallel_loop3A_1358, %parallel_loop3A_1357 : i32
      %parallel_loop3A_1360 = arith.constant 0 : i32
      %parallel_loop3A_1361 = arith.index_cast %parallel_loop3A_1360 : i32 to index
      %parallel_loop3A_1362 = arith.index_cast %parallel_loop3A_1359 : i32 to index
      %parallel_loop3A_1363 = tpu.vector_load %arg8[%parallel_loop3A_1361, %parallel_loop3A_1362] {strides = array<i32>} : memref<1x16384xi32, #tpu.memory_space<vmem>>, vector<16xi32>,
      %parallel_loop3A_1364 = tpu.vector_load_idx %arg9[%broadcast_in_dim3A_17, %parallel_loop3A_1363] : memref<1x100001xf32, #tpu.memory_space<vmem>>[vector<16xi32>, vector<16xi32>], vector<16xf32>,
      %parallel_loop3A_1365 = arith.constant 16 : i32
      %parallel_loop3A_1366 = arith.muli %parallel_loop3A_1355, %parallel_loop3A_1365 : i32
      %parallel_loop3A_1367 = arith.constant 1 : i32
      %parallel_loop3A_1368 = arith.constant 0 : i32
      %parallel_loop3A_1369 = arith.index_cast %parallel_loop3A_1367 : i32 to index
      %parallel_loop3A_1370 = arith.index_cast %parallel_loop3A_1368 : i32 to index
      %parallel_loop3A_1371 = arith.index_cast %parallel_loop3A_1366 : i32 to index
      %parallel_loop3A_1372 = tpu.vector_load %arg10[%parallel_loop3A_1369, %parallel_loop3A_1370, %parallel_loop3A_1371] {strides = array<i32>} : memref<2x1x4096xf32, #tpu.memory_space<vmem>>, vector<16xf32>,
      tpu.vector_store %arg10[%parallel_loop3A_1369, %parallel_loop3A_1370, %parallel_loop3A_1371], %parallel_loop3A_1364 {strides = array<i32>} : memref<2x1x4096xf32, #tpu.memory_space<vmem>>, vector<16xf32>,
    } {sc.loop_unroll_factor = 8 : i64, sc.parallel_access}
    %mul3A_641 = arith.constant 64 : i32
    %mul3A_642 = arith.muli %select_n3A, %mul3A_641 : i32
    %add3A_643 = arith.addi %mul3A_642, %add3A_508 : i32
    %dma_start3A_644 = arith.constant 1 : i32
    %dma_start3A_645 = arith.constant 0 : i32
    %dma_start3A_646 = arith.constant 0 : i32
    %dma_start3A_647 = tpu.memref_slice %arg10[%dma_start3A_644, %dma_start3A_645, %dma_start3A_646] : memref<2x1x4096xf32, #tpu.memory_space<vmem>> -> memref<1x1x4096xf32, #tpu.memory_space<vmem>>
    %dma_start3A_648 = tpu.memref_squeeze %dma_start3A_647 : memref<1x1x4096xf32, #tpu.memory_space<vmem>> -> memref<1x4096xf32, #tpu.memory_space<vmem>>
    %dma_start3A_649 = arith.constant 12288 : i32
    %dma_start3A_650 = tpu.memref_slice %arg7[%add3A_643, %dma_start3A_649] : memref<256x16384xf32, #tpu.memory_space<hbm>> -> memref<1x4096xf32, #tpu.memory_space<hbm>>
    %dma_start3A_651 = arith.constant 12288 : i32
    %dma_start3A_652 = tpu.memref_slice %arg7[%add3A_643, %dma_start3A_651] : memref<256x16384xf32, #tpu.memory_space<hbm>> -> memref<1x4096xf32, #tpu.memory_space<hbm>>
    %dma_start3A_653 = arith.constant 0 : i32
    %dma_start3A_654 = arith.constant 0 : i32
    %dma_start3A_655 = tpu.memref_slice %arg10[%dma_start3A_644, %dma_start3A_653, %dma_start3A_654] : memref<2x1x4096xf32, #tpu.memory_space<vmem>> -> memref<1x1x4096xf32, #tpu.memory_space<vmem>>
    %dma_start3A_656 = tpu.memref_squeeze %dma_start3A_655 : memref<1x1x4096xf32, #tpu.memory_space<vmem>> -> memref<1x4096xf32, #tpu.memory_space<vmem>>
    tpu.enqueue_dma source(%dma_start3A_656 : memref<1x4096xf32, #tpu.memory_space<vmem>>) target(%dma_start3A_652 : memref<1x4096xf32, #tpu.memory_space<hbm>>) target_semaphore(%arg12 : memref<!tpu.dma_semaphore, #tpu.memory_space<semaphore_mem>>)
    %jit3A_657 = arith.constant 8 : i32
    %eq3A_658 = arith.constant 0 : i32
    %eq3A_659 = arith.cmpi eq, %jit3A_657, %eq3A_658 : i32
    %jit3A_660 = arith.constant 1 : i32
    %select_n3A_661 = arith.select %eq3A_659, %jit3A_660, %jit3A_657 : i32
    %rem3A_662 = arith.remsi %add3A, %select_n3A_661 : i32
    %ne3A_663 = arith.constant 0 : i32
    %ne3A_664 = arith.cmpi ne, %rem3A_662, %ne3A_663 : i32
    %lt3A_665 = arith.constant 0 : i32
    %lt3A_666 = arith.cmpi slt, %rem3A_662, %lt3A_665 : i32
    %lt3A_667 = arith.constant 0 : i32
    %lt3A_668 = arith.cmpi slt, %select_n3A_661, %lt3A_667 : i32
    %ne3A_669 = arith.xori %lt3A_666, %lt3A_668 : i1
    %and3A_670 = arith.andi %ne3A_669, %ne3A_664 : i1
    %add3A_671 = arith.addi %rem3A_662, %select_n3A_661 : i32
    %select_n3A_672 = arith.select %and3A_670, %add3A_671, %rem3A_662 : i32
    %mul3A_673 = arith.constant 8 : i32
    %mul3A_674 = arith.muli %select_n3A_672, %mul3A_673 : i32
    %add3A_675 = arith.constant 4 : i32
    %add3A_676 = arith.addi %mul3A_674, %add3A_675 : i32
    %eq3A_677 = arith.constant 0 : i32
    %eq3A_678 = arith.cmpi eq, %select_n3A, %eq3A_677 : i32
    %convert_element_type3A_679 = arith.extui %eq3A_678 : i1 to i32
    %cond3A_680 = arith.constant 0 : i32
    %cond3A_681 = arith.cmpi ne, %convert_element_type3A_679, %cond3A_680 : i32
    scf.if %cond3A_681 {
      "tpu.region"() ({
        %run_scoped3A = tpu.sem_alloc : memref<!tpu.dma_semaphore, #tpu.memory_space<semaphore_mem>>
        %dma_start3A_1355 = arith.constant 0 : i32
        %dma_start3A_1356 = tpu.memref_slice %arg2[%add3A_676, %dma_start3A_1355] : memref<64x100001xf32, #tpu.memory_space<hbm>> -> memref<1x100001xf32, #tpu.memory_space<hbm>>
        %dma_start3A_1357 = arith.constant 0 : i32
        %dma_start3A_1358 = tpu.memref_slice %arg2[%add3A_676, %dma_start3A_1357] : memref<64x100001xf32, #tpu.memory_space<hbm>> -> memref<1x100001xf32, #tpu.memory_space<hbm>>
        tpu.enqueue_dma source(%dma_start3A_1358 : memref<1x100001xf32, #tpu.memory_space<hbm>>) target(%arg9 : memref<1x100001xf32, #tpu.memory_space<vmem>>) target_semaphore(%run_scoped3A : memref<!tpu.dma_semaphore, #tpu.memory_space<semaphore_mem>>)
        %dma_wait3A_1359 = arith.constant 0 : i32
        %dma_wait3A_1360 = tpu.memref_slice %arg2[%add3A_676, %dma_wait3A_1359] : memref<64x100001xf32, #tpu.memory_space<hbm>> -> memref<1x100001xf32, #tpu.memory_space<hbm>>
        %dma_wait3A_1361 = arith.constant 0 : i32
        %dma_wait3A_1362 = tpu.memref_slice %arg2[%add3A_676, %dma_wait3A_1361] : memref<64x100001xf32, #tpu.memory_space<hbm>> -> memref<1x100001xf32, #tpu.memory_space<hbm>>
        tpu.wait_dma2 semaphore(%run_scoped3A : memref<!tpu.dma_semaphore, #tpu.memory_space<semaphore_mem>>) src(%dma_wait3A_1362 : memref<1x100001xf32, #tpu.memory_space<hbm>>) dst(%arg9 : memref<1x100001xf32, #tpu.memory_space<vmem>>)
        tpu.yield
      }) : () -> ()
    } else {
    }
    %eq3A_682 = arith.constant 1 : i32
    %eq3A_683 = arith.cmpi eq, %select_n3A, %eq3A_682 : i32
    %convert_element_type3A_684 = arith.extui %eq3A_683 : i1 to i32
    %cond3A_685 = arith.constant 0 : i32
    %cond3A_686 = arith.cmpi ne, %convert_element_type3A_684, %cond3A_685 : i32
    scf.if %cond3A_686 {
      "tpu.region"() ({
        %run_scoped3A = tpu.sem_alloc : memref<!tpu.dma_semaphore, #tpu.memory_space<semaphore_mem>>
        %dma_start3A_1355 = arith.constant 0 : i32
        %dma_start3A_1356 = tpu.memref_slice %arg3[%add3A_676, %dma_start3A_1355] : memref<64x100001xf32, #tpu.memory_space<hbm>> -> memref<1x100001xf32, #tpu.memory_space<hbm>>
        %dma_start3A_1357 = arith.constant 0 : i32
        %dma_start3A_1358 = tpu.memref_slice %arg3[%add3A_676, %dma_start3A_1357] : memref<64x100001xf32, #tpu.memory_space<hbm>> -> memref<1x100001xf32, #tpu.memory_space<hbm>>
        tpu.enqueue_dma source(%dma_start3A_1358 : memref<1x100001xf32, #tpu.memory_space<hbm>>) target(%arg9 : memref<1x100001xf32, #tpu.memory_space<vmem>>) target_semaphore(%run_scoped3A : memref<!tpu.dma_semaphore, #tpu.memory_space<semaphore_mem>>)
        %dma_wait3A_1359 = arith.constant 0 : i32
        %dma_wait3A_1360 = tpu.memref_slice %arg3[%add3A_676, %dma_wait3A_1359] : memref<64x100001xf32, #tpu.memory_space<hbm>> -> memref<1x100001xf32, #tpu.memory_space<hbm>>
        %dma_wait3A_1361 = arith.constant 0 : i32
        %dma_wait3A_1362 = tpu.memref_slice %arg3[%add3A_676, %dma_wait3A_1361] : memref<64x100001xf32, #tpu.memory_space<hbm>> -> memref<1x100001xf32, #tpu.memory_space<hbm>>
        tpu.wait_dma2 semaphore(%run_scoped3A : memref<!tpu.dma_semaphore, #tpu.memory_space<semaphore_mem>>) src(%dma_wait3A_1362 : memref<1x100001xf32, #tpu.memory_space<hbm>>) dst(%arg9 : memref<1x100001xf32, #tpu.memory_space<vmem>>)
        tpu.yield
      }) : () -> ()
    } else {
    }
    %eq3A_687 = arith.constant 2 : i32
    %eq3A_688 = arith.cmpi eq, %select_n3A, %eq3A_687 : i32
    %convert_element_type3A_689 = arith.extui %eq3A_688 : i1 to i32
    %cond3A_690 = arith.constant 0 : i32
    %cond3A_691 = arith.cmpi ne, %convert_element_type3A_689, %cond3A_690 : i32
    scf.if %cond3A_691 {
      "tpu.region"() ({
        %run_scoped3A = tpu.sem_alloc : memref<!tpu.dma_semaphore, #tpu.memory_space<semaphore_mem>>
        %dma_start3A_1355 = arith.constant 0 : i32
        %dma_start3A_1356 = tpu.memref_slice %arg4[%add3A_676, %dma_start3A_1355] : memref<64x100001xf32, #tpu.memory_space<hbm>> -> memref<1x100001xf32, #tpu.memory_space<hbm>>
        %dma_start3A_1357 = arith.constant 0 : i32
        %dma_start3A_1358 = tpu.memref_slice %arg4[%add3A_676, %dma_start3A_1357] : memref<64x100001xf32, #tpu.memory_space<hbm>> -> memref<1x100001xf32, #tpu.memory_space<hbm>>
        tpu.enqueue_dma source(%dma_start3A_1358 : memref<1x100001xf32, #tpu.memory_space<hbm>>) target(%arg9 : memref<1x100001xf32, #tpu.memory_space<vmem>>) target_semaphore(%run_scoped3A : memref<!tpu.dma_semaphore, #tpu.memory_space<semaphore_mem>>)
        %dma_wait3A_1359 = arith.constant 0 : i32
        %dma_wait3A_1360 = tpu.memref_slice %arg4[%add3A_676, %dma_wait3A_1359] : memref<64x100001xf32, #tpu.memory_space<hbm>> -> memref<1x100001xf32, #tpu.memory_space<hbm>>
        %dma_wait3A_1361 = arith.constant 0 : i32
        %dma_wait3A_1362 = tpu.memref_slice %arg4[%add3A_676, %dma_wait3A_1361] : memref<64x100001xf32, #tpu.memory_space<hbm>> -> memref<1x100001xf32, #tpu.memory_space<hbm>>
        tpu.wait_dma2 semaphore(%run_scoped3A : memref<!tpu.dma_semaphore, #tpu.memory_space<semaphore_mem>>) src(%dma_wait3A_1362 : memref<1x100001xf32, #tpu.memory_space<hbm>>) dst(%arg9 : memref<1x100001xf32, #tpu.memory_space<vmem>>)
        tpu.yield
      }) : () -> ()
    } else {
    }
    %eq3A_692 = arith.constant 3 : i32
    %eq3A_693 = arith.cmpi eq, %select_n3A, %eq3A_692 : i32
    %convert_element_type3A_694 = arith.extui %eq3A_693 : i1 to i32
    %cond3A_695 = arith.constant 0 : i32
    %cond3A_696 = arith.cmpi ne, %convert_element_type3A_694, %cond3A_695 : i32
    scf.if %cond3A_696 {
      "tpu.region"() ({
        %run_scoped3A = tpu.sem_alloc : memref<!tpu.dma_semaphore, #tpu.memory_space<semaphore_mem>>
        %dma_start3A_1355 = arith.constant 0 : i32
        %dma_start3A_1356 = tpu.memref_slice %arg5[%add3A_676, %dma_start3A_1355] : memref<64x100001xf32, #tpu.memory_space<hbm>> -> memref<1x100001xf32, #tpu.memory_space<hbm>>
        %dma_start3A_1357 = arith.constant 0 : i32
        %dma_start3A_1358 = tpu.memref_slice %arg5[%add3A_676, %dma_start3A_1357] : memref<64x100001xf32, #tpu.memory_space<hbm>> -> memref<1x100001xf32, #tpu.memory_space<hbm>>
        tpu.enqueue_dma source(%dma_start3A_1358 : memref<1x100001xf32, #tpu.memory_space<hbm>>) target(%arg9 : memref<1x100001xf32, #tpu.memory_space<vmem>>) target_semaphore(%run_scoped3A : memref<!tpu.dma_semaphore, #tpu.memory_space<semaphore_mem>>)
        %dma_wait3A_1359 = arith.constant 0 : i32
        %dma_wait3A_1360 = tpu.memref_slice %arg5[%add3A_676, %dma_wait3A_1359] : memref<64x100001xf32, #tpu.memory_space<hbm>> -> memref<1x100001xf32, #tpu.memory_space<hbm>>
        %dma_wait3A_1361 = arith.constant 0 : i32
        %dma_wait3A_1362 = tpu.memref_slice %arg5[%add3A_676, %dma_wait3A_1361] : memref<64x100001xf32, #tpu.memory_space<hbm>> -> memref<1x100001xf32, #tpu.memory_space<hbm>>
        tpu.wait_dma2 semaphore(%run_scoped3A : memref<!tpu.dma_semaphore, #tpu.memory_space<semaphore_mem>>) src(%dma_wait3A_1362 : memref<1x100001xf32, #tpu.memory_space<hbm>>) dst(%arg9 : memref<1x100001xf32, #tpu.memory_space<vmem>>)
        tpu.yield
      }) : () -> ()
    } else {
    }
    %dma_wait3A_697 = arith.constant 0 : i32
    %dma_wait3A_698 = arith.constant 0 : i32
    %dma_wait3A_699 = arith.constant 0 : i32
    %dma_wait3A_700 = tpu.memref_slice %arg10[%dma_wait3A_697, %dma_wait3A_698, %dma_wait3A_699] : memref<2x1x4096xf32, #tpu.memory_space<vmem>> -> memref<1x1x4096xf32, #tpu.memory_space<vmem>>
    %dma_wait3A_701 = tpu.memref_squeeze %dma_wait3A_700 : memref<1x1x4096xf32, #tpu.memory_space<vmem>> -> memref<1x4096xf32, #tpu.memory_space<vmem>>
    %dma_wait3A_702 = arith.constant 8192 : i32
    %dma_wait3A_703 = tpu.memref_slice %arg7[%add3A_611, %dma_wait3A_702] : memref<256x16384xf32, #tpu.memory_space<hbm>> -> memref<1x4096xf32, #tpu.memory_space<hbm>>
    %dma_wait3A_704 = arith.constant 8192 : i32
    %dma_wait3A_705 = tpu.memref_slice %arg7[%add3A_611, %dma_wait3A_704] : memref<256x16384xf32, #tpu.memory_space<hbm>> -> memref<1x4096xf32, #tpu.memory_space<hbm>>
    %dma_wait3A_706 = arith.constant 0 : i32
    %dma_wait3A_707 = arith.constant 0 : i32
    %dma_wait3A_708 = tpu.memref_slice %arg10[%dma_wait3A_697, %dma_wait3A_706, %dma_wait3A_707] : memref<2x1x4096xf32, #tpu.memory_space<vmem>> -> memref<1x1x4096xf32, #tpu.memory_space<vmem>>
    %dma_wait3A_709 = tpu.memref_squeeze %dma_wait3A_708 : memref<1x1x4096xf32, #tpu.memory_space<vmem>> -> memref<1x4096xf32, #tpu.memory_space<vmem>>
    tpu.wait_dma2 semaphore(%arg11 : memref<!tpu.dma_semaphore, #tpu.memory_space<semaphore_mem>>) src(%dma_wait3A_709 : memref<1x4096xf32, #tpu.memory_space<vmem>>) dst(%dma_wait3A_705 : memref<1x4096xf32, #tpu.memory_space<hbm>>)
    %parallel_loop3A_710 = arith.constant 0 : i32
    %parallel_loop3A_711 = arith.constant 256 : i32
    %parallel_loop3A_712 = arith.constant 1 : i32
    scf.for %parallel_loop3A_1355 = %parallel_loop3A_710 to %parallel_loop3A_711 step %parallel_loop3A_712  : i32 {
      %parallel_loop3A_1356 = arith.constant 16 : i32
      %parallel_loop3A_1357 = arith.muli %parallel_loop3A_1355, %parallel_loop3A_1356 : i32
      %parallel_loop3A_1358 = arith.constant 0 : i32
      %parallel_loop3A_1359 = arith.addi %parallel_loop3A_1358, %parallel_loop3A_1357 : i32
      %parallel_loop3A_1360 = arith.constant 0 : i32
      %parallel_loop3A_1361 = arith.index_cast %parallel_loop3A_1360 : i32 to index
      %parallel_loop3A_1362 = arith.index_cast %parallel_loop3A_1359 : i32 to index
      %parallel_loop3A_1363 = tpu.vector_load %arg8[%parallel_loop3A_1361, %parallel_loop3A_1362] {strides = array<i32>} : memref<1x16384xi32, #tpu.memory_space<vmem>>, vector<16xi32>,
      %parallel_loop3A_1364 = tpu.vector_load_idx %arg9[%broadcast_in_dim3A_17, %parallel_loop3A_1363] : memref<1x100001xf32, #tpu.memory_space<vmem>>[vector<16xi32>, vector<16xi32>], vector<16xf32>,
      %parallel_loop3A_1365 = arith.constant 16 : i32
      %parallel_loop3A_1366 = arith.muli %parallel_loop3A_1355, %parallel_loop3A_1365 : i32
      %parallel_loop3A_1367 = arith.constant 0 : i32
      %parallel_loop3A_1368 = arith.constant 0 : i32
      %parallel_loop3A_1369 = arith.index_cast %parallel_loop3A_1367 : i32 to index
      %parallel_loop3A_1370 = arith.index_cast %parallel_loop3A_1368 : i32 to index
      %parallel_loop3A_1371 = arith.index_cast %parallel_loop3A_1366 : i32 to index
      %parallel_loop3A_1372 = tpu.vector_load %arg10[%parallel_loop3A_1369, %parallel_loop3A_1370, %parallel_loop3A_1371] {strides = array<i32>} : memref<2x1x4096xf32, #tpu.memory_space<vmem>>, vector<16xf32>,
      tpu.vector_store %arg10[%parallel_loop3A_1369, %parallel_loop3A_1370, %parallel_loop3A_1371], %parallel_loop3A_1364 {strides = array<i32>} : memref<2x1x4096xf32, #tpu.memory_space<vmem>>, vector<16xf32>,
    } {sc.loop_unroll_factor = 8 : i64, sc.parallel_access}
    %mul3A_713 = arith.constant 64 : i32
    %mul3A_714 = arith.muli %select_n3A, %mul3A_713 : i32
    %add3A_715 = arith.addi %mul3A_714, %add3A_676 : i32
    %dma_start3A_716 = arith.constant 0 : i32
    %dma_start3A_717 = arith.constant 0 : i32
    %dma_start3A_718 = arith.constant 0 : i32
    %dma_start3A_719 = tpu.memref_slice %arg10[%dma_start3A_716, %dma_start3A_717, %dma_start3A_718] : memref<2x1x4096xf32, #tpu.memory_space<vmem>> -> memref<1x1x4096xf32, #tpu.memory_space<vmem>>
    %dma_start3A_720 = tpu.memref_squeeze %dma_start3A_719 : memref<1x1x4096xf32, #tpu.memory_space<vmem>> -> memref<1x4096xf32, #tpu.memory_space<vmem>>
    %dma_start3A_721 = arith.constant 0 : i32
    %dma_start3A_722 = tpu.memref_slice %arg7[%add3A_715, %dma_start3A_721] : memref<256x16384xf32, #tpu.memory_space<hbm>> -> memref<1x4096xf32, #tpu.memory_space<hbm>>
    %dma_start3A_723 = arith.constant 0 : i32
    %dma_start3A_724 = tpu.memref_slice %arg7[%add3A_715, %dma_start3A_723] : memref<256x16384xf32, #tpu.memory_space<hbm>> -> memref<1x4096xf32, #tpu.memory_space<hbm>>
    %dma_start3A_725 = arith.constant 0 : i32
    %dma_start3A_726 = arith.constant 0 : i32
    %dma_start3A_727 = tpu.memref_slice %arg10[%dma_start3A_716, %dma_start3A_725, %dma_start3A_726] : memref<2x1x4096xf32, #tpu.memory_space<vmem>> -> memref<1x1x4096xf32, #tpu.memory_space<vmem>>
    %dma_start3A_728 = tpu.memref_squeeze %dma_start3A_727 : memref<1x1x4096xf32, #tpu.memory_space<vmem>> -> memref<1x4096xf32, #tpu.memory_space<vmem>>
    tpu.enqueue_dma source(%dma_start3A_728 : memref<1x4096xf32, #tpu.memory_space<vmem>>) target(%dma_start3A_724 : memref<1x4096xf32, #tpu.memory_space<hbm>>) target_semaphore(%arg11 : memref<!tpu.dma_semaphore, #tpu.memory_space<semaphore_mem>>)
    %dma_wait3A_729 = arith.constant 1 : i32
    %dma_wait3A_730 = arith.constant 0 : i32
    %dma_wait3A_731 = arith.constant 0 : i32
    %dma_wait3A_732 = tpu.memref_slice %arg10[%dma_wait3A_729, %dma_wait3A_730, %dma_wait3A_731] : memref<2x1x4096xf32, #tpu.memory_space<vmem>> -> memref<1x1x4096xf32, #tpu.memory_space<vmem>>
    %dma_wait3A_733 = tpu.memref_squeeze %dma_wait3A_732 : memref<1x1x4096xf32, #tpu.memory_space<vmem>> -> memref<1x4096xf32, #tpu.memory_space<vmem>>
    %dma_wait3A_734 = arith.constant 12288 : i32
    %dma_wait3A_735 = tpu.memref_slice %arg7[%add3A_643, %dma_wait3A_734] : memref<256x16384xf32, #tpu.memory_space<hbm>> -> memref<1x4096xf32, #tpu.memory_space<hbm>>
    %dma_wait3A_736 = arith.constant 12288 : i32
    %dma_wait3A_737 = tpu.memref_slice %arg7[%add3A_643, %dma_wait3A_736] : memref<256x16384xf32, #tpu.memory_space<hbm>> -> memref<1x4096xf32, #tpu.memory_space<hbm>>
    %dma_wait3A_738 = arith.constant 0 : i32
    %dma_wait3A_739 = arith.constant 0 : i32
    %dma_wait3A_740 = tpu.memref_slice %arg10[%dma_wait3A_729, %dma_wait3A_738, %dma_wait3A_739] : memref<2x1x4096xf32, #tpu.memory_space<vmem>> -> memref<1x1x4096xf32, #tpu.memory_space<vmem>>
    %dma_wait3A_741 = tpu.memref_squeeze %dma_wait3A_740 : memref<1x1x4096xf32, #tpu.memory_space<vmem>> -> memref<1x4096xf32, #tpu.memory_space<vmem>>
    tpu.wait_dma2 semaphore(%arg12 : memref<!tpu.dma_semaphore, #tpu.memory_space<semaphore_mem>>) src(%dma_wait3A_741 : memref<1x4096xf32, #tpu.memory_space<vmem>>) dst(%dma_wait3A_737 : memref<1x4096xf32, #tpu.memory_space<hbm>>)
    %parallel_loop3A_742 = arith.constant 0 : i32
    %parallel_loop3A_743 = arith.constant 256 : i32
    %parallel_loop3A_744 = arith.constant 1 : i32
    scf.for %parallel_loop3A_1355 = %parallel_loop3A_742 to %parallel_loop3A_743 step %parallel_loop3A_744  : i32 {
      %parallel_loop3A_1356 = arith.constant 16 : i32
      %parallel_loop3A_1357 = arith.muli %parallel_loop3A_1355, %parallel_loop3A_1356 : i32
      %parallel_loop3A_1358 = arith.constant 4096 : i32
      %parallel_loop3A_1359 = arith.addi %parallel_loop3A_1358, %parallel_loop3A_1357 : i32
      %parallel_loop3A_1360 = arith.constant 0 : i32
      %parallel_loop3A_1361 = arith.index_cast %parallel_loop3A_1360 : i32 to index
      %parallel_loop3A_1362 = arith.index_cast %parallel_loop3A_1359 : i32 to index
      %parallel_loop3A_1363 = tpu.vector_load %arg8[%parallel_loop3A_1361, %parallel_loop3A_1362] {strides = array<i32>} : memref<1x16384xi32, #tpu.memory_space<vmem>>, vector<16xi32>,
      %parallel_loop3A_1364 = tpu.vector_load_idx %arg9[%broadcast_in_dim3A_17, %parallel_loop3A_1363] : memref<1x100001xf32, #tpu.memory_space<vmem>>[vector<16xi32>, vector<16xi32>], vector<16xf32>,
      %parallel_loop3A_1365 = arith.constant 16 : i32
      %parallel_loop3A_1366 = arith.muli %parallel_loop3A_1355, %parallel_loop3A_1365 : i32
      %parallel_loop3A_1367 = arith.constant 1 : i32
      %parallel_loop3A_1368 = arith.constant 0 : i32
      %parallel_loop3A_1369 = arith.index_cast %parallel_loop3A_1367 : i32 to index
      %parallel_loop3A_1370 = arith.index_cast %parallel_loop3A_1368 : i32 to index
      %parallel_loop3A_1371 = arith.index_cast %parallel_loop3A_1366 : i32 to index
      %parallel_loop3A_1372 = tpu.vector_load %arg10[%parallel_loop3A_1369, %parallel_loop3A_1370, %parallel_loop3A_1371] {strides = array<i32>} : memref<2x1x4096xf32, #tpu.memory_space<vmem>>, vector<16xf32>,
      tpu.vector_store %arg10[%parallel_loop3A_1369, %parallel_loop3A_1370, %parallel_loop3A_1371], %parallel_loop3A_1364 {strides = array<i32>} : memref<2x1x4096xf32, #tpu.memory_space<vmem>>, vector<16xf32>,
    } {sc.loop_unroll_factor = 8 : i64, sc.parallel_access}
    %mul3A_745 = arith.constant 64 : i32
    %mul3A_746 = arith.muli %select_n3A, %mul3A_745 : i32
    %add3A_747 = arith.addi %mul3A_746, %add3A_676 : i32
    %dma_start3A_748 = arith.constant 1 : i32
    %dma_start3A_749 = arith.constant 0 : i32
    %dma_start3A_750 = arith.constant 0 : i32
    %dma_start3A_751 = tpu.memref_slice %arg10[%dma_start3A_748, %dma_start3A_749, %dma_start3A_750] : memref<2x1x4096xf32, #tpu.memory_space<vmem>> -> memref<1x1x4096xf32, #tpu.memory_space<vmem>>
    %dma_start3A_752 = tpu.memref_squeeze %dma_start3A_751 : memref<1x1x4096xf32, #tpu.memory_space<vmem>> -> memref<1x4096xf32, #tpu.memory_space<vmem>>
    %dma_start3A_753 = arith.constant 4096 : i32
    %dma_start3A_754 = tpu.memref_slice %arg7[%add3A_747, %dma_start3A_753] : memref<256x16384xf32, #tpu.memory_space<hbm>> -> memref<1x4096xf32, #tpu.memory_space<hbm>>
    %dma_start3A_755 = arith.constant 4096 : i32
    %dma_start3A_756 = tpu.memref_slice %arg7[%add3A_747, %dma_start3A_755] : memref<256x16384xf32, #tpu.memory_space<hbm>> -> memref<1x4096xf32, #tpu.memory_space<hbm>>
    %dma_start3A_757 = arith.constant 0 : i32
    %dma_start3A_758 = arith.constant 0 : i32
    %dma_start3A_759 = tpu.memref_slice %arg10[%dma_start3A_748, %dma_start3A_757, %dma_start3A_758] : memref<2x1x4096xf32, #tpu.memory_space<vmem>> -> memref<1x1x4096xf32, #tpu.memory_space<vmem>>
    %dma_start3A_760 = tpu.memref_squeeze %dma_start3A_759 : memref<1x1x4096xf32, #tpu.memory_space<vmem>> -> memref<1x4096xf32, #tpu.memory_space<vmem>>
    tpu.enqueue_dma source(%dma_start3A_760 : memref<1x4096xf32, #tpu.memory_space<vmem>>) target(%dma_start3A_756 : memref<1x4096xf32, #tpu.memory_space<hbm>>) target_semaphore(%arg12 : memref<!tpu.dma_semaphore, #tpu.memory_space<semaphore_mem>>)
    %dma_wait3A_761 = arith.constant 0 : i32
    %dma_wait3A_762 = arith.constant 0 : i32
    %dma_wait3A_763 = arith.constant 0 : i32
    %dma_wait3A_764 = tpu.memref_slice %arg10[%dma_wait3A_761, %dma_wait3A_762, %dma_wait3A_763] : memref<2x1x4096xf32, #tpu.memory_space<vmem>> -> memref<1x1x4096xf32, #tpu.memory_space<vmem>>
    %dma_wait3A_765 = tpu.memref_squeeze %dma_wait3A_764 : memref<1x1x4096xf32, #tpu.memory_space<vmem>> -> memref<1x4096xf32, #tpu.memory_space<vmem>>
    %dma_wait3A_766 = arith.constant 0 : i32
    %dma_wait3A_767 = tpu.memref_slice %arg7[%add3A_715, %dma_wait3A_766] : memref<256x16384xf32, #tpu.memory_space<hbm>> -> memref<1x4096xf32, #tpu.memory_space<hbm>>
    %dma_wait3A_768 = arith.constant 0 : i32
    %dma_wait3A_769 = tpu.memref_slice %arg7[%add3A_715, %dma_wait3A_768] : memref<256x16384xf32, #tpu.memory_space<hbm>> -> memref<1x4096xf32, #tpu.memory_space<hbm>>
    %dma_wait3A_770 = arith.constant 0 : i32
    %dma_wait3A_771 = arith.constant 0 : i32
    %dma_wait3A_772 = tpu.memref_slice %arg10[%dma_wait3A_761, %dma_wait3A_770, %dma_wait3A_771] : memref<2x1x4096xf32, #tpu.memory_space<vmem>> -> memref<1x1x4096xf32, #tpu.memory_space<vmem>>
    %dma_wait3A_773 = tpu.memref_squeeze %dma_wait3A_772 : memref<1x1x4096xf32, #tpu.memory_space<vmem>> -> memref<1x4096xf32, #tpu.memory_space<vmem>>
    tpu.wait_dma2 semaphore(%arg11 : memref<!tpu.dma_semaphore, #tpu.memory_space<semaphore_mem>>) src(%dma_wait3A_773 : memref<1x4096xf32, #tpu.memory_space<vmem>>) dst(%dma_wait3A_769 : memref<1x4096xf32, #tpu.memory_space<hbm>>)
    %parallel_loop3A_774 = arith.constant 0 : i32
    %parallel_loop3A_775 = arith.constant 256 : i32
    %parallel_loop3A_776 = arith.constant 1 : i32
    scf.for %parallel_loop3A_1355 = %parallel_loop3A_774 to %parallel_loop3A_775 step %parallel_loop3A_776  : i32 {
      %parallel_loop3A_1356 = arith.constant 16 : i32
      %parallel_loop3A_1357 = arith.muli %parallel_loop3A_1355, %parallel_loop3A_1356 : i32
      %parallel_loop3A_1358 = arith.constant 8192 : i32
      %parallel_loop3A_1359 = arith.addi %parallel_loop3A_1358, %parallel_loop3A_1357 : i32
      %parallel_loop3A_1360 = arith.constant 0 : i32
      %parallel_loop3A_1361 = arith.index_cast %parallel_loop3A_1360 : i32 to index
      %parallel_loop3A_1362 = arith.index_cast %parallel_loop3A_1359 : i32 to index
      %parallel_loop3A_1363 = tpu.vector_load %arg8[%parallel_loop3A_1361, %parallel_loop3A_1362] {strides = array<i32>} : memref<1x16384xi32, #tpu.memory_space<vmem>>, vector<16xi32>,
      %parallel_loop3A_1364 = tpu.vector_load_idx %arg9[%broadcast_in_dim3A_17, %parallel_loop3A_1363] : memref<1x100001xf32, #tpu.memory_space<vmem>>[vector<16xi32>, vector<16xi32>], vector<16xf32>,
      %parallel_loop3A_1365 = arith.constant 16 : i32
      %parallel_loop3A_1366 = arith.muli %parallel_loop3A_1355, %parallel_loop3A_1365 : i32
      %parallel_loop3A_1367 = arith.constant 0 : i32
      %parallel_loop3A_1368 = arith.constant 0 : i32
      %parallel_loop3A_1369 = arith.index_cast %parallel_loop3A_1367 : i32 to index
      %parallel_loop3A_1370 = arith.index_cast %parallel_loop3A_1368 : i32 to index
      %parallel_loop3A_1371 = arith.index_cast %parallel_loop3A_1366 : i32 to index
      %parallel_loop3A_1372 = tpu.vector_load %arg10[%parallel_loop3A_1369, %parallel_loop3A_1370, %parallel_loop3A_1371] {strides = array<i32>} : memref<2x1x4096xf32, #tpu.memory_space<vmem>>, vector<16xf32>,
      tpu.vector_store %arg10[%parallel_loop3A_1369, %parallel_loop3A_1370, %parallel_loop3A_1371], %parallel_loop3A_1364 {strides = array<i32>} : memref<2x1x4096xf32, #tpu.memory_space<vmem>>, vector<16xf32>,
    } {sc.loop_unroll_factor = 8 : i64, sc.parallel_access}
    %mul3A_777 = arith.constant 64 : i32
    %mul3A_778 = arith.muli %select_n3A, %mul3A_777 : i32
    %add3A_779 = arith.addi %mul3A_778, %add3A_676 : i32
    %dma_start3A_780 = arith.constant 0 : i32
    %dma_start3A_781 = arith.constant 0 : i32
    %dma_start3A_782 = arith.constant 0 : i32
    %dma_start3A_783 = tpu.memref_slice %arg10[%dma_start3A_780, %dma_start3A_781, %dma_start3A_782] : memref<2x1x4096xf32, #tpu.memory_space<vmem>> -> memref<1x1x4096xf32, #tpu.memory_space<vmem>>
    %dma_start3A_784 = tpu.memref_squeeze %dma_start3A_783 : memref<1x1x4096xf32, #tpu.memory_space<vmem>> -> memref<1x4096xf32, #tpu.memory_space<vmem>>
    %dma_start3A_785 = arith.constant 8192 : i32
    %dma_start3A_786 = tpu.memref_slice %arg7[%add3A_779, %dma_start3A_785] : memref<256x16384xf32, #tpu.memory_space<hbm>> -> memref<1x4096xf32, #tpu.memory_space<hbm>>
    %dma_start3A_787 = arith.constant 8192 : i32
    %dma_start3A_788 = tpu.memref_slice %arg7[%add3A_779, %dma_start3A_787] : memref<256x16384xf32, #tpu.memory_space<hbm>> -> memref<1x4096xf32, #tpu.memory_space<hbm>>
    %dma_start3A_789 = arith.constant 0 : i32
    %dma_start3A_790 = arith.constant 0 : i32
    %dma_start3A_791 = tpu.memref_slice %arg10[%dma_start3A_780, %dma_start3A_789, %dma_start3A_790] : memref<2x1x4096xf32, #tpu.memory_space<vmem>> -> memref<1x1x4096xf32, #tpu.memory_space<vmem>>
    %dma_start3A_792 = tpu.memref_squeeze %dma_start3A_791 : memref<1x1x4096xf32, #tpu.memory_space<vmem>> -> memref<1x4096xf32, #tpu.memory_space<vmem>>
    tpu.enqueue_dma source(%dma_start3A_792 : memref<1x4096xf32, #tpu.memory_space<vmem>>) target(%dma_start3A_788 : memref<1x4096xf32, #tpu.memory_space<hbm>>) target_semaphore(%arg11 : memref<!tpu.dma_semaphore, #tpu.memory_space<semaphore_mem>>)
    %dma_wait3A_793 = arith.constant 1 : i32
    %dma_wait3A_794 = arith.constant 0 : i32
    %dma_wait3A_795 = arith.constant 0 : i32
    %dma_wait3A_796 = tpu.memref_slice %arg10[%dma_wait3A_793, %dma_wait3A_794, %dma_wait3A_795] : memref<2x1x4096xf32, #tpu.memory_space<vmem>> -> memref<1x1x4096xf32, #tpu.memory_space<vmem>>
    %dma_wait3A_797 = tpu.memref_squeeze %dma_wait3A_796 : memref<1x1x4096xf32, #tpu.memory_space<vmem>> -> memref<1x4096xf32, #tpu.memory_space<vmem>>
    %dma_wait3A_798 = arith.constant 4096 : i32
    %dma_wait3A_799 = tpu.memref_slice %arg7[%add3A_747, %dma_wait3A_798] : memref<256x16384xf32, #tpu.memory_space<hbm>> -> memref<1x4096xf32, #tpu.memory_space<hbm>>
    %dma_wait3A_800 = arith.constant 4096 : i32
    %dma_wait3A_801 = tpu.memref_slice %arg7[%add3A_747, %dma_wait3A_800] : memref<256x16384xf32, #tpu.memory_space<hbm>> -> memref<1x4096xf32, #tpu.memory_space<hbm>>
    %dma_wait3A_802 = arith.constant 0 : i32
    %dma_wait3A_803 = arith.constant 0 : i32
    %dma_wait3A_804 = tpu.memref_slice %arg10[%dma_wait3A_793, %dma_wait3A_802, %dma_wait3A_803] : memref<2x1x4096xf32, #tpu.memory_space<vmem>> -> memref<1x1x4096xf32, #tpu.memory_space<vmem>>
    %dma_wait3A_805 = tpu.memref_squeeze %dma_wait3A_804 : memref<1x1x4096xf32, #tpu.memory_space<vmem>> -> memref<1x4096xf32, #tpu.memory_space<vmem>>
    tpu.wait_dma2 semaphore(%arg12 : memref<!tpu.dma_semaphore, #tpu.memory_space<semaphore_mem>>) src(%dma_wait3A_805 : memref<1x4096xf32, #tpu.memory_space<vmem>>) dst(%dma_wait3A_801 : memref<1x4096xf32, #tpu.memory_space<hbm>>)
    %parallel_loop3A_806 = arith.constant 0 : i32
    %parallel_loop3A_807 = arith.constant 256 : i32
    %parallel_loop3A_808 = arith.constant 1 : i32
    scf.for %parallel_loop3A_1355 = %parallel_loop3A_806 to %parallel_loop3A_807 step %parallel_loop3A_808  : i32 {
      %parallel_loop3A_1356 = arith.constant 16 : i32
      %parallel_loop3A_1357 = arith.muli %parallel_loop3A_1355, %parallel_loop3A_1356 : i32
      %parallel_loop3A_1358 = arith.constant 12288 : i32
      %parallel_loop3A_1359 = arith.addi %parallel_loop3A_1358, %parallel_loop3A_1357 : i32
      %parallel_loop3A_1360 = arith.constant 0 : i32
      %parallel_loop3A_1361 = arith.index_cast %parallel_loop3A_1360 : i32 to index
      %parallel_loop3A_1362 = arith.index_cast %parallel_loop3A_1359 : i32 to index
      %parallel_loop3A_1363 = tpu.vector_load %arg8[%parallel_loop3A_1361, %parallel_loop3A_1362] {strides = array<i32>} : memref<1x16384xi32, #tpu.memory_space<vmem>>, vector<16xi32>,
      %parallel_loop3A_1364 = tpu.vector_load_idx %arg9[%broadcast_in_dim3A_17, %parallel_loop3A_1363] : memref<1x100001xf32, #tpu.memory_space<vmem>>[vector<16xi32>, vector<16xi32>], vector<16xf32>,
      %parallel_loop3A_1365 = arith.constant 16 : i32
      %parallel_loop3A_1366 = arith.muli %parallel_loop3A_1355, %parallel_loop3A_1365 : i32
      %parallel_loop3A_1367 = arith.constant 1 : i32
      %parallel_loop3A_1368 = arith.constant 0 : i32
      %parallel_loop3A_1369 = arith.index_cast %parallel_loop3A_1367 : i32 to index
      %parallel_loop3A_1370 = arith.index_cast %parallel_loop3A_1368 : i32 to index
      %parallel_loop3A_1371 = arith.index_cast %parallel_loop3A_1366 : i32 to index
      %parallel_loop3A_1372 = tpu.vector_load %arg10[%parallel_loop3A_1369, %parallel_loop3A_1370, %parallel_loop3A_1371] {strides = array<i32>} : memref<2x1x4096xf32, #tpu.memory_space<vmem>>, vector<16xf32>,
      tpu.vector_store %arg10[%parallel_loop3A_1369, %parallel_loop3A_1370, %parallel_loop3A_1371], %parallel_loop3A_1364 {strides = array<i32>} : memref<2x1x4096xf32, #tpu.memory_space<vmem>>, vector<16xf32>,
    } {sc.loop_unroll_factor = 8 : i64, sc.parallel_access}
    %mul3A_809 = arith.constant 64 : i32
    %mul3A_810 = arith.muli %select_n3A, %mul3A_809 : i32
    %add3A_811 = arith.addi %mul3A_810, %add3A_676 : i32
    %dma_start3A_812 = arith.constant 1 : i32
    %dma_start3A_813 = arith.constant 0 : i32
    %dma_start3A_814 = arith.constant 0 : i32
    %dma_start3A_815 = tpu.memref_slice %arg10[%dma_start3A_812, %dma_start3A_813, %dma_start3A_814] : memref<2x1x4096xf32, #tpu.memory_space<vmem>> -> memref<1x1x4096xf32, #tpu.memory_space<vmem>>
    %dma_start3A_816 = tpu.memref_squeeze %dma_start3A_815 : memref<1x1x4096xf32, #tpu.memory_space<vmem>> -> memref<1x4096xf32, #tpu.memory_space<vmem>>
    %dma_start3A_817 = arith.constant 12288 : i32
    %dma_start3A_818 = tpu.memref_slice %arg7[%add3A_811, %dma_start3A_817] : memref<256x16384xf32, #tpu.memory_space<hbm>> -> memref<1x4096xf32, #tpu.memory_space<hbm>>
    %dma_start3A_819 = arith.constant 12288 : i32
    %dma_start3A_820 = tpu.memref_slice %arg7[%add3A_811, %dma_start3A_819] : memref<256x16384xf32, #tpu.memory_space<hbm>> -> memref<1x4096xf32, #tpu.memory_space<hbm>>
    %dma_start3A_821 = arith.constant 0 : i32
    %dma_start3A_822 = arith.constant 0 : i32
    %dma_start3A_823 = tpu.memref_slice %arg10[%dma_start3A_812, %dma_start3A_821, %dma_start3A_822] : memref<2x1x4096xf32, #tpu.memory_space<vmem>> -> memref<1x1x4096xf32, #tpu.memory_space<vmem>>
    %dma_start3A_824 = tpu.memref_squeeze %dma_start3A_823 : memref<1x1x4096xf32, #tpu.memory_space<vmem>> -> memref<1x4096xf32, #tpu.memory_space<vmem>>
    tpu.enqueue_dma source(%dma_start3A_824 : memref<1x4096xf32, #tpu.memory_space<vmem>>) target(%dma_start3A_820 : memref<1x4096xf32, #tpu.memory_space<hbm>>) target_semaphore(%arg12 : memref<!tpu.dma_semaphore, #tpu.memory_space<semaphore_mem>>)
    %jit3A_825 = arith.constant 8 : i32
    %eq3A_826 = arith.constant 0 : i32
    %eq3A_827 = arith.cmpi eq, %jit3A_825, %eq3A_826 : i32
    %jit3A_828 = arith.constant 1 : i32
    %select_n3A_829 = arith.select %eq3A_827, %jit3A_828, %jit3A_825 : i32
    %rem3A_830 = arith.remsi %add3A, %select_n3A_829 : i32
    %ne3A_831 = arith.constant 0 : i32
    %ne3A_832 = arith.cmpi ne, %rem3A_830, %ne3A_831 : i32
    %lt3A_833 = arith.constant 0 : i32
    %lt3A_834 = arith.cmpi slt, %rem3A_830, %lt3A_833 : i32
    %lt3A_835 = arith.constant 0 : i32
    %lt3A_836 = arith.cmpi slt, %select_n3A_829, %lt3A_835 : i32
    %ne3A_837 = arith.xori %lt3A_834, %lt3A_836 : i1
    %and3A_838 = arith.andi %ne3A_837, %ne3A_832 : i1
    %add3A_839 = arith.addi %rem3A_830, %select_n3A_829 : i32
    %select_n3A_840 = arith.select %and3A_838, %add3A_839, %rem3A_830 : i32
    %mul3A_841 = arith.constant 8 : i32
    %mul3A_842 = arith.muli %select_n3A_840, %mul3A_841 : i32
    %add3A_843 = arith.constant 5 : i32
    %add3A_844 = arith.addi %mul3A_842, %add3A_843 : i32
    %eq3A_845 = arith.constant 0 : i32
    %eq3A_846 = arith.cmpi eq, %select_n3A, %eq3A_845 : i32
    %convert_element_type3A_847 = arith.extui %eq3A_846 : i1 to i32
    %cond3A_848 = arith.constant 0 : i32
    %cond3A_849 = arith.cmpi ne, %convert_element_type3A_847, %cond3A_848 : i32
    scf.if %cond3A_849 {
      "tpu.region"() ({
        %run_scoped3A = tpu.sem_alloc : memref<!tpu.dma_semaphore, #tpu.memory_space<semaphore_mem>>
        %dma_start3A_1355 = arith.constant 0 : i32
        %dma_start3A_1356 = tpu.memref_slice %arg2[%add3A_844, %dma_start3A_1355] : memref<64x100001xf32, #tpu.memory_space<hbm>> -> memref<1x100001xf32, #tpu.memory_space<hbm>>
        %dma_start3A_1357 = arith.constant 0 : i32
        %dma_start3A_1358 = tpu.memref_slice %arg2[%add3A_844, %dma_start3A_1357] : memref<64x100001xf32, #tpu.memory_space<hbm>> -> memref<1x100001xf32, #tpu.memory_space<hbm>>
        tpu.enqueue_dma source(%dma_start3A_1358 : memref<1x100001xf32, #tpu.memory_space<hbm>>) target(%arg9 : memref<1x100001xf32, #tpu.memory_space<vmem>>) target_semaphore(%run_scoped3A : memref<!tpu.dma_semaphore, #tpu.memory_space<semaphore_mem>>)
        %dma_wait3A_1359 = arith.constant 0 : i32
        %dma_wait3A_1360 = tpu.memref_slice %arg2[%add3A_844, %dma_wait3A_1359] : memref<64x100001xf32, #tpu.memory_space<hbm>> -> memref<1x100001xf32, #tpu.memory_space<hbm>>
        %dma_wait3A_1361 = arith.constant 0 : i32
        %dma_wait3A_1362 = tpu.memref_slice %arg2[%add3A_844, %dma_wait3A_1361] : memref<64x100001xf32, #tpu.memory_space<hbm>> -> memref<1x100001xf32, #tpu.memory_space<hbm>>
        tpu.wait_dma2 semaphore(%run_scoped3A : memref<!tpu.dma_semaphore, #tpu.memory_space<semaphore_mem>>) src(%dma_wait3A_1362 : memref<1x100001xf32, #tpu.memory_space<hbm>>) dst(%arg9 : memref<1x100001xf32, #tpu.memory_space<vmem>>)
        tpu.yield
      }) : () -> ()
    } else {
    }
    %eq3A_850 = arith.constant 1 : i32
    %eq3A_851 = arith.cmpi eq, %select_n3A, %eq3A_850 : i32
    %convert_element_type3A_852 = arith.extui %eq3A_851 : i1 to i32
    %cond3A_853 = arith.constant 0 : i32
    %cond3A_854 = arith.cmpi ne, %convert_element_type3A_852, %cond3A_853 : i32
    scf.if %cond3A_854 {
      "tpu.region"() ({
        %run_scoped3A = tpu.sem_alloc : memref<!tpu.dma_semaphore, #tpu.memory_space<semaphore_mem>>
        %dma_start3A_1355 = arith.constant 0 : i32
        %dma_start3A_1356 = tpu.memref_slice %arg3[%add3A_844, %dma_start3A_1355] : memref<64x100001xf32, #tpu.memory_space<hbm>> -> memref<1x100001xf32, #tpu.memory_space<hbm>>
        %dma_start3A_1357 = arith.constant 0 : i32
        %dma_start3A_1358 = tpu.memref_slice %arg3[%add3A_844, %dma_start3A_1357] : memref<64x100001xf32, #tpu.memory_space<hbm>> -> memref<1x100001xf32, #tpu.memory_space<hbm>>
        tpu.enqueue_dma source(%dma_start3A_1358 : memref<1x100001xf32, #tpu.memory_space<hbm>>) target(%arg9 : memref<1x100001xf32, #tpu.memory_space<vmem>>) target_semaphore(%run_scoped3A : memref<!tpu.dma_semaphore, #tpu.memory_space<semaphore_mem>>)
        %dma_wait3A_1359 = arith.constant 0 : i32
        %dma_wait3A_1360 = tpu.memref_slice %arg3[%add3A_844, %dma_wait3A_1359] : memref<64x100001xf32, #tpu.memory_space<hbm>> -> memref<1x100001xf32, #tpu.memory_space<hbm>>
        %dma_wait3A_1361 = arith.constant 0 : i32
        %dma_wait3A_1362 = tpu.memref_slice %arg3[%add3A_844, %dma_wait3A_1361] : memref<64x100001xf32, #tpu.memory_space<hbm>> -> memref<1x100001xf32, #tpu.memory_space<hbm>>
        tpu.wait_dma2 semaphore(%run_scoped3A : memref<!tpu.dma_semaphore, #tpu.memory_space<semaphore_mem>>) src(%dma_wait3A_1362 : memref<1x100001xf32, #tpu.memory_space<hbm>>) dst(%arg9 : memref<1x100001xf32, #tpu.memory_space<vmem>>)
        tpu.yield
      }) : () -> ()
    } else {
    }
    %eq3A_855 = arith.constant 2 : i32
    %eq3A_856 = arith.cmpi eq, %select_n3A, %eq3A_855 : i32
    %convert_element_type3A_857 = arith.extui %eq3A_856 : i1 to i32
    %cond3A_858 = arith.constant 0 : i32
    %cond3A_859 = arith.cmpi ne, %convert_element_type3A_857, %cond3A_858 : i32
    scf.if %cond3A_859 {
      "tpu.region"() ({
        %run_scoped3A = tpu.sem_alloc : memref<!tpu.dma_semaphore, #tpu.memory_space<semaphore_mem>>
        %dma_start3A_1355 = arith.constant 0 : i32
        %dma_start3A_1356 = tpu.memref_slice %arg4[%add3A_844, %dma_start3A_1355] : memref<64x100001xf32, #tpu.memory_space<hbm>> -> memref<1x100001xf32, #tpu.memory_space<hbm>>
        %dma_start3A_1357 = arith.constant 0 : i32
        %dma_start3A_1358 = tpu.memref_slice %arg4[%add3A_844, %dma_start3A_1357] : memref<64x100001xf32, #tpu.memory_space<hbm>> -> memref<1x100001xf32, #tpu.memory_space<hbm>>
        tpu.enqueue_dma source(%dma_start3A_1358 : memref<1x100001xf32, #tpu.memory_space<hbm>>) target(%arg9 : memref<1x100001xf32, #tpu.memory_space<vmem>>) target_semaphore(%run_scoped3A : memref<!tpu.dma_semaphore, #tpu.memory_space<semaphore_mem>>)
        %dma_wait3A_1359 = arith.constant 0 : i32
        %dma_wait3A_1360 = tpu.memref_slice %arg4[%add3A_844, %dma_wait3A_1359] : memref<64x100001xf32, #tpu.memory_space<hbm>> -> memref<1x100001xf32, #tpu.memory_space<hbm>>
        %dma_wait3A_1361 = arith.constant 0 : i32
        %dma_wait3A_1362 = tpu.memref_slice %arg4[%add3A_844, %dma_wait3A_1361] : memref<64x100001xf32, #tpu.memory_space<hbm>> -> memref<1x100001xf32, #tpu.memory_space<hbm>>
        tpu.wait_dma2 semaphore(%run_scoped3A : memref<!tpu.dma_semaphore, #tpu.memory_space<semaphore_mem>>) src(%dma_wait3A_1362 : memref<1x100001xf32, #tpu.memory_space<hbm>>) dst(%arg9 : memref<1x100001xf32, #tpu.memory_space<vmem>>)
        tpu.yield
      }) : () -> ()
    } else {
    }
    %eq3A_860 = arith.constant 3 : i32
    %eq3A_861 = arith.cmpi eq, %select_n3A, %eq3A_860 : i32
    %convert_element_type3A_862 = arith.extui %eq3A_861 : i1 to i32
    %cond3A_863 = arith.constant 0 : i32
    %cond3A_864 = arith.cmpi ne, %convert_element_type3A_862, %cond3A_863 : i32
    scf.if %cond3A_864 {
      "tpu.region"() ({
        %run_scoped3A = tpu.sem_alloc : memref<!tpu.dma_semaphore, #tpu.memory_space<semaphore_mem>>
        %dma_start3A_1355 = arith.constant 0 : i32
        %dma_start3A_1356 = tpu.memref_slice %arg5[%add3A_844, %dma_start3A_1355] : memref<64x100001xf32, #tpu.memory_space<hbm>> -> memref<1x100001xf32, #tpu.memory_space<hbm>>
        %dma_start3A_1357 = arith.constant 0 : i32
        %dma_start3A_1358 = tpu.memref_slice %arg5[%add3A_844, %dma_start3A_1357] : memref<64x100001xf32, #tpu.memory_space<hbm>> -> memref<1x100001xf32, #tpu.memory_space<hbm>>
        tpu.enqueue_dma source(%dma_start3A_1358 : memref<1x100001xf32, #tpu.memory_space<hbm>>) target(%arg9 : memref<1x100001xf32, #tpu.memory_space<vmem>>) target_semaphore(%run_scoped3A : memref<!tpu.dma_semaphore, #tpu.memory_space<semaphore_mem>>)
        %dma_wait3A_1359 = arith.constant 0 : i32
        %dma_wait3A_1360 = tpu.memref_slice %arg5[%add3A_844, %dma_wait3A_1359] : memref<64x100001xf32, #tpu.memory_space<hbm>> -> memref<1x100001xf32, #tpu.memory_space<hbm>>
        %dma_wait3A_1361 = arith.constant 0 : i32
        %dma_wait3A_1362 = tpu.memref_slice %arg5[%add3A_844, %dma_wait3A_1361] : memref<64x100001xf32, #tpu.memory_space<hbm>> -> memref<1x100001xf32, #tpu.memory_space<hbm>>
        tpu.wait_dma2 semaphore(%run_scoped3A : memref<!tpu.dma_semaphore, #tpu.memory_space<semaphore_mem>>) src(%dma_wait3A_1362 : memref<1x100001xf32, #tpu.memory_space<hbm>>) dst(%arg9 : memref<1x100001xf32, #tpu.memory_space<vmem>>)
        tpu.yield
      }) : () -> ()
    } else {
    }
    %dma_wait3A_865 = arith.constant 0 : i32
    %dma_wait3A_866 = arith.constant 0 : i32
    %dma_wait3A_867 = arith.constant 0 : i32
    %dma_wait3A_868 = tpu.memref_slice %arg10[%dma_wait3A_865, %dma_wait3A_866, %dma_wait3A_867] : memref<2x1x4096xf32, #tpu.memory_space<vmem>> -> memref<1x1x4096xf32, #tpu.memory_space<vmem>>
    %dma_wait3A_869 = tpu.memref_squeeze %dma_wait3A_868 : memref<1x1x4096xf32, #tpu.memory_space<vmem>> -> memref<1x4096xf32, #tpu.memory_space<vmem>>
    %dma_wait3A_870 = arith.constant 8192 : i32
    %dma_wait3A_871 = tpu.memref_slice %arg7[%add3A_779, %dma_wait3A_870] : memref<256x16384xf32, #tpu.memory_space<hbm>> -> memref<1x4096xf32, #tpu.memory_space<hbm>>
    %dma_wait3A_872 = arith.constant 8192 : i32
    %dma_wait3A_873 = tpu.memref_slice %arg7[%add3A_779, %dma_wait3A_872] : memref<256x16384xf32, #tpu.memory_space<hbm>> -> memref<1x4096xf32, #tpu.memory_space<hbm>>
    %dma_wait3A_874 = arith.constant 0 : i32
    %dma_wait3A_875 = arith.constant 0 : i32
    %dma_wait3A_876 = tpu.memref_slice %arg10[%dma_wait3A_865, %dma_wait3A_874, %dma_wait3A_875] : memref<2x1x4096xf32, #tpu.memory_space<vmem>> -> memref<1x1x4096xf32, #tpu.memory_space<vmem>>
    %dma_wait3A_877 = tpu.memref_squeeze %dma_wait3A_876 : memref<1x1x4096xf32, #tpu.memory_space<vmem>> -> memref<1x4096xf32, #tpu.memory_space<vmem>>
    tpu.wait_dma2 semaphore(%arg11 : memref<!tpu.dma_semaphore, #tpu.memory_space<semaphore_mem>>) src(%dma_wait3A_877 : memref<1x4096xf32, #tpu.memory_space<vmem>>) dst(%dma_wait3A_873 : memref<1x4096xf32, #tpu.memory_space<hbm>>)
    %parallel_loop3A_878 = arith.constant 0 : i32
    %parallel_loop3A_879 = arith.constant 256 : i32
    %parallel_loop3A_880 = arith.constant 1 : i32
    scf.for %parallel_loop3A_1355 = %parallel_loop3A_878 to %parallel_loop3A_879 step %parallel_loop3A_880  : i32 {
      %parallel_loop3A_1356 = arith.constant 16 : i32
      %parallel_loop3A_1357 = arith.muli %parallel_loop3A_1355, %parallel_loop3A_1356 : i32
      %parallel_loop3A_1358 = arith.constant 0 : i32
      %parallel_loop3A_1359 = arith.addi %parallel_loop3A_1358, %parallel_loop3A_1357 : i32
      %parallel_loop3A_1360 = arith.constant 0 : i32
      %parallel_loop3A_1361 = arith.index_cast %parallel_loop3A_1360 : i32 to index
      %parallel_loop3A_1362 = arith.index_cast %parallel_loop3A_1359 : i32 to index
      %parallel_loop3A_1363 = tpu.vector_load %arg8[%parallel_loop3A_1361, %parallel_loop3A_1362] {strides = array<i32>} : memref<1x16384xi32, #tpu.memory_space<vmem>>, vector<16xi32>,
      %parallel_loop3A_1364 = tpu.vector_load_idx %arg9[%broadcast_in_dim3A_17, %parallel_loop3A_1363] : memref<1x100001xf32, #tpu.memory_space<vmem>>[vector<16xi32>, vector<16xi32>], vector<16xf32>,
      %parallel_loop3A_1365 = arith.constant 16 : i32
      %parallel_loop3A_1366 = arith.muli %parallel_loop3A_1355, %parallel_loop3A_1365 : i32
      %parallel_loop3A_1367 = arith.constant 0 : i32
      %parallel_loop3A_1368 = arith.constant 0 : i32
      %parallel_loop3A_1369 = arith.index_cast %parallel_loop3A_1367 : i32 to index
      %parallel_loop3A_1370 = arith.index_cast %parallel_loop3A_1368 : i32 to index
      %parallel_loop3A_1371 = arith.index_cast %parallel_loop3A_1366 : i32 to index
      %parallel_loop3A_1372 = tpu.vector_load %arg10[%parallel_loop3A_1369, %parallel_loop3A_1370, %parallel_loop3A_1371] {strides = array<i32>} : memref<2x1x4096xf32, #tpu.memory_space<vmem>>, vector<16xf32>,
      tpu.vector_store %arg10[%parallel_loop3A_1369, %parallel_loop3A_1370, %parallel_loop3A_1371], %parallel_loop3A_1364 {strides = array<i32>} : memref<2x1x4096xf32, #tpu.memory_space<vmem>>, vector<16xf32>,
    } {sc.loop_unroll_factor = 8 : i64, sc.parallel_access}
    %mul3A_881 = arith.constant 64 : i32
    %mul3A_882 = arith.muli %select_n3A, %mul3A_881 : i32
    %add3A_883 = arith.addi %mul3A_882, %add3A_844 : i32
    %dma_start3A_884 = arith.constant 0 : i32
    %dma_start3A_885 = arith.constant 0 : i32
    %dma_start3A_886 = arith.constant 0 : i32
    %dma_start3A_887 = tpu.memref_slice %arg10[%dma_start3A_884, %dma_start3A_885, %dma_start3A_886] : memref<2x1x4096xf32, #tpu.memory_space<vmem>> -> memref<1x1x4096xf32, #tpu.memory_space<vmem>>
    %dma_start3A_888 = tpu.memref_squeeze %dma_start3A_887 : memref<1x1x4096xf32, #tpu.memory_space<vmem>> -> memref<1x4096xf32, #tpu.memory_space<vmem>>
    %dma_start3A_889 = arith.constant 0 : i32
    %dma_start3A_890 = tpu.memref_slice %arg7[%add3A_883, %dma_start3A_889] : memref<256x16384xf32, #tpu.memory_space<hbm>> -> memref<1x4096xf32, #tpu.memory_space<hbm>>
    %dma_start3A_891 = arith.constant 0 : i32
    %dma_start3A_892 = tpu.memref_slice %arg7[%add3A_883, %dma_start3A_891] : memref<256x16384xf32, #tpu.memory_space<hbm>> -> memref<1x4096xf32, #tpu.memory_space<hbm>>
    %dma_start3A_893 = arith.constant 0 : i32
    %dma_start3A_894 = arith.constant 0 : i32
    %dma_start3A_895 = tpu.memref_slice %arg10[%dma_start3A_884, %dma_start3A_893, %dma_start3A_894] : memref<2x1x4096xf32, #tpu.memory_space<vmem>> -> memref<1x1x4096xf32, #tpu.memory_space<vmem>>
    %dma_start3A_896 = tpu.memref_squeeze %dma_start3A_895 : memref<1x1x4096xf32, #tpu.memory_space<vmem>> -> memref<1x4096xf32, #tpu.memory_space<vmem>>
    tpu.enqueue_dma source(%dma_start3A_896 : memref<1x4096xf32, #tpu.memory_space<vmem>>) target(%dma_start3A_892 : memref<1x4096xf32, #tpu.memory_space<hbm>>) target_semaphore(%arg11 : memref<!tpu.dma_semaphore, #tpu.memory_space<semaphore_mem>>)
    %dma_wait3A_897 = arith.constant 1 : i32
    %dma_wait3A_898 = arith.constant 0 : i32
    %dma_wait3A_899 = arith.constant 0 : i32
    %dma_wait3A_900 = tpu.memref_slice %arg10[%dma_wait3A_897, %dma_wait3A_898, %dma_wait3A_899] : memref<2x1x4096xf32, #tpu.memory_space<vmem>> -> memref<1x1x4096xf32, #tpu.memory_space<vmem>>
    %dma_wait3A_901 = tpu.memref_squeeze %dma_wait3A_900 : memref<1x1x4096xf32, #tpu.memory_space<vmem>> -> memref<1x4096xf32, #tpu.memory_space<vmem>>
    %dma_wait3A_902 = arith.constant 12288 : i32
    %dma_wait3A_903 = tpu.memref_slice %arg7[%add3A_811, %dma_wait3A_902] : memref<256x16384xf32, #tpu.memory_space<hbm>> -> memref<1x4096xf32, #tpu.memory_space<hbm>>
    %dma_wait3A_904 = arith.constant 12288 : i32
    %dma_wait3A_905 = tpu.memref_slice %arg7[%add3A_811, %dma_wait3A_904] : memref<256x16384xf32, #tpu.memory_space<hbm>> -> memref<1x4096xf32, #tpu.memory_space<hbm>>
    %dma_wait3A_906 = arith.constant 0 : i32
    %dma_wait3A_907 = arith.constant 0 : i32
    %dma_wait3A_908 = tpu.memref_slice %arg10[%dma_wait3A_897, %dma_wait3A_906, %dma_wait3A_907] : memref<2x1x4096xf32, #tpu.memory_space<vmem>> -> memref<1x1x4096xf32, #tpu.memory_space<vmem>>
    %dma_wait3A_909 = tpu.memref_squeeze %dma_wait3A_908 : memref<1x1x4096xf32, #tpu.memory_space<vmem>> -> memref<1x4096xf32, #tpu.memory_space<vmem>>
    tpu.wait_dma2 semaphore(%arg12 : memref<!tpu.dma_semaphore, #tpu.memory_space<semaphore_mem>>) src(%dma_wait3A_909 : memref<1x4096xf32, #tpu.memory_space<vmem>>) dst(%dma_wait3A_905 : memref<1x4096xf32, #tpu.memory_space<hbm>>)
    %parallel_loop3A_910 = arith.constant 0 : i32
    %parallel_loop3A_911 = arith.constant 256 : i32
    %parallel_loop3A_912 = arith.constant 1 : i32
    scf.for %parallel_loop3A_1355 = %parallel_loop3A_910 to %parallel_loop3A_911 step %parallel_loop3A_912  : i32 {
      %parallel_loop3A_1356 = arith.constant 16 : i32
      %parallel_loop3A_1357 = arith.muli %parallel_loop3A_1355, %parallel_loop3A_1356 : i32
      %parallel_loop3A_1358 = arith.constant 4096 : i32
      %parallel_loop3A_1359 = arith.addi %parallel_loop3A_1358, %parallel_loop3A_1357 : i32
      %parallel_loop3A_1360 = arith.constant 0 : i32
      %parallel_loop3A_1361 = arith.index_cast %parallel_loop3A_1360 : i32 to index
      %parallel_loop3A_1362 = arith.index_cast %parallel_loop3A_1359 : i32 to index
      %parallel_loop3A_1363 = tpu.vector_load %arg8[%parallel_loop3A_1361, %parallel_loop3A_1362] {strides = array<i32>} : memref<1x16384xi32, #tpu.memory_space<vmem>>, vector<16xi32>,
      %parallel_loop3A_1364 = tpu.vector_load_idx %arg9[%broadcast_in_dim3A_17, %parallel_loop3A_1363] : memref<1x100001xf32, #tpu.memory_space<vmem>>[vector<16xi32>, vector<16xi32>], vector<16xf32>,
      %parallel_loop3A_1365 = arith.constant 16 : i32
      %parallel_loop3A_1366 = arith.muli %parallel_loop3A_1355, %parallel_loop3A_1365 : i32
      %parallel_loop3A_1367 = arith.constant 1 : i32
      %parallel_loop3A_1368 = arith.constant 0 : i32
      %parallel_loop3A_1369 = arith.index_cast %parallel_loop3A_1367 : i32 to index
      %parallel_loop3A_1370 = arith.index_cast %parallel_loop3A_1368 : i32 to index
      %parallel_loop3A_1371 = arith.index_cast %parallel_loop3A_1366 : i32 to index
      %parallel_loop3A_1372 = tpu.vector_load %arg10[%parallel_loop3A_1369, %parallel_loop3A_1370, %parallel_loop3A_1371] {strides = array<i32>} : memref<2x1x4096xf32, #tpu.memory_space<vmem>>, vector<16xf32>,
      tpu.vector_store %arg10[%parallel_loop3A_1369, %parallel_loop3A_1370, %parallel_loop3A_1371], %parallel_loop3A_1364 {strides = array<i32>} : memref<2x1x4096xf32, #tpu.memory_space<vmem>>, vector<16xf32>,
    } {sc.loop_unroll_factor = 8 : i64, sc.parallel_access}
    %mul3A_913 = arith.constant 64 : i32
    %mul3A_914 = arith.muli %select_n3A, %mul3A_913 : i32
    %add3A_915 = arith.addi %mul3A_914, %add3A_844 : i32
    %dma_start3A_916 = arith.constant 1 : i32
    %dma_start3A_917 = arith.constant 0 : i32
    %dma_start3A_918 = arith.constant 0 : i32
    %dma_start3A_919 = tpu.memref_slice %arg10[%dma_start3A_916, %dma_start3A_917, %dma_start3A_918] : memref<2x1x4096xf32, #tpu.memory_space<vmem>> -> memref<1x1x4096xf32, #tpu.memory_space<vmem>>
    %dma_start3A_920 = tpu.memref_squeeze %dma_start3A_919 : memref<1x1x4096xf32, #tpu.memory_space<vmem>> -> memref<1x4096xf32, #tpu.memory_space<vmem>>
    %dma_start3A_921 = arith.constant 4096 : i32
    %dma_start3A_922 = tpu.memref_slice %arg7[%add3A_915, %dma_start3A_921] : memref<256x16384xf32, #tpu.memory_space<hbm>> -> memref<1x4096xf32, #tpu.memory_space<hbm>>
    %dma_start3A_923 = arith.constant 4096 : i32
    %dma_start3A_924 = tpu.memref_slice %arg7[%add3A_915, %dma_start3A_923] : memref<256x16384xf32, #tpu.memory_space<hbm>> -> memref<1x4096xf32, #tpu.memory_space<hbm>>
    %dma_start3A_925 = arith.constant 0 : i32
    %dma_start3A_926 = arith.constant 0 : i32
    %dma_start3A_927 = tpu.memref_slice %arg10[%dma_start3A_916, %dma_start3A_925, %dma_start3A_926] : memref<2x1x4096xf32, #tpu.memory_space<vmem>> -> memref<1x1x4096xf32, #tpu.memory_space<vmem>>
    %dma_start3A_928 = tpu.memref_squeeze %dma_start3A_927 : memref<1x1x4096xf32, #tpu.memory_space<vmem>> -> memref<1x4096xf32, #tpu.memory_space<vmem>>
    tpu.enqueue_dma source(%dma_start3A_928 : memref<1x4096xf32, #tpu.memory_space<vmem>>) target(%dma_start3A_924 : memref<1x4096xf32, #tpu.memory_space<hbm>>) target_semaphore(%arg12 : memref<!tpu.dma_semaphore, #tpu.memory_space<semaphore_mem>>)
    %dma_wait3A_929 = arith.constant 0 : i32
    %dma_wait3A_930 = arith.constant 0 : i32
    %dma_wait3A_931 = arith.constant 0 : i32
    %dma_wait3A_932 = tpu.memref_slice %arg10[%dma_wait3A_929, %dma_wait3A_930, %dma_wait3A_931] : memref<2x1x4096xf32, #tpu.memory_space<vmem>> -> memref<1x1x4096xf32, #tpu.memory_space<vmem>>
    %dma_wait3A_933 = tpu.memref_squeeze %dma_wait3A_932 : memref<1x1x4096xf32, #tpu.memory_space<vmem>> -> memref<1x4096xf32, #tpu.memory_space<vmem>>
    %dma_wait3A_934 = arith.constant 0 : i32
    %dma_wait3A_935 = tpu.memref_slice %arg7[%add3A_883, %dma_wait3A_934] : memref<256x16384xf32, #tpu.memory_space<hbm>> -> memref<1x4096xf32, #tpu.memory_space<hbm>>
    %dma_wait3A_936 = arith.constant 0 : i32
    %dma_wait3A_937 = tpu.memref_slice %arg7[%add3A_883, %dma_wait3A_936] : memref<256x16384xf32, #tpu.memory_space<hbm>> -> memref<1x4096xf32, #tpu.memory_space<hbm>>
    %dma_wait3A_938 = arith.constant 0 : i32
    %dma_wait3A_939 = arith.constant 0 : i32
    %dma_wait3A_940 = tpu.memref_slice %arg10[%dma_wait3A_929, %dma_wait3A_938, %dma_wait3A_939] : memref<2x1x4096xf32, #tpu.memory_space<vmem>> -> memref<1x1x4096xf32, #tpu.memory_space<vmem>>
    %dma_wait3A_941 = tpu.memref_squeeze %dma_wait3A_940 : memref<1x1x4096xf32, #tpu.memory_space<vmem>> -> memref<1x4096xf32, #tpu.memory_space<vmem>>
    tpu.wait_dma2 semaphore(%arg11 : memref<!tpu.dma_semaphore, #tpu.memory_space<semaphore_mem>>) src(%dma_wait3A_941 : memref<1x4096xf32, #tpu.memory_space<vmem>>) dst(%dma_wait3A_937 : memref<1x4096xf32, #tpu.memory_space<hbm>>)
    %parallel_loop3A_942 = arith.constant 0 : i32
    %parallel_loop3A_943 = arith.constant 256 : i32
    %parallel_loop3A_944 = arith.constant 1 : i32
    scf.for %parallel_loop3A_1355 = %parallel_loop3A_942 to %parallel_loop3A_943 step %parallel_loop3A_944  : i32 {
      %parallel_loop3A_1356 = arith.constant 16 : i32
      %parallel_loop3A_1357 = arith.muli %parallel_loop3A_1355, %parallel_loop3A_1356 : i32
      %parallel_loop3A_1358 = arith.constant 8192 : i32
      %parallel_loop3A_1359 = arith.addi %parallel_loop3A_1358, %parallel_loop3A_1357 : i32
      %parallel_loop3A_1360 = arith.constant 0 : i32
      %parallel_loop3A_1361 = arith.index_cast %parallel_loop3A_1360 : i32 to index
      %parallel_loop3A_1362 = arith.index_cast %parallel_loop3A_1359 : i32 to index
      %parallel_loop3A_1363 = tpu.vector_load %arg8[%parallel_loop3A_1361, %parallel_loop3A_1362] {strides = array<i32>} : memref<1x16384xi32, #tpu.memory_space<vmem>>, vector<16xi32>,
      %parallel_loop3A_1364 = tpu.vector_load_idx %arg9[%broadcast_in_dim3A_17, %parallel_loop3A_1363] : memref<1x100001xf32, #tpu.memory_space<vmem>>[vector<16xi32>, vector<16xi32>], vector<16xf32>,
      %parallel_loop3A_1365 = arith.constant 16 : i32
      %parallel_loop3A_1366 = arith.muli %parallel_loop3A_1355, %parallel_loop3A_1365 : i32
      %parallel_loop3A_1367 = arith.constant 0 : i32
      %parallel_loop3A_1368 = arith.constant 0 : i32
      %parallel_loop3A_1369 = arith.index_cast %parallel_loop3A_1367 : i32 to index
      %parallel_loop3A_1370 = arith.index_cast %parallel_loop3A_1368 : i32 to index
      %parallel_loop3A_1371 = arith.index_cast %parallel_loop3A_1366 : i32 to index
      %parallel_loop3A_1372 = tpu.vector_load %arg10[%parallel_loop3A_1369, %parallel_loop3A_1370, %parallel_loop3A_1371] {strides = array<i32>} : memref<2x1x4096xf32, #tpu.memory_space<vmem>>, vector<16xf32>,
      tpu.vector_store %arg10[%parallel_loop3A_1369, %parallel_loop3A_1370, %parallel_loop3A_1371], %parallel_loop3A_1364 {strides = array<i32>} : memref<2x1x4096xf32, #tpu.memory_space<vmem>>, vector<16xf32>,
    } {sc.loop_unroll_factor = 8 : i64, sc.parallel_access}
    %mul3A_945 = arith.constant 64 : i32
    %mul3A_946 = arith.muli %select_n3A, %mul3A_945 : i32
    %add3A_947 = arith.addi %mul3A_946, %add3A_844 : i32
    %dma_start3A_948 = arith.constant 0 : i32
    %dma_start3A_949 = arith.constant 0 : i32
    %dma_start3A_950 = arith.constant 0 : i32
    %dma_start3A_951 = tpu.memref_slice %arg10[%dma_start3A_948, %dma_start3A_949, %dma_start3A_950] : memref<2x1x4096xf32, #tpu.memory_space<vmem>> -> memref<1x1x4096xf32, #tpu.memory_space<vmem>>
    %dma_start3A_952 = tpu.memref_squeeze %dma_start3A_951 : memref<1x1x4096xf32, #tpu.memory_space<vmem>> -> memref<1x4096xf32, #tpu.memory_space<vmem>>
    %dma_start3A_953 = arith.constant 8192 : i32
    %dma_start3A_954 = tpu.memref_slice %arg7[%add3A_947, %dma_start3A_953] : memref<256x16384xf32, #tpu.memory_space<hbm>> -> memref<1x4096xf32, #tpu.memory_space<hbm>>
    %dma_start3A_955 = arith.constant 8192 : i32
    %dma_start3A_956 = tpu.memref_slice %arg7[%add3A_947, %dma_start3A_955] : memref<256x16384xf32, #tpu.memory_space<hbm>> -> memref<1x4096xf32, #tpu.memory_space<hbm>>
    %dma_start3A_957 = arith.constant 0 : i32
    %dma_start3A_958 = arith.constant 0 : i32
    %dma_start3A_959 = tpu.memref_slice %arg10[%dma_start3A_948, %dma_start3A_957, %dma_start3A_958] : memref<2x1x4096xf32, #tpu.memory_space<vmem>> -> memref<1x1x4096xf32, #tpu.memory_space<vmem>>
    %dma_start3A_960 = tpu.memref_squeeze %dma_start3A_959 : memref<1x1x4096xf32, #tpu.memory_space<vmem>> -> memref<1x4096xf32, #tpu.memory_space<vmem>>
    tpu.enqueue_dma source(%dma_start3A_960 : memref<1x4096xf32, #tpu.memory_space<vmem>>) target(%dma_start3A_956 : memref<1x4096xf32, #tpu.memory_space<hbm>>) target_semaphore(%arg11 : memref<!tpu.dma_semaphore, #tpu.memory_space<semaphore_mem>>)
    %dma_wait3A_961 = arith.constant 1 : i32
    %dma_wait3A_962 = arith.constant 0 : i32
    %dma_wait3A_963 = arith.constant 0 : i32
    %dma_wait3A_964 = tpu.memref_slice %arg10[%dma_wait3A_961, %dma_wait3A_962, %dma_wait3A_963] : memref<2x1x4096xf32, #tpu.memory_space<vmem>> -> memref<1x1x4096xf32, #tpu.memory_space<vmem>>
    %dma_wait3A_965 = tpu.memref_squeeze %dma_wait3A_964 : memref<1x1x4096xf32, #tpu.memory_space<vmem>> -> memref<1x4096xf32, #tpu.memory_space<vmem>>
    %dma_wait3A_966 = arith.constant 4096 : i32
    %dma_wait3A_967 = tpu.memref_slice %arg7[%add3A_915, %dma_wait3A_966] : memref<256x16384xf32, #tpu.memory_space<hbm>> -> memref<1x4096xf32, #tpu.memory_space<hbm>>
    %dma_wait3A_968 = arith.constant 4096 : i32
    %dma_wait3A_969 = tpu.memref_slice %arg7[%add3A_915, %dma_wait3A_968] : memref<256x16384xf32, #tpu.memory_space<hbm>> -> memref<1x4096xf32, #tpu.memory_space<hbm>>
    %dma_wait3A_970 = arith.constant 0 : i32
    %dma_wait3A_971 = arith.constant 0 : i32
    %dma_wait3A_972 = tpu.memref_slice %arg10[%dma_wait3A_961, %dma_wait3A_970, %dma_wait3A_971] : memref<2x1x4096xf32, #tpu.memory_space<vmem>> -> memref<1x1x4096xf32, #tpu.memory_space<vmem>>
    %dma_wait3A_973 = tpu.memref_squeeze %dma_wait3A_972 : memref<1x1x4096xf32, #tpu.memory_space<vmem>> -> memref<1x4096xf32, #tpu.memory_space<vmem>>
    tpu.wait_dma2 semaphore(%arg12 : memref<!tpu.dma_semaphore, #tpu.memory_space<semaphore_mem>>) src(%dma_wait3A_973 : memref<1x4096xf32, #tpu.memory_space<vmem>>) dst(%dma_wait3A_969 : memref<1x4096xf32, #tpu.memory_space<hbm>>)
    %parallel_loop3A_974 = arith.constant 0 : i32
    %parallel_loop3A_975 = arith.constant 256 : i32
    %parallel_loop3A_976 = arith.constant 1 : i32
    scf.for %parallel_loop3A_1355 = %parallel_loop3A_974 to %parallel_loop3A_975 step %parallel_loop3A_976  : i32 {
      %parallel_loop3A_1356 = arith.constant 16 : i32
      %parallel_loop3A_1357 = arith.muli %parallel_loop3A_1355, %parallel_loop3A_1356 : i32
      %parallel_loop3A_1358 = arith.constant 12288 : i32
      %parallel_loop3A_1359 = arith.addi %parallel_loop3A_1358, %parallel_loop3A_1357 : i32
      %parallel_loop3A_1360 = arith.constant 0 : i32
      %parallel_loop3A_1361 = arith.index_cast %parallel_loop3A_1360 : i32 to index
      %parallel_loop3A_1362 = arith.index_cast %parallel_loop3A_1359 : i32 to index
      %parallel_loop3A_1363 = tpu.vector_load %arg8[%parallel_loop3A_1361, %parallel_loop3A_1362] {strides = array<i32>} : memref<1x16384xi32, #tpu.memory_space<vmem>>, vector<16xi32>,
      %parallel_loop3A_1364 = tpu.vector_load_idx %arg9[%broadcast_in_dim3A_17, %parallel_loop3A_1363] : memref<1x100001xf32, #tpu.memory_space<vmem>>[vector<16xi32>, vector<16xi32>], vector<16xf32>,
      %parallel_loop3A_1365 = arith.constant 16 : i32
      %parallel_loop3A_1366 = arith.muli %parallel_loop3A_1355, %parallel_loop3A_1365 : i32
      %parallel_loop3A_1367 = arith.constant 1 : i32
      %parallel_loop3A_1368 = arith.constant 0 : i32
      %parallel_loop3A_1369 = arith.index_cast %parallel_loop3A_1367 : i32 to index
      %parallel_loop3A_1370 = arith.index_cast %parallel_loop3A_1368 : i32 to index
      %parallel_loop3A_1371 = arith.index_cast %parallel_loop3A_1366 : i32 to index
      %parallel_loop3A_1372 = tpu.vector_load %arg10[%parallel_loop3A_1369, %parallel_loop3A_1370, %parallel_loop3A_1371] {strides = array<i32>} : memref<2x1x4096xf32, #tpu.memory_space<vmem>>, vector<16xf32>,
      tpu.vector_store %arg10[%parallel_loop3A_1369, %parallel_loop3A_1370, %parallel_loop3A_1371], %parallel_loop3A_1364 {strides = array<i32>} : memref<2x1x4096xf32, #tpu.memory_space<vmem>>, vector<16xf32>,
    } {sc.loop_unroll_factor = 8 : i64, sc.parallel_access}
    %mul3A_977 = arith.constant 64 : i32
    %mul3A_978 = arith.muli %select_n3A, %mul3A_977 : i32
    %add3A_979 = arith.addi %mul3A_978, %add3A_844 : i32
    %dma_start3A_980 = arith.constant 1 : i32
    %dma_start3A_981 = arith.constant 0 : i32
    %dma_start3A_982 = arith.constant 0 : i32
    %dma_start3A_983 = tpu.memref_slice %arg10[%dma_start3A_980, %dma_start3A_981, %dma_start3A_982] : memref<2x1x4096xf32, #tpu.memory_space<vmem>> -> memref<1x1x4096xf32, #tpu.memory_space<vmem>>
    %dma_start3A_984 = tpu.memref_squeeze %dma_start3A_983 : memref<1x1x4096xf32, #tpu.memory_space<vmem>> -> memref<1x4096xf32, #tpu.memory_space<vmem>>
    %dma_start3A_985 = arith.constant 12288 : i32
    %dma_start3A_986 = tpu.memref_slice %arg7[%add3A_979, %dma_start3A_985] : memref<256x16384xf32, #tpu.memory_space<hbm>> -> memref<1x4096xf32, #tpu.memory_space<hbm>>
    %dma_start3A_987 = arith.constant 12288 : i32
    %dma_start3A_988 = tpu.memref_slice %arg7[%add3A_979, %dma_start3A_987] : memref<256x16384xf32, #tpu.memory_space<hbm>> -> memref<1x4096xf32, #tpu.memory_space<hbm>>
    %dma_start3A_989 = arith.constant 0 : i32
    %dma_start3A_990 = arith.constant 0 : i32
    %dma_start3A_991 = tpu.memref_slice %arg10[%dma_start3A_980, %dma_start3A_989, %dma_start3A_990] : memref<2x1x4096xf32, #tpu.memory_space<vmem>> -> memref<1x1x4096xf32, #tpu.memory_space<vmem>>
    %dma_start3A_992 = tpu.memref_squeeze %dma_start3A_991 : memref<1x1x4096xf32, #tpu.memory_space<vmem>> -> memref<1x4096xf32, #tpu.memory_space<vmem>>
    tpu.enqueue_dma source(%dma_start3A_992 : memref<1x4096xf32, #tpu.memory_space<vmem>>) target(%dma_start3A_988 : memref<1x4096xf32, #tpu.memory_space<hbm>>) target_semaphore(%arg12 : memref<!tpu.dma_semaphore, #tpu.memory_space<semaphore_mem>>)
    %jit3A_993 = arith.constant 8 : i32
    %eq3A_994 = arith.constant 0 : i32
    %eq3A_995 = arith.cmpi eq, %jit3A_993, %eq3A_994 : i32
    %jit3A_996 = arith.constant 1 : i32
    %select_n3A_997 = arith.select %eq3A_995, %jit3A_996, %jit3A_993 : i32
    %rem3A_998 = arith.remsi %add3A, %select_n3A_997 : i32
    %ne3A_999 = arith.constant 0 : i32
    %ne3A_1000 = arith.cmpi ne, %rem3A_998, %ne3A_999 : i32
    %lt3A_1001 = arith.constant 0 : i32
    %lt3A_1002 = arith.cmpi slt, %rem3A_998, %lt3A_1001 : i32
    %lt3A_1003 = arith.constant 0 : i32
    %lt3A_1004 = arith.cmpi slt, %select_n3A_997, %lt3A_1003 : i32
    %ne3A_1005 = arith.xori %lt3A_1002, %lt3A_1004 : i1
    %and3A_1006 = arith.andi %ne3A_1005, %ne3A_1000 : i1
    %add3A_1007 = arith.addi %rem3A_998, %select_n3A_997 : i32
    %select_n3A_1008 = arith.select %and3A_1006, %add3A_1007, %rem3A_998 : i32
    %mul3A_1009 = arith.constant 8 : i32
    %mul3A_1010 = arith.muli %select_n3A_1008, %mul3A_1009 : i32
    %add3A_1011 = arith.constant 6 : i32
    %add3A_1012 = arith.addi %mul3A_1010, %add3A_1011 : i32
    %eq3A_1013 = arith.constant 0 : i32
    %eq3A_1014 = arith.cmpi eq, %select_n3A, %eq3A_1013 : i32
    %convert_element_type3A_1015 = arith.extui %eq3A_1014 : i1 to i32
    %cond3A_1016 = arith.constant 0 : i32
    %cond3A_1017 = arith.cmpi ne, %convert_element_type3A_1015, %cond3A_1016 : i32
    scf.if %cond3A_1017 {
      "tpu.region"() ({
        %run_scoped3A = tpu.sem_alloc : memref<!tpu.dma_semaphore, #tpu.memory_space<semaphore_mem>>
        %dma_start3A_1355 = arith.constant 0 : i32
        %dma_start3A_1356 = tpu.memref_slice %arg2[%add3A_1012, %dma_start3A_1355] : memref<64x100001xf32, #tpu.memory_space<hbm>> -> memref<1x100001xf32, #tpu.memory_space<hbm>>
        %dma_start3A_1357 = arith.constant 0 : i32
        %dma_start3A_1358 = tpu.memref_slice %arg2[%add3A_1012, %dma_start3A_1357] : memref<64x100001xf32, #tpu.memory_space<hbm>> -> memref<1x100001xf32, #tpu.memory_space<hbm>>
        tpu.enqueue_dma source(%dma_start3A_1358 : memref<1x100001xf32, #tpu.memory_space<hbm>>) target(%arg9 : memref<1x100001xf32, #tpu.memory_space<vmem>>) target_semaphore(%run_scoped3A : memref<!tpu.dma_semaphore, #tpu.memory_space<semaphore_mem>>)
        %dma_wait3A_1359 = arith.constant 0 : i32
        %dma_wait3A_1360 = tpu.memref_slice %arg2[%add3A_1012, %dma_wait3A_1359] : memref<64x100001xf32, #tpu.memory_space<hbm>> -> memref<1x100001xf32, #tpu.memory_space<hbm>>
        %dma_wait3A_1361 = arith.constant 0 : i32
        %dma_wait3A_1362 = tpu.memref_slice %arg2[%add3A_1012, %dma_wait3A_1361] : memref<64x100001xf32, #tpu.memory_space<hbm>> -> memref<1x100001xf32, #tpu.memory_space<hbm>>
        tpu.wait_dma2 semaphore(%run_scoped3A : memref<!tpu.dma_semaphore, #tpu.memory_space<semaphore_mem>>) src(%dma_wait3A_1362 : memref<1x100001xf32, #tpu.memory_space<hbm>>) dst(%arg9 : memref<1x100001xf32, #tpu.memory_space<vmem>>)
        tpu.yield
      }) : () -> ()
    } else {
    }
    %eq3A_1018 = arith.constant 1 : i32
    %eq3A_1019 = arith.cmpi eq, %select_n3A, %eq3A_1018 : i32
    %convert_element_type3A_1020 = arith.extui %eq3A_1019 : i1 to i32
    %cond3A_1021 = arith.constant 0 : i32
    %cond3A_1022 = arith.cmpi ne, %convert_element_type3A_1020, %cond3A_1021 : i32
    scf.if %cond3A_1022 {
      "tpu.region"() ({
        %run_scoped3A = tpu.sem_alloc : memref<!tpu.dma_semaphore, #tpu.memory_space<semaphore_mem>>
        %dma_start3A_1355 = arith.constant 0 : i32
        %dma_start3A_1356 = tpu.memref_slice %arg3[%add3A_1012, %dma_start3A_1355] : memref<64x100001xf32, #tpu.memory_space<hbm>> -> memref<1x100001xf32, #tpu.memory_space<hbm>>
        %dma_start3A_1357 = arith.constant 0 : i32
        %dma_start3A_1358 = tpu.memref_slice %arg3[%add3A_1012, %dma_start3A_1357] : memref<64x100001xf32, #tpu.memory_space<hbm>> -> memref<1x100001xf32, #tpu.memory_space<hbm>>
        tpu.enqueue_dma source(%dma_start3A_1358 : memref<1x100001xf32, #tpu.memory_space<hbm>>) target(%arg9 : memref<1x100001xf32, #tpu.memory_space<vmem>>) target_semaphore(%run_scoped3A : memref<!tpu.dma_semaphore, #tpu.memory_space<semaphore_mem>>)
        %dma_wait3A_1359 = arith.constant 0 : i32
        %dma_wait3A_1360 = tpu.memref_slice %arg3[%add3A_1012, %dma_wait3A_1359] : memref<64x100001xf32, #tpu.memory_space<hbm>> -> memref<1x100001xf32, #tpu.memory_space<hbm>>
        %dma_wait3A_1361 = arith.constant 0 : i32
        %dma_wait3A_1362 = tpu.memref_slice %arg3[%add3A_1012, %dma_wait3A_1361] : memref<64x100001xf32, #tpu.memory_space<hbm>> -> memref<1x100001xf32, #tpu.memory_space<hbm>>
        tpu.wait_dma2 semaphore(%run_scoped3A : memref<!tpu.dma_semaphore, #tpu.memory_space<semaphore_mem>>) src(%dma_wait3A_1362 : memref<1x100001xf32, #tpu.memory_space<hbm>>) dst(%arg9 : memref<1x100001xf32, #tpu.memory_space<vmem>>)
        tpu.yield
      }) : () -> ()
    } else {
    }
    %eq3A_1023 = arith.constant 2 : i32
    %eq3A_1024 = arith.cmpi eq, %select_n3A, %eq3A_1023 : i32
    %convert_element_type3A_1025 = arith.extui %eq3A_1024 : i1 to i32
    %cond3A_1026 = arith.constant 0 : i32
    %cond3A_1027 = arith.cmpi ne, %convert_element_type3A_1025, %cond3A_1026 : i32
    scf.if %cond3A_1027 {
      "tpu.region"() ({
        %run_scoped3A = tpu.sem_alloc : memref<!tpu.dma_semaphore, #tpu.memory_space<semaphore_mem>>
        %dma_start3A_1355 = arith.constant 0 : i32
        %dma_start3A_1356 = tpu.memref_slice %arg4[%add3A_1012, %dma_start3A_1355] : memref<64x100001xf32, #tpu.memory_space<hbm>> -> memref<1x100001xf32, #tpu.memory_space<hbm>>
        %dma_start3A_1357 = arith.constant 0 : i32
        %dma_start3A_1358 = tpu.memref_slice %arg4[%add3A_1012, %dma_start3A_1357] : memref<64x100001xf32, #tpu.memory_space<hbm>> -> memref<1x100001xf32, #tpu.memory_space<hbm>>
        tpu.enqueue_dma source(%dma_start3A_1358 : memref<1x100001xf32, #tpu.memory_space<hbm>>) target(%arg9 : memref<1x100001xf32, #tpu.memory_space<vmem>>) target_semaphore(%run_scoped3A : memref<!tpu.dma_semaphore, #tpu.memory_space<semaphore_mem>>)
        %dma_wait3A_1359 = arith.constant 0 : i32
        %dma_wait3A_1360 = tpu.memref_slice %arg4[%add3A_1012, %dma_wait3A_1359] : memref<64x100001xf32, #tpu.memory_space<hbm>> -> memref<1x100001xf32, #tpu.memory_space<hbm>>
        %dma_wait3A_1361 = arith.constant 0 : i32
        %dma_wait3A_1362 = tpu.memref_slice %arg4[%add3A_1012, %dma_wait3A_1361] : memref<64x100001xf32, #tpu.memory_space<hbm>> -> memref<1x100001xf32, #tpu.memory_space<hbm>>
        tpu.wait_dma2 semaphore(%run_scoped3A : memref<!tpu.dma_semaphore, #tpu.memory_space<semaphore_mem>>) src(%dma_wait3A_1362 : memref<1x100001xf32, #tpu.memory_space<hbm>>) dst(%arg9 : memref<1x100001xf32, #tpu.memory_space<vmem>>)
        tpu.yield
      }) : () -> ()
    } else {
    }
    %eq3A_1028 = arith.constant 3 : i32
    %eq3A_1029 = arith.cmpi eq, %select_n3A, %eq3A_1028 : i32
    %convert_element_type3A_1030 = arith.extui %eq3A_1029 : i1 to i32
    %cond3A_1031 = arith.constant 0 : i32
    %cond3A_1032 = arith.cmpi ne, %convert_element_type3A_1030, %cond3A_1031 : i32
    scf.if %cond3A_1032 {
      "tpu.region"() ({
        %run_scoped3A = tpu.sem_alloc : memref<!tpu.dma_semaphore, #tpu.memory_space<semaphore_mem>>
        %dma_start3A_1355 = arith.constant 0 : i32
        %dma_start3A_1356 = tpu.memref_slice %arg5[%add3A_1012, %dma_start3A_1355] : memref<64x100001xf32, #tpu.memory_space<hbm>> -> memref<1x100001xf32, #tpu.memory_space<hbm>>
        %dma_start3A_1357 = arith.constant 0 : i32
        %dma_start3A_1358 = tpu.memref_slice %arg5[%add3A_1012, %dma_start3A_1357] : memref<64x100001xf32, #tpu.memory_space<hbm>> -> memref<1x100001xf32, #tpu.memory_space<hbm>>
        tpu.enqueue_dma source(%dma_start3A_1358 : memref<1x100001xf32, #tpu.memory_space<hbm>>) target(%arg9 : memref<1x100001xf32, #tpu.memory_space<vmem>>) target_semaphore(%run_scoped3A : memref<!tpu.dma_semaphore, #tpu.memory_space<semaphore_mem>>)
        %dma_wait3A_1359 = arith.constant 0 : i32
        %dma_wait3A_1360 = tpu.memref_slice %arg5[%add3A_1012, %dma_wait3A_1359] : memref<64x100001xf32, #tpu.memory_space<hbm>> -> memref<1x100001xf32, #tpu.memory_space<hbm>>
        %dma_wait3A_1361 = arith.constant 0 : i32
        %dma_wait3A_1362 = tpu.memref_slice %arg5[%add3A_1012, %dma_wait3A_1361] : memref<64x100001xf32, #tpu.memory_space<hbm>> -> memref<1x100001xf32, #tpu.memory_space<hbm>>
        tpu.wait_dma2 semaphore(%run_scoped3A : memref<!tpu.dma_semaphore, #tpu.memory_space<semaphore_mem>>) src(%dma_wait3A_1362 : memref<1x100001xf32, #tpu.memory_space<hbm>>) dst(%arg9 : memref<1x100001xf32, #tpu.memory_space<vmem>>)
        tpu.yield
      }) : () -> ()
    } else {
    }
    %dma_wait3A_1033 = arith.constant 0 : i32
    %dma_wait3A_1034 = arith.constant 0 : i32
    %dma_wait3A_1035 = arith.constant 0 : i32
    %dma_wait3A_1036 = tpu.memref_slice %arg10[%dma_wait3A_1033, %dma_wait3A_1034, %dma_wait3A_1035] : memref<2x1x4096xf32, #tpu.memory_space<vmem>> -> memref<1x1x4096xf32, #tpu.memory_space<vmem>>
    %dma_wait3A_1037 = tpu.memref_squeeze %dma_wait3A_1036 : memref<1x1x4096xf32, #tpu.memory_space<vmem>> -> memref<1x4096xf32, #tpu.memory_space<vmem>>
    %dma_wait3A_1038 = arith.constant 8192 : i32
    %dma_wait3A_1039 = tpu.memref_slice %arg7[%add3A_947, %dma_wait3A_1038] : memref<256x16384xf32, #tpu.memory_space<hbm>> -> memref<1x4096xf32, #tpu.memory_space<hbm>>
    %dma_wait3A_1040 = arith.constant 8192 : i32
    %dma_wait3A_1041 = tpu.memref_slice %arg7[%add3A_947, %dma_wait3A_1040] : memref<256x16384xf32, #tpu.memory_space<hbm>> -> memref<1x4096xf32, #tpu.memory_space<hbm>>
    %dma_wait3A_1042 = arith.constant 0 : i32
    %dma_wait3A_1043 = arith.constant 0 : i32
    %dma_wait3A_1044 = tpu.memref_slice %arg10[%dma_wait3A_1033, %dma_wait3A_1042, %dma_wait3A_1043] : memref<2x1x4096xf32, #tpu.memory_space<vmem>> -> memref<1x1x4096xf32, #tpu.memory_space<vmem>>
    %dma_wait3A_1045 = tpu.memref_squeeze %dma_wait3A_1044 : memref<1x1x4096xf32, #tpu.memory_space<vmem>> -> memref<1x4096xf32, #tpu.memory_space<vmem>>
    tpu.wait_dma2 semaphore(%arg11 : memref<!tpu.dma_semaphore, #tpu.memory_space<semaphore_mem>>) src(%dma_wait3A_1045 : memref<1x4096xf32, #tpu.memory_space<vmem>>) dst(%dma_wait3A_1041 : memref<1x4096xf32, #tpu.memory_space<hbm>>)
    %parallel_loop3A_1046 = arith.constant 0 : i32
    %parallel_loop3A_1047 = arith.constant 256 : i32
    %parallel_loop3A_1048 = arith.constant 1 : i32
    scf.for %parallel_loop3A_1355 = %parallel_loop3A_1046 to %parallel_loop3A_1047 step %parallel_loop3A_1048  : i32 {
      %parallel_loop3A_1356 = arith.constant 16 : i32
      %parallel_loop3A_1357 = arith.muli %parallel_loop3A_1355, %parallel_loop3A_1356 : i32
      %parallel_loop3A_1358 = arith.constant 0 : i32
      %parallel_loop3A_1359 = arith.addi %parallel_loop3A_1358, %parallel_loop3A_1357 : i32
      %parallel_loop3A_1360 = arith.constant 0 : i32
      %parallel_loop3A_1361 = arith.index_cast %parallel_loop3A_1360 : i32 to index
      %parallel_loop3A_1362 = arith.index_cast %parallel_loop3A_1359 : i32 to index
      %parallel_loop3A_1363 = tpu.vector_load %arg8[%parallel_loop3A_1361, %parallel_loop3A_1362] {strides = array<i32>} : memref<1x16384xi32, #tpu.memory_space<vmem>>, vector<16xi32>,
      %parallel_loop3A_1364 = tpu.vector_load_idx %arg9[%broadcast_in_dim3A_17, %parallel_loop3A_1363] : memref<1x100001xf32, #tpu.memory_space<vmem>>[vector<16xi32>, vector<16xi32>], vector<16xf32>,
      %parallel_loop3A_1365 = arith.constant 16 : i32
      %parallel_loop3A_1366 = arith.muli %parallel_loop3A_1355, %parallel_loop3A_1365 : i32
      %parallel_loop3A_1367 = arith.constant 0 : i32
      %parallel_loop3A_1368 = arith.constant 0 : i32
      %parallel_loop3A_1369 = arith.index_cast %parallel_loop3A_1367 : i32 to index
      %parallel_loop3A_1370 = arith.index_cast %parallel_loop3A_1368 : i32 to index
      %parallel_loop3A_1371 = arith.index_cast %parallel_loop3A_1366 : i32 to index
      %parallel_loop3A_1372 = tpu.vector_load %arg10[%parallel_loop3A_1369, %parallel_loop3A_1370, %parallel_loop3A_1371] {strides = array<i32>} : memref<2x1x4096xf32, #tpu.memory_space<vmem>>, vector<16xf32>,
      tpu.vector_store %arg10[%parallel_loop3A_1369, %parallel_loop3A_1370, %parallel_loop3A_1371], %parallel_loop3A_1364 {strides = array<i32>} : memref<2x1x4096xf32, #tpu.memory_space<vmem>>, vector<16xf32>,
    } {sc.loop_unroll_factor = 8 : i64, sc.parallel_access}
    %mul3A_1049 = arith.constant 64 : i32
    %mul3A_1050 = arith.muli %select_n3A, %mul3A_1049 : i32
    %add3A_1051 = arith.addi %mul3A_1050, %add3A_1012 : i32
    %dma_start3A_1052 = arith.constant 0 : i32
    %dma_start3A_1053 = arith.constant 0 : i32
    %dma_start3A_1054 = arith.constant 0 : i32
    %dma_start3A_1055 = tpu.memref_slice %arg10[%dma_start3A_1052, %dma_start3A_1053, %dma_start3A_1054] : memref<2x1x4096xf32, #tpu.memory_space<vmem>> -> memref<1x1x4096xf32, #tpu.memory_space<vmem>>
    %dma_start3A_1056 = tpu.memref_squeeze %dma_start3A_1055 : memref<1x1x4096xf32, #tpu.memory_space<vmem>> -> memref<1x4096xf32, #tpu.memory_space<vmem>>
    %dma_start3A_1057 = arith.constant 0 : i32
    %dma_start3A_1058 = tpu.memref_slice %arg7[%add3A_1051, %dma_start3A_1057] : memref<256x16384xf32, #tpu.memory_space<hbm>> -> memref<1x4096xf32, #tpu.memory_space<hbm>>
    %dma_start3A_1059 = arith.constant 0 : i32
    %dma_start3A_1060 = tpu.memref_slice %arg7[%add3A_1051, %dma_start3A_1059] : memref<256x16384xf32, #tpu.memory_space<hbm>> -> memref<1x4096xf32, #tpu.memory_space<hbm>>
    %dma_start3A_1061 = arith.constant 0 : i32
    %dma_start3A_1062 = arith.constant 0 : i32
    %dma_start3A_1063 = tpu.memref_slice %arg10[%dma_start3A_1052, %dma_start3A_1061, %dma_start3A_1062] : memref<2x1x4096xf32, #tpu.memory_space<vmem>> -> memref<1x1x4096xf32, #tpu.memory_space<vmem>>
    %dma_start3A_1064 = tpu.memref_squeeze %dma_start3A_1063 : memref<1x1x4096xf32, #tpu.memory_space<vmem>> -> memref<1x4096xf32, #tpu.memory_space<vmem>>
    tpu.enqueue_dma source(%dma_start3A_1064 : memref<1x4096xf32, #tpu.memory_space<vmem>>) target(%dma_start3A_1060 : memref<1x4096xf32, #tpu.memory_space<hbm>>) target_semaphore(%arg11 : memref<!tpu.dma_semaphore, #tpu.memory_space<semaphore_mem>>)
    %dma_wait3A_1065 = arith.constant 1 : i32
    %dma_wait3A_1066 = arith.constant 0 : i32
    %dma_wait3A_1067 = arith.constant 0 : i32
    %dma_wait3A_1068 = tpu.memref_slice %arg10[%dma_wait3A_1065, %dma_wait3A_1066, %dma_wait3A_1067] : memref<2x1x4096xf32, #tpu.memory_space<vmem>> -> memref<1x1x4096xf32, #tpu.memory_space<vmem>>
    %dma_wait3A_1069 = tpu.memref_squeeze %dma_wait3A_1068 : memref<1x1x4096xf32, #tpu.memory_space<vmem>> -> memref<1x4096xf32, #tpu.memory_space<vmem>>
    %dma_wait3A_1070 = arith.constant 12288 : i32
    %dma_wait3A_1071 = tpu.memref_slice %arg7[%add3A_979, %dma_wait3A_1070] : memref<256x16384xf32, #tpu.memory_space<hbm>> -> memref<1x4096xf32, #tpu.memory_space<hbm>>
    %dma_wait3A_1072 = arith.constant 12288 : i32
    %dma_wait3A_1073 = tpu.memref_slice %arg7[%add3A_979, %dma_wait3A_1072] : memref<256x16384xf32, #tpu.memory_space<hbm>> -> memref<1x4096xf32, #tpu.memory_space<hbm>>
    %dma_wait3A_1074 = arith.constant 0 : i32
    %dma_wait3A_1075 = arith.constant 0 : i32
    %dma_wait3A_1076 = tpu.memref_slice %arg10[%dma_wait3A_1065, %dma_wait3A_1074, %dma_wait3A_1075] : memref<2x1x4096xf32, #tpu.memory_space<vmem>> -> memref<1x1x4096xf32, #tpu.memory_space<vmem>>
    %dma_wait3A_1077 = tpu.memref_squeeze %dma_wait3A_1076 : memref<1x1x4096xf32, #tpu.memory_space<vmem>> -> memref<1x4096xf32, #tpu.memory_space<vmem>>
    tpu.wait_dma2 semaphore(%arg12 : memref<!tpu.dma_semaphore, #tpu.memory_space<semaphore_mem>>) src(%dma_wait3A_1077 : memref<1x4096xf32, #tpu.memory_space<vmem>>) dst(%dma_wait3A_1073 : memref<1x4096xf32, #tpu.memory_space<hbm>>)
    %parallel_loop3A_1078 = arith.constant 0 : i32
    %parallel_loop3A_1079 = arith.constant 256 : i32
    %parallel_loop3A_1080 = arith.constant 1 : i32
    scf.for %parallel_loop3A_1355 = %parallel_loop3A_1078 to %parallel_loop3A_1079 step %parallel_loop3A_1080  : i32 {
      %parallel_loop3A_1356 = arith.constant 16 : i32
      %parallel_loop3A_1357 = arith.muli %parallel_loop3A_1355, %parallel_loop3A_1356 : i32
      %parallel_loop3A_1358 = arith.constant 4096 : i32
      %parallel_loop3A_1359 = arith.addi %parallel_loop3A_1358, %parallel_loop3A_1357 : i32
      %parallel_loop3A_1360 = arith.constant 0 : i32
      %parallel_loop3A_1361 = arith.index_cast %parallel_loop3A_1360 : i32 to index
      %parallel_loop3A_1362 = arith.index_cast %parallel_loop3A_1359 : i32 to index
      %parallel_loop3A_1363 = tpu.vector_load %arg8[%parallel_loop3A_1361, %parallel_loop3A_1362] {strides = array<i32>} : memref<1x16384xi32, #tpu.memory_space<vmem>>, vector<16xi32>,
      %parallel_loop3A_1364 = tpu.vector_load_idx %arg9[%broadcast_in_dim3A_17, %parallel_loop3A_1363] : memref<1x100001xf32, #tpu.memory_space<vmem>>[vector<16xi32>, vector<16xi32>], vector<16xf32>,
      %parallel_loop3A_1365 = arith.constant 16 : i32
      %parallel_loop3A_1366 = arith.muli %parallel_loop3A_1355, %parallel_loop3A_1365 : i32
      %parallel_loop3A_1367 = arith.constant 1 : i32
      %parallel_loop3A_1368 = arith.constant 0 : i32
      %parallel_loop3A_1369 = arith.index_cast %parallel_loop3A_1367 : i32 to index
      %parallel_loop3A_1370 = arith.index_cast %parallel_loop3A_1368 : i32 to index
      %parallel_loop3A_1371 = arith.index_cast %parallel_loop3A_1366 : i32 to index
      %parallel_loop3A_1372 = tpu.vector_load %arg10[%parallel_loop3A_1369, %parallel_loop3A_1370, %parallel_loop3A_1371] {strides = array<i32>} : memref<2x1x4096xf32, #tpu.memory_space<vmem>>, vector<16xf32>,
      tpu.vector_store %arg10[%parallel_loop3A_1369, %parallel_loop3A_1370, %parallel_loop3A_1371], %parallel_loop3A_1364 {strides = array<i32>} : memref<2x1x4096xf32, #tpu.memory_space<vmem>>, vector<16xf32>,
    } {sc.loop_unroll_factor = 8 : i64, sc.parallel_access}
    %mul3A_1081 = arith.constant 64 : i32
    %mul3A_1082 = arith.muli %select_n3A, %mul3A_1081 : i32
    %add3A_1083 = arith.addi %mul3A_1082, %add3A_1012 : i32
    %dma_start3A_1084 = arith.constant 1 : i32
    %dma_start3A_1085 = arith.constant 0 : i32
    %dma_start3A_1086 = arith.constant 0 : i32
    %dma_start3A_1087 = tpu.memref_slice %arg10[%dma_start3A_1084, %dma_start3A_1085, %dma_start3A_1086] : memref<2x1x4096xf32, #tpu.memory_space<vmem>> -> memref<1x1x4096xf32, #tpu.memory_space<vmem>>
    %dma_start3A_1088 = tpu.memref_squeeze %dma_start3A_1087 : memref<1x1x4096xf32, #tpu.memory_space<vmem>> -> memref<1x4096xf32, #tpu.memory_space<vmem>>
    %dma_start3A_1089 = arith.constant 4096 : i32
    %dma_start3A_1090 = tpu.memref_slice %arg7[%add3A_1083, %dma_start3A_1089] : memref<256x16384xf32, #tpu.memory_space<hbm>> -> memref<1x4096xf32, #tpu.memory_space<hbm>>
    %dma_start3A_1091 = arith.constant 4096 : i32
    %dma_start3A_1092 = tpu.memref_slice %arg7[%add3A_1083, %dma_start3A_1091] : memref<256x16384xf32, #tpu.memory_space<hbm>> -> memref<1x4096xf32, #tpu.memory_space<hbm>>
    %dma_start3A_1093 = arith.constant 0 : i32
    %dma_start3A_1094 = arith.constant 0 : i32
    %dma_start3A_1095 = tpu.memref_slice %arg10[%dma_start3A_1084, %dma_start3A_1093, %dma_start3A_1094] : memref<2x1x4096xf32, #tpu.memory_space<vmem>> -> memref<1x1x4096xf32, #tpu.memory_space<vmem>>
    %dma_start3A_1096 = tpu.memref_squeeze %dma_start3A_1095 : memref<1x1x4096xf32, #tpu.memory_space<vmem>> -> memref<1x4096xf32, #tpu.memory_space<vmem>>
    tpu.enqueue_dma source(%dma_start3A_1096 : memref<1x4096xf32, #tpu.memory_space<vmem>>) target(%dma_start3A_1092 : memref<1x4096xf32, #tpu.memory_space<hbm>>) target_semaphore(%arg12 : memref<!tpu.dma_semaphore, #tpu.memory_space<semaphore_mem>>)
    %dma_wait3A_1097 = arith.constant 0 : i32
    %dma_wait3A_1098 = arith.constant 0 : i32
    %dma_wait3A_1099 = arith.constant 0 : i32
    %dma_wait3A_1100 = tpu.memref_slice %arg10[%dma_wait3A_1097, %dma_wait3A_1098, %dma_wait3A_1099] : memref<2x1x4096xf32, #tpu.memory_space<vmem>> -> memref<1x1x4096xf32, #tpu.memory_space<vmem>>
    %dma_wait3A_1101 = tpu.memref_squeeze %dma_wait3A_1100 : memref<1x1x4096xf32, #tpu.memory_space<vmem>> -> memref<1x4096xf32, #tpu.memory_space<vmem>>
    %dma_wait3A_1102 = arith.constant 0 : i32
    %dma_wait3A_1103 = tpu.memref_slice %arg7[%add3A_1051, %dma_wait3A_1102] : memref<256x16384xf32, #tpu.memory_space<hbm>> -> memref<1x4096xf32, #tpu.memory_space<hbm>>
    %dma_wait3A_1104 = arith.constant 0 : i32
    %dma_wait3A_1105 = tpu.memref_slice %arg7[%add3A_1051, %dma_wait3A_1104] : memref<256x16384xf32, #tpu.memory_space<hbm>> -> memref<1x4096xf32, #tpu.memory_space<hbm>>
    %dma_wait3A_1106 = arith.constant 0 : i32
    %dma_wait3A_1107 = arith.constant 0 : i32
    %dma_wait3A_1108 = tpu.memref_slice %arg10[%dma_wait3A_1097, %dma_wait3A_1106, %dma_wait3A_1107] : memref<2x1x4096xf32, #tpu.memory_space<vmem>> -> memref<1x1x4096xf32, #tpu.memory_space<vmem>>
    %dma_wait3A_1109 = tpu.memref_squeeze %dma_wait3A_1108 : memref<1x1x4096xf32, #tpu.memory_space<vmem>> -> memref<1x4096xf32, #tpu.memory_space<vmem>>
    tpu.wait_dma2 semaphore(%arg11 : memref<!tpu.dma_semaphore, #tpu.memory_space<semaphore_mem>>) src(%dma_wait3A_1109 : memref<1x4096xf32, #tpu.memory_space<vmem>>) dst(%dma_wait3A_1105 : memref<1x4096xf32, #tpu.memory_space<hbm>>)
    %parallel_loop3A_1110 = arith.constant 0 : i32
    %parallel_loop3A_1111 = arith.constant 256 : i32
    %parallel_loop3A_1112 = arith.constant 1 : i32
    scf.for %parallel_loop3A_1355 = %parallel_loop3A_1110 to %parallel_loop3A_1111 step %parallel_loop3A_1112  : i32 {
      %parallel_loop3A_1356 = arith.constant 16 : i32
      %parallel_loop3A_1357 = arith.muli %parallel_loop3A_1355, %parallel_loop3A_1356 : i32
      %parallel_loop3A_1358 = arith.constant 8192 : i32
      %parallel_loop3A_1359 = arith.addi %parallel_loop3A_1358, %parallel_loop3A_1357 : i32
      %parallel_loop3A_1360 = arith.constant 0 : i32
      %parallel_loop3A_1361 = arith.index_cast %parallel_loop3A_1360 : i32 to index
      %parallel_loop3A_1362 = arith.index_cast %parallel_loop3A_1359 : i32 to index
      %parallel_loop3A_1363 = tpu.vector_load %arg8[%parallel_loop3A_1361, %parallel_loop3A_1362] {strides = array<i32>} : memref<1x16384xi32, #tpu.memory_space<vmem>>, vector<16xi32>,
      %parallel_loop3A_1364 = tpu.vector_load_idx %arg9[%broadcast_in_dim3A_17, %parallel_loop3A_1363] : memref<1x100001xf32, #tpu.memory_space<vmem>>[vector<16xi32>, vector<16xi32>], vector<16xf32>,
      %parallel_loop3A_1365 = arith.constant 16 : i32
      %parallel_loop3A_1366 = arith.muli %parallel_loop3A_1355, %parallel_loop3A_1365 : i32
      %parallel_loop3A_1367 = arith.constant 0 : i32
      %parallel_loop3A_1368 = arith.constant 0 : i32
      %parallel_loop3A_1369 = arith.index_cast %parallel_loop3A_1367 : i32 to index
      %parallel_loop3A_1370 = arith.index_cast %parallel_loop3A_1368 : i32 to index
      %parallel_loop3A_1371 = arith.index_cast %parallel_loop3A_1366 : i32 to index
      %parallel_loop3A_1372 = tpu.vector_load %arg10[%parallel_loop3A_1369, %parallel_loop3A_1370, %parallel_loop3A_1371] {strides = array<i32>} : memref<2x1x4096xf32, #tpu.memory_space<vmem>>, vector<16xf32>,
      tpu.vector_store %arg10[%parallel_loop3A_1369, %parallel_loop3A_1370, %parallel_loop3A_1371], %parallel_loop3A_1364 {strides = array<i32>} : memref<2x1x4096xf32, #tpu.memory_space<vmem>>, vector<16xf32>,
    } {sc.loop_unroll_factor = 8 : i64, sc.parallel_access}
    %mul3A_1113 = arith.constant 64 : i32
    %mul3A_1114 = arith.muli %select_n3A, %mul3A_1113 : i32
    %add3A_1115 = arith.addi %mul3A_1114, %add3A_1012 : i32
    %dma_start3A_1116 = arith.constant 0 : i32
    %dma_start3A_1117 = arith.constant 0 : i32
    %dma_start3A_1118 = arith.constant 0 : i32
    %dma_start3A_1119 = tpu.memref_slice %arg10[%dma_start3A_1116, %dma_start3A_1117, %dma_start3A_1118] : memref<2x1x4096xf32, #tpu.memory_space<vmem>> -> memref<1x1x4096xf32, #tpu.memory_space<vmem>>
    %dma_start3A_1120 = tpu.memref_squeeze %dma_start3A_1119 : memref<1x1x4096xf32, #tpu.memory_space<vmem>> -> memref<1x4096xf32, #tpu.memory_space<vmem>>
    %dma_start3A_1121 = arith.constant 8192 : i32
    %dma_start3A_1122 = tpu.memref_slice %arg7[%add3A_1115, %dma_start3A_1121] : memref<256x16384xf32, #tpu.memory_space<hbm>> -> memref<1x4096xf32, #tpu.memory_space<hbm>>
    %dma_start3A_1123 = arith.constant 8192 : i32
    %dma_start3A_1124 = tpu.memref_slice %arg7[%add3A_1115, %dma_start3A_1123] : memref<256x16384xf32, #tpu.memory_space<hbm>> -> memref<1x4096xf32, #tpu.memory_space<hbm>>
    %dma_start3A_1125 = arith.constant 0 : i32
    %dma_start3A_1126 = arith.constant 0 : i32
    %dma_start3A_1127 = tpu.memref_slice %arg10[%dma_start3A_1116, %dma_start3A_1125, %dma_start3A_1126] : memref<2x1x4096xf32, #tpu.memory_space<vmem>> -> memref<1x1x4096xf32, #tpu.memory_space<vmem>>
    %dma_start3A_1128 = tpu.memref_squeeze %dma_start3A_1127 : memref<1x1x4096xf32, #tpu.memory_space<vmem>> -> memref<1x4096xf32, #tpu.memory_space<vmem>>
    tpu.enqueue_dma source(%dma_start3A_1128 : memref<1x4096xf32, #tpu.memory_space<vmem>>) target(%dma_start3A_1124 : memref<1x4096xf32, #tpu.memory_space<hbm>>) target_semaphore(%arg11 : memref<!tpu.dma_semaphore, #tpu.memory_space<semaphore_mem>>)
    %dma_wait3A_1129 = arith.constant 1 : i32
    %dma_wait3A_1130 = arith.constant 0 : i32
    %dma_wait3A_1131 = arith.constant 0 : i32
    %dma_wait3A_1132 = tpu.memref_slice %arg10[%dma_wait3A_1129, %dma_wait3A_1130, %dma_wait3A_1131] : memref<2x1x4096xf32, #tpu.memory_space<vmem>> -> memref<1x1x4096xf32, #tpu.memory_space<vmem>>
    %dma_wait3A_1133 = tpu.memref_squeeze %dma_wait3A_1132 : memref<1x1x4096xf32, #tpu.memory_space<vmem>> -> memref<1x4096xf32, #tpu.memory_space<vmem>>
    %dma_wait3A_1134 = arith.constant 4096 : i32
    %dma_wait3A_1135 = tpu.memref_slice %arg7[%add3A_1083, %dma_wait3A_1134] : memref<256x16384xf32, #tpu.memory_space<hbm>> -> memref<1x4096xf32, #tpu.memory_space<hbm>>
    %dma_wait3A_1136 = arith.constant 4096 : i32
    %dma_wait3A_1137 = tpu.memref_slice %arg7[%add3A_1083, %dma_wait3A_1136] : memref<256x16384xf32, #tpu.memory_space<hbm>> -> memref<1x4096xf32, #tpu.memory_space<hbm>>
    %dma_wait3A_1138 = arith.constant 0 : i32
    %dma_wait3A_1139 = arith.constant 0 : i32
    %dma_wait3A_1140 = tpu.memref_slice %arg10[%dma_wait3A_1129, %dma_wait3A_1138, %dma_wait3A_1139] : memref<2x1x4096xf32, #tpu.memory_space<vmem>> -> memref<1x1x4096xf32, #tpu.memory_space<vmem>>
    %dma_wait3A_1141 = tpu.memref_squeeze %dma_wait3A_1140 : memref<1x1x4096xf32, #tpu.memory_space<vmem>> -> memref<1x4096xf32, #tpu.memory_space<vmem>>
    tpu.wait_dma2 semaphore(%arg12 : memref<!tpu.dma_semaphore, #tpu.memory_space<semaphore_mem>>) src(%dma_wait3A_1141 : memref<1x4096xf32, #tpu.memory_space<vmem>>) dst(%dma_wait3A_1137 : memref<1x4096xf32, #tpu.memory_space<hbm>>)
    %parallel_loop3A_1142 = arith.constant 0 : i32
    %parallel_loop3A_1143 = arith.constant 256 : i32
    %parallel_loop3A_1144 = arith.constant 1 : i32
    scf.for %parallel_loop3A_1355 = %parallel_loop3A_1142 to %parallel_loop3A_1143 step %parallel_loop3A_1144  : i32 {
      %parallel_loop3A_1356 = arith.constant 16 : i32
      %parallel_loop3A_1357 = arith.muli %parallel_loop3A_1355, %parallel_loop3A_1356 : i32
      %parallel_loop3A_1358 = arith.constant 12288 : i32
      %parallel_loop3A_1359 = arith.addi %parallel_loop3A_1358, %parallel_loop3A_1357 : i32
      %parallel_loop3A_1360 = arith.constant 0 : i32
      %parallel_loop3A_1361 = arith.index_cast %parallel_loop3A_1360 : i32 to index
      %parallel_loop3A_1362 = arith.index_cast %parallel_loop3A_1359 : i32 to index
      %parallel_loop3A_1363 = tpu.vector_load %arg8[%parallel_loop3A_1361, %parallel_loop3A_1362] {strides = array<i32>} : memref<1x16384xi32, #tpu.memory_space<vmem>>, vector<16xi32>,
      %parallel_loop3A_1364 = tpu.vector_load_idx %arg9[%broadcast_in_dim3A_17, %parallel_loop3A_1363] : memref<1x100001xf32, #tpu.memory_space<vmem>>[vector<16xi32>, vector<16xi32>], vector<16xf32>,
      %parallel_loop3A_1365 = arith.constant 16 : i32
      %parallel_loop3A_1366 = arith.muli %parallel_loop3A_1355, %parallel_loop3A_1365 : i32
      %parallel_loop3A_1367 = arith.constant 1 : i32
      %parallel_loop3A_1368 = arith.constant 0 : i32
      %parallel_loop3A_1369 = arith.index_cast %parallel_loop3A_1367 : i32 to index
      %parallel_loop3A_1370 = arith.index_cast %parallel_loop3A_1368 : i32 to index
      %parallel_loop3A_1371 = arith.index_cast %parallel_loop3A_1366 : i32 to index
      %parallel_loop3A_1372 = tpu.vector_load %arg10[%parallel_loop3A_1369, %parallel_loop3A_1370, %parallel_loop3A_1371] {strides = array<i32>} : memref<2x1x4096xf32, #tpu.memory_space<vmem>>, vector<16xf32>,
      tpu.vector_store %arg10[%parallel_loop3A_1369, %parallel_loop3A_1370, %parallel_loop3A_1371], %parallel_loop3A_1364 {strides = array<i32>} : memref<2x1x4096xf32, #tpu.memory_space<vmem>>, vector<16xf32>,
    } {sc.loop_unroll_factor = 8 : i64, sc.parallel_access}
    %mul3A_1145 = arith.constant 64 : i32
    %mul3A_1146 = arith.muli %select_n3A, %mul3A_1145 : i32
    %add3A_1147 = arith.addi %mul3A_1146, %add3A_1012 : i32
    %dma_start3A_1148 = arith.constant 1 : i32
    %dma_start3A_1149 = arith.constant 0 : i32
    %dma_start3A_1150 = arith.constant 0 : i32
    %dma_start3A_1151 = tpu.memref_slice %arg10[%dma_start3A_1148, %dma_start3A_1149, %dma_start3A_1150] : memref<2x1x4096xf32, #tpu.memory_space<vmem>> -> memref<1x1x4096xf32, #tpu.memory_space<vmem>>
    %dma_start3A_1152 = tpu.memref_squeeze %dma_start3A_1151 : memref<1x1x4096xf32, #tpu.memory_space<vmem>> -> memref<1x4096xf32, #tpu.memory_space<vmem>>
    %dma_start3A_1153 = arith.constant 12288 : i32
    %dma_start3A_1154 = tpu.memref_slice %arg7[%add3A_1147, %dma_start3A_1153] : memref<256x16384xf32, #tpu.memory_space<hbm>> -> memref<1x4096xf32, #tpu.memory_space<hbm>>
    %dma_start3A_1155 = arith.constant 12288 : i32
    %dma_start3A_1156 = tpu.memref_slice %arg7[%add3A_1147, %dma_start3A_1155] : memref<256x16384xf32, #tpu.memory_space<hbm>> -> memref<1x4096xf32, #tpu.memory_space<hbm>>
    %dma_start3A_1157 = arith.constant 0 : i32
    %dma_start3A_1158 = arith.constant 0 : i32
    %dma_start3A_1159 = tpu.memref_slice %arg10[%dma_start3A_1148, %dma_start3A_1157, %dma_start3A_1158] : memref<2x1x4096xf32, #tpu.memory_space<vmem>> -> memref<1x1x4096xf32, #tpu.memory_space<vmem>>
    %dma_start3A_1160 = tpu.memref_squeeze %dma_start3A_1159 : memref<1x1x4096xf32, #tpu.memory_space<vmem>> -> memref<1x4096xf32, #tpu.memory_space<vmem>>
    tpu.enqueue_dma source(%dma_start3A_1160 : memref<1x4096xf32, #tpu.memory_space<vmem>>) target(%dma_start3A_1156 : memref<1x4096xf32, #tpu.memory_space<hbm>>) target_semaphore(%arg12 : memref<!tpu.dma_semaphore, #tpu.memory_space<semaphore_mem>>)
    %jit3A_1161 = arith.constant 8 : i32
    %eq3A_1162 = arith.constant 0 : i32
    %eq3A_1163 = arith.cmpi eq, %jit3A_1161, %eq3A_1162 : i32
    %jit3A_1164 = arith.constant 1 : i32
    %select_n3A_1165 = arith.select %eq3A_1163, %jit3A_1164, %jit3A_1161 : i32
    %rem3A_1166 = arith.remsi %add3A, %select_n3A_1165 : i32
    %ne3A_1167 = arith.constant 0 : i32
    %ne3A_1168 = arith.cmpi ne, %rem3A_1166, %ne3A_1167 : i32
    %lt3A_1169 = arith.constant 0 : i32
    %lt3A_1170 = arith.cmpi slt, %rem3A_1166, %lt3A_1169 : i32
    %lt3A_1171 = arith.constant 0 : i32
    %lt3A_1172 = arith.cmpi slt, %select_n3A_1165, %lt3A_1171 : i32
    %ne3A_1173 = arith.xori %lt3A_1170, %lt3A_1172 : i1
    %and3A_1174 = arith.andi %ne3A_1173, %ne3A_1168 : i1
    %add3A_1175 = arith.addi %rem3A_1166, %select_n3A_1165 : i32
    %select_n3A_1176 = arith.select %and3A_1174, %add3A_1175, %rem3A_1166 : i32
    %mul3A_1177 = arith.constant 8 : i32
    %mul3A_1178 = arith.muli %select_n3A_1176, %mul3A_1177 : i32
    %add3A_1179 = arith.constant 7 : i32
    %add3A_1180 = arith.addi %mul3A_1178, %add3A_1179 : i32
    %eq3A_1181 = arith.constant 0 : i32
    %eq3A_1182 = arith.cmpi eq, %select_n3A, %eq3A_1181 : i32
    %convert_element_type3A_1183 = arith.extui %eq3A_1182 : i1 to i32
    %cond3A_1184 = arith.constant 0 : i32
    %cond3A_1185 = arith.cmpi ne, %convert_element_type3A_1183, %cond3A_1184 : i32
    scf.if %cond3A_1185 {
      "tpu.region"() ({
        %run_scoped3A = tpu.sem_alloc : memref<!tpu.dma_semaphore, #tpu.memory_space<semaphore_mem>>
        %dma_start3A_1355 = arith.constant 0 : i32
        %dma_start3A_1356 = tpu.memref_slice %arg2[%add3A_1180, %dma_start3A_1355] : memref<64x100001xf32, #tpu.memory_space<hbm>> -> memref<1x100001xf32, #tpu.memory_space<hbm>>
        %dma_start3A_1357 = arith.constant 0 : i32
        %dma_start3A_1358 = tpu.memref_slice %arg2[%add3A_1180, %dma_start3A_1357] : memref<64x100001xf32, #tpu.memory_space<hbm>> -> memref<1x100001xf32, #tpu.memory_space<hbm>>
        tpu.enqueue_dma source(%dma_start3A_1358 : memref<1x100001xf32, #tpu.memory_space<hbm>>) target(%arg9 : memref<1x100001xf32, #tpu.memory_space<vmem>>) target_semaphore(%run_scoped3A : memref<!tpu.dma_semaphore, #tpu.memory_space<semaphore_mem>>)
        %dma_wait3A_1359 = arith.constant 0 : i32
        %dma_wait3A_1360 = tpu.memref_slice %arg2[%add3A_1180, %dma_wait3A_1359] : memref<64x100001xf32, #tpu.memory_space<hbm>> -> memref<1x100001xf32, #tpu.memory_space<hbm>>
        %dma_wait3A_1361 = arith.constant 0 : i32
        %dma_wait3A_1362 = tpu.memref_slice %arg2[%add3A_1180, %dma_wait3A_1361] : memref<64x100001xf32, #tpu.memory_space<hbm>> -> memref<1x100001xf32, #tpu.memory_space<hbm>>
        tpu.wait_dma2 semaphore(%run_scoped3A : memref<!tpu.dma_semaphore, #tpu.memory_space<semaphore_mem>>) src(%dma_wait3A_1362 : memref<1x100001xf32, #tpu.memory_space<hbm>>) dst(%arg9 : memref<1x100001xf32, #tpu.memory_space<vmem>>)
        tpu.yield
      }) : () -> ()
    } else {
    }
    %eq3A_1186 = arith.constant 1 : i32
    %eq3A_1187 = arith.cmpi eq, %select_n3A, %eq3A_1186 : i32
    %convert_element_type3A_1188 = arith.extui %eq3A_1187 : i1 to i32
    %cond3A_1189 = arith.constant 0 : i32
    %cond3A_1190 = arith.cmpi ne, %convert_element_type3A_1188, %cond3A_1189 : i32
    scf.if %cond3A_1190 {
      "tpu.region"() ({
        %run_scoped3A = tpu.sem_alloc : memref<!tpu.dma_semaphore, #tpu.memory_space<semaphore_mem>>
        %dma_start3A_1355 = arith.constant 0 : i32
        %dma_start3A_1356 = tpu.memref_slice %arg3[%add3A_1180, %dma_start3A_1355] : memref<64x100001xf32, #tpu.memory_space<hbm>> -> memref<1x100001xf32, #tpu.memory_space<hbm>>
        %dma_start3A_1357 = arith.constant 0 : i32
        %dma_start3A_1358 = tpu.memref_slice %arg3[%add3A_1180, %dma_start3A_1357] : memref<64x100001xf32, #tpu.memory_space<hbm>> -> memref<1x100001xf32, #tpu.memory_space<hbm>>
        tpu.enqueue_dma source(%dma_start3A_1358 : memref<1x100001xf32, #tpu.memory_space<hbm>>) target(%arg9 : memref<1x100001xf32, #tpu.memory_space<vmem>>) target_semaphore(%run_scoped3A : memref<!tpu.dma_semaphore, #tpu.memory_space<semaphore_mem>>)
        %dma_wait3A_1359 = arith.constant 0 : i32
        %dma_wait3A_1360 = tpu.memref_slice %arg3[%add3A_1180, %dma_wait3A_1359] : memref<64x100001xf32, #tpu.memory_space<hbm>> -> memref<1x100001xf32, #tpu.memory_space<hbm>>
        %dma_wait3A_1361 = arith.constant 0 : i32
        %dma_wait3A_1362 = tpu.memref_slice %arg3[%add3A_1180, %dma_wait3A_1361] : memref<64x100001xf32, #tpu.memory_space<hbm>> -> memref<1x100001xf32, #tpu.memory_space<hbm>>
        tpu.wait_dma2 semaphore(%run_scoped3A : memref<!tpu.dma_semaphore, #tpu.memory_space<semaphore_mem>>) src(%dma_wait3A_1362 : memref<1x100001xf32, #tpu.memory_space<hbm>>) dst(%arg9 : memref<1x100001xf32, #tpu.memory_space<vmem>>)
        tpu.yield
      }) : () -> ()
    } else {
    }
    %eq3A_1191 = arith.constant 2 : i32
    %eq3A_1192 = arith.cmpi eq, %select_n3A, %eq3A_1191 : i32
    %convert_element_type3A_1193 = arith.extui %eq3A_1192 : i1 to i32
    %cond3A_1194 = arith.constant 0 : i32
    %cond3A_1195 = arith.cmpi ne, %convert_element_type3A_1193, %cond3A_1194 : i32
    scf.if %cond3A_1195 {
      "tpu.region"() ({
        %run_scoped3A = tpu.sem_alloc : memref<!tpu.dma_semaphore, #tpu.memory_space<semaphore_mem>>
        %dma_start3A_1355 = arith.constant 0 : i32
        %dma_start3A_1356 = tpu.memref_slice %arg4[%add3A_1180, %dma_start3A_1355] : memref<64x100001xf32, #tpu.memory_space<hbm>> -> memref<1x100001xf32, #tpu.memory_space<hbm>>
        %dma_start3A_1357 = arith.constant 0 : i32
        %dma_start3A_1358 = tpu.memref_slice %arg4[%add3A_1180, %dma_start3A_1357] : memref<64x100001xf32, #tpu.memory_space<hbm>> -> memref<1x100001xf32, #tpu.memory_space<hbm>>
        tpu.enqueue_dma source(%dma_start3A_1358 : memref<1x100001xf32, #tpu.memory_space<hbm>>) target(%arg9 : memref<1x100001xf32, #tpu.memory_space<vmem>>) target_semaphore(%run_scoped3A : memref<!tpu.dma_semaphore, #tpu.memory_space<semaphore_mem>>)
        %dma_wait3A_1359 = arith.constant 0 : i32
        %dma_wait3A_1360 = tpu.memref_slice %arg4[%add3A_1180, %dma_wait3A_1359] : memref<64x100001xf32, #tpu.memory_space<hbm>> -> memref<1x100001xf32, #tpu.memory_space<hbm>>
        %dma_wait3A_1361 = arith.constant 0 : i32
        %dma_wait3A_1362 = tpu.memref_slice %arg4[%add3A_1180, %dma_wait3A_1361] : memref<64x100001xf32, #tpu.memory_space<hbm>> -> memref<1x100001xf32, #tpu.memory_space<hbm>>
        tpu.wait_dma2 semaphore(%run_scoped3A : memref<!tpu.dma_semaphore, #tpu.memory_space<semaphore_mem>>) src(%dma_wait3A_1362 : memref<1x100001xf32, #tpu.memory_space<hbm>>) dst(%arg9 : memref<1x100001xf32, #tpu.memory_space<vmem>>)
        tpu.yield
      }) : () -> ()
    } else {
    }
    %eq3A_1196 = arith.constant 3 : i32
    %eq3A_1197 = arith.cmpi eq, %select_n3A, %eq3A_1196 : i32
    %convert_element_type3A_1198 = arith.extui %eq3A_1197 : i1 to i32
    %cond3A_1199 = arith.constant 0 : i32
    %cond3A_1200 = arith.cmpi ne, %convert_element_type3A_1198, %cond3A_1199 : i32
    scf.if %cond3A_1200 {
      "tpu.region"() ({
        %run_scoped3A = tpu.sem_alloc : memref<!tpu.dma_semaphore, #tpu.memory_space<semaphore_mem>>
        %dma_start3A_1355 = arith.constant 0 : i32
        %dma_start3A_1356 = tpu.memref_slice %arg5[%add3A_1180, %dma_start3A_1355] : memref<64x100001xf32, #tpu.memory_space<hbm>> -> memref<1x100001xf32, #tpu.memory_space<hbm>>
        %dma_start3A_1357 = arith.constant 0 : i32
        %dma_start3A_1358 = tpu.memref_slice %arg5[%add3A_1180, %dma_start3A_1357] : memref<64x100001xf32, #tpu.memory_space<hbm>> -> memref<1x100001xf32, #tpu.memory_space<hbm>>
        tpu.enqueue_dma source(%dma_start3A_1358 : memref<1x100001xf32, #tpu.memory_space<hbm>>) target(%arg9 : memref<1x100001xf32, #tpu.memory_space<vmem>>) target_semaphore(%run_scoped3A : memref<!tpu.dma_semaphore, #tpu.memory_space<semaphore_mem>>)
        %dma_wait3A_1359 = arith.constant 0 : i32
        %dma_wait3A_1360 = tpu.memref_slice %arg5[%add3A_1180, %dma_wait3A_1359] : memref<64x100001xf32, #tpu.memory_space<hbm>> -> memref<1x100001xf32, #tpu.memory_space<hbm>>
        %dma_wait3A_1361 = arith.constant 0 : i32
        %dma_wait3A_1362 = tpu.memref_slice %arg5[%add3A_1180, %dma_wait3A_1361] : memref<64x100001xf32, #tpu.memory_space<hbm>> -> memref<1x100001xf32, #tpu.memory_space<hbm>>
        tpu.wait_dma2 semaphore(%run_scoped3A : memref<!tpu.dma_semaphore, #tpu.memory_space<semaphore_mem>>) src(%dma_wait3A_1362 : memref<1x100001xf32, #tpu.memory_space<hbm>>) dst(%arg9 : memref<1x100001xf32, #tpu.memory_space<vmem>>)
        tpu.yield
      }) : () -> ()
    } else {
    }
    %dma_wait3A_1201 = arith.constant 0 : i32
    %dma_wait3A_1202 = arith.constant 0 : i32
    %dma_wait3A_1203 = arith.constant 0 : i32
    %dma_wait3A_1204 = tpu.memref_slice %arg10[%dma_wait3A_1201, %dma_wait3A_1202, %dma_wait3A_1203] : memref<2x1x4096xf32, #tpu.memory_space<vmem>> -> memref<1x1x4096xf32, #tpu.memory_space<vmem>>
    %dma_wait3A_1205 = tpu.memref_squeeze %dma_wait3A_1204 : memref<1x1x4096xf32, #tpu.memory_space<vmem>> -> memref<1x4096xf32, #tpu.memory_space<vmem>>
    %dma_wait3A_1206 = arith.constant 8192 : i32
    %dma_wait3A_1207 = tpu.memref_slice %arg7[%add3A_1115, %dma_wait3A_1206] : memref<256x16384xf32, #tpu.memory_space<hbm>> -> memref<1x4096xf32, #tpu.memory_space<hbm>>
    %dma_wait3A_1208 = arith.constant 8192 : i32
    %dma_wait3A_1209 = tpu.memref_slice %arg7[%add3A_1115, %dma_wait3A_1208] : memref<256x16384xf32, #tpu.memory_space<hbm>> -> memref<1x4096xf32, #tpu.memory_space<hbm>>
    %dma_wait3A_1210 = arith.constant 0 : i32
    %dma_wait3A_1211 = arith.constant 0 : i32
    %dma_wait3A_1212 = tpu.memref_slice %arg10[%dma_wait3A_1201, %dma_wait3A_1210, %dma_wait3A_1211] : memref<2x1x4096xf32, #tpu.memory_space<vmem>> -> memref<1x1x4096xf32, #tpu.memory_space<vmem>>
    %dma_wait3A_1213 = tpu.memref_squeeze %dma_wait3A_1212 : memref<1x1x4096xf32, #tpu.memory_space<vmem>> -> memref<1x4096xf32, #tpu.memory_space<vmem>>
    tpu.wait_dma2 semaphore(%arg11 : memref<!tpu.dma_semaphore, #tpu.memory_space<semaphore_mem>>) src(%dma_wait3A_1213 : memref<1x4096xf32, #tpu.memory_space<vmem>>) dst(%dma_wait3A_1209 : memref<1x4096xf32, #tpu.memory_space<hbm>>)
    %parallel_loop3A_1214 = arith.constant 0 : i32
    %parallel_loop3A_1215 = arith.constant 256 : i32
    %parallel_loop3A_1216 = arith.constant 1 : i32
    scf.for %parallel_loop3A_1355 = %parallel_loop3A_1214 to %parallel_loop3A_1215 step %parallel_loop3A_1216  : i32 {
      %parallel_loop3A_1356 = arith.constant 16 : i32
      %parallel_loop3A_1357 = arith.muli %parallel_loop3A_1355, %parallel_loop3A_1356 : i32
      %parallel_loop3A_1358 = arith.constant 0 : i32
      %parallel_loop3A_1359 = arith.addi %parallel_loop3A_1358, %parallel_loop3A_1357 : i32
      %parallel_loop3A_1360 = arith.constant 0 : i32
      %parallel_loop3A_1361 = arith.index_cast %parallel_loop3A_1360 : i32 to index
      %parallel_loop3A_1362 = arith.index_cast %parallel_loop3A_1359 : i32 to index
      %parallel_loop3A_1363 = tpu.vector_load %arg8[%parallel_loop3A_1361, %parallel_loop3A_1362] {strides = array<i32>} : memref<1x16384xi32, #tpu.memory_space<vmem>>, vector<16xi32>,
      %parallel_loop3A_1364 = tpu.vector_load_idx %arg9[%broadcast_in_dim3A_17, %parallel_loop3A_1363] : memref<1x100001xf32, #tpu.memory_space<vmem>>[vector<16xi32>, vector<16xi32>], vector<16xf32>,
      %parallel_loop3A_1365 = arith.constant 16 : i32
      %parallel_loop3A_1366 = arith.muli %parallel_loop3A_1355, %parallel_loop3A_1365 : i32
      %parallel_loop3A_1367 = arith.constant 0 : i32
      %parallel_loop3A_1368 = arith.constant 0 : i32
      %parallel_loop3A_1369 = arith.index_cast %parallel_loop3A_1367 : i32 to index
      %parallel_loop3A_1370 = arith.index_cast %parallel_loop3A_1368 : i32 to index
      %parallel_loop3A_1371 = arith.index_cast %parallel_loop3A_1366 : i32 to index
      %parallel_loop3A_1372 = tpu.vector_load %arg10[%parallel_loop3A_1369, %parallel_loop3A_1370, %parallel_loop3A_1371] {strides = array<i32>} : memref<2x1x4096xf32, #tpu.memory_space<vmem>>, vector<16xf32>,
      tpu.vector_store %arg10[%parallel_loop3A_1369, %parallel_loop3A_1370, %parallel_loop3A_1371], %parallel_loop3A_1364 {strides = array<i32>} : memref<2x1x4096xf32, #tpu.memory_space<vmem>>, vector<16xf32>,
    } {sc.loop_unroll_factor = 8 : i64, sc.parallel_access}
    %mul3A_1217 = arith.constant 64 : i32
    %mul3A_1218 = arith.muli %select_n3A, %mul3A_1217 : i32
    %add3A_1219 = arith.addi %mul3A_1218, %add3A_1180 : i32
    %dma_start3A_1220 = arith.constant 0 : i32
    %dma_start3A_1221 = arith.constant 0 : i32
    %dma_start3A_1222 = arith.constant 0 : i32
    %dma_start3A_1223 = tpu.memref_slice %arg10[%dma_start3A_1220, %dma_start3A_1221, %dma_start3A_1222] : memref<2x1x4096xf32, #tpu.memory_space<vmem>> -> memref<1x1x4096xf32, #tpu.memory_space<vmem>>
    %dma_start3A_1224 = tpu.memref_squeeze %dma_start3A_1223 : memref<1x1x4096xf32, #tpu.memory_space<vmem>> -> memref<1x4096xf32, #tpu.memory_space<vmem>>
    %dma_start3A_1225 = arith.constant 0 : i32
    %dma_start3A_1226 = tpu.memref_slice %arg7[%add3A_1219, %dma_start3A_1225] : memref<256x16384xf32, #tpu.memory_space<hbm>> -> memref<1x4096xf32, #tpu.memory_space<hbm>>
    %dma_start3A_1227 = arith.constant 0 : i32
    %dma_start3A_1228 = tpu.memref_slice %arg7[%add3A_1219, %dma_start3A_1227] : memref<256x16384xf32, #tpu.memory_space<hbm>> -> memref<1x4096xf32, #tpu.memory_space<hbm>>
    %dma_start3A_1229 = arith.constant 0 : i32
    %dma_start3A_1230 = arith.constant 0 : i32
    %dma_start3A_1231 = tpu.memref_slice %arg10[%dma_start3A_1220, %dma_start3A_1229, %dma_start3A_1230] : memref<2x1x4096xf32, #tpu.memory_space<vmem>> -> memref<1x1x4096xf32, #tpu.memory_space<vmem>>
    %dma_start3A_1232 = tpu.memref_squeeze %dma_start3A_1231 : memref<1x1x4096xf32, #tpu.memory_space<vmem>> -> memref<1x4096xf32, #tpu.memory_space<vmem>>
    tpu.enqueue_dma source(%dma_start3A_1232 : memref<1x4096xf32, #tpu.memory_space<vmem>>) target(%dma_start3A_1228 : memref<1x4096xf32, #tpu.memory_space<hbm>>) target_semaphore(%arg11 : memref<!tpu.dma_semaphore, #tpu.memory_space<semaphore_mem>>)
    %dma_wait3A_1233 = arith.constant 1 : i32
    %dma_wait3A_1234 = arith.constant 0 : i32
    %dma_wait3A_1235 = arith.constant 0 : i32
    %dma_wait3A_1236 = tpu.memref_slice %arg10[%dma_wait3A_1233, %dma_wait3A_1234, %dma_wait3A_1235] : memref<2x1x4096xf32, #tpu.memory_space<vmem>> -> memref<1x1x4096xf32, #tpu.memory_space<vmem>>
    %dma_wait3A_1237 = tpu.memref_squeeze %dma_wait3A_1236 : memref<1x1x4096xf32, #tpu.memory_space<vmem>> -> memref<1x4096xf32, #tpu.memory_space<vmem>>
    %dma_wait3A_1238 = arith.constant 12288 : i32
    %dma_wait3A_1239 = tpu.memref_slice %arg7[%add3A_1147, %dma_wait3A_1238] : memref<256x16384xf32, #tpu.memory_space<hbm>> -> memref<1x4096xf32, #tpu.memory_space<hbm>>
    %dma_wait3A_1240 = arith.constant 12288 : i32
    %dma_wait3A_1241 = tpu.memref_slice %arg7[%add3A_1147, %dma_wait3A_1240] : memref<256x16384xf32, #tpu.memory_space<hbm>> -> memref<1x4096xf32, #tpu.memory_space<hbm>>
    %dma_wait3A_1242 = arith.constant 0 : i32
    %dma_wait3A_1243 = arith.constant 0 : i32
    %dma_wait3A_1244 = tpu.memref_slice %arg10[%dma_wait3A_1233, %dma_wait3A_1242, %dma_wait3A_1243] : memref<2x1x4096xf32, #tpu.memory_space<vmem>> -> memref<1x1x4096xf32, #tpu.memory_space<vmem>>
    %dma_wait3A_1245 = tpu.memref_squeeze %dma_wait3A_1244 : memref<1x1x4096xf32, #tpu.memory_space<vmem>> -> memref<1x4096xf32, #tpu.memory_space<vmem>>
    tpu.wait_dma2 semaphore(%arg12 : memref<!tpu.dma_semaphore, #tpu.memory_space<semaphore_mem>>) src(%dma_wait3A_1245 : memref<1x4096xf32, #tpu.memory_space<vmem>>) dst(%dma_wait3A_1241 : memref<1x4096xf32, #tpu.memory_space<hbm>>)
    %parallel_loop3A_1246 = arith.constant 0 : i32
    %parallel_loop3A_1247 = arith.constant 256 : i32
    %parallel_loop3A_1248 = arith.constant 1 : i32
    scf.for %parallel_loop3A_1355 = %parallel_loop3A_1246 to %parallel_loop3A_1247 step %parallel_loop3A_1248  : i32 {
      %parallel_loop3A_1356 = arith.constant 16 : i32
      %parallel_loop3A_1357 = arith.muli %parallel_loop3A_1355, %parallel_loop3A_1356 : i32
      %parallel_loop3A_1358 = arith.constant 4096 : i32
      %parallel_loop3A_1359 = arith.addi %parallel_loop3A_1358, %parallel_loop3A_1357 : i32
      %parallel_loop3A_1360 = arith.constant 0 : i32
      %parallel_loop3A_1361 = arith.index_cast %parallel_loop3A_1360 : i32 to index
      %parallel_loop3A_1362 = arith.index_cast %parallel_loop3A_1359 : i32 to index
      %parallel_loop3A_1363 = tpu.vector_load %arg8[%parallel_loop3A_1361, %parallel_loop3A_1362] {strides = array<i32>} : memref<1x16384xi32, #tpu.memory_space<vmem>>, vector<16xi32>,
      %parallel_loop3A_1364 = tpu.vector_load_idx %arg9[%broadcast_in_dim3A_17, %parallel_loop3A_1363] : memref<1x100001xf32, #tpu.memory_space<vmem>>[vector<16xi32>, vector<16xi32>], vector<16xf32>,
      %parallel_loop3A_1365 = arith.constant 16 : i32
      %parallel_loop3A_1366 = arith.muli %parallel_loop3A_1355, %parallel_loop3A_1365 : i32
      %parallel_loop3A_1367 = arith.constant 1 : i32
      %parallel_loop3A_1368 = arith.constant 0 : i32
      %parallel_loop3A_1369 = arith.index_cast %parallel_loop3A_1367 : i32 to index
      %parallel_loop3A_1370 = arith.index_cast %parallel_loop3A_1368 : i32 to index
      %parallel_loop3A_1371 = arith.index_cast %parallel_loop3A_1366 : i32 to index
      %parallel_loop3A_1372 = tpu.vector_load %arg10[%parallel_loop3A_1369, %parallel_loop3A_1370, %parallel_loop3A_1371] {strides = array<i32>} : memref<2x1x4096xf32, #tpu.memory_space<vmem>>, vector<16xf32>,
      tpu.vector_store %arg10[%parallel_loop3A_1369, %parallel_loop3A_1370, %parallel_loop3A_1371], %parallel_loop3A_1364 {strides = array<i32>} : memref<2x1x4096xf32, #tpu.memory_space<vmem>>, vector<16xf32>,
    } {sc.loop_unroll_factor = 8 : i64, sc.parallel_access}
    %mul3A_1249 = arith.constant 64 : i32
    %mul3A_1250 = arith.muli %select_n3A, %mul3A_1249 : i32
    %add3A_1251 = arith.addi %mul3A_1250, %add3A_1180 : i32
    %dma_start3A_1252 = arith.constant 1 : i32
    %dma_start3A_1253 = arith.constant 0 : i32
    %dma_start3A_1254 = arith.constant 0 : i32
    %dma_start3A_1255 = tpu.memref_slice %arg10[%dma_start3A_1252, %dma_start3A_1253, %dma_start3A_1254] : memref<2x1x4096xf32, #tpu.memory_space<vmem>> -> memref<1x1x4096xf32, #tpu.memory_space<vmem>>
    %dma_start3A_1256 = tpu.memref_squeeze %dma_start3A_1255 : memref<1x1x4096xf32, #tpu.memory_space<vmem>> -> memref<1x4096xf32, #tpu.memory_space<vmem>>
    %dma_start3A_1257 = arith.constant 4096 : i32
    %dma_start3A_1258 = tpu.memref_slice %arg7[%add3A_1251, %dma_start3A_1257] : memref<256x16384xf32, #tpu.memory_space<hbm>> -> memref<1x4096xf32, #tpu.memory_space<hbm>>
    %dma_start3A_1259 = arith.constant 4096 : i32
    %dma_start3A_1260 = tpu.memref_slice %arg7[%add3A_1251, %dma_start3A_1259] : memref<256x16384xf32, #tpu.memory_space<hbm>> -> memref<1x4096xf32, #tpu.memory_space<hbm>>
    %dma_start3A_1261 = arith.constant 0 : i32
    %dma_start3A_1262 = arith.constant 0 : i32
    %dma_start3A_1263 = tpu.memref_slice %arg10[%dma_start3A_1252, %dma_start3A_1261, %dma_start3A_1262] : memref<2x1x4096xf32, #tpu.memory_space<vmem>> -> memref<1x1x4096xf32, #tpu.memory_space<vmem>>
    %dma_start3A_1264 = tpu.memref_squeeze %dma_start3A_1263 : memref<1x1x4096xf32, #tpu.memory_space<vmem>> -> memref<1x4096xf32, #tpu.memory_space<vmem>>
    tpu.enqueue_dma source(%dma_start3A_1264 : memref<1x4096xf32, #tpu.memory_space<vmem>>) target(%dma_start3A_1260 : memref<1x4096xf32, #tpu.memory_space<hbm>>) target_semaphore(%arg12 : memref<!tpu.dma_semaphore, #tpu.memory_space<semaphore_mem>>)
    %dma_wait3A_1265 = arith.constant 0 : i32
    %dma_wait3A_1266 = arith.constant 0 : i32
    %dma_wait3A_1267 = arith.constant 0 : i32
    %dma_wait3A_1268 = tpu.memref_slice %arg10[%dma_wait3A_1265, %dma_wait3A_1266, %dma_wait3A_1267] : memref<2x1x4096xf32, #tpu.memory_space<vmem>> -> memref<1x1x4096xf32, #tpu.memory_space<vmem>>
    %dma_wait3A_1269 = tpu.memref_squeeze %dma_wait3A_1268 : memref<1x1x4096xf32, #tpu.memory_space<vmem>> -> memref<1x4096xf32, #tpu.memory_space<vmem>>
    %dma_wait3A_1270 = arith.constant 0 : i32
    %dma_wait3A_1271 = tpu.memref_slice %arg7[%add3A_1219, %dma_wait3A_1270] : memref<256x16384xf32, #tpu.memory_space<hbm>> -> memref<1x4096xf32, #tpu.memory_space<hbm>>
    %dma_wait3A_1272 = arith.constant 0 : i32
    %dma_wait3A_1273 = tpu.memref_slice %arg7[%add3A_1219, %dma_wait3A_1272] : memref<256x16384xf32, #tpu.memory_space<hbm>> -> memref<1x4096xf32, #tpu.memory_space<hbm>>
    %dma_wait3A_1274 = arith.constant 0 : i32
    %dma_wait3A_1275 = arith.constant 0 : i32
    %dma_wait3A_1276 = tpu.memref_slice %arg10[%dma_wait3A_1265, %dma_wait3A_1274, %dma_wait3A_1275] : memref<2x1x4096xf32, #tpu.memory_space<vmem>> -> memref<1x1x4096xf32, #tpu.memory_space<vmem>>
    %dma_wait3A_1277 = tpu.memref_squeeze %dma_wait3A_1276 : memref<1x1x4096xf32, #tpu.memory_space<vmem>> -> memref<1x4096xf32, #tpu.memory_space<vmem>>
    tpu.wait_dma2 semaphore(%arg11 : memref<!tpu.dma_semaphore, #tpu.memory_space<semaphore_mem>>) src(%dma_wait3A_1277 : memref<1x4096xf32, #tpu.memory_space<vmem>>) dst(%dma_wait3A_1273 : memref<1x4096xf32, #tpu.memory_space<hbm>>)
    %parallel_loop3A_1278 = arith.constant 0 : i32
    %parallel_loop3A_1279 = arith.constant 256 : i32
    %parallel_loop3A_1280 = arith.constant 1 : i32
    scf.for %parallel_loop3A_1355 = %parallel_loop3A_1278 to %parallel_loop3A_1279 step %parallel_loop3A_1280  : i32 {
      %parallel_loop3A_1356 = arith.constant 16 : i32
      %parallel_loop3A_1357 = arith.muli %parallel_loop3A_1355, %parallel_loop3A_1356 : i32
      %parallel_loop3A_1358 = arith.constant 8192 : i32
      %parallel_loop3A_1359 = arith.addi %parallel_loop3A_1358, %parallel_loop3A_1357 : i32
      %parallel_loop3A_1360 = arith.constant 0 : i32
      %parallel_loop3A_1361 = arith.index_cast %parallel_loop3A_1360 : i32 to index
      %parallel_loop3A_1362 = arith.index_cast %parallel_loop3A_1359 : i32 to index
      %parallel_loop3A_1363 = tpu.vector_load %arg8[%parallel_loop3A_1361, %parallel_loop3A_1362] {strides = array<i32>} : memref<1x16384xi32, #tpu.memory_space<vmem>>, vector<16xi32>,
      %parallel_loop3A_1364 = tpu.vector_load_idx %arg9[%broadcast_in_dim3A_17, %parallel_loop3A_1363] : memref<1x100001xf32, #tpu.memory_space<vmem>>[vector<16xi32>, vector<16xi32>], vector<16xf32>,
      %parallel_loop3A_1365 = arith.constant 16 : i32
      %parallel_loop3A_1366 = arith.muli %parallel_loop3A_1355, %parallel_loop3A_1365 : i32
      %parallel_loop3A_1367 = arith.constant 0 : i32
      %parallel_loop3A_1368 = arith.constant 0 : i32
      %parallel_loop3A_1369 = arith.index_cast %parallel_loop3A_1367 : i32 to index
      %parallel_loop3A_1370 = arith.index_cast %parallel_loop3A_1368 : i32 to index
      %parallel_loop3A_1371 = arith.index_cast %parallel_loop3A_1366 : i32 to index
      %parallel_loop3A_1372 = tpu.vector_load %arg10[%parallel_loop3A_1369, %parallel_loop3A_1370, %parallel_loop3A_1371] {strides = array<i32>} : memref<2x1x4096xf32, #tpu.memory_space<vmem>>, vector<16xf32>,
      tpu.vector_store %arg10[%parallel_loop3A_1369, %parallel_loop3A_1370, %parallel_loop3A_1371], %parallel_loop3A_1364 {strides = array<i32>} : memref<2x1x4096xf32, #tpu.memory_space<vmem>>, vector<16xf32>,
    } {sc.loop_unroll_factor = 8 : i64, sc.parallel_access}
    %mul3A_1281 = arith.constant 64 : i32
    %mul3A_1282 = arith.muli %select_n3A, %mul3A_1281 : i32
    %add3A_1283 = arith.addi %mul3A_1282, %add3A_1180 : i32
    %dma_start3A_1284 = arith.constant 0 : i32
    %dma_start3A_1285 = arith.constant 0 : i32
    %dma_start3A_1286 = arith.constant 0 : i32
    %dma_start3A_1287 = tpu.memref_slice %arg10[%dma_start3A_1284, %dma_start3A_1285, %dma_start3A_1286] : memref<2x1x4096xf32, #tpu.memory_space<vmem>> -> memref<1x1x4096xf32, #tpu.memory_space<vmem>>
    %dma_start3A_1288 = tpu.memref_squeeze %dma_start3A_1287 : memref<1x1x4096xf32, #tpu.memory_space<vmem>> -> memref<1x4096xf32, #tpu.memory_space<vmem>>
    %dma_start3A_1289 = arith.constant 8192 : i32
    %dma_start3A_1290 = tpu.memref_slice %arg7[%add3A_1283, %dma_start3A_1289] : memref<256x16384xf32, #tpu.memory_space<hbm>> -> memref<1x4096xf32, #tpu.memory_space<hbm>>
    %dma_start3A_1291 = arith.constant 8192 : i32
    %dma_start3A_1292 = tpu.memref_slice %arg7[%add3A_1283, %dma_start3A_1291] : memref<256x16384xf32, #tpu.memory_space<hbm>> -> memref<1x4096xf32, #tpu.memory_space<hbm>>
    %dma_start3A_1293 = arith.constant 0 : i32
    %dma_start3A_1294 = arith.constant 0 : i32
    %dma_start3A_1295 = tpu.memref_slice %arg10[%dma_start3A_1284, %dma_start3A_1293, %dma_start3A_1294] : memref<2x1x4096xf32, #tpu.memory_space<vmem>> -> memref<1x1x4096xf32, #tpu.memory_space<vmem>>
    %dma_start3A_1296 = tpu.memref_squeeze %dma_start3A_1295 : memref<1x1x4096xf32, #tpu.memory_space<vmem>> -> memref<1x4096xf32, #tpu.memory_space<vmem>>
    tpu.enqueue_dma source(%dma_start3A_1296 : memref<1x4096xf32, #tpu.memory_space<vmem>>) target(%dma_start3A_1292 : memref<1x4096xf32, #tpu.memory_space<hbm>>) target_semaphore(%arg11 : memref<!tpu.dma_semaphore, #tpu.memory_space<semaphore_mem>>)
    %dma_wait3A_1297 = arith.constant 1 : i32
    %dma_wait3A_1298 = arith.constant 0 : i32
    %dma_wait3A_1299 = arith.constant 0 : i32
    %dma_wait3A_1300 = tpu.memref_slice %arg10[%dma_wait3A_1297, %dma_wait3A_1298, %dma_wait3A_1299] : memref<2x1x4096xf32, #tpu.memory_space<vmem>> -> memref<1x1x4096xf32, #tpu.memory_space<vmem>>
    %dma_wait3A_1301 = tpu.memref_squeeze %dma_wait3A_1300 : memref<1x1x4096xf32, #tpu.memory_space<vmem>> -> memref<1x4096xf32, #tpu.memory_space<vmem>>
    %dma_wait3A_1302 = arith.constant 4096 : i32
    %dma_wait3A_1303 = tpu.memref_slice %arg7[%add3A_1251, %dma_wait3A_1302] : memref<256x16384xf32, #tpu.memory_space<hbm>> -> memref<1x4096xf32, #tpu.memory_space<hbm>>
    %dma_wait3A_1304 = arith.constant 4096 : i32
    %dma_wait3A_1305 = tpu.memref_slice %arg7[%add3A_1251, %dma_wait3A_1304] : memref<256x16384xf32, #tpu.memory_space<hbm>> -> memref<1x4096xf32, #tpu.memory_space<hbm>>
    %dma_wait3A_1306 = arith.constant 0 : i32
    %dma_wait3A_1307 = arith.constant 0 : i32
    %dma_wait3A_1308 = tpu.memref_slice %arg10[%dma_wait3A_1297, %dma_wait3A_1306, %dma_wait3A_1307] : memref<2x1x4096xf32, #tpu.memory_space<vmem>> -> memref<1x1x4096xf32, #tpu.memory_space<vmem>>
    %dma_wait3A_1309 = tpu.memref_squeeze %dma_wait3A_1308 : memref<1x1x4096xf32, #tpu.memory_space<vmem>> -> memref<1x4096xf32, #tpu.memory_space<vmem>>
    tpu.wait_dma2 semaphore(%arg12 : memref<!tpu.dma_semaphore, #tpu.memory_space<semaphore_mem>>) src(%dma_wait3A_1309 : memref<1x4096xf32, #tpu.memory_space<vmem>>) dst(%dma_wait3A_1305 : memref<1x4096xf32, #tpu.memory_space<hbm>>)
    %parallel_loop3A_1310 = arith.constant 0 : i32
    %parallel_loop3A_1311 = arith.constant 256 : i32
    %parallel_loop3A_1312 = arith.constant 1 : i32
    scf.for %parallel_loop3A_1355 = %parallel_loop3A_1310 to %parallel_loop3A_1311 step %parallel_loop3A_1312  : i32 {
      %parallel_loop3A_1356 = arith.constant 16 : i32
      %parallel_loop3A_1357 = arith.muli %parallel_loop3A_1355, %parallel_loop3A_1356 : i32
      %parallel_loop3A_1358 = arith.constant 12288 : i32
      %parallel_loop3A_1359 = arith.addi %parallel_loop3A_1358, %parallel_loop3A_1357 : i32
      %parallel_loop3A_1360 = arith.constant 0 : i32
      %parallel_loop3A_1361 = arith.index_cast %parallel_loop3A_1360 : i32 to index
      %parallel_loop3A_1362 = arith.index_cast %parallel_loop3A_1359 : i32 to index
      %parallel_loop3A_1363 = tpu.vector_load %arg8[%parallel_loop3A_1361, %parallel_loop3A_1362] {strides = array<i32>} : memref<1x16384xi32, #tpu.memory_space<vmem>>, vector<16xi32>,
      %parallel_loop3A_1364 = tpu.vector_load_idx %arg9[%broadcast_in_dim3A_17, %parallel_loop3A_1363] : memref<1x100001xf32, #tpu.memory_space<vmem>>[vector<16xi32>, vector<16xi32>], vector<16xf32>,
      %parallel_loop3A_1365 = arith.constant 16 : i32
      %parallel_loop3A_1366 = arith.muli %parallel_loop3A_1355, %parallel_loop3A_1365 : i32
      %parallel_loop3A_1367 = arith.constant 1 : i32
      %parallel_loop3A_1368 = arith.constant 0 : i32
      %parallel_loop3A_1369 = arith.index_cast %parallel_loop3A_1367 : i32 to index
      %parallel_loop3A_1370 = arith.index_cast %parallel_loop3A_1368 : i32 to index
      %parallel_loop3A_1371 = arith.index_cast %parallel_loop3A_1366 : i32 to index
      %parallel_loop3A_1372 = tpu.vector_load %arg10[%parallel_loop3A_1369, %parallel_loop3A_1370, %parallel_loop3A_1371] {strides = array<i32>} : memref<2x1x4096xf32, #tpu.memory_space<vmem>>, vector<16xf32>,
      tpu.vector_store %arg10[%parallel_loop3A_1369, %parallel_loop3A_1370, %parallel_loop3A_1371], %parallel_loop3A_1364 {strides = array<i32>} : memref<2x1x4096xf32, #tpu.memory_space<vmem>>, vector<16xf32>,
    } {sc.loop_unroll_factor = 8 : i64, sc.parallel_access}
    %mul3A_1313 = arith.constant 64 : i32
    %mul3A_1314 = arith.muli %select_n3A, %mul3A_1313 : i32
    %add3A_1315 = arith.addi %mul3A_1314, %add3A_1180 : i32
    %dma_start3A_1316 = arith.constant 1 : i32
    %dma_start3A_1317 = arith.constant 0 : i32
    %dma_start3A_1318 = arith.constant 0 : i32
    %dma_start3A_1319 = tpu.memref_slice %arg10[%dma_start3A_1316, %dma_start3A_1317, %dma_start3A_1318] : memref<2x1x4096xf32, #tpu.memory_space<vmem>> -> memref<1x1x4096xf32, #tpu.memory_space<vmem>>
    %dma_start3A_1320 = tpu.memref_squeeze %dma_start3A_1319 : memref<1x1x4096xf32, #tpu.memory_space<vmem>> -> memref<1x4096xf32, #tpu.memory_space<vmem>>
    %dma_start3A_1321 = arith.constant 12288 : i32
    %dma_start3A_1322 = tpu.memref_slice %arg7[%add3A_1315, %dma_start3A_1321] : memref<256x16384xf32, #tpu.memory_space<hbm>> -> memref<1x4096xf32, #tpu.memory_space<hbm>>
    %dma_start3A_1323 = arith.constant 12288 : i32
    %dma_start3A_1324 = tpu.memref_slice %arg7[%add3A_1315, %dma_start3A_1323] : memref<256x16384xf32, #tpu.memory_space<hbm>> -> memref<1x4096xf32, #tpu.memory_space<hbm>>
    %dma_start3A_1325 = arith.constant 0 : i32
    %dma_start3A_1326 = arith.constant 0 : i32
    %dma_start3A_1327 = tpu.memref_slice %arg10[%dma_start3A_1316, %dma_start3A_1325, %dma_start3A_1326] : memref<2x1x4096xf32, #tpu.memory_space<vmem>> -> memref<1x1x4096xf32, #tpu.memory_space<vmem>>
    %dma_start3A_1328 = tpu.memref_squeeze %dma_start3A_1327 : memref<1x1x4096xf32, #tpu.memory_space<vmem>> -> memref<1x4096xf32, #tpu.memory_space<vmem>>
    tpu.enqueue_dma source(%dma_start3A_1328 : memref<1x4096xf32, #tpu.memory_space<vmem>>) target(%dma_start3A_1324 : memref<1x4096xf32, #tpu.memory_space<hbm>>) target_semaphore(%arg12 : memref<!tpu.dma_semaphore, #tpu.memory_space<semaphore_mem>>)
    %dma_wait3A_1329 = arith.constant 0 : i32
    %dma_wait3A_1330 = arith.constant 0 : i32
    %dma_wait3A_1331 = arith.constant 0 : i32
    %dma_wait3A_1332 = tpu.memref_slice %arg10[%dma_wait3A_1329, %dma_wait3A_1330, %dma_wait3A_1331] : memref<2x1x4096xf32, #tpu.memory_space<vmem>> -> memref<1x1x4096xf32, #tpu.memory_space<vmem>>
    %dma_wait3A_1333 = tpu.memref_squeeze %dma_wait3A_1332 : memref<1x1x4096xf32, #tpu.memory_space<vmem>> -> memref<1x4096xf32, #tpu.memory_space<vmem>>
    %dma_wait3A_1334 = arith.constant 8192 : i32
    %dma_wait3A_1335 = tpu.memref_slice %arg7[%add3A_1283, %dma_wait3A_1334] : memref<256x16384xf32, #tpu.memory_space<hbm>> -> memref<1x4096xf32, #tpu.memory_space<hbm>>
    %dma_wait3A_1336 = arith.constant 8192 : i32
    %dma_wait3A_1337 = tpu.memref_slice %arg7[%add3A_1283, %dma_wait3A_1336] : memref<256x16384xf32, #tpu.memory_space<hbm>> -> memref<1x4096xf32, #tpu.memory_space<hbm>>
    %dma_wait3A_1338 = arith.constant 0 : i32
    %dma_wait3A_1339 = arith.constant 0 : i32
    %dma_wait3A_1340 = tpu.memref_slice %arg10[%dma_wait3A_1329, %dma_wait3A_1338, %dma_wait3A_1339] : memref<2x1x4096xf32, #tpu.memory_space<vmem>> -> memref<1x1x4096xf32, #tpu.memory_space<vmem>>
    %dma_wait3A_1341 = tpu.memref_squeeze %dma_wait3A_1340 : memref<1x1x4096xf32, #tpu.memory_space<vmem>> -> memref<1x4096xf32, #tpu.memory_space<vmem>>
    tpu.wait_dma2 semaphore(%arg11 : memref<!tpu.dma_semaphore, #tpu.memory_space<semaphore_mem>>) src(%dma_wait3A_1341 : memref<1x4096xf32, #tpu.memory_space<vmem>>) dst(%dma_wait3A_1337 : memref<1x4096xf32, #tpu.memory_space<hbm>>)
    %dma_wait3A_1342 = arith.constant 1 : i32
    %dma_wait3A_1343 = arith.constant 0 : i32
    %dma_wait3A_1344 = arith.constant 0 : i32
    %dma_wait3A_1345 = tpu.memref_slice %arg10[%dma_wait3A_1342, %dma_wait3A_1343, %dma_wait3A_1344] : memref<2x1x4096xf32, #tpu.memory_space<vmem>> -> memref<1x1x4096xf32, #tpu.memory_space<vmem>>
    %dma_wait3A_1346 = tpu.memref_squeeze %dma_wait3A_1345 : memref<1x1x4096xf32, #tpu.memory_space<vmem>> -> memref<1x4096xf32, #tpu.memory_space<vmem>>
    %dma_wait3A_1347 = arith.constant 12288 : i32
    %dma_wait3A_1348 = tpu.memref_slice %arg7[%add3A_1315, %dma_wait3A_1347] : memref<256x16384xf32, #tpu.memory_space<hbm>> -> memref<1x4096xf32, #tpu.memory_space<hbm>>
    %dma_wait3A_1349 = arith.constant 12288 : i32
    %dma_wait3A_1350 = tpu.memref_slice %arg7[%add3A_1315, %dma_wait3A_1349] : memref<256x16384xf32, #tpu.memory_space<hbm>> -> memref<1x4096xf32, #tpu.memory_space<hbm>>
    %dma_wait3A_1351 = arith.constant 0 : i32
    %dma_wait3A_1352 = arith.constant 0 : i32
    %dma_wait3A_1353 = tpu.memref_slice %arg10[%dma_wait3A_1342, %dma_wait3A_1351, %dma_wait3A_1352] : memref<2x1x4096xf32, #tpu.memory_space<vmem>> -> memref<1x1x4096xf32, #tpu.memory_space<vmem>>
    %dma_wait3A_1354 = tpu.memref_squeeze %dma_wait3A_1353 : memref<1x1x4096xf32, #tpu.memory_space<vmem>> -> memref<1x4096xf32, #tpu.memory_space<vmem>>
    tpu.wait_dma2 semaphore(%arg12 : memref<!tpu.dma_semaphore, #tpu.memory_space<semaphore_mem>>) src(%dma_wait3A_1354 : memref<1x4096xf32, #tpu.memory_space<vmem>>) dst(%dma_wait3A_1350 : memref<1x4096xf32, #tpu.memory_space<hbm>>)
    return
  }
}

</mosaic_0001>

<sc_bundles>
// kernel: _encode.3.cloned.1.call-start
scs
__scs_entry_jumppad:
0x0: {  	(pc) =	sbr.rel $0x88, $3  }
0x1: {  	(tag) =	ssettag $0x0;
	lr =	simm.s32 $0x1  }
0x2: {  	[smem:$0x3F9C] =	sst lr;
	_ =	strace $0xD0000000  }
0x3: {  	_ = 	snop  }
0x4: {  	_ = 	snop  }
0x5: {  	_ = 	snop  }
0x6: {  	_ = 	snop  }
0x7: {  	_ = 	snop  }
__scs_overlays_trampoline_lowered:
0x8: {  	[smem:$0x3FAB] =	sst s0  }
0x9: {  	[smem:$0x3FAC] =	sst s1  }
0xa: {  	[smem:$0x3FAD] =	sst s2  }
0xb: {  	[smem:$0x3FAE] =	sst s3  }
0xc: {  	[smem:$0x3FAF] =	sst s4  }
0xd: {  	[smem:$0x3FB0] =	sst s5  }
0xe: {  	[smem:$0x3FB1] =	sst s6  }
0xf: {  	[smem:$0x3FB2] =	sst s7  }
0x10: {  	[smem:$0x3FB3] =	sst s8  }
0x11: {  	[smem:$0x3FB4] =	sst s9;
	s0 =	simm.s32 @!p0 $0x0  }
0x12: {  	s1 =	sld [smem:$0x3F9A];
	s0 =	simm.s32 @p0 $0x1  }
0x13: {  	[smem:$0x3FB5] =	sst s0;
	s0 =	simm.s32 @!p1 $0x0  }
0x14: {  	s2 =	sld [smem:$0x3F99];
	s0 =	simm.s32 @p1 $0x1  }
0x15: {  	[smem:$0x3FB6] =	sst s0;
	s0 =	simm.s32 @!p2 $0x0  }
0x16: {  	s3 =	sld [smem:$0x3FDB];
	s0 =	simm.s32 @p2 $0x1  }
0x17: {  	s4 =	simm.s32 $0x1BF5;
	[smem:$0x3FB8] =	sst s0  }
0x18: {  	s0 =	sld [smem:$0x3F9B];
	_ =	swait.ge [sflag:s4], $0x0  }
0x19: {  	s7 =	sld [smem:$0x3F9C]  }
0x1a: {  	s8 =	sadd.s32 $0xFFFFE003, lr  }
0x1b: {  	s9 =	sadd.s32 $0xFFFFFEF7, lr;
	s5 =	simm.s32 $0xFFFFFFFF;
	p2 =	slt.u32 s8, $0xFFFFF086  }
0x1c: {  	p1 =	slt.u32 s9, $0xF7A;
	s5 =	simm.s32 @!p2 $0x0  }
0x1d: {  	s5 =	simm.s32 @p1 $0x1;
	p0 =	seq.s32 s7, s2  }
0x1e: {  	s7 =	smul.u32 @!p0 $0xF7A, s2;
	p2 =	seq.s32 @!p0 s5, $0x0  }
0x1f: {  	s9 =	smul.u32 $0xF7A, s1;
	s8 =	simm.s32 @!p0 $0x1BF5;
	p2 =	por !p2, p0  }
0x20: {  	[sflag:s8] =	ssyncset.s32 @!p0 $0xFFFFF086;
	s6 =	sadd.s32 @!p0 s3, s7;
	s7 =	simm.s32 @!p0 $0x108  }
0x21: {  	s3 =	sadd.s32 s3, s9;
	s6 =	sadd.s32 @!p0 $0x88, s6;
	s7 =	simm.s32 @p2 $0x1082  }
0x22: {  	[simem:s7], [sflag:s8] =	dma.local @!p0 [hbm:s6], $0xF7A  }
0x23: {  	s9 =	sor.u32 $0xD0000000, s2;
	s6 =	simm.s32 $0x108;
	_ =	swait.ge @!p0 [sflag:s8], $0x0  }
0x24: {  	s3 =	sadd.s32 $0x88, s3;
	s6 =	simm.s32 @!p1 $0x1082;
	[sflag:s4] =	ssyncset.s32 $0xFFFFF086  }
0x25: {  	[simem:s6], [sflag:s4] =	dma.local [hbm:s3], $0xF7A  }
0x26: {  	[smem:$0x3F9C] =	sst s1;
	(tag) =	ssettag s2;
	_ =	strace s9  }
0x27: {  	s1 =	sld [smem:$0x3FAC]  }
0x28: {  	s2 =	sld [smem:$0x3FAD]  }
0x29: {  	s4 =	sld [smem:$0x3FAF]  }
0x2a: {  	p0 =	seq.s32 s5, $0x0;
	s5 =	sld [smem:$0x3FB0]  }
0x2b: {  	s6 =	sld [smem:$0x3FB1]  }
0x2c: {  	s7 =	sld [smem:$0x3FB2]  }
0x2d: {  	s3 =	simm.s32 $0x108;
	s8 =	sld [smem:$0x3FB3]  }
0x2e: {  	s3 =	simm.s32 @!p0 $0x1082;
	s9 =	sld [smem:$0x3FB4]  }
0x2f: {  	lr =	sadd.s32 s0, s3;
	s0 =	sld [smem:$0x3FAB]  }
0x30: {  	s3 =	sld [smem:$0x3FAE]  }
0x31: {  	[smem:$0x3FB7] =	sst s10  }
0x32: {  	s10 =	sld [smem:$0x3FB5];
	_ =	sdelay $0x3  }
0x33: {  	p0 =	seq.s32 s10, $0x1;
	s10 =	sld [smem:$0x3FB7];
	_ =	sdelay $0x3  }
0x34: {  	[smem:$0x3FB7] =	sst s10  }
0x35: {  	s10 =	sld [smem:$0x3FB6];
	_ =	sdelay $0x3  }
0x36: {  	p1 =	seq.s32 s10, $0x1;
	s10 =	sld [smem:$0x3FB7];
	_ =	sdelay $0x3  }
0x37: {  	[smem:$0x3FB7] =	sst s10  }
0x38: {  	s10 =	sld [smem:$0x3FB8]  }
0x39: {  	_ = 	snop;
	(pc) =	sbr.ind lr, $3  }
0x3a: {  	_ = 	snop  }
0x3b: {  	_ = 	snop  }
0x3c: {  	p2 =	seq.s32 s10, $0x1;
	s10 =	sld [smem:$0x3FB7]  }
0x3d: {  	_ =	shalt  }
0x3e: {  	_ =	shalt  }
0x3f: {  	_ =	shalt  }
0x40: {  	_ =	shalt  }
0x41: {  	_ =	shalt  }
0x42: {  	_ =	shalt  }
0x43: {  	_ =	shalt  }
0x44: {  	_ =	shalt  }
0x45: {  	_ =	shalt  }
0x46: {  	_ =	shalt  }
0x47: {  	_ =	shalt  }
0x48: {  	_ =	shalt  }
0x49: {  	_ =	shalt  }
0x4a: {  	_ =	shalt  }
0x4b: {  	_ =	shalt  }
0x4c: {  	_ =	shalt  }
0x4d: {  	_ =	shalt  }
0x4e: {  	_ =	shalt  }
0x4f: {  	_ =	shalt  }
0x50: {  	_ =	shalt  }
0x51: {  	_ =	shalt  }
0x52: {  	_ =	shalt  }
0x53: {  	_ =	shalt  }
0x54: {  	_ =	shalt  }
0x55: {  	_ =	shalt  }
0x56: {  	_ =	shalt  }
0x57: {  	_ =	shalt  }
0x58: {  	_ =	shalt  }
0x59: {  	_ =	shalt  }
0x5a: {  	_ =	shalt  }
0x5b: {  	_ =	shalt  }
0x5c: {  	_ =	shalt  }
0x5d: {  	_ =	shalt  }
0x5e: {  	_ =	shalt  }
0x5f: {  	_ =	shalt  }
0x60: {  	_ =	shalt  }
0x61: {  	_ =	shalt  }
0x62: {  	_ =	shalt  }
0x63: {  	_ =	shalt  }
0x64: {  	_ =	shalt  }
0x65: {  	_ =	shalt  }
0x66: {  	_ =	shalt  }
0x67: {  	_ =	shalt  }
0x68: {  	_ =	shalt  }
0x69: {  	_ =	shalt  }
0x6a: {  	_ =	shalt  }
0x6b: {  	_ =	shalt  }
0x6c: {  	_ =	shalt  }
0x6d: {  	_ =	shalt  }
0x6e: {  	_ =	shalt  }
0x6f: {  	_ =	shalt  }
0x70: {  	_ =	shalt  }
0x71: {  	_ =	shalt  }
0x72: {  	_ =	shalt  }
0x73: {  	_ =	shalt  }
0x74: {  	_ =	shalt  }
0x75: {  	_ =	shalt  }
0x76: {  	_ =	shalt  }
0x77: {  	_ =	shalt  }
0x78: {  	_ =	shalt  }
0x79: {  	_ =	shalt  }
0x7a: {  	_ =	shalt  }
0x7b: {  	_ =	shalt  }
0x7c: {  	_ =	shalt  }
0x7d: {  	_ =	shalt  }
0x7e: {  	_ =	shalt  }
0x7f: {  	_ =	shalt  }
0x80: {  	_ =	shalt  }
0x81: {  	_ =	shalt  }
0x82: {  	_ =	shalt  }
0x83: {  	_ =	shalt  }
0x84: {  	_ =	shalt  }
0x85: {  	_ =	shalt  }
0x86: {  	_ =	shalt  }
0x87: {  	_ =	shalt  }
.Lfunc_end0:
.L_simem_size_0:
called_computation_lowered:
.L_overlay_start_0:
0x88: {  	s2 =	sld [smem:$0x3FD9]  }
0x89: {  	s3 =	sld [smem:$0x3FFE];
	_ =	sdelay $0x1  }
0x8a: {  	s1 =	srdreg.scid  }
0x8b: {  	s0 =	sand.u32 $0x1, s1  }
0x8c: {  	s18 =	sshll.u32 s0, $0xA;
	s2 =	sadd.s32 s3, s2  }
0x8d: {  	s2 =	sadd.s32 s2, s18  }
0x8e: {  	[smem:$0x3FC3] =	sst s2  }
0x8f: {  	_ = 	snop  }
0x90: {  	s2 =	sld [smem:$0x3FC9]  }
0x91: {  	s19 =	sld [smem:$0x3FC8]  }
0x92: {  	s4 =	sld [smem:$0x3FC7]  }
0x93: {  	s5 =	sld [smem:$0x3FC6]  }
0x94: {  	s6 =	sld [smem:$0x3FC5]  }
0x95: {  	s7 =	sld [smem:$0x3FD0];
	(tm) =	ssettm $0x1  }
0x96: {  	s8 =	sld [smem:$0x3FFB];
	_ =	sdelay $0x3  }
0x97: {  	_ =	strace s8  }
0x98: {  	s8 =	sld [smem:$0x3FFC];
	_ =	sdelay $0x3  }
0x99: {  	_ =	strace s8  }
0x9a: {  	s8 =	sld [smem:$0x3FFD];
	_ =	sdelay $0x3  }
0x9b: {  	_ =	strace s8  }
0x9c: {  	_ =	strace $0x8FFFFFFF  }
0x9d: {  	s20 =	sld [smem:$0x3FDB];
	_ =	sdelay $0x1  }
0x9e: {  	s9 =	simm.s32 $_scs_section_size  }
0x9f: {  	s10 =	simm.s32 $_size__tile_overlayer_lowered;
	s11 =	simm.s32 $_tile_overlayer_lowered  }
0xa0: {  	s23 =	simm.s32 $0x1BFF;
	s22 =	sshll.u32 s11, $0x1;
	s8 =	sadd.s32 s9, s20  }
0xa1: {  	s12 =	simm.s32 $0x0;
	s21 =	sshll.u32 s10, $0x1;
	s10 =	sadd.s32 s22, s8  }
0xa2: {  	[timem:s12], [sflag:s23] =	dma.local [hbm:s10], s21  }
0xa3: {  	_ =	swait.ge [sflag:s23], s21  }
0xa4: {  	s9 =	ssub.s32 $0x0, s21;
	[sflag:s23] =	ssyncset.done $0x0  }
0xa5: {  	[sflag:s23] =	ssyncadd.s32 s9;
	_ =	sdelay $0x1  }
0xa6: {  	s24 =	simm.s32 $0x1B8B  }
0xa7: {  	_ =	swait.ge [sflag:s24], $0x1  }
0xa8: {  	[sflag:s24] =	ssyncset.done $0x0  }
0xa9: {  	s25 =	simm.s32 $0x1B8E;
	[sflag:s24] =	ssyncadd.s32 $0xFFFFFFFF  }
0xaa: {  	s26 =	simm.s32 $execute0_lowered;
	[smem:$0x3FD2] =	sst s25  }
0xab: {  	s9 =	sshll.u32 s26, $0x1;
	_ =	strace $0x80000046;
	[dreg:$0x1] =	wrdreg $0xFFFFFFFF  }
0xac: {  	s28 =	simm.s32 $_size_execute0_lowered;
	s8 =	sadd.s32 s8, s9;
	[dreg:$0x0] =	wrdreg $0x0  }
0xad: {  	s9 =	sshll.u32 s28, $0x1;
	[dreg:$0x2] =	wrdreg s8  }
0xae: {  	[dreg:$0x3] =	wrdreg s9  }
0xaf: {  	[dreg:$0x4] =	wrdreg $0xC0  }
0xb0: {  	_ =	task [dreg:s12], $0x5FFFF  }
0xb1: {  	[dreg:$0x1] =	wrdreg $0xFFFFFFFF  }
0xb2: {  	[dreg:$0x0] =	wrdreg $0x60  }
0xb3: {  	[dreg:$0x2] =	wrdreg s2  }
0xb4: {  	[dreg:$0x3] =	wrdreg s19  }
0xb5: {  	[dreg:$0x4] =	wrdreg s4  }
0xb6: {  	[dreg:$0x5] =	wrdreg s5  }
0xb7: {  	[dreg:$0x6] =	wrdreg s6  }
0xb8: {  	[dreg:$0x7] =	wrdreg s7  }
0xb9: {  	[dreg:$0x8] =	wrdreg $0x9  }
0xba: {  	_ =	task.clear_ibuf [dreg:s12], $0x9FFFF;
	_ =	strace $0x90000046  }
0xbb: {  	s29 =	simm.s32 $0x9;
	_ =	strace $0x80000048  }
0xbc: {  	_ =	swait.ge [sflag:s29], $0x1  }
0xbd: {  	[sflag:s29] =	ssyncadd.s32 $0xFFFFFFFF  }
0xbe: {  	_ =	strace $0x90000048  }
0xbf: {  	_ =	sfence  }
0xc0: {  	s30 =	sld [smem:$0x0];
	_ =	sdelay $0x2  }
0xc1: {  	s31 =	sshll.u32 s1, $0xD;
	s1 =	sshrl.u32 s1, $0x2  }
0xc2: {  	s3 =	sand.u32 $0x4000, s31;
	s1 =	sadd.s32 s1, s30  }
0xc3: {  	s0 =	sor.u32 s3, s0;
	s1 =	sshll.u32 s1, $0x11  }
0xc4: {  	s0 =	sor.u32 s1, s0  }
0xc5: {  	s0 =	sadd.s32 $0x8F2B, s0  }
0xc6: {  	[sflag:s0] =	ssyncadd.remote.s32 $0x1  }
0xc7: {  	_ =	sfence.sel $0xFFFF  }
0xc8: {  	[dreg:$0x0] =	wrdreg $0xFFFFFFFF;
	(pc) =	sbr.abs _section_cstart, $3  }
0xc9: {  	[dreg:$0x1] =	wrdreg $0xFFFFFFFF  }
0xca: {  	_ =	task.clear_ibuf [dreg:s12], $0x2FFFF;
	_ =	strace $0x9FFFFFFF  }
0xcb: {  	(tm) =	ssettm $0x7FFFFFFF  }
tec
execute0_lowered:
.L_overlay_start_1:
0x0: {  	(tag) =	ssettag $0x1  }
0x1: {  	s8 =	rddreg [dreg:$0x0]  }
0x2: {  	s10 =	rddreg [dreg:$0x1]  }
0x3: {  	s11 =	rddreg [dreg:$0x2]  }
0x4: {  	s12 =	rddreg [dreg:$0x3];
	s6 =	stileid.u32  }
0x5: {  	s0 =	rddreg [dreg:$0x4];
	s2 =	srdreg.scid;
	s3 =	sshll.u32 s6, $0x1  }
0x6: {  	s1 =	rddreg [dreg:$0x5];
	s2 =	sand.u32 $0x1, s2;
	s3 =	sand.u32 $0x6, s3  }
0x7: {  	s4 =	simm.s32 $0x0;
	s20 =	ssub.s32 $0x2, s2;
	s2 =	sor.u32 s2, s3  }
0x8: {  	[smem:$0x7FF] =	sst s4;
	s21 =	sshrl.u32 s6, $0x2;
	s7 =	smul.u32 $0x18700, s2  }
0x9: {  	_ =	strace $0x80000047;
	s22 =	sshll.u32 s21, $0x4;
	s6 =	sshll.u32 s21, $0x11  }
0xa: {  	s5 =	sshrl.u32 s20, $0x1;
	s0 =	sadd.s32 s0, s22;
	s24 =	sadd.s32 s7, s8  }
0xb: {  	[dreg:$0x7] =	wrdreg s0;
	s26 =	sadd.s32 s7, s10;
	s25 =	sadd.s32 $0x10, s24  }
0xc: {  	s3 =	ssub.s32 s20, s5;
	s5 =	sadd.s32 $0x10, s26;
	[dreg:$0x8] =	wrdreg s25  }
0xd: {  	s2 =	sshll.u32 s2, $0xE;
	s8 =	sadd.s32 $0x20, s24;
	[dreg:$0x9] =	wrdreg s5  }
0xe: {  	s23 =	sor.u32 s6, s2;
	s10 =	sadd.s32 $0x20, s26;
	[dreg:$0xa] =	wrdreg s8  }
0xf: {  	s6 =	sadd.s32 s7, s11;
	s11 =	sadd.s32 $0x30, s24;
	[dreg:$0xb] =	wrdreg s10  }
0x10: {  	s13 =	sadd.s32 $0x30, s26;
	[dreg:$0xc] =	wrdreg s11  }
0x11: {  	s14 =	sadd.s32 $0x40, s24;
	[dreg:$0xd] =	wrdreg s13  }
0x12: {  	s15 =	sadd.s32 $0x40, s26;
	[dreg:$0xe] =	wrdreg s14  }
0x13: {  	s16 =	sadd.s32 $0x50, s24;
	[dreg:$0xf] =	wrdreg s15  }
0x14: {  	s17 =	sadd.s32 $0x50, s26;
	[dreg:$0x10] =	wrdreg s16  }
0x15: {  	s18 =	sadd.s32 $0x60, s24;
	[dreg:$0x11] =	wrdreg s17  }
0x16: {  	s19 =	sadd.s32 $0x60, s26;
	[dreg:$0x12] =	wrdreg s18  }
0x17: {  	s2 =	sadd.s32 $0x70, s24;
	[dreg:$0x13] =	wrdreg s19  }
0x18: {  	s0 =	sadd.s32 $0x70, s26;
	[dreg:$0x14] =	wrdreg s2  }
0x19: {  	s20 =	sadd.s32 $0x10, s6;
	[dreg:$0x15] =	wrdreg s0  }
0x1a: {  	s22 =	sadd.s32 $0x20, s6;
	[dreg:$0x16] =	wrdreg s20  }
0x1b: {  	s9 =	sadd.s32 s1, s23;
	s23 =	sadd.s32 $0x30, s6;
	[dreg:$0x17] =	wrdreg s22  }
0x1c: {  	s24 =	sadd.s32 $0x40, s6;
	[dreg:$0x18] =	wrdreg s23  }
0x1d: {  	s26 =	sadd.s32 $0x60, s6;
	[dreg:$0x19] =	wrdreg s24  }
0x1e: {  	p0 =	sgt.s32 s21, $0x1;
	s1 =	sadd.s32 $0x70, s6;
	[dreg:$0x1b] =	wrdreg s26  }
0x1f: {  	p1 =	seq.s32 s21, $0x0;
	s25 =	sadd.s32 $0x50, s6;
	[dreg:$0x1c] =	wrdreg s1  }
0x20: {  	p2 =	sne.s32 s21, $0x0;
	s11 =	smax.u32 s3, $0x1;
	[dreg:$0x1a] =	wrdreg s25  }
0x21: {  	s28 =	sadd.s32 $0x2040, s9;
	s13 =	sadd.s32 $0x2000, s9;
	[smem:$0x7EE] =	sst s11  }
0x22: {  	s29 =	sadd.s32 $0x3040, s9;
	s14 =	sadd.s32 $0x3000, s9;
	[smem:$0x7F0] =	sst s13  }
0x23: {  	s30 =	sadd.s32 $0x50, s9;
	s15 =	sadd.s32 $0x10, s9;
	[smem:$0x7F1] =	sst s14  }
0x24: {  	s31 =	sadd.s32 $0x1050, s9;
	s16 =	sadd.s32 $0x1010, s9;
	[smem:$0x7F2] =	sst s15  }
0x25: {  	s5 =	simm.s32 @!p0 $0x0;
	s17 =	sadd.s32 $0x2010, s9;
	[smem:$0x7F3] =	sst s16  }
0x26: {  	s18 =	sadd.s32 $0x3010, s9;
	s19 =	sadd.s32 $0x20, s9;
	[smem:$0x7F4] =	sst s17  }
0x27: {  	s20 =	sadd.s32 $0x1020, s9;
	s22 =	sadd.s32 $0x3020, s9;
	[smem:$0x7F5] =	sst s18  }
0x28: {  	s23 =	sadd.s32 $0x30, s9;
	s24 =	sadd.s32 $0x1030, s9;
	[smem:$0x7F6] =	sst s19  }
0x29: {  	s26 =	sadd.s32 $0x3030, s9;
	s3 =	sadd.s32 $0x60, s9;
	[smem:$0x7F7] =	sst s20  }
0x2a: {  	s1 =	sadd.s32 $0x2060, s9;
	s5 =	simm.s32 @p0 $0x1;
	[smem:$0x7F9] =	sst s22  }
0x2b: {  	p0 =	seq.s32 s21, $0x3;
	s21 =	sadd.s32 s7, s12;
	[smem:$0x7FA] =	sst s23  }
0x2c: {  	s12 =	sadd.s32 $0x1000, s9;
	[smem:$0x7FB] =	sst s24;
	s25 =	sadd.s32 $0x2030, s9  }
0x2d: {  	[smem:$0x7FD] =	sst s26;
	s26 =	sadd.s32 $0x1040, s9;
	s11 =	sadd.s32 $0x3070, s9  }
0x2e: {  	s13 =	simm.s32 $0x3;
	s14 =	simm.s32 $0x400;
	[smem:$0x7E8] =	sst s5  }
0x2f: {  	s15 =	simm.s32 $0x4000;
	s16 =	simm.s32 $0x1C700;
	[smem:$0x7EF] =	sst s12  }
0x30: {  	s17 =	simm.s32 $0x1D700;
	s2 =	sadd.s32 $0x10, s21;
	[smem:$0x7FC] =	sst s25  }
0x31: {  	s18 =	simm.s32 $0x1;
	s5 =	sadd.s32 $0x30, s21;
	[dreg:$0x1d] =	wrdreg s2  }
0x32: {  	s19 =	simm.s32 $0x2;
	s6 =	sadd.s32 $0x40, s21;
	[dreg:$0x1f] =	wrdreg s5  }
0x33: {  	s20 =	simm.s32 $0x0;
	s8 =	sadd.s32 $0x50, s21;
	[smem:$0x7EA] =	sst s6  }
0x34: {  	s4 =	simm.s32 @!p0 $0x0;
	s10 =	sadd.s32 $0x60, s21;
	[smem:$0x7EB] =	sst s8  }
0x35: {  	s0 =	sadd.s32 $0x70, s21;
	s25 =	sadd.s32 $0x40, s9;
	[smem:$0x7EC] =	sst s10  }
0x36: {  	s12 =	simm.s32 $0x80;
	s4 =	simm.s32 @p0 $0x1;
	[smem:$0x7ED] =	sst s0  }
0x37: {  	s0 =	sadd.s32 $0x2050, s9;
	s5 =	sadd.s32 $0x3050, s9;
	s2 =	sadd.s32 $0x3060, s9  }
0x38: {  	s6 =	sadd.s32 $0x70, s9;
	[smem:$0x7E9] =	sst s4;
	s4 =	sadd.s32 $0x20, s21  }
0x39: {  	s8 =	sadd.s32 $0x1070, s9;
	s21 =	sadd.s32 $0x2020, s9;
	[dreg:$0x1e] =	wrdreg s4  }
0x3a: {  	s10 =	sadd.s32 $0x2070, s9;
	[smem:$0x7F8] =	sst s21;
	s4 =	sadd.s32 $0x1060, s9  }
.LBB2_1:
0x3b: {  	s21 =	simm.s32 $0x0;
	s22 =	rddreg [dreg:$0x7];
	s23 =	simm.s32 $0x200  }
0x3c: {  	[tilespmem:s21], [sflag:$0x3] =	stream.strided.gather [hbm4b:s22+s12], $0x4000, s23, s12, $0x38;
	[tilespmem:$0x1E700] =	vst v63  }
0x3d: {  	_ =	swait.ge [sflag:s13], $0x4000  }
0x3e: {  	s24 =	sld [smem:$0x7E8];
	_ =	sdelay $0x2  }
0x3f: {  	p0 =	seq.s32 s24, $0x1  }
.Ltmp0:
0x40: {  	_ = 	snop;
	(pc) =	sbr.rel @p0 .LBB2_3-.Ltmp0, $3  }
0x41: {  	_ =	sdelay $0x1  }
0x42: {  	[sflag:s13] =	ssyncset.done $0x0  }
0x43: {  	[sflag:s13] =	ssyncadd.s32 $0xFFFFC000  }
.Ltmp1:
0x44: {  	(pc) =	sbr.rel .LBB2_6-.Ltmp1, $4  }
0x45: {  	p3 =	por @!p1 $0x1, $0x1;
	s21 =	rddreg [dreg:$0x1]  }
0x46: {  	p0 =	por @!p1 $0x0, $0x0;
	s22 =	rddreg [dreg:$0x0];
	p4 =	por $0x0, $0x0  }
0x47: {  	p6 =	por $0x0, $0x0;
	p5 =	por $0x0, $0x0;
	s21 =	smov.u32 @p1 s22  }
0x48: {  	p4 =	por @!p1 p0, p0;
	p6 =	por @!p1 p3, p3;
	p5 =	por @!p1 p0, p0  }
.LBB2_3:
0x49: {  	s21 =	sld [smem:$0x7E9];
	_ =	sdelay $0x2  }
0x4a: {  	p0 =	seq.s32 s21, $0x1  }
.Ltmp2:
0x4b: {  	_ = 	snop;
	(pc) =	sbr.rel @!p0 .LBB2_4-.Ltmp2, $1  }
0x4c: {  	_ =	sdelay $0x3  }
.Ltmp3:
0x4d: {  	(pc) =	sbr.rel .LBB2_6-.Ltmp3, $3  }
0x4e: {  	_ =	sdelay $0x1  }
0x4f: {  	p6 =	por $0x0, $0x0  }
0x50: {  	p4 =	por $0x1, $0x1;
	s21 =	rddreg [dreg:$0x3];
	p5 =	por $0x0, $0x0  }
.LBB2_4:
0x51: {  	p5 =	por $0x1, $0x1  }
0x52: {  	p4 =	por $0x0, $0x0;
	s21 =	rddreg [dreg:$0x2];
	p6 =	por $0x0, $0x0  }
.LBB2_6:
0x53: {  	s21 =	sadd.s32 s21, s7  }
0x54: {  	[tilespmem:s15], [sflag:$0x3] =	stream.strided.gather [hbm4b:s21+s12], $0x18700, s14, s12, $0x38;
	[tilespmem:$0x1E700] =	vst v63  }
0x55: {  	_ =	swait.ge [sflag:s13], $0x18700  }
0x56: {  	[sflag:s13] =	ssyncset.done $0x0  }
0x57: {  	s24 =	simm.s32 $0x40;
	[sflag:s13] =	ssyncadd.s32 $0xFFFE7900  }
0x58: {  	v0 =	vld [tilespmem:s24+$0x30]  }
0x59: {  	v1 =	vld [tilespmem:s24+$0xFFFFFFD0]  }
0x5a: {  	v2 =	vld [tilespmem:s24+$0xFFFFFFE0]  }
0x5b: {  	v3 =	vld [tilespmem:s24+$0xFFFFFFF0]  }
0x5c: {  	v4 =	vld [tilespmem:s24+$0x0]  }
0x5d: {  	v6 =	vld [tilespmem:s24+$0x10]  }
0x5e: {  	v7 =	vld [tilespmem:s24+$0x20]  }
0x5f: {  	v8 =	vld [tilespmem:s24+$0xFFFFFFC0]  }
0x60: {  	v9 =	vld.idx.msk [tilespmem:v0+s15+$0x0], $0xffff  }
0x61: {  	v10 =	vld.idx.msk [tilespmem:v1+s15+$0x0], $0xffff  }
0x62: {  	v5 =	vld.idx.msk [tilespmem:v2+s15+$0x0], $0xffff  }
0x63: {  	v3 =	vld.idx.msk [tilespmem:v3+s15+$0x0], $0xffff  }
0x64: {  	v0 =	vld.idx.msk [tilespmem:v4+s15+$0x0], $0xffff  }
0x65: {  	s21 =	simm.s32 $0x1C740;
	v1 =	vld.idx.msk [tilespmem:v6+s15+$0x0], $0xffff  }
0x66: {  	v2 =	vld.idx.msk [tilespmem:v7+s15+$0x0], $0xffff;
	[tilespmem:s21+$0x30] =	vst v9  }
0x67: {  	s22 =	simm.s32 $0x0;
	s23 =	simm.s32 $0xC0;
	v4 =	vld.idx.msk [tilespmem:v8+s15+$0x0], $0xffff;
	[tilespmem:s21+$0xFFFFFFD0] =	vst v10  }
.LBB2_7:
0x68: {  	v6 =	vld [tilespmem:s23+$0x30];
	s22 =	sadd.s32 $0x8, s22;
	[tilespmem:s21+$0xFFFFFFE0] =	vst v5  }
0x69: {  	v5 =	vld [tilespmem:s23+$0xFFFFFFD0];
	p3 =	slt.u32 s22, $0xF8;
	[tilespmem:s21+$0xFFFFFFF0] =	vst v3  }
0x6a: {  	v3 =	vld [tilespmem:s23+$0xFFFFFFE0];
	[tilespmem:s21+$0x0] =	vst v0  }
0x6b: {  	v0 =	vld [tilespmem:s23+$0xFFFFFFF0];
	[tilespmem:s21+$0x10] =	vst v1  }
0x6c: {  	v1 =	vld [tilespmem:s23+$0x0];
	[tilespmem:s21+$0x20] =	vst v2  }
0x6d: {  	v2 =	vld [tilespmem:s23+$0x10];
	[tilespmem:s21+$0xFFFFFFC0] =	vst v4  }
0x6e: {  	v4 =	vld [tilespmem:s23+$0x20]  }
0x6f: {  	v7 =	vld [tilespmem:s23+$0xFFFFFFC0]  }
0x70: {  	v6 =	vld.idx.msk [tilespmem:v6+s15+$0x0], $0xffff  }
0x71: {  	v8 =	vld.idx.msk [tilespmem:v5+s15+$0x0], $0xffff  }
0x72: {  	v5 =	vld.idx.msk [tilespmem:v3+s15+$0x0], $0xffff  }
.Ltmp4:
0x73: {  	v3 =	vld.idx.msk [tilespmem:v0+s15+$0x0], $0xffff;
	(pc) =	sbr.rel @p3 .LBB2_7-.Ltmp4, $4  }
0x74: {  	v0 =	vld.idx.msk [tilespmem:v1+s15+$0x0], $0xffff  }
0x75: {  	s21 =	sadd.s32 $0x80, s21;
	v1 =	vld.idx.msk [tilespmem:v2+s15+$0x0], $0xffff  }
0x76: {  	v2 =	vld.idx.msk [tilespmem:v4+s15+$0x0], $0xffff;
	[tilespmem:s21+$0x30] =	vst v6  }
0x77: {  	s23 =	sadd.s32 $0x80, s23;
	v4 =	vld.idx.msk [tilespmem:v7+s15+$0x0], $0xffff;
	[tilespmem:s21+$0xFFFFFFD0] =	vst v8  }
0x78: {  	[tilespmem:s21+$0xFFFFFFE0] =	vst v5  }
0x79: {  	[tilespmem:s21+$0xFFFFFFF0] =	vst v3  }
0x7a: {  	[tilespmem:s21+$0x0] =	vst v0  }
0x7b: {  	[tilespmem:s21+$0x10] =	vst v1  }
0x7c: {  	[tilespmem:s21+$0x20] =	vst v2  }
0x7d: {  	s24 =	simm.s32 $0x1070;
	[tilespmem:s21+$0xFFFFFFC0] =	vst v4  }
0x7e: {  	[hbm4b:s9+s12] =	stream.strided.scatter [tilespmem:s16], [sflag:$0x1], $0x1000, s14, s12, $0x38;
	[tilespmem:$0x1E700] =	vst v63  }
0x7f: {  	v0 =	vld [tilespmem:s24+$0x0]  }
0x80: {  	v1 =	vld [tilespmem:s24+$0xFFFFFFA0]  }
0x81: {  	v2 =	vld [tilespmem:s24+$0xFFFFFFB0]  }
0x82: {  	v3 =	vld [tilespmem:s24+$0xFFFFFFC0]  }
0x83: {  	v4 =	vld [tilespmem:s24+$0xFFFFFFD0]  }
0x84: {  	v6 =	vld [tilespmem:s24+$0xFFFFFFE0]  }
0x85: {  	v7 =	vld [tilespmem:s24+$0xFFFFFFF0]  }
0x86: {  	v8 =	vld [tilespmem:s24+$0xFFFFFF90]  }
0x87: {  	v9 =	vld.idx.msk [tilespmem:v0+s15+$0x0], $0xffff  }
0x88: {  	v10 =	vld.idx.msk [tilespmem:v1+s15+$0x0], $0xffff  }
0x89: {  	v5 =	vld.idx.msk [tilespmem:v2+s15+$0x0], $0xffff  }
0x8a: {  	v3 =	vld.idx.msk [tilespmem:v3+s15+$0x0], $0xffff  }
0x8b: {  	v0 =	vld.idx.msk [tilespmem:v4+s15+$0x0], $0xffff  }
0x8c: {  	s21 =	simm.s32 $0x1D770;
	v1 =	vld.idx.msk [tilespmem:v6+s15+$0x0], $0xffff  }
0x8d: {  	v2 =	vld.idx.msk [tilespmem:v7+s15+$0x0], $0xffff;
	[tilespmem:s21+$0x0] =	vst v9  }
0x8e: {  	s22 =	simm.s32 $0x0;
	s23 =	simm.s32 $0x10F0;
	v4 =	vld.idx.msk [tilespmem:v8+s15+$0x0], $0xffff;
	[tilespmem:s21+$0xFFFFFFA0] =	vst v10  }
.LBB2_9:
0x8f: {  	v6 =	vld [tilespmem:s23+$0x0];
	s22 =	sadd.s32 $0x8, s22;
	[tilespmem:s21+$0xFFFFFFB0] =	vst v5  }
0x90: {  	v5 =	vld [tilespmem:s23+$0xFFFFFFA0];
	p3 =	slt.u32 s22, $0xF8;
	[tilespmem:s21+$0xFFFFFFC0] =	vst v3  }
0x91: {  	v3 =	vld [tilespmem:s23+$0xFFFFFFB0];
	[tilespmem:s21+$0xFFFFFFD0] =	vst v0  }
0x92: {  	v0 =	vld [tilespmem:s23+$0xFFFFFFC0];
	[tilespmem:s21+$0xFFFFFFE0] =	vst v1  }
0x93: {  	v1 =	vld [tilespmem:s23+$0xFFFFFFD0];
	[tilespmem:s21+$0xFFFFFFF0] =	vst v2  }
0x94: {  	v2 =	vld [tilespmem:s23+$0xFFFFFFE0];
	[tilespmem:s21+$0xFFFFFF90] =	vst v4  }
0x95: {  	v4 =	vld [tilespmem:s23+$0xFFFFFFF0]  }
0x96: {  	v7 =	vld [tilespmem:s23+$0xFFFFFF90]  }
0x97: {  	v6 =	vld.idx.msk [tilespmem:v6+s15+$0x0], $0xffff  }
0x98: {  	v8 =	vld.idx.msk [tilespmem:v5+s15+$0x0], $0xffff  }
0x99: {  	v5 =	vld.idx.msk [tilespmem:v3+s15+$0x0], $0xffff  }
.Ltmp5:
0x9a: {  	v3 =	vld.idx.msk [tilespmem:v0+s15+$0x0], $0xffff;
	(pc) =	sbr.rel @p3 .LBB2_9-.Ltmp5, $4  }
0x9b: {  	v0 =	vld.idx.msk [tilespmem:v1+s15+$0x0], $0xffff  }
0x9c: {  	s21 =	sadd.s32 $0x80, s21;
	v1 =	vld.idx.msk [tilespmem:v2+s15+$0x0], $0xffff  }
0x9d: {  	v2 =	vld.idx.msk [tilespmem:v4+s15+$0x0], $0xffff;
	[tilespmem:s21+$0x0] =	vst v6  }
0x9e: {  	s23 =	sadd.s32 $0x80, s23;
	v4 =	vld.idx.msk [tilespmem:v7+s15+$0x0], $0xffff;
	[tilespmem:s21+$0xFFFFFFA0] =	vst v8  }
0x9f: {  	[tilespmem:s21+$0xFFFFFFB0] =	vst v5  }
0xa0: {  	[tilespmem:s21+$0xFFFFFFC0] =	vst v3  }
0xa1: {  	[tilespmem:s21+$0xFFFFFFD0] =	vst v0  }
0xa2: {  	[tilespmem:s21+$0xFFFFFFE0] =	vst v1  }
0xa3: {  	[tilespmem:s21+$0xFFFFFFF0] =	vst v2  }
0xa4: {  	[tilespmem:s21+$0xFFFFFF90] =	vst v4  }
0xa5: {  	s21 =	sld [smem:$0x7EF];
	_ =	sdelay $0x2  }
0xa6: {  	[hbm4b:s21+s12] =	stream.strided.scatter [tilespmem:s17], [sflag:$0x2], $0x1000, s14, s12, $0x38;
	[tilespmem:$0x1E700] =	vst v63  }
0xa7: {  	_ =	swait.ge [sflag:s18], $0x1000  }
0xa8: {  	[sflag:s18] =	ssyncset.done $0x0  }
0xa9: {  	s24 =	simm.s32 $0x2070;
	[sflag:s18] =	ssyncadd.s32 $0xFFFFF000  }
0xaa: {  	v0 =	vld [tilespmem:s24+$0x0]  }
0xab: {  	v1 =	vld [tilespmem:s24+$0xFFFFFFA0]  }
0xac: {  	v2 =	vld [tilespmem:s24+$0xFFFFFFB0]  }
0xad: {  	v3 =	vld [tilespmem:s24+$0xFFFFFFC0]  }
0xae: {  	v4 =	vld [tilespmem:s24+$0xFFFFFFD0]  }
0xaf: {  	v6 =	vld [tilespmem:s24+$0xFFFFFFE0]  }
0xb0: {  	v7 =	vld [tilespmem:s24+$0xFFFFFFF0]  }
0xb1: {  	v8 =	vld [tilespmem:s24+$0xFFFFFF90]  }
0xb2: {  	v9 =	vld.idx.msk [tilespmem:v0+s15+$0x0], $0xffff  }
0xb3: {  	v10 =	vld.idx.msk [tilespmem:v1+s15+$0x0], $0xffff  }
0xb4: {  	v5 =	vld.idx.msk [tilespmem:v2+s15+$0x0], $0xffff  }
0xb5: {  	v3 =	vld.idx.msk [tilespmem:v3+s15+$0x0], $0xffff  }
0xb6: {  	v0 =	vld.idx.msk [tilespmem:v4+s15+$0x0], $0xffff  }
0xb7: {  	s21 =	simm.s32 $0x1C740;
	v1 =	vld.idx.msk [tilespmem:v6+s15+$0x0], $0xffff  }
0xb8: {  	v2 =	vld.idx.msk [tilespmem:v7+s15+$0x0], $0xffff;
	[tilespmem:s21+$0x30] =	vst v9  }
0xb9: {  	s22 =	simm.s32 $0x0;
	s23 =	simm.s32 $0x20F0;
	v4 =	vld.idx.msk [tilespmem:v8+s15+$0x0], $0xffff;
	[tilespmem:s21+$0xFFFFFFD0] =	vst v10  }
.LBB2_11:
0xba: {  	v6 =	vld [tilespmem:s23+$0x0];
	s22 =	sadd.s32 $0x8, s22;
	[tilespmem:s21+$0xFFFFFFE0] =	vst v5  }
0xbb: {  	v5 =	vld [tilespmem:s23+$0xFFFFFFA0];
	p3 =	slt.u32 s22, $0xF8;
	[tilespmem:s21+$0xFFFFFFF0] =	vst v3  }
0xbc: {  	v3 =	vld [tilespmem:s23+$0xFFFFFFB0];
	[tilespmem:s21+$0x0] =	vst v0  }
0xbd: {  	v0 =	vld [tilespmem:s23+$0xFFFFFFC0];
	[tilespmem:s21+$0x10] =	vst v1  }
0xbe: {  	v1 =	vld [tilespmem:s23+$0xFFFFFFD0];
	[tilespmem:s21+$0x20] =	vst v2  }
0xbf: {  	v2 =	vld [tilespmem:s23+$0xFFFFFFE0];
	[tilespmem:s21+$0xFFFFFFC0] =	vst v4  }
0xc0: {  	v4 =	vld [tilespmem:s23+$0xFFFFFFF0]  }
0xc1: {  	v7 =	vld [tilespmem:s23+$0xFFFFFF90]  }
0xc2: {  	v6 =	vld.idx.msk [tilespmem:v6+s15+$0x0], $0xffff  }
0xc3: {  	v8 =	vld.idx.msk [tilespmem:v5+s15+$0x0], $0xffff  }
0xc4: {  	v5 =	vld.idx.msk [tilespmem:v3+s15+$0x0], $0xffff  }
.Ltmp6:
0xc5: {  	v3 =	vld.idx.msk [tilespmem:v0+s15+$0x0], $0xffff;
	(pc) =	sbr.rel @p3 .LBB2_11-.Ltmp6, $4  }
0xc6: {  	v0 =	vld.idx.msk [tilespmem:v1+s15+$0x0], $0xffff  }
0xc7: {  	s21 =	sadd.s32 $0x80, s21;
	v1 =	vld.idx.msk [tilespmem:v2+s15+$0x0], $0xffff  }
0xc8: {  	v2 =	vld.idx.msk [tilespmem:v4+s15+$0x0], $0xffff;
	[tilespmem:s21+$0x30] =	vst v6  }
0xc9: {  	s23 =	sadd.s32 $0x80, s23;
	v4 =	vld.idx.msk [tilespmem:v7+s15+$0x0], $0xffff;
	[tilespmem:s21+$0xFFFFFFD0] =	vst v8  }
0xca: {  	[tilespmem:s21+$0xFFFFFFE0] =	vst v5  }
0xcb: {  	[tilespmem:s21+$0xFFFFFFF0] =	vst v3  }
0xcc: {  	[tilespmem:s21+$0x0] =	vst v0  }
0xcd: {  	[tilespmem:s21+$0x10] =	vst v1  }
0xce: {  	[tilespmem:s21+$0x20] =	vst v2  }
0xcf: {  	[tilespmem:s21+$0xFFFFFFC0] =	vst v4  }
0xd0: {  	s21 =	sld [smem:$0x7F0];
	_ =	sdelay $0x2  }
0xd1: {  	[hbm4b:s21+s12] =	stream.strided.scatter [tilespmem:s16], [sflag:$0x1], $0x1000, s14, s12, $0x38;
	[tilespmem:$0x1E700] =	vst v63  }
0xd2: {  	_ =	swait.ge [sflag:s19], $0x1000  }
0xd3: {  	[sflag:s19] =	ssyncset.done $0x0  }
0xd4: {  	s24 =	simm.s32 $0x3070;
	[sflag:s19] =	ssyncadd.s32 $0xFFFFF000  }
0xd5: {  	v0 =	vld [tilespmem:s24+$0x0]  }
0xd6: {  	v1 =	vld [tilespmem:s24+$0xFFFFFFA0]  }
0xd7: {  	v2 =	vld [tilespmem:s24+$0xFFFFFFB0]  }
0xd8: {  	v3 =	vld [tilespmem:s24+$0xFFFFFFC0]  }
0xd9: {  	v4 =	vld [tilespmem:s24+$0xFFFFFFD0]  }
0xda: {  	v6 =	vld [tilespmem:s24+$0xFFFFFFE0]  }
0xdb: {  	v7 =	vld [tilespmem:s24+$0xFFFFFFF0]  }
0xdc: {  	v8 =	vld [tilespmem:s24+$0xFFFFFF90]  }
0xdd: {  	v9 =	vld.idx.msk [tilespmem:v0+s15+$0x0], $0xffff  }
0xde: {  	v10 =	vld.idx.msk [tilespmem:v1+s15+$0x0], $0xffff  }
0xdf: {  	v5 =	vld.idx.msk [tilespmem:v2+s15+$0x0], $0xffff  }
0xe0: {  	v3 =	vld.idx.msk [tilespmem:v3+s15+$0x0], $0xffff  }
0xe1: {  	v0 =	vld.idx.msk [tilespmem:v4+s15+$0x0], $0xffff  }
0xe2: {  	s21 =	simm.s32 $0x1D770;
	v1 =	vld.idx.msk [tilespmem:v6+s15+$0x0], $0xffff  }
0xe3: {  	v2 =	vld.idx.msk [tilespmem:v7+s15+$0x0], $0xffff;
	[tilespmem:s21+$0x0] =	vst v9  }
0xe4: {  	s22 =	simm.s32 $0x0;
	s23 =	simm.s32 $0x30F0;
	v4 =	vld.idx.msk [tilespmem:v8+s15+$0x0], $0xffff;
	[tilespmem:s21+$0xFFFFFFA0] =	vst v10  }
.LBB2_13:
0xe5: {  	v6 =	vld [tilespmem:s23+$0x0];
	s22 =	sadd.s32 $0x8, s22;
	[tilespmem:s21+$0xFFFFFFB0] =	vst v5  }
0xe6: {  	v5 =	vld [tilespmem:s23+$0xFFFFFFA0];
	p3 =	slt.u32 s22, $0xF8;
	[tilespmem:s21+$0xFFFFFFC0] =	vst v3  }
0xe7: {  	v3 =	vld [tilespmem:s23+$0xFFFFFFB0];
	[tilespmem:s21+$0xFFFFFFD0] =	vst v0  }
0xe8: {  	v0 =	vld [tilespmem:s23+$0xFFFFFFC0];
	[tilespmem:s21+$0xFFFFFFE0] =	vst v1  }
0xe9: {  	v1 =	vld [tilespmem:s23+$0xFFFFFFD0];
	[tilespmem:s21+$0xFFFFFFF0] =	vst v2  }
0xea: {  	v2 =	vld [tilespmem:s23+$0xFFFFFFE0];
	[tilespmem:s21+$0xFFFFFF90] =	vst v4  }
0xeb: {  	v4 =	vld [tilespmem:s23+$0xFFFFFFF0]  }
0xec: {  	v7 =	vld [tilespmem:s23+$0xFFFFFF90]  }
0xed: {  	v6 =	vld.idx.msk [tilespmem:v6+s15+$0x0], $0xffff  }
0xee: {  	v8 =	vld.idx.msk [tilespmem:v5+s15+$0x0], $0xffff  }
0xef: {  	v5 =	vld.idx.msk [tilespmem:v3+s15+$0x0], $0xffff  }
.Ltmp7:
0xf0: {  	v3 =	vld.idx.msk [tilespmem:v0+s15+$0x0], $0xffff;
	(pc) =	sbr.rel @p3 .LBB2_13-.Ltmp7, $4  }
0xf1: {  	v0 =	vld.idx.msk [tilespmem:v1+s15+$0x0], $0xffff  }
0xf2: {  	s21 =	sadd.s32 $0x80, s21;
	v1 =	vld.idx.msk [tilespmem:v2+s15+$0x0], $0xffff  }
0xf3: {  	v2 =	vld.idx.msk [tilespmem:v4+s15+$0x0], $0xffff;
	[tilespmem:s21+$0x0] =	vst v6  }
0xf4: {  	s23 =	sadd.s32 $0x80, s23;
	v4 =	vld.idx.msk [tilespmem:v7+s15+$0x0], $0xffff;
	[tilespmem:s21+$0xFFFFFFA0] =	vst v8  }
0xf5: {  	[tilespmem:s21+$0xFFFFFFB0] =	vst v5  }
0xf6: {  	[tilespmem:s21+$0xFFFFFFC0] =	vst v3  }
0xf7: {  	[tilespmem:s21+$0xFFFFFFD0] =	vst v0  }
0xf8: {  	[tilespmem:s21+$0xFFFFFFE0] =	vst v1  }
0xf9: {  	[tilespmem:s21+$0xFFFFFFF0] =	vst v2  }
0xfa: {  	[tilespmem:s21+$0xFFFFFF90] =	vst v4  }
0xfb: {  	s21 =	sld [smem:$0x7F1];
	_ =	sdelay $0x1  }
0xfc: {  	s22 =	simm.s32 @!p2 $0x400  }
0xfd: {  	[hbm4b:s21+s12] =	stream.strided.scatter [tilespmem:s17], [sflag:$0x2], $0x1000, s14, s12, $0x38;
	[tilespmem:$0x1E700] =	vst v63  }
0xfe: {  	s23 =	simm.s32 @!p2 $0x4000;
	s24 =	rddreg [dreg:$0x8];
	s21 =	simm.s32 @!p2 $0x80  }
0xff: {  	[tilespmem:s23], [sflag:$0x3] =	stream.strided.gather @!p2 [hbm4b:s24+s21], $0x18700, s22, s21, $0x38;
	[tilespmem:$0x1E700] =	vst v63  }
0x100: {  	s21 =	simm.s32 @!p2 $0x3  }
0x101: {  	_ =	swait.ge @!p2 [sflag:s21], $0x18700  }
0x102: {  	s22 =	simm.s32 @p6 $0x400;
	s23 =	simm.s32 @p6 $0x4000;
	[sflag:s21] =	ssyncset.done @!p2 $0x0  }
0x103: {  	s24 =	rddreg [dreg:$0x9];
	[sflag:s21] =	ssyncadd.s32 @!p2 $0xFFFE7900;
	s21 =	simm.s32 @p6 $0x80  }
0x104: {  	[tilespmem:s23], [sflag:$0x3] =	stream.strided.gather @p6 [hbm4b:s24+s21], $0x18700, s22, s21, $0x38;
	[tilespmem:$0x1E700] =	vst v63  }
0x105: {  	s21 =	simm.s32 @p6 $0x3  }
0x106: {  	_ =	swait.ge @p6 [sflag:s21], $0x18700  }
0x107: {  	s22 =	simm.s32 @p5 $0x400;
	s23 =	simm.s32 @p5 $0x4000;
	[sflag:s21] =	ssyncset.done @p6 $0x0  }
0x108: {  	s24 =	rddreg [dreg:$0x16];
	[sflag:s21] =	ssyncadd.s32 @p6 $0xFFFE7900;
	s21 =	simm.s32 @p5 $0x80  }
0x109: {  	[tilespmem:s23], [sflag:$0x3] =	stream.strided.gather @p5 [hbm4b:s24+s21], $0x18700, s22, s21, $0x38;
	[tilespmem:$0x1E700] =	vst v63  }
0x10a: {  	s21 =	simm.s32 @p5 $0x3  }
0x10b: {  	_ =	swait.ge @p5 [sflag:s21], $0x18700  }
0x10c: {  	s22 =	simm.s32 @p4 $0x400;
	s23 =	simm.s32 @p4 $0x4000;
	[sflag:s21] =	ssyncset.done @p5 $0x0  }
0x10d: {  	s24 =	rddreg [dreg:$0x1d];
	[sflag:s21] =	ssyncadd.s32 @p5 $0xFFFE7900;
	s21 =	simm.s32 @p4 $0x80  }
0x10e: {  	[tilespmem:s23], [sflag:$0x3] =	stream.strided.gather @p4 [hbm4b:s24+s21], $0x18700, s22, s21, $0x38;
	[tilespmem:$0x1E700] =	vst v63  }
0x10f: {  	s21 =	simm.s32 @p4 $0x3  }
0x110: {  	_ =	swait.ge @p4 [sflag:s21], $0x18700  }
0x111: {  	[sflag:s21] =	ssyncset.done @p4 $0x0  }
0x112: {  	[sflag:s21] =	ssyncadd.s32 @p4 $0xFFFE7900  }
0x113: {  	_ =	swait.ge [sflag:s18], $0x1000  }
0x114: {  	[sflag:s18] =	ssyncset.done $0x0  }
0x115: {  	s24 =	simm.s32 $0x40;
	[sflag:s18] =	ssyncadd.s32 $0xFFFFF000  }
0x116: {  	v0 =	vld [tilespmem:s24+$0x30]  }
0x117: {  	v1 =	vld [tilespmem:s24+$0xFFFFFFD0]  }
0x118: {  	v2 =	vld [tilespmem:s24+$0xFFFFFFE0]  }
0x119: {  	v3 =	vld [tilespmem:s24+$0xFFFFFFF0]  }
0x11a: {  	v4 =	vld [tilespmem:s24+$0x0]  }
0x11b: {  	v6 =	vld [tilespmem:s24+$0x10]  }
0x11c: {  	v7 =	vld [tilespmem:s24+$0x20]  }
0x11d: {  	v8 =	vld [tilespmem:s24+$0xFFFFFFC0]  }
0x11e: {  	v9 =	vld.idx.msk [tilespmem:v0+s15+$0x0], $0xffff  }
0x11f: {  	v10 =	vld.idx.msk [tilespmem:v1+s15+$0x0], $0xffff  }
0x120: {  	v5 =	vld.idx.msk [tilespmem:v2+s15+$0x0], $0xffff  }
0x121: {  	v3 =	vld.idx.msk [tilespmem:v3+s15+$0x0], $0xffff  }
0x122: {  	v0 =	vld.idx.msk [tilespmem:v4+s15+$0x0], $0xffff  }
0x123: {  	s21 =	simm.s32 $0x1C740;
	v1 =	vld.idx.msk [tilespmem:v6+s15+$0x0], $0xffff  }
0x124: {  	v2 =	vld.idx.msk [tilespmem:v7+s15+$0x0], $0xffff;
	[tilespmem:s21+$0x30] =	vst v9  }
0x125: {  	s22 =	simm.s32 $0x0;
	s23 =	simm.s32 $0xC0;
	v4 =	vld.idx.msk [tilespmem:v8+s15+$0x0], $0xffff;
	[tilespmem:s21+$0xFFFFFFD0] =	vst v10  }
.LBB2_15:
0x126: {  	v6 =	vld [tilespmem:s23+$0x30];
	s22 =	sadd.s32 $0x8, s22;
	[tilespmem:s21+$0xFFFFFFE0] =	vst v5  }
0x127: {  	v5 =	vld [tilespmem:s23+$0xFFFFFFD0];
	p3 =	slt.u32 s22, $0xF8;
	[tilespmem:s21+$0xFFFFFFF0] =	vst v3  }
0x128: {  	v3 =	vld [tilespmem:s23+$0xFFFFFFE0];
	[tilespmem:s21+$0x0] =	vst v0  }
0x129: {  	v0 =	vld [tilespmem:s23+$0xFFFFFFF0];
	[tilespmem:s21+$0x10] =	vst v1  }
0x12a: {  	v1 =	vld [tilespmem:s23+$0x0];
	[tilespmem:s21+$0x20] =	vst v2  }
0x12b: {  	v2 =	vld [tilespmem:s23+$0x10];
	[tilespmem:s21+$0xFFFFFFC0] =	vst v4  }
0x12c: {  	v4 =	vld [tilespmem:s23+$0x20]  }
0x12d: {  	v7 =	vld [tilespmem:s23+$0xFFFFFFC0]  }
0x12e: {  	v6 =	vld.idx.msk [tilespmem:v6+s15+$0x0], $0xffff  }
0x12f: {  	v8 =	vld.idx.msk [tilespmem:v5+s15+$0x0], $0xffff  }
0x130: {  	v5 =	vld.idx.msk [tilespmem:v3+s15+$0x0], $0xffff  }
.Ltmp8:
0x131: {  	v3 =	vld.idx.msk [tilespmem:v0+s15+$0x0], $0xffff;
	(pc) =	sbr.rel @p3 .LBB2_15-.Ltmp8, $4  }
0x132: {  	v0 =	vld.idx.msk [tilespmem:v1+s15+$0x0], $0xffff  }
0x133: {  	s21 =	sadd.s32 $0x80, s21;
	v1 =	vld.idx.msk [tilespmem:v2+s15+$0x0], $0xffff  }
0x134: {  	v2 =	vld.idx.msk [tilespmem:v4+s15+$0x0], $0xffff;
	[tilespmem:s21+$0x30] =	vst v6  }
0x135: {  	s23 =	sadd.s32 $0x80, s23;
	v4 =	vld.idx.msk [tilespmem:v7+s15+$0x0], $0xffff;
	[tilespmem:s21+$0xFFFFFFD0] =	vst v8  }
0x136: {  	[tilespmem:s21+$0xFFFFFFE0] =	vst v5  }
0x137: {  	[tilespmem:s21+$0xFFFFFFF0] =	vst v3  }
0x138: {  	[tilespmem:s21+$0x0] =	vst v0  }
0x139: {  	[tilespmem:s21+$0x10] =	vst v1  }
0x13a: {  	[tilespmem:s21+$0x20] =	vst v2  }
0x13b: {  	[tilespmem:s21+$0xFFFFFFC0] =	vst v4  }
0x13c: {  	s21 =	sld [smem:$0x7F2];
	_ =	sdelay $0x2  }
0x13d: {  	[hbm4b:s21+s12] =	stream.strided.scatter [tilespmem:s16], [sflag:$0x1], $0x1000, s14, s12, $0x38;
	[tilespmem:$0x1E700] =	vst v63  }
0x13e: {  	_ =	swait.ge [sflag:s19], $0x1000  }
0x13f: {  	[sflag:s19] =	ssyncset.done $0x0  }
0x140: {  	s24 =	simm.s32 $0x1070;
	[sflag:s19] =	ssyncadd.s32 $0xFFFFF000  }
0x141: {  	v0 =	vld [tilespmem:s24+$0x0]  }
0x142: {  	v1 =	vld [tilespmem:s24+$0xFFFFFFA0]  }
0x143: {  	v2 =	vld [tilespmem:s24+$0xFFFFFFB0]  }
0x144: {  	v3 =	vld [tilespmem:s24+$0xFFFFFFC0]  }
0x145: {  	v4 =	vld [tilespmem:s24+$0xFFFFFFD0]  }
0x146: {  	v6 =	vld [tilespmem:s24+$0xFFFFFFE0]  }
0x147: {  	v7 =	vld [tilespmem:s24+$0xFFFFFFF0]  }
0x148: {  	v8 =	vld [tilespmem:s24+$0xFFFFFF90]  }
0x149: {  	v9 =	vld.idx.msk [tilespmem:v0+s15+$0x0], $0xffff  }
0x14a: {  	v10 =	vld.idx.msk [tilespmem:v1+s15+$0x0], $0xffff  }
0x14b: {  	v5 =	vld.idx.msk [tilespmem:v2+s15+$0x0], $0xffff  }
0x14c: {  	v3 =	vld.idx.msk [tilespmem:v3+s15+$0x0], $0xffff  }
0x14d: {  	v0 =	vld.idx.msk [tilespmem:v4+s15+$0x0], $0xffff  }
0x14e: {  	s21 =	simm.s32 $0x1D770;
	v1 =	vld.idx.msk [tilespmem:v6+s15+$0x0], $0xffff  }
0x14f: {  	v2 =	vld.idx.msk [tilespmem:v7+s15+$0x0], $0xffff;
	[tilespmem:s21+$0x0] =	vst v9  }
0x150: {  	s22 =	simm.s32 $0x0;
	s23 =	simm.s32 $0x10F0;
	v4 =	vld.idx.msk [tilespmem:v8+s15+$0x0], $0xffff;
	[tilespmem:s21+$0xFFFFFFA0] =	vst v10  }
.LBB2_17:
0x151: {  	v6 =	vld [tilespmem:s23+$0x0];
	s22 =	sadd.s32 $0x8, s22;
	[tilespmem:s21+$0xFFFFFFB0] =	vst v5  }
0x152: {  	v5 =	vld [tilespmem:s23+$0xFFFFFFA0];
	p3 =	slt.u32 s22, $0xF8;
	[tilespmem:s21+$0xFFFFFFC0] =	vst v3  }
0x153: {  	v3 =	vld [tilespmem:s23+$0xFFFFFFB0];
	[tilespmem:s21+$0xFFFFFFD0] =	vst v0  }
0x154: {  	v0 =	vld [tilespmem:s23+$0xFFFFFFC0];
	[tilespmem:s21+$0xFFFFFFE0] =	vst v1  }
0x155: {  	v1 =	vld [tilespmem:s23+$0xFFFFFFD0];
	[tilespmem:s21+$0xFFFFFFF0] =	vst v2  }
0x156: {  	v2 =	vld [tilespmem:s23+$0xFFFFFFE0];
	[tilespmem:s21+$0xFFFFFF90] =	vst v4  }
0x157: {  	v4 =	vld [tilespmem:s23+$0xFFFFFFF0]  }
0x158: {  	v7 =	vld [tilespmem:s23+$0xFFFFFF90]  }
0x159: {  	v6 =	vld.idx.msk [tilespmem:v6+s15+$0x0], $0xffff  }
0x15a: {  	v8 =	vld.idx.msk [tilespmem:v5+s15+$0x0], $0xffff  }
0x15b: {  	v5 =	vld.idx.msk [tilespmem:v3+s15+$0x0], $0xffff  }
.Ltmp9:
0x15c: {  	v3 =	vld.idx.msk [tilespmem:v0+s15+$0x0], $0xffff;
	(pc) =	sbr.rel @p3 .LBB2_17-.Ltmp9, $4  }
0x15d: {  	v0 =	vld.idx.msk [tilespmem:v1+s15+$0x0], $0xffff  }
0x15e: {  	s21 =	sadd.s32 $0x80, s21;
	v1 =	vld.idx.msk [tilespmem:v2+s15+$0x0], $0xffff  }
0x15f: {  	v2 =	vld.idx.msk [tilespmem:v4+s15+$0x0], $0xffff;
	[tilespmem:s21+$0x0] =	vst v6  }
0x160: {  	s23 =	sadd.s32 $0x80, s23;
	v4 =	vld.idx.msk [tilespmem:v7+s15+$0x0], $0xffff;
	[tilespmem:s21+$0xFFFFFFA0] =	vst v8  }
0x161: {  	[tilespmem:s21+$0xFFFFFFB0] =	vst v5  }
0x162: {  	[tilespmem:s21+$0xFFFFFFC0] =	vst v3  }
0x163: {  	[tilespmem:s21+$0xFFFFFFD0] =	vst v0  }
0x164: {  	[tilespmem:s21+$0xFFFFFFE0] =	vst v1  }
0x165: {  	[tilespmem:s21+$0xFFFFFFF0] =	vst v2  }
0x166: {  	[tilespmem:s21+$0xFFFFFF90] =	vst v4  }
0x167: {  	s21 =	sld [smem:$0x7F3];
	_ =	sdelay $0x2  }
0x168: {  	[hbm4b:s21+s12] =	stream.strided.scatter [tilespmem:s17], [sflag:$0x2], $0x1000, s14, s12, $0x38;
	[tilespmem:$0x1E700] =	vst v63  }
0x169: {  	_ =	swait.ge [sflag:s18], $0x1000  }
0x16a: {  	[sflag:s18] =	ssyncset.done $0x0  }
0x16b: {  	s24 =	simm.s32 $0x2070;
	[sflag:s18] =	ssyncadd.s32 $0xFFFFF000  }
0x16c: {  	v0 =	vld [tilespmem:s24+$0x0]  }
0x16d: {  	v1 =	vld [tilespmem:s24+$0xFFFFFFA0]  }
0x16e: {  	v2 =	vld [tilespmem:s24+$0xFFFFFFB0]  }
0x16f: {  	v3 =	vld [tilespmem:s24+$0xFFFFFFC0]  }
0x170: {  	v4 =	vld [tilespmem:s24+$0xFFFFFFD0]  }
0x171: {  	v6 =	vld [tilespmem:s24+$0xFFFFFFE0]  }
0x172: {  	v7 =	vld [tilespmem:s24+$0xFFFFFFF0]  }
0x173: {  	v8 =	vld [tilespmem:s24+$0xFFFFFF90]  }
0x174: {  	v9 =	vld.idx.msk [tilespmem:v0+s15+$0x0], $0xffff  }
0x175: {  	v10 =	vld.idx.msk [tilespmem:v1+s15+$0x0], $0xffff  }
0x176: {  	v5 =	vld.idx.msk [tilespmem:v2+s15+$0x0], $0xffff  }
0x177: {  	v3 =	vld.idx.msk [tilespmem:v3+s15+$0x0], $0xffff  }
0x178: {  	v0 =	vld.idx.msk [tilespmem:v4+s15+$0x0], $0xffff  }
0x179: {  	s21 =	simm.s32 $0x1C740;
	v1 =	vld.idx.msk [tilespmem:v6+s15+$0x0], $0xffff  }
0x17a: {  	v2 =	vld.idx.msk [tilespmem:v7+s15+$0x0], $0xffff;
	[tilespmem:s21+$0x30] =	vst v9  }
0x17b: {  	s22 =	simm.s32 $0x0;
	s23 =	simm.s32 $0x20F0;
	v4 =	vld.idx.msk [tilespmem:v8+s15+$0x0], $0xffff;
	[tilespmem:s21+$0xFFFFFFD0] =	vst v10  }
.LBB2_19:
0x17c: {  	v6 =	vld [tilespmem:s23+$0x0];
	s22 =	sadd.s32 $0x8, s22;
	[tilespmem:s21+$0xFFFFFFE0] =	vst v5  }
0x17d: {  	v5 =	vld [tilespmem:s23+$0xFFFFFFA0];
	p3 =	slt.u32 s22, $0xF8;
	[tilespmem:s21+$0xFFFFFFF0] =	vst v3  }
0x17e: {  	v3 =	vld [tilespmem:s23+$0xFFFFFFB0];
	[tilespmem:s21+$0x0] =	vst v0  }
0x17f: {  	v0 =	vld [tilespmem:s23+$0xFFFFFFC0];
	[tilespmem:s21+$0x10] =	vst v1  }
0x180: {  	v1 =	vld [tilespmem:s23+$0xFFFFFFD0];
	[tilespmem:s21+$0x20] =	vst v2  }
0x181: {  	v2 =	vld [tilespmem:s23+$0xFFFFFFE0];
	[tilespmem:s21+$0xFFFFFFC0] =	vst v4  }
0x182: {  	v4 =	vld [tilespmem:s23+$0xFFFFFFF0]  }
0x183: {  	v7 =	vld [tilespmem:s23+$0xFFFFFF90]  }
0x184: {  	v6 =	vld.idx.msk [tilespmem:v6+s15+$0x0], $0xffff  }
0x185: {  	v8 =	vld.idx.msk [tilespmem:v5+s15+$0x0], $0xffff  }
0x186: {  	v5 =	vld.idx.msk [tilespmem:v3+s15+$0x0], $0xffff  }
.Ltmp10:
0x187: {  	v3 =	vld.idx.msk [tilespmem:v0+s15+$0x0], $0xffff;
	(pc) =	sbr.rel @p3 .LBB2_19-.Ltmp10, $4  }
0x188: {  	v0 =	vld.idx.msk [tilespmem:v1+s15+$0x0], $0xffff  }
0x189: {  	s21 =	sadd.s32 $0x80, s21;
	v1 =	vld.idx.msk [tilespmem:v2+s15+$0x0], $0xffff  }
0x18a: {  	v2 =	vld.idx.msk [tilespmem:v4+s15+$0x0], $0xffff;
	[tilespmem:s21+$0x30] =	vst v6  }
0x18b: {  	s23 =	sadd.s32 $0x80, s23;
	v4 =	vld.idx.msk [tilespmem:v7+s15+$0x0], $0xffff;
	[tilespmem:s21+$0xFFFFFFD0] =	vst v8  }
0x18c: {  	[tilespmem:s21+$0xFFFFFFE0] =	vst v5  }
0x18d: {  	[tilespmem:s21+$0xFFFFFFF0] =	vst v3  }
0x18e: {  	[tilespmem:s21+$0x0] =	vst v0  }
0x18f: {  	[tilespmem:s21+$0x10] =	vst v1  }
0x190: {  	[tilespmem:s21+$0x20] =	vst v2  }
0x191: {  	[tilespmem:s21+$0xFFFFFFC0] =	vst v4  }
0x192: {  	s21 =	sld [smem:$0x7F4];
	_ =	sdelay $0x2  }
0x193: {  	[hbm4b:s21+s12] =	stream.strided.scatter [tilespmem:s16], [sflag:$0x1], $0x1000, s14, s12, $0x38;
	[tilespmem:$0x1E700] =	vst v63  }
0x194: {  	_ =	swait.ge [sflag:s19], $0x1000  }
0x195: {  	[sflag:s19] =	ssyncset.done $0x0  }
0x196: {  	s24 =	simm.s32 $0x3070;
	[sflag:s19] =	ssyncadd.s32 $0xFFFFF000  }
0x197: {  	v0 =	vld [tilespmem:s24+$0x0]  }
0x198: {  	v1 =	vld [tilespmem:s24+$0xFFFFFFA0]  }
0x199: {  	v2 =	vld [tilespmem:s24+$0xFFFFFFB0]  }
0x19a: {  	v3 =	vld [tilespmem:s24+$0xFFFFFFC0]  }
0x19b: {  	v4 =	vld [tilespmem:s24+$0xFFFFFFD0]  }
0x19c: {  	v6 =	vld [tilespmem:s24+$0xFFFFFFE0]  }
0x19d: {  	v7 =	vld [tilespmem:s24+$0xFFFFFFF0]  }
0x19e: {  	v8 =	vld [tilespmem:s24+$0xFFFFFF90]  }
0x19f: {  	v9 =	vld.idx.msk [tilespmem:v0+s15+$0x0], $0xffff  }
0x1a0: {  	v10 =	vld.idx.msk [tilespmem:v1+s15+$0x0], $0xffff  }
0x1a1: {  	v5 =	vld.idx.msk [tilespmem:v2+s15+$0x0], $0xffff  }
0x1a2: {  	v3 =	vld.idx.msk [tilespmem:v3+s15+$0x0], $0xffff  }
0x1a3: {  	v0 =	vld.idx.msk [tilespmem:v4+s15+$0x0], $0xffff  }
0x1a4: {  	s21 =	simm.s32 $0x1D770;
	v1 =	vld.idx.msk [tilespmem:v6+s15+$0x0], $0xffff  }
0x1a5: {  	v2 =	vld.idx.msk [tilespmem:v7+s15+$0x0], $0xffff;
	[tilespmem:s21+$0x0] =	vst v9  }
0x1a6: {  	s22 =	simm.s32 $0x0;
	s23 =	simm.s32 $0x30F0;
	v4 =	vld.idx.msk [tilespmem:v8+s15+$0x0], $0xffff;
	[tilespmem:s21+$0xFFFFFFA0] =	vst v10  }
.LBB2_21:
0x1a7: {  	v6 =	vld [tilespmem:s23+$0x0];
	s22 =	sadd.s32 $0x8, s22;
	[tilespmem:s21+$0xFFFFFFB0] =	vst v5  }
0x1a8: {  	v5 =	vld [tilespmem:s23+$0xFFFFFFA0];
	p3 =	slt.u32 s22, $0xF8;
	[tilespmem:s21+$0xFFFFFFC0] =	vst v3  }
0x1a9: {  	v3 =	vld [tilespmem:s23+$0xFFFFFFB0];
	[tilespmem:s21+$0xFFFFFFD0] =	vst v0  }
0x1aa: {  	v0 =	vld [tilespmem:s23+$0xFFFFFFC0];
	[tilespmem:s21+$0xFFFFFFE0] =	vst v1  }
0x1ab: {  	v1 =	vld [tilespmem:s23+$0xFFFFFFD0];
	[tilespmem:s21+$0xFFFFFFF0] =	vst v2  }
0x1ac: {  	v2 =	vld [tilespmem:s23+$0xFFFFFFE0];
	[tilespmem:s21+$0xFFFFFF90] =	vst v4  }
0x1ad: {  	v4 =	vld [tilespmem:s23+$0xFFFFFFF0]  }
0x1ae: {  	v7 =	vld [tilespmem:s23+$0xFFFFFF90]  }
0x1af: {  	v6 =	vld.idx.msk [tilespmem:v6+s15+$0x0], $0xffff  }
0x1b0: {  	v8 =	vld.idx.msk [tilespmem:v5+s15+$0x0], $0xffff  }
0x1b1: {  	v5 =	vld.idx.msk [tilespmem:v3+s15+$0x0], $0xffff  }
.Ltmp11:
0x1b2: {  	v3 =	vld.idx.msk [tilespmem:v0+s15+$0x0], $0xffff;
	(pc) =	sbr.rel @p3 .LBB2_21-.Ltmp11, $4  }
0x1b3: {  	v0 =	vld.idx.msk [tilespmem:v1+s15+$0x0], $0xffff  }
0x1b4: {  	s21 =	sadd.s32 $0x80, s21;
	v1 =	vld.idx.msk [tilespmem:v2+s15+$0x0], $0xffff  }
0x1b5: {  	v2 =	vld.idx.msk [tilespmem:v4+s15+$0x0], $0xffff;
	[tilespmem:s21+$0x0] =	vst v6  }
0x1b6: {  	s23 =	sadd.s32 $0x80, s23;
	v4 =	vld.idx.msk [tilespmem:v7+s15+$0x0], $0xffff;
	[tilespmem:s21+$0xFFFFFFA0] =	vst v8  }
0x1b7: {  	[tilespmem:s21+$0xFFFFFFB0] =	vst v5  }
0x1b8: {  	[tilespmem:s21+$0xFFFFFFC0] =	vst v3  }
0x1b9: {  	[tilespmem:s21+$0xFFFFFFD0] =	vst v0  }
0x1ba: {  	[tilespmem:s21+$0xFFFFFFE0] =	vst v1  }
0x1bb: {  	[tilespmem:s21+$0xFFFFFFF0] =	vst v2  }
0x1bc: {  	[tilespmem:s21+$0xFFFFFF90] =	vst v4  }
0x1bd: {  	s21 =	sld [smem:$0x7F5];
	_ =	sdelay $0x1  }
0x1be: {  	s22 =	simm.s32 @!p2 $0x400  }
0x1bf: {  	[hbm4b:s21+s12] =	stream.strided.scatter [tilespmem:s17], [sflag:$0x2], $0x1000, s14, s12, $0x38;
	[tilespmem:$0x1E700] =	vst v63  }
0x1c0: {  	s23 =	simm.s32 @!p2 $0x4000;
	s24 =	rddreg [dreg:$0xa];
	s21 =	simm.s32 @!p2 $0x80  }
0x1c1: {  	[tilespmem:s23], [sflag:$0x3] =	stream.strided.gather @!p2 [hbm4b:s24+s21], $0x18700, s22, s21, $0x38;
	[tilespmem:$0x1E700] =	vst v63  }
0x1c2: {  	s21 =	simm.s32 @!p2 $0x3  }
0x1c3: {  	_ =	swait.ge @!p2 [sflag:s21], $0x18700  }
0x1c4: {  	s22 =	simm.s32 @p6 $0x400;
	s23 =	simm.s32 @p6 $0x4000;
	[sflag:s21] =	ssyncset.done @!p2 $0x0  }
0x1c5: {  	s24 =	rddreg [dreg:$0xb];
	[sflag:s21] =	ssyncadd.s32 @!p2 $0xFFFE7900;
	s21 =	simm.s32 @p6 $0x80  }
0x1c6: {  	[tilespmem:s23], [sflag:$0x3] =	stream.strided.gather @p6 [hbm4b:s24+s21], $0x18700, s22, s21, $0x38;
	[tilespmem:$0x1E700] =	vst v63  }
0x1c7: {  	s21 =	simm.s32 @p6 $0x3  }
0x1c8: {  	_ =	swait.ge @p6 [sflag:s21], $0x18700  }
0x1c9: {  	s22 =	simm.s32 @p5 $0x400;
	s23 =	simm.s32 @p5 $0x4000;
	[sflag:s21] =	ssyncset.done @p6 $0x0  }
0x1ca: {  	s24 =	rddreg [dreg:$0x17];
	[sflag:s21] =	ssyncadd.s32 @p6 $0xFFFE7900;
	s21 =	simm.s32 @p5 $0x80  }
0x1cb: {  	[tilespmem:s23], [sflag:$0x3] =	stream.strided.gather @p5 [hbm4b:s24+s21], $0x18700, s22, s21, $0x38;
	[tilespmem:$0x1E700] =	vst v63  }
0x1cc: {  	s21 =	simm.s32 @p5 $0x3  }
0x1cd: {  	_ =	swait.ge @p5 [sflag:s21], $0x18700  }
0x1ce: {  	s22 =	simm.s32 @p4 $0x400;
	s23 =	simm.s32 @p4 $0x4000;
	[sflag:s21] =	ssyncset.done @p5 $0x0  }
0x1cf: {  	s24 =	rddreg [dreg:$0x1e];
	[sflag:s21] =	ssyncadd.s32 @p5 $0xFFFE7900;
	s21 =	simm.s32 @p4 $0x80  }
0x1d0: {  	[tilespmem:s23], [sflag:$0x3] =	stream.strided.gather @p4 [hbm4b:s24+s21], $0x18700, s22, s21, $0x38;
	[tilespmem:$0x1E700] =	vst v63  }
0x1d1: {  	s21 =	simm.s32 @p4 $0x3  }
0x1d2: {  	_ =	swait.ge @p4 [sflag:s21], $0x18700  }
0x1d3: {  	[sflag:s21] =	ssyncset.done @p4 $0x0  }
0x1d4: {  	[sflag:s21] =	ssyncadd.s32 @p4 $0xFFFE7900  }
0x1d5: {  	_ =	swait.ge [sflag:s18], $0x1000  }
0x1d6: {  	[sflag:s18] =	ssyncset.done $0x0  }
0x1d7: {  	s24 =	simm.s32 $0x40;
	[sflag:s18] =	ssyncadd.s32 $0xFFFFF000  }
0x1d8: {  	v0 =	vld [tilespmem:s24+$0x30]  }
0x1d9: {  	v1 =	vld [tilespmem:s24+$0xFFFFFFD0]  }
0x1da: {  	v2 =	vld [tilespmem:s24+$0xFFFFFFE0]  }
0x1db: {  	v3 =	vld [tilespmem:s24+$0xFFFFFFF0]  }
0x1dc: {  	v4 =	vld [tilespmem:s24+$0x0]  }
0x1dd: {  	v6 =	vld [tilespmem:s24+$0x10]  }
0x1de: {  	v7 =	vld [tilespmem:s24+$0x20]  }
0x1df: {  	v8 =	vld [tilespmem:s24+$0xFFFFFFC0]  }
0x1e0: {  	v9 =	vld.idx.msk [tilespmem:v0+s15+$0x0], $0xffff  }
0x1e1: {  	v10 =	vld.idx.msk [tilespmem:v1+s15+$0x0], $0xffff  }
0x1e2: {  	v5 =	vld.idx.msk [tilespmem:v2+s15+$0x0], $0xffff  }
0x1e3: {  	v3 =	vld.idx.msk [tilespmem:v3+s15+$0x0], $0xffff  }
0x1e4: {  	v0 =	vld.idx.msk [tilespmem:v4+s15+$0x0], $0xffff  }
0x1e5: {  	s21 =	simm.s32 $0x1C740;
	v1 =	vld.idx.msk [tilespmem:v6+s15+$0x0], $0xffff  }
0x1e6: {  	v2 =	vld.idx.msk [tilespmem:v7+s15+$0x0], $0xffff;
	[tilespmem:s21+$0x30] =	vst v9  }
0x1e7: {  	s22 =	simm.s32 $0x0;
	s23 =	simm.s32 $0xC0;
	v4 =	vld.idx.msk [tilespmem:v8+s15+$0x0], $0xffff;
	[tilespmem:s21+$0xFFFFFFD0] =	vst v10  }
.LBB2_23:
0x1e8: {  	v6 =	vld [tilespmem:s23+$0x30];
	s22 =	sadd.s32 $0x8, s22;
	[tilespmem:s21+$0xFFFFFFE0] =	vst v5  }
0x1e9: {  	v5 =	vld [tilespmem:s23+$0xFFFFFFD0];
	p3 =	slt.u32 s22, $0xF8;
	[tilespmem:s21+$0xFFFFFFF0] =	vst v3  }
0x1ea: {  	v3 =	vld [tilespmem:s23+$0xFFFFFFE0];
	[tilespmem:s21+$0x0] =	vst v0  }
0x1eb: {  	v0 =	vld [tilespmem:s23+$0xFFFFFFF0];
	[tilespmem:s21+$0x10] =	vst v1  }
0x1ec: {  	v1 =	vld [tilespmem:s23+$0x0];
	[tilespmem:s21+$0x20] =	vst v2  }
0x1ed: {  	v2 =	vld [tilespmem:s23+$0x10];
	[tilespmem:s21+$0xFFFFFFC0] =	vst v4  }
0x1ee: {  	v4 =	vld [tilespmem:s23+$0x20]  }
0x1ef: {  	v7 =	vld [tilespmem:s23+$0xFFFFFFC0]  }
0x1f0: {  	v6 =	vld.idx.msk [tilespmem:v6+s15+$0x0], $0xffff  }
0x1f1: {  	v8 =	vld.idx.msk [tilespmem:v5+s15+$0x0], $0xffff  }
0x1f2: {  	v5 =	vld.idx.msk [tilespmem:v3+s15+$0x0], $0xffff  }
.Ltmp12:
0x1f3: {  	v3 =	vld.idx.msk [tilespmem:v0+s15+$0x0], $0xffff;
	(pc) =	sbr.rel @p3 .LBB2_23-.Ltmp12, $4  }
0x1f4: {  	v0 =	vld.idx.msk [tilespmem:v1+s15+$0x0], $0xffff  }
0x1f5: {  	s21 =	sadd.s32 $0x80, s21;
	v1 =	vld.idx.msk [tilespmem:v2+s15+$0x0], $0xffff  }
0x1f6: {  	v2 =	vld.idx.msk [tilespmem:v4+s15+$0x0], $0xffff;
	[tilespmem:s21+$0x30] =	vst v6  }
0x1f7: {  	s23 =	sadd.s32 $0x80, s23;
	v4 =	vld.idx.msk [tilespmem:v7+s15+$0x0], $0xffff;
	[tilespmem:s21+$0xFFFFFFD0] =	vst v8  }
0x1f8: {  	[tilespmem:s21+$0xFFFFFFE0] =	vst v5  }
0x1f9: {  	[tilespmem:s21+$0xFFFFFFF0] =	vst v3  }
0x1fa: {  	[tilespmem:s21+$0x0] =	vst v0  }
0x1fb: {  	[tilespmem:s21+$0x10] =	vst v1  }
0x1fc: {  	[tilespmem:s21+$0x20] =	vst v2  }
0x1fd: {  	[tilespmem:s21+$0xFFFFFFC0] =	vst v4  }
0x1fe: {  	s21 =	sld [smem:$0x7F6];
	_ =	sdelay $0x2  }
0x1ff: {  	[hbm4b:s21+s12] =	stream.strided.scatter [tilespmem:s16], [sflag:$0x1], $0x1000, s14, s12, $0x38;
	[tilespmem:$0x1E700] =	vst v63  }
0x200: {  	_ =	swait.ge [sflag:s19], $0x1000  }
0x201: {  	[sflag:s19] =	ssyncset.done $0x0  }
0x202: {  	s24 =	simm.s32 $0x1070;
	[sflag:s19] =	ssyncadd.s32 $0xFFFFF000  }
0x203: {  	v0 =	vld [tilespmem:s24+$0x0]  }
0x204: {  	v1 =	vld [tilespmem:s24+$0xFFFFFFA0]  }
0x205: {  	v2 =	vld [tilespmem:s24+$0xFFFFFFB0]  }
0x206: {  	v3 =	vld [tilespmem:s24+$0xFFFFFFC0]  }
0x207: {  	v4 =	vld [tilespmem:s24+$0xFFFFFFD0]  }
0x208: {  	v6 =	vld [tilespmem:s24+$0xFFFFFFE0]  }
0x209: {  	v7 =	vld [tilespmem:s24+$0xFFFFFFF0]  }
0x20a: {  	v8 =	vld [tilespmem:s24+$0xFFFFFF90]  }
0x20b: {  	v9 =	vld.idx.msk [tilespmem:v0+s15+$0x0], $0xffff  }
0x20c: {  	v10 =	vld.idx.msk [tilespmem:v1+s15+$0x0], $0xffff  }
0x20d: {  	v5 =	vld.idx.msk [tilespmem:v2+s15+$0x0], $0xffff  }
0x20e: {  	v3 =	vld.idx.msk [tilespmem:v3+s15+$0x0], $0xffff  }
0x20f: {  	v0 =	vld.idx.msk [tilespmem:v4+s15+$0x0], $0xffff  }
0x210: {  	s21 =	simm.s32 $0x1D770;
	v1 =	vld.idx.msk [tilespmem:v6+s15+$0x0], $0xffff  }
0x211: {  	v2 =	vld.idx.msk [tilespmem:v7+s15+$0x0], $0xffff;
	[tilespmem:s21+$0x0] =	vst v9  }
0x212: {  	s22 =	simm.s32 $0x0;
	s23 =	simm.s32 $0x10F0;
	v4 =	vld.idx.msk [tilespmem:v8+s15+$0x0], $0xffff;
	[tilespmem:s21+$0xFFFFFFA0] =	vst v10  }
.LBB2_25:
0x213: {  	v6 =	vld [tilespmem:s23+$0x0];
	s22 =	sadd.s32 $0x8, s22;
	[tilespmem:s21+$0xFFFFFFB0] =	vst v5  }
0x214: {  	v5 =	vld [tilespmem:s23+$0xFFFFFFA0];
	p3 =	slt.u32 s22, $0xF8;
	[tilespmem:s21+$0xFFFFFFC0] =	vst v3  }
0x215: {  	v3 =	vld [tilespmem:s23+$0xFFFFFFB0];
	[tilespmem:s21+$0xFFFFFFD0] =	vst v0  }
0x216: {  	v0 =	vld [tilespmem:s23+$0xFFFFFFC0];
	[tilespmem:s21+$0xFFFFFFE0] =	vst v1  }
0x217: {  	v1 =	vld [tilespmem:s23+$0xFFFFFFD0];
	[tilespmem:s21+$0xFFFFFFF0] =	vst v2  }
0x218: {  	v2 =	vld [tilespmem:s23+$0xFFFFFFE0];
	[tilespmem:s21+$0xFFFFFF90] =	vst v4  }
0x219: {  	v4 =	vld [tilespmem:s23+$0xFFFFFFF0]  }
0x21a: {  	v7 =	vld [tilespmem:s23+$0xFFFFFF90]  }
0x21b: {  	v6 =	vld.idx.msk [tilespmem:v6+s15+$0x0], $0xffff  }
0x21c: {  	v8 =	vld.idx.msk [tilespmem:v5+s15+$0x0], $0xffff  }
0x21d: {  	v5 =	vld.idx.msk [tilespmem:v3+s15+$0x0], $0xffff  }
.Ltmp13:
0x21e: {  	v3 =	vld.idx.msk [tilespmem:v0+s15+$0x0], $0xffff;
	(pc) =	sbr.rel @p3 .LBB2_25-.Ltmp13, $4  }
0x21f: {  	v0 =	vld.idx.msk [tilespmem:v1+s15+$0x0], $0xffff  }
0x220: {  	s21 =	sadd.s32 $0x80, s21;
	v1 =	vld.idx.msk [tilespmem:v2+s15+$0x0], $0xffff  }
0x221: {  	v2 =	vld.idx.msk [tilespmem:v4+s15+$0x0], $0xffff;
	[tilespmem:s21+$0x0] =	vst v6  }
0x222: {  	s23 =	sadd.s32 $0x80, s23;
	v4 =	vld.idx.msk [tilespmem:v7+s15+$0x0], $0xffff;
	[tilespmem:s21+$0xFFFFFFA0] =	vst v8  }
0x223: {  	[tilespmem:s21+$0xFFFFFFB0] =	vst v5  }
0x224: {  	[tilespmem:s21+$0xFFFFFFC0] =	vst v3  }
0x225: {  	[tilespmem:s21+$0xFFFFFFD0] =	vst v0  }
0x226: {  	[tilespmem:s21+$0xFFFFFFE0] =	vst v1  }
0x227: {  	[tilespmem:s21+$0xFFFFFFF0] =	vst v2  }
0x228: {  	[tilespmem:s21+$0xFFFFFF90] =	vst v4  }
0x229: {  	s21 =	sld [smem:$0x7F7];
	_ =	sdelay $0x2  }
0x22a: {  	[hbm4b:s21+s12] =	stream.strided.scatter [tilespmem:s17], [sflag:$0x2], $0x1000, s14, s12, $0x38;
	[tilespmem:$0x1E700] =	vst v63  }
0x22b: {  	_ =	swait.ge [sflag:s18], $0x1000  }
0x22c: {  	[sflag:s18] =	ssyncset.done $0x0  }
0x22d: {  	s24 =	simm.s32 $0x2070;
	[sflag:s18] =	ssyncadd.s32 $0xFFFFF000  }
0x22e: {  	v0 =	vld [tilespmem:s24+$0x0]  }
0x22f: {  	v1 =	vld [tilespmem:s24+$0xFFFFFFA0]  }
0x230: {  	v2 =	vld [tilespmem:s24+$0xFFFFFFB0]  }
0x231: {  	v3 =	vld [tilespmem:s24+$0xFFFFFFC0]  }
0x232: {  	v4 =	vld [tilespmem:s24+$0xFFFFFFD0]  }
0x233: {  	v6 =	vld [tilespmem:s24+$0xFFFFFFE0]  }
0x234: {  	v7 =	vld [tilespmem:s24+$0xFFFFFFF0]  }
0x235: {  	v8 =	vld [tilespmem:s24+$0xFFFFFF90]  }
0x236: {  	v9 =	vld.idx.msk [tilespmem:v0+s15+$0x0], $0xffff  }
0x237: {  	v10 =	vld.idx.msk [tilespmem:v1+s15+$0x0], $0xffff  }
0x238: {  	v5 =	vld.idx.msk [tilespmem:v2+s15+$0x0], $0xffff  }
0x239: {  	v3 =	vld.idx.msk [tilespmem:v3+s15+$0x0], $0xffff  }
0x23a: {  	v0 =	vld.idx.msk [tilespmem:v4+s15+$0x0], $0xffff  }
0x23b: {  	s21 =	simm.s32 $0x1C740;
	v1 =	vld.idx.msk [tilespmem:v6+s15+$0x0], $0xffff  }
0x23c: {  	v2 =	vld.idx.msk [tilespmem:v7+s15+$0x0], $0xffff;
	[tilespmem:s21+$0x30] =	vst v9  }
0x23d: {  	s22 =	simm.s32 $0x0;
	s23 =	simm.s32 $0x20F0;
	v4 =	vld.idx.msk [tilespmem:v8+s15+$0x0], $0xffff;
	[tilespmem:s21+$0xFFFFFFD0] =	vst v10  }
.LBB2_27:
0x23e: {  	v6 =	vld [tilespmem:s23+$0x0];
	s22 =	sadd.s32 $0x8, s22;
	[tilespmem:s21+$0xFFFFFFE0] =	vst v5  }
0x23f: {  	v5 =	vld [tilespmem:s23+$0xFFFFFFA0];
	p3 =	slt.u32 s22, $0xF8;
	[tilespmem:s21+$0xFFFFFFF0] =	vst v3  }
0x240: {  	v3 =	vld [tilespmem:s23+$0xFFFFFFB0];
	[tilespmem:s21+$0x0] =	vst v0  }
0x241: {  	v0 =	vld [tilespmem:s23+$0xFFFFFFC0];
	[tilespmem:s21+$0x10] =	vst v1  }
0x242: {  	v1 =	vld [tilespmem:s23+$0xFFFFFFD0];
	[tilespmem:s21+$0x20] =	vst v2  }
0x243: {  	v2 =	vld [tilespmem:s23+$0xFFFFFFE0];
	[tilespmem:s21+$0xFFFFFFC0] =	vst v4  }
0x244: {  	v4 =	vld [tilespmem:s23+$0xFFFFFFF0]  }
0x245: {  	v7 =	vld [tilespmem:s23+$0xFFFFFF90]  }
0x246: {  	v6 =	vld.idx.msk [tilespmem:v6+s15+$0x0], $0xffff  }
0x247: {  	v8 =	vld.idx.msk [tilespmem:v5+s15+$0x0], $0xffff  }
0x248: {  	v5 =	vld.idx.msk [tilespmem:v3+s15+$0x0], $0xffff  }
.Ltmp14:
0x249: {  	v3 =	vld.idx.msk [tilespmem:v0+s15+$0x0], $0xffff;
	(pc) =	sbr.rel @p3 .LBB2_27-.Ltmp14, $4  }
0x24a: {  	v0 =	vld.idx.msk [tilespmem:v1+s15+$0x0], $0xffff  }
0x24b: {  	s21 =	sadd.s32 $0x80, s21;
	v1 =	vld.idx.msk [tilespmem:v2+s15+$0x0], $0xffff  }
0x24c: {  	v2 =	vld.idx.msk [tilespmem:v4+s15+$0x0], $0xffff;
	[tilespmem:s21+$0x30] =	vst v6  }
0x24d: {  	s23 =	sadd.s32 $0x80, s23;
	v4 =	vld.idx.msk [tilespmem:v7+s15+$0x0], $0xffff;
	[tilespmem:s21+$0xFFFFFFD0] =	vst v8  }
0x24e: {  	[tilespmem:s21+$0xFFFFFFE0] =	vst v5  }
0x24f: {  	[tilespmem:s21+$0xFFFFFFF0] =	vst v3  }
0x250: {  	[tilespmem:s21+$0x0] =	vst v0  }
0x251: {  	[tilespmem:s21+$0x10] =	vst v1  }
0x252: {  	[tilespmem:s21+$0x20] =	vst v2  }
0x253: {  	[tilespmem:s21+$0xFFFFFFC0] =	vst v4  }
0x254: {  	s21 =	sld [smem:$0x7F8];
	_ =	sdelay $0x2  }
0x255: {  	[hbm4b:s21+s12] =	stream.strided.scatter [tilespmem:s16], [sflag:$0x1], $0x1000, s14, s12, $0x38;
	[tilespmem:$0x1E700] =	vst v63  }
0x256: {  	_ =	swait.ge [sflag:s19], $0x1000  }
0x257: {  	[sflag:s19] =	ssyncset.done $0x0  }
0x258: {  	s24 =	simm.s32 $0x3070;
	[sflag:s19] =	ssyncadd.s32 $0xFFFFF000  }
0x259: {  	v0 =	vld [tilespmem:s24+$0x0]  }
0x25a: {  	v1 =	vld [tilespmem:s24+$0xFFFFFFA0]  }
0x25b: {  	v2 =	vld [tilespmem:s24+$0xFFFFFFB0]  }
0x25c: {  	v3 =	vld [tilespmem:s24+$0xFFFFFFC0]  }
0x25d: {  	v4 =	vld [tilespmem:s24+$0xFFFFFFD0]  }
0x25e: {  	v6 =	vld [tilespmem:s24+$0xFFFFFFE0]  }
0x25f: {  	v7 =	vld [tilespmem:s24+$0xFFFFFFF0]  }
0x260: {  	v8 =	vld [tilespmem:s24+$0xFFFFFF90]  }
0x261: {  	v9 =	vld.idx.msk [tilespmem:v0+s15+$0x0], $0xffff  }
0x262: {  	v10 =	vld.idx.msk [tilespmem:v1+s15+$0x0], $0xffff  }
0x263: {  	v5 =	vld.idx.msk [tilespmem:v2+s15+$0x0], $0xffff  }
0x264: {  	v3 =	vld.idx.msk [tilespmem:v3+s15+$0x0], $0xffff  }
0x265: {  	v0 =	vld.idx.msk [tilespmem:v4+s15+$0x0], $0xffff  }
0x266: {  	s21 =	simm.s32 $0x1D770;
	v1 =	vld.idx.msk [tilespmem:v6+s15+$0x0], $0xffff  }
0x267: {  	v2 =	vld.idx.msk [tilespmem:v7+s15+$0x0], $0xffff;
	[tilespmem:s21+$0x0] =	vst v9  }
0x268: {  	s22 =	simm.s32 $0x0;
	s23 =	simm.s32 $0x30F0;
	v4 =	vld.idx.msk [tilespmem:v8+s15+$0x0], $0xffff;
	[tilespmem:s21+$0xFFFFFFA0] =	vst v10  }
.LBB2_29:
0x269: {  	v6 =	vld [tilespmem:s23+$0x0];
	s22 =	sadd.s32 $0x8, s22;
	[tilespmem:s21+$0xFFFFFFB0] =	vst v5  }
0x26a: {  	v5 =	vld [tilespmem:s23+$0xFFFFFFA0];
	p3 =	slt.u32 s22, $0xF8;
	[tilespmem:s21+$0xFFFFFFC0] =	vst v3  }
0x26b: {  	v3 =	vld [tilespmem:s23+$0xFFFFFFB0];
	[tilespmem:s21+$0xFFFFFFD0] =	vst v0  }
0x26c: {  	v0 =	vld [tilespmem:s23+$0xFFFFFFC0];
	[tilespmem:s21+$0xFFFFFFE0] =	vst v1  }
0x26d: {  	v1 =	vld [tilespmem:s23+$0xFFFFFFD0];
	[tilespmem:s21+$0xFFFFFFF0] =	vst v2  }
0x26e: {  	v2 =	vld [tilespmem:s23+$0xFFFFFFE0];
	[tilespmem:s21+$0xFFFFFF90] =	vst v4  }
0x26f: {  	v4 =	vld [tilespmem:s23+$0xFFFFFFF0]  }
0x270: {  	v7 =	vld [tilespmem:s23+$0xFFFFFF90]  }
0x271: {  	v6 =	vld.idx.msk [tilespmem:v6+s15+$0x0], $0xffff  }
0x272: {  	v8 =	vld.idx.msk [tilespmem:v5+s15+$0x0], $0xffff  }
0x273: {  	v5 =	vld.idx.msk [tilespmem:v3+s15+$0x0], $0xffff  }
.Ltmp15:
0x274: {  	v3 =	vld.idx.msk [tilespmem:v0+s15+$0x0], $0xffff;
	(pc) =	sbr.rel @p3 .LBB2_29-.Ltmp15, $4  }
0x275: {  	v0 =	vld.idx.msk [tilespmem:v1+s15+$0x0], $0xffff  }
0x276: {  	s21 =	sadd.s32 $0x80, s21;
	v1 =	vld.idx.msk [tilespmem:v2+s15+$0x0], $0xffff  }
0x277: {  	v2 =	vld.idx.msk [tilespmem:v4+s15+$0x0], $0xffff;
	[tilespmem:s21+$0x0] =	vst v6  }
0x278: {  	s23 =	sadd.s32 $0x80, s23;
	v4 =	vld.idx.msk [tilespmem:v7+s15+$0x0], $0xffff;
	[tilespmem:s21+$0xFFFFFFA0] =	vst v8  }
0x279: {  	[tilespmem:s21+$0xFFFFFFB0] =	vst v5  }
0x27a: {  	[tilespmem:s21+$0xFFFFFFC0] =	vst v3  }
0x27b: {  	[tilespmem:s21+$0xFFFFFFD0] =	vst v0  }
0x27c: {  	[tilespmem:s21+$0xFFFFFFE0] =	vst v1  }
0x27d: {  	[tilespmem:s21+$0xFFFFFFF0] =	vst v2  }
0x27e: {  	[tilespmem:s21+$0xFFFFFF90] =	vst v4  }
0x27f: {  	s21 =	sld [smem:$0x7F9];
	_ =	sdelay $0x1  }
0x280: {  	s22 =	simm.s32 @!p2 $0x400  }
0x281: {  	[hbm4b:s21+s12] =	stream.strided.scatter [tilespmem:s17], [sflag:$0x2], $0x1000, s14, s12, $0x38;
	[tilespmem:$0x1E700] =	vst v63  }
0x282: {  	s23 =	simm.s32 @!p2 $0x4000;
	s24 =	rddreg [dreg:$0xc];
	s21 =	simm.s32 @!p2 $0x80  }
0x283: {  	[tilespmem:s23], [sflag:$0x3] =	stream.strided.gather @!p2 [hbm4b:s24+s21], $0x18700, s22, s21, $0x38;
	[tilespmem:$0x1E700] =	vst v63  }
0x284: {  	s21 =	simm.s32 @!p2 $0x3  }
0x285: {  	_ =	swait.ge @!p2 [sflag:s21], $0x18700  }
0x286: {  	s22 =	simm.s32 @p6 $0x400;
	s23 =	simm.s32 @p6 $0x4000;
	[sflag:s21] =	ssyncset.done @!p2 $0x0  }
0x287: {  	s24 =	rddreg [dreg:$0xd];
	[sflag:s21] =	ssyncadd.s32 @!p2 $0xFFFE7900;
	s21 =	simm.s32 @p6 $0x80  }
0x288: {  	[tilespmem:s23], [sflag:$0x3] =	stream.strided.gather @p6 [hbm4b:s24+s21], $0x18700, s22, s21, $0x38;
	[tilespmem:$0x1E700] =	vst v63  }
0x289: {  	s21 =	simm.s32 @p6 $0x3  }
0x28a: {  	_ =	swait.ge @p6 [sflag:s21], $0x18700  }
0x28b: {  	s22 =	simm.s32 @p5 $0x400;
	s23 =	simm.s32 @p5 $0x4000;
	[sflag:s21] =	ssyncset.done @p6 $0x0  }
0x28c: {  	s24 =	rddreg [dreg:$0x18];
	[sflag:s21] =	ssyncadd.s32 @p6 $0xFFFE7900;
	s21 =	simm.s32 @p5 $0x80  }
0x28d: {  	[tilespmem:s23], [sflag:$0x3] =	stream.strided.gather @p5 [hbm4b:s24+s21], $0x18700, s22, s21, $0x38;
	[tilespmem:$0x1E700] =	vst v63  }
0x28e: {  	s21 =	simm.s32 @p5 $0x3  }
0x28f: {  	_ =	swait.ge @p5 [sflag:s21], $0x18700  }
0x290: {  	s22 =	simm.s32 @p4 $0x400;
	s23 =	simm.s32 @p4 $0x4000;
	[sflag:s21] =	ssyncset.done @p5 $0x0  }
0x291: {  	s24 =	rddreg [dreg:$0x1f];
	[sflag:s21] =	ssyncadd.s32 @p5 $0xFFFE7900;
	s21 =	simm.s32 @p4 $0x80  }
0x292: {  	[tilespmem:s23], [sflag:$0x3] =	stream.strided.gather @p4 [hbm4b:s24+s21], $0x18700, s22, s21, $0x38;
	[tilespmem:$0x1E700] =	vst v63  }
0x293: {  	s21 =	simm.s32 @p4 $0x3  }
0x294: {  	_ =	swait.ge @p4 [sflag:s21], $0x18700  }
0x295: {  	[sflag:s21] =	ssyncset.done @p4 $0x0  }
0x296: {  	[sflag:s21] =	ssyncadd.s32 @p4 $0xFFFE7900  }
0x297: {  	_ =	swait.ge [sflag:s18], $0x1000  }
0x298: {  	[sflag:s18] =	ssyncset.done $0x0  }
0x299: {  	s24 =	simm.s32 $0x40;
	[sflag:s18] =	ssyncadd.s32 $0xFFFFF000  }
0x29a: {  	v0 =	vld [tilespmem:s24+$0x30]  }
0x29b: {  	v1 =	vld [tilespmem:s24+$0xFFFFFFD0]  }
0x29c: {  	v2 =	vld [tilespmem:s24+$0xFFFFFFE0]  }
0x29d: {  	v3 =	vld [tilespmem:s24+$0xFFFFFFF0]  }
0x29e: {  	v4 =	vld [tilespmem:s24+$0x0]  }
0x29f: {  	v6 =	vld [tilespmem:s24+$0x10]  }
0x2a0: {  	v7 =	vld [tilespmem:s24+$0x20]  }
0x2a1: {  	v8 =	vld [tilespmem:s24+$0xFFFFFFC0]  }
0x2a2: {  	v9 =	vld.idx.msk [tilespmem:v0+s15+$0x0], $0xffff  }
0x2a3: {  	v10 =	vld.idx.msk [tilespmem:v1+s15+$0x0], $0xffff  }
0x2a4: {  	v5 =	vld.idx.msk [tilespmem:v2+s15+$0x0], $0xffff  }
0x2a5: {  	v3 =	vld.idx.msk [tilespmem:v3+s15+$0x0], $0xffff  }
0x2a6: {  	v0 =	vld.idx.msk [tilespmem:v4+s15+$0x0], $0xffff  }
0x2a7: {  	s21 =	simm.s32 $0x1C740;
	v1 =	vld.idx.msk [tilespmem:v6+s15+$0x0], $0xffff  }
0x2a8: {  	v2 =	vld.idx.msk [tilespmem:v7+s15+$0x0], $0xffff;
	[tilespmem:s21+$0x30] =	vst v9  }
0x2a9: {  	s22 =	simm.s32 $0x0;
	s23 =	simm.s32 $0xC0;
	v4 =	vld.idx.msk [tilespmem:v8+s15+$0x0], $0xffff;
	[tilespmem:s21+$0xFFFFFFD0] =	vst v10  }
.LBB2_31:
0x2aa: {  	v6 =	vld [tilespmem:s23+$0x30];
	s22 =	sadd.s32 $0x8, s22;
	[tilespmem:s21+$0xFFFFFFE0] =	vst v5  }
0x2ab: {  	v5 =	vld [tilespmem:s23+$0xFFFFFFD0];
	p3 =	slt.u32 s22, $0xF8;
	[tilespmem:s21+$0xFFFFFFF0] =	vst v3  }
0x2ac: {  	v3 =	vld [tilespmem:s23+$0xFFFFFFE0];
	[tilespmem:s21+$0x0] =	vst v0  }
0x2ad: {  	v0 =	vld [tilespmem:s23+$0xFFFFFFF0];
	[tilespmem:s21+$0x10] =	vst v1  }
0x2ae: {  	v1 =	vld [tilespmem:s23+$0x0];
	[tilespmem:s21+$0x20] =	vst v2  }
0x2af: {  	v2 =	vld [tilespmem:s23+$0x10];
	[tilespmem:s21+$0xFFFFFFC0] =	vst v4  }
0x2b0: {  	v4 =	vld [tilespmem:s23+$0x20]  }
0x2b1: {  	v7 =	vld [tilespmem:s23+$0xFFFFFFC0]  }
0x2b2: {  	v6 =	vld.idx.msk [tilespmem:v6+s15+$0x0], $0xffff  }
0x2b3: {  	v8 =	vld.idx.msk [tilespmem:v5+s15+$0x0], $0xffff  }
0x2b4: {  	v5 =	vld.idx.msk [tilespmem:v3+s15+$0x0], $0xffff  }
.Ltmp16:
0x2b5: {  	v3 =	vld.idx.msk [tilespmem:v0+s15+$0x0], $0xffff;
	(pc) =	sbr.rel @p3 .LBB2_31-.Ltmp16, $4  }
0x2b6: {  	v0 =	vld.idx.msk [tilespmem:v1+s15+$0x0], $0xffff  }
0x2b7: {  	s21 =	sadd.s32 $0x80, s21;
	v1 =	vld.idx.msk [tilespmem:v2+s15+$0x0], $0xffff  }
0x2b8: {  	v2 =	vld.idx.msk [tilespmem:v4+s15+$0x0], $0xffff;
	[tilespmem:s21+$0x30] =	vst v6  }
0x2b9: {  	s23 =	sadd.s32 $0x80, s23;
	v4 =	vld.idx.msk [tilespmem:v7+s15+$0x0], $0xffff;
	[tilespmem:s21+$0xFFFFFFD0] =	vst v8  }
0x2ba: {  	[tilespmem:s21+$0xFFFFFFE0] =	vst v5  }
0x2bb: {  	[tilespmem:s21+$0xFFFFFFF0] =	vst v3  }
0x2bc: {  	[tilespmem:s21+$0x0] =	vst v0  }
0x2bd: {  	[tilespmem:s21+$0x10] =	vst v1  }
0x2be: {  	[tilespmem:s21+$0x20] =	vst v2  }
0x2bf: {  	[tilespmem:s21+$0xFFFFFFC0] =	vst v4  }
0x2c0: {  	s21 =	sld [smem:$0x7FA];
	_ =	sdelay $0x2  }
0x2c1: {  	[hbm4b:s21+s12] =	stream.strided.scatter [tilespmem:s16], [sflag:$0x1], $0x1000, s14, s12, $0x38;
	[tilespmem:$0x1E700] =	vst v63  }
0x2c2: {  	_ =	swait.ge [sflag:s19], $0x1000  }
0x2c3: {  	[sflag:s19] =	ssyncset.done $0x0  }
0x2c4: {  	s24 =	simm.s32 $0x1070;
	[sflag:s19] =	ssyncadd.s32 $0xFFFFF000  }
0x2c5: {  	v0 =	vld [tilespmem:s24+$0x0]  }
0x2c6: {  	v1 =	vld [tilespmem:s24+$0xFFFFFFA0]  }
0x2c7: {  	v2 =	vld [tilespmem:s24+$0xFFFFFFB0]  }
0x2c8: {  	v3 =	vld [tilespmem:s24+$0xFFFFFFC0]  }
0x2c9: {  	v4 =	vld [tilespmem:s24+$0xFFFFFFD0]  }
0x2ca: {  	v6 =	vld [tilespmem:s24+$0xFFFFFFE0]  }
0x2cb: {  	v7 =	vld [tilespmem:s24+$0xFFFFFFF0]  }
0x2cc: {  	v8 =	vld [tilespmem:s24+$0xFFFFFF90]  }
0x2cd: {  	v9 =	vld.idx.msk [tilespmem:v0+s15+$0x0], $0xffff  }
0x2ce: {  	v10 =	vld.idx.msk [tilespmem:v1+s15+$0x0], $0xffff  }
0x2cf: {  	v5 =	vld.idx.msk [tilespmem:v2+s15+$0x0], $0xffff  }
0x2d0: {  	v3 =	vld.idx.msk [tilespmem:v3+s15+$0x0], $0xffff  }
0x2d1: {  	v0 =	vld.idx.msk [tilespmem:v4+s15+$0x0], $0xffff  }
0x2d2: {  	s21 =	simm.s32 $0x1D770;
	v1 =	vld.idx.msk [tilespmem:v6+s15+$0x0], $0xffff  }
0x2d3: {  	v2 =	vld.idx.msk [tilespmem:v7+s15+$0x0], $0xffff;
	[tilespmem:s21+$0x0] =	vst v9  }
0x2d4: {  	s22 =	simm.s32 $0x0;
	s23 =	simm.s32 $0x10F0;
	v4 =	vld.idx.msk [tilespmem:v8+s15+$0x0], $0xffff;
	[tilespmem:s21+$0xFFFFFFA0] =	vst v10  }
.LBB2_33:
0x2d5: {  	v6 =	vld [tilespmem:s23+$0x0];
	s22 =	sadd.s32 $0x8, s22;
	[tilespmem:s21+$0xFFFFFFB0] =	vst v5  }
0x2d6: {  	v5 =	vld [tilespmem:s23+$0xFFFFFFA0];
	p3 =	slt.u32 s22, $0xF8;
	[tilespmem:s21+$0xFFFFFFC0] =	vst v3  }
0x2d7: {  	v3 =	vld [tilespmem:s23+$0xFFFFFFB0];
	[tilespmem:s21+$0xFFFFFFD0] =	vst v0  }
0x2d8: {  	v0 =	vld [tilespmem:s23+$0xFFFFFFC0];
	[tilespmem:s21+$0xFFFFFFE0] =	vst v1  }
0x2d9: {  	v1 =	vld [tilespmem:s23+$0xFFFFFFD0];
	[tilespmem:s21+$0xFFFFFFF0] =	vst v2  }
0x2da: {  	v2 =	vld [tilespmem:s23+$0xFFFFFFE0];
	[tilespmem:s21+$0xFFFFFF90] =	vst v4  }
0x2db: {  	v4 =	vld [tilespmem:s23+$0xFFFFFFF0]  }
0x2dc: {  	v7 =	vld [tilespmem:s23+$0xFFFFFF90]  }
0x2dd: {  	v6 =	vld.idx.msk [tilespmem:v6+s15+$0x0], $0xffff  }
0x2de: {  	v8 =	vld.idx.msk [tilespmem:v5+s15+$0x0], $0xffff  }
0x2df: {  	v5 =	vld.idx.msk [tilespmem:v3+s15+$0x0], $0xffff  }
.Ltmp17:
0x2e0: {  	v3 =	vld.idx.msk [tilespmem:v0+s15+$0x0], $0xffff;
	(pc) =	sbr.rel @p3 .LBB2_33-.Ltmp17, $4  }
0x2e1: {  	v0 =	vld.idx.msk [tilespmem:v1+s15+$0x0], $0xffff  }
0x2e2: {  	s21 =	sadd.s32 $0x80, s21;
	v1 =	vld.idx.msk [tilespmem:v2+s15+$0x0], $0xffff  }
0x2e3: {  	v2 =	vld.idx.msk [tilespmem:v4+s15+$0x0], $0xffff;
	[tilespmem:s21+$0x0] =	vst v6  }
0x2e4: {  	s23 =	sadd.s32 $0x80, s23;
	v4 =	vld.idx.msk [tilespmem:v7+s15+$0x0], $0xffff;
	[tilespmem:s21+$0xFFFFFFA0] =	vst v8  }
0x2e5: {  	[tilespmem:s21+$0xFFFFFFB0] =	vst v5  }
0x2e6: {  	[tilespmem:s21+$0xFFFFFFC0] =	vst v3  }
0x2e7: {  	[tilespmem:s21+$0xFFFFFFD0] =	vst v0  }
0x2e8: {  	[tilespmem:s21+$0xFFFFFFE0] =	vst v1  }
0x2e9: {  	[tilespmem:s21+$0xFFFFFFF0] =	vst v2  }
0x2ea: {  	[tilespmem:s21+$0xFFFFFF90] =	vst v4  }
0x2eb: {  	s21 =	sld [smem:$0x7FB];
	_ =	sdelay $0x2  }
0x2ec: {  	[hbm4b:s21+s12] =	stream.strided.scatter [tilespmem:s17], [sflag:$0x2], $0x1000, s14, s12, $0x38;
	[tilespmem:$0x1E700] =	vst v63  }
0x2ed: {  	_ =	swait.ge [sflag:s18], $0x1000  }
0x2ee: {  	[sflag:s18] =	ssyncset.done $0x0  }
0x2ef: {  	s24 =	simm.s32 $0x2070;
	[sflag:s18] =	ssyncadd.s32 $0xFFFFF000  }
0x2f0: {  	v0 =	vld [tilespmem:s24+$0x0]  }
0x2f1: {  	v1 =	vld [tilespmem:s24+$0xFFFFFFA0]  }
0x2f2: {  	v2 =	vld [tilespmem:s24+$0xFFFFFFB0]  }
0x2f3: {  	v3 =	vld [tilespmem:s24+$0xFFFFFFC0]  }
0x2f4: {  	v4 =	vld [tilespmem:s24+$0xFFFFFFD0]  }
0x2f5: {  	v6 =	vld [tilespmem:s24+$0xFFFFFFE0]  }
0x2f6: {  	v7 =	vld [tilespmem:s24+$0xFFFFFFF0]  }
0x2f7: {  	v8 =	vld [tilespmem:s24+$0xFFFFFF90]  }
0x2f8: {  	v9 =	vld.idx.msk [tilespmem:v0+s15+$0x0], $0xffff  }
0x2f9: {  	v10 =	vld.idx.msk [tilespmem:v1+s15+$0x0], $0xffff  }
0x2fa: {  	v5 =	vld.idx.msk [tilespmem:v2+s15+$0x0], $0xffff  }
0x2fb: {  	v3 =	vld.idx.msk [tilespmem:v3+s15+$0x0], $0xffff  }
0x2fc: {  	v0 =	vld.idx.msk [tilespmem:v4+s15+$0x0], $0xffff  }
0x2fd: {  	s21 =	simm.s32 $0x1C740;
	v1 =	vld.idx.msk [tilespmem:v6+s15+$0x0], $0xffff  }
0x2fe: {  	v2 =	vld.idx.msk [tilespmem:v7+s15+$0x0], $0xffff;
	[tilespmem:s21+$0x30] =	vst v9  }
0x2ff: {  	s22 =	simm.s32 $0x0;
	s23 =	simm.s32 $0x20F0;
	v4 =	vld.idx.msk [tilespmem:v8+s15+$0x0], $0xffff;
	[tilespmem:s21+$0xFFFFFFD0] =	vst v10  }
.LBB2_35:
0x300: {  	v6 =	vld [tilespmem:s23+$0x0];
	s22 =	sadd.s32 $0x8, s22;
	[tilespmem:s21+$0xFFFFFFE0] =	vst v5  }
0x301: {  	v5 =	vld [tilespmem:s23+$0xFFFFFFA0];
	p3 =	slt.u32 s22, $0xF8;
	[tilespmem:s21+$0xFFFFFFF0] =	vst v3  }
0x302: {  	v3 =	vld [tilespmem:s23+$0xFFFFFFB0];
	[tilespmem:s21+$0x0] =	vst v0  }
0x303: {  	v0 =	vld [tilespmem:s23+$0xFFFFFFC0];
	[tilespmem:s21+$0x10] =	vst v1  }
0x304: {  	v1 =	vld [tilespmem:s23+$0xFFFFFFD0];
	[tilespmem:s21+$0x20] =	vst v2  }
0x305: {  	v2 =	vld [tilespmem:s23+$0xFFFFFFE0];
	[tilespmem:s21+$0xFFFFFFC0] =	vst v4  }
0x306: {  	v4 =	vld [tilespmem:s23+$0xFFFFFFF0]  }
0x307: {  	v7 =	vld [tilespmem:s23+$0xFFFFFF90]  }
0x308: {  	v6 =	vld.idx.msk [tilespmem:v6+s15+$0x0], $0xffff  }
0x309: {  	v8 =	vld.idx.msk [tilespmem:v5+s15+$0x0], $0xffff  }
0x30a: {  	v5 =	vld.idx.msk [tilespmem:v3+s15+$0x0], $0xffff  }
.Ltmp18:
0x30b: {  	v3 =	vld.idx.msk [tilespmem:v0+s15+$0x0], $0xffff;
	(pc) =	sbr.rel @p3 .LBB2_35-.Ltmp18, $4  }
0x30c: {  	v0 =	vld.idx.msk [tilespmem:v1+s15+$0x0], $0xffff  }
0x30d: {  	s21 =	sadd.s32 $0x80, s21;
	v1 =	vld.idx.msk [tilespmem:v2+s15+$0x0], $0xffff  }
0x30e: {  	v2 =	vld.idx.msk [tilespmem:v4+s15+$0x0], $0xffff;
	[tilespmem:s21+$0x30] =	vst v6  }
0x30f: {  	s23 =	sadd.s32 $0x80, s23;
	v4 =	vld.idx.msk [tilespmem:v7+s15+$0x0], $0xffff;
	[tilespmem:s21+$0xFFFFFFD0] =	vst v8  }
0x310: {  	[tilespmem:s21+$0xFFFFFFE0] =	vst v5  }
0x311: {  	[tilespmem:s21+$0xFFFFFFF0] =	vst v3  }
0x312: {  	[tilespmem:s21+$0x0] =	vst v0  }
0x313: {  	[tilespmem:s21+$0x10] =	vst v1  }
0x314: {  	[tilespmem:s21+$0x20] =	vst v2  }
0x315: {  	[tilespmem:s21+$0xFFFFFFC0] =	vst v4  }
0x316: {  	s21 =	sld [smem:$0x7FC];
	_ =	sdelay $0x2  }
0x317: {  	[hbm4b:s21+s12] =	stream.strided.scatter [tilespmem:s16], [sflag:$0x1], $0x1000, s14, s12, $0x38;
	[tilespmem:$0x1E700] =	vst v63  }
0x318: {  	_ =	swait.ge [sflag:s19], $0x1000  }
0x319: {  	[sflag:s19] =	ssyncset.done $0x0  }
0x31a: {  	s24 =	simm.s32 $0x3070;
	[sflag:s19] =	ssyncadd.s32 $0xFFFFF000  }
0x31b: {  	v0 =	vld [tilespmem:s24+$0x0]  }
0x31c: {  	v1 =	vld [tilespmem:s24+$0xFFFFFFA0]  }
0x31d: {  	v2 =	vld [tilespmem:s24+$0xFFFFFFB0]  }
0x31e: {  	v3 =	vld [tilespmem:s24+$0xFFFFFFC0]  }
0x31f: {  	v4 =	vld [tilespmem:s24+$0xFFFFFFD0]  }
0x320: {  	v6 =	vld [tilespmem:s24+$0xFFFFFFE0]  }
0x321: {  	v7 =	vld [tilespmem:s24+$0xFFFFFFF0]  }
0x322: {  	v8 =	vld [tilespmem:s24+$0xFFFFFF90]  }
0x323: {  	v9 =	vld.idx.msk [tilespmem:v0+s15+$0x0], $0xffff  }
0x324: {  	v10 =	vld.idx.msk [tilespmem:v1+s15+$0x0], $0xffff  }
0x325: {  	v5 =	vld.idx.msk [tilespmem:v2+s15+$0x0], $0xffff  }
0x326: {  	v3 =	vld.idx.msk [tilespmem:v3+s15+$0x0], $0xffff  }
0x327: {  	v0 =	vld.idx.msk [tilespmem:v4+s15+$0x0], $0xffff  }
0x328: {  	s21 =	simm.s32 $0x1D770;
	v1 =	vld.idx.msk [tilespmem:v6+s15+$0x0], $0xffff  }
0x329: {  	v2 =	vld.idx.msk [tilespmem:v7+s15+$0x0], $0xffff;
	[tilespmem:s21+$0x0] =	vst v9  }
0x32a: {  	s22 =	simm.s32 $0x0;
	s23 =	simm.s32 $0x30F0;
	v4 =	vld.idx.msk [tilespmem:v8+s15+$0x0], $0xffff;
	[tilespmem:s21+$0xFFFFFFA0] =	vst v10  }
.LBB2_37:
0x32b: {  	v6 =	vld [tilespmem:s23+$0x0];
	s22 =	sadd.s32 $0x8, s22;
	[tilespmem:s21+$0xFFFFFFB0] =	vst v5  }
0x32c: {  	v5 =	vld [tilespmem:s23+$0xFFFFFFA0];
	p3 =	slt.u32 s22, $0xF8;
	[tilespmem:s21+$0xFFFFFFC0] =	vst v3  }
0x32d: {  	v3 =	vld [tilespmem:s23+$0xFFFFFFB0];
	[tilespmem:s21+$0xFFFFFFD0] =	vst v0  }
0x32e: {  	v0 =	vld [tilespmem:s23+$0xFFFFFFC0];
	[tilespmem:s21+$0xFFFFFFE0] =	vst v1  }
0x32f: {  	v1 =	vld [tilespmem:s23+$0xFFFFFFD0];
	[tilespmem:s21+$0xFFFFFFF0] =	vst v2  }
0x330: {  	v2 =	vld [tilespmem:s23+$0xFFFFFFE0];
	[tilespmem:s21+$0xFFFFFF90] =	vst v4  }
0x331: {  	v4 =	vld [tilespmem:s23+$0xFFFFFFF0]  }
0x332: {  	v7 =	vld [tilespmem:s23+$0xFFFFFF90]  }
0x333: {  	v6 =	vld.idx.msk [tilespmem:v6+s15+$0x0], $0xffff  }
0x334: {  	v8 =	vld.idx.msk [tilespmem:v5+s15+$0x0], $0xffff  }
0x335: {  	v5 =	vld.idx.msk [tilespmem:v3+s15+$0x0], $0xffff  }
.Ltmp19:
0x336: {  	v3 =	vld.idx.msk [tilespmem:v0+s15+$0x0], $0xffff;
	(pc) =	sbr.rel @p3 .LBB2_37-.Ltmp19, $4  }
0x337: {  	v0 =	vld.idx.msk [tilespmem:v1+s15+$0x0], $0xffff  }
0x338: {  	s21 =	sadd.s32 $0x80, s21;
	v1 =	vld.idx.msk [tilespmem:v2+s15+$0x0], $0xffff  }
0x339: {  	v2 =	vld.idx.msk [tilespmem:v4+s15+$0x0], $0xffff;
	[tilespmem:s21+$0x0] =	vst v6  }
0x33a: {  	s23 =	sadd.s32 $0x80, s23;
	v4 =	vld.idx.msk [tilespmem:v7+s15+$0x0], $0xffff;
	[tilespmem:s21+$0xFFFFFFA0] =	vst v8  }
0x33b: {  	[tilespmem:s21+$0xFFFFFFB0] =	vst v5  }
0x33c: {  	[tilespmem:s21+$0xFFFFFFC0] =	vst v3  }
0x33d: {  	[tilespmem:s21+$0xFFFFFFD0] =	vst v0  }
0x33e: {  	[tilespmem:s21+$0xFFFFFFE0] =	vst v1  }
0x33f: {  	[tilespmem:s21+$0xFFFFFFF0] =	vst v2  }
0x340: {  	[tilespmem:s21+$0xFFFFFF90] =	vst v4  }
0x341: {  	s21 =	sld [smem:$0x7FD];
	_ =	sdelay $0x1  }
0x342: {  	s22 =	simm.s32 @!p2 $0x400  }
0x343: {  	[hbm4b:s21+s12] =	stream.strided.scatter [tilespmem:s17], [sflag:$0x2], $0x1000, s14, s12, $0x38;
	[tilespmem:$0x1E700] =	vst v63  }
0x344: {  	s23 =	simm.s32 @!p2 $0x4000;
	s24 =	rddreg [dreg:$0xe];
	s21 =	simm.s32 @!p2 $0x80  }
0x345: {  	[tilespmem:s23], [sflag:$0x3] =	stream.strided.gather @!p2 [hbm4b:s24+s21], $0x18700, s22, s21, $0x38;
	[tilespmem:$0x1E700] =	vst v63  }
0x346: {  	s21 =	simm.s32 @!p2 $0x3  }
0x347: {  	_ =	swait.ge @!p2 [sflag:s21], $0x18700  }
0x348: {  	s22 =	simm.s32 @p6 $0x400;
	s23 =	simm.s32 @p6 $0x4000;
	[sflag:s21] =	ssyncset.done @!p2 $0x0  }
0x349: {  	s24 =	rddreg [dreg:$0xf];
	[sflag:s21] =	ssyncadd.s32 @!p2 $0xFFFE7900;
	s21 =	simm.s32 @p6 $0x80  }
0x34a: {  	[tilespmem:s23], [sflag:$0x3] =	stream.strided.gather @p6 [hbm4b:s24+s21], $0x18700, s22, s21, $0x38;
	[tilespmem:$0x1E700] =	vst v63  }
0x34b: {  	s21 =	simm.s32 @p6 $0x3  }
0x34c: {  	_ =	swait.ge @p6 [sflag:s21], $0x18700  }
0x34d: {  	s22 =	simm.s32 @p5 $0x400;
	s23 =	simm.s32 @p5 $0x4000;
	[sflag:s21] =	ssyncset.done @p6 $0x0  }
0x34e: {  	s24 =	rddreg [dreg:$0x19];
	[sflag:s21] =	ssyncadd.s32 @p6 $0xFFFE7900;
	s21 =	simm.s32 @p5 $0x80  }
0x34f: {  	[tilespmem:s23], [sflag:$0x3] =	stream.strided.gather @p5 [hbm4b:s24+s21], $0x18700, s22, s21, $0x38;
	[tilespmem:$0x1E700] =	vst v63  }
0x350: {  	s21 =	simm.s32 @p5 $0x3  }
0x351: {  	_ =	swait.ge @p5 [sflag:s21], $0x18700  }
0x352: {  	s24 =	sld [smem:$0x7EA]  }
0x353: {  	s22 =	simm.s32 @p4 $0x400;
	[sflag:s21] =	ssyncset.done @p5 $0x0  }
0x354: {  	s23 =	simm.s32 @p4 $0x4000;
	[sflag:s21] =	ssyncadd.s32 @p5 $0xFFFE7900;
	s21 =	simm.s32 @p4 $0x80  }
0x355: {  	[tilespmem:s23], [sflag:$0x3] =	stream.strided.gather @p4 [hbm4b:s24+s21], $0x18700, s22, s21, $0x38;
	[tilespmem:$0x1E700] =	vst v63  }
0x356: {  	s21 =	simm.s32 @p4 $0x3  }
0x357: {  	_ =	swait.ge @p4 [sflag:s21], $0x18700  }
0x358: {  	[sflag:s21] =	ssyncset.done @p4 $0x0  }
0x359: {  	[sflag:s21] =	ssyncadd.s32 @p4 $0xFFFE7900  }
0x35a: {  	_ =	swait.ge [sflag:s18], $0x1000  }
0x35b: {  	[sflag:s18] =	ssyncset.done $0x0  }
0x35c: {  	s24 =	simm.s32 $0x40;
	[sflag:s18] =	ssyncadd.s32 $0xFFFFF000  }
0x35d: {  	v0 =	vld [tilespmem:s24+$0x30]  }
0x35e: {  	v1 =	vld [tilespmem:s24+$0xFFFFFFD0]  }
0x35f: {  	v2 =	vld [tilespmem:s24+$0xFFFFFFE0]  }
0x360: {  	v3 =	vld [tilespmem:s24+$0xFFFFFFF0]  }
0x361: {  	v4 =	vld [tilespmem:s24+$0x0]  }
0x362: {  	v6 =	vld [tilespmem:s24+$0x10]  }
0x363: {  	v7 =	vld [tilespmem:s24+$0x20]  }
0x364: {  	v8 =	vld [tilespmem:s24+$0xFFFFFFC0]  }
0x365: {  	v9 =	vld.idx.msk [tilespmem:v0+s15+$0x0], $0xffff  }
0x366: {  	v10 =	vld.idx.msk [tilespmem:v1+s15+$0x0], $0xffff  }
0x367: {  	v5 =	vld.idx.msk [tilespmem:v2+s15+$0x0], $0xffff  }
0x368: {  	v3 =	vld.idx.msk [tilespmem:v3+s15+$0x0], $0xffff  }
0x369: {  	v0 =	vld.idx.msk [tilespmem:v4+s15+$0x0], $0xffff  }
0x36a: {  	s21 =	simm.s32 $0x1C740;
	v1 =	vld.idx.msk [tilespmem:v6+s15+$0x0], $0xffff  }
0x36b: {  	v2 =	vld.idx.msk [tilespmem:v7+s15+$0x0], $0xffff;
	[tilespmem:s21+$0x30] =	vst v9  }
0x36c: {  	s22 =	simm.s32 $0x0;
	s23 =	simm.s32 $0xC0;
	v4 =	vld.idx.msk [tilespmem:v8+s15+$0x0], $0xffff;
	[tilespmem:s21+$0xFFFFFFD0] =	vst v10  }
.LBB2_39:
0x36d: {  	v6 =	vld [tilespmem:s23+$0x30];
	s22 =	sadd.s32 $0x8, s22;
	[tilespmem:s21+$0xFFFFFFE0] =	vst v5  }
0x36e: {  	v5 =	vld [tilespmem:s23+$0xFFFFFFD0];
	p3 =	slt.u32 s22, $0xF8;
	[tilespmem:s21+$0xFFFFFFF0] =	vst v3  }
0x36f: {  	v3 =	vld [tilespmem:s23+$0xFFFFFFE0];
	[tilespmem:s21+$0x0] =	vst v0  }
0x370: {  	v0 =	vld [tilespmem:s23+$0xFFFFFFF0];
	[tilespmem:s21+$0x10] =	vst v1  }
0x371: {  	v1 =	vld [tilespmem:s23+$0x0];
	[tilespmem:s21+$0x20] =	vst v2  }
0x372: {  	v2 =	vld [tilespmem:s23+$0x10];
	[tilespmem:s21+$0xFFFFFFC0] =	vst v4  }
0x373: {  	v4 =	vld [tilespmem:s23+$0x20]  }
0x374: {  	v7 =	vld [tilespmem:s23+$0xFFFFFFC0]  }
0x375: {  	v6 =	vld.idx.msk [tilespmem:v6+s15+$0x0], $0xffff  }
0x376: {  	v8 =	vld.idx.msk [tilespmem:v5+s15+$0x0], $0xffff  }
0x377: {  	v5 =	vld.idx.msk [tilespmem:v3+s15+$0x0], $0xffff  }
.Ltmp20:
0x378: {  	v3 =	vld.idx.msk [tilespmem:v0+s15+$0x0], $0xffff;
	(pc) =	sbr.rel @p3 .LBB2_39-.Ltmp20, $4  }
0x379: {  	v0 =	vld.idx.msk [tilespmem:v1+s15+$0x0], $0xffff  }
0x37a: {  	s21 =	sadd.s32 $0x80, s21;
	v1 =	vld.idx.msk [tilespmem:v2+s15+$0x0], $0xffff  }
0x37b: {  	v2 =	vld.idx.msk [tilespmem:v4+s15+$0x0], $0xffff;
	[tilespmem:s21+$0x30] =	vst v6  }
0x37c: {  	s23 =	sadd.s32 $0x80, s23;
	v4 =	vld.idx.msk [tilespmem:v7+s15+$0x0], $0xffff;
	[tilespmem:s21+$0xFFFFFFD0] =	vst v8  }
0x37d: {  	[tilespmem:s21+$0xFFFFFFE0] =	vst v5  }
0x37e: {  	[tilespmem:s21+$0xFFFFFFF0] =	vst v3  }
0x37f: {  	[tilespmem:s21+$0x0] =	vst v0  }
0x380: {  	[tilespmem:s21+$0x10] =	vst v1  }
0x381: {  	[tilespmem:s21+$0x20] =	vst v2  }
0x382: {  	[tilespmem:s21+$0xFFFFFFC0] =	vst v4  }
0x383: {  	[hbm4b:s25+s12] =	stream.strided.scatter [tilespmem:s16], [sflag:$0x1], $0x1000, s14, s12, $0x38;
	[tilespmem:$0x1E700] =	vst v63  }
0x384: {  	_ =	swait.ge [sflag:s19], $0x1000  }
0x385: {  	[sflag:s19] =	ssyncset.done $0x0  }
0x386: {  	s24 =	simm.s32 $0x1070;
	[sflag:s19] =	ssyncadd.s32 $0xFFFFF000  }
0x387: {  	v0 =	vld [tilespmem:s24+$0x0]  }
0x388: {  	v1 =	vld [tilespmem:s24+$0xFFFFFFA0]  }
0x389: {  	v2 =	vld [tilespmem:s24+$0xFFFFFFB0]  }
0x38a: {  	v3 =	vld [tilespmem:s24+$0xFFFFFFC0]  }
0x38b: {  	v4 =	vld [tilespmem:s24+$0xFFFFFFD0]  }
0x38c: {  	v6 =	vld [tilespmem:s24+$0xFFFFFFE0]  }
0x38d: {  	v7 =	vld [tilespmem:s24+$0xFFFFFFF0]  }
0x38e: {  	v8 =	vld [tilespmem:s24+$0xFFFFFF90]  }
0x38f: {  	v9 =	vld.idx.msk [tilespmem:v0+s15+$0x0], $0xffff  }
0x390: {  	v10 =	vld.idx.msk [tilespmem:v1+s15+$0x0], $0xffff  }
0x391: {  	v5 =	vld.idx.msk [tilespmem:v2+s15+$0x0], $0xffff  }
0x392: {  	v3 =	vld.idx.msk [tilespmem:v3+s15+$0x0], $0xffff  }
0x393: {  	v0 =	vld.idx.msk [tilespmem:v4+s15+$0x0], $0xffff  }
0x394: {  	s21 =	simm.s32 $0x1D770;
	v1 =	vld.idx.msk [tilespmem:v6+s15+$0x0], $0xffff  }
0x395: {  	v2 =	vld.idx.msk [tilespmem:v7+s15+$0x0], $0xffff;
	[tilespmem:s21+$0x0] =	vst v9  }
0x396: {  	s22 =	simm.s32 $0x0;
	s23 =	simm.s32 $0x10F0;
	v4 =	vld.idx.msk [tilespmem:v8+s15+$0x0], $0xffff;
	[tilespmem:s21+$0xFFFFFFA0] =	vst v10  }
.LBB2_41:
0x397: {  	v6 =	vld [tilespmem:s23+$0x0];
	s22 =	sadd.s32 $0x8, s22;
	[tilespmem:s21+$0xFFFFFFB0] =	vst v5  }
0x398: {  	v5 =	vld [tilespmem:s23+$0xFFFFFFA0];
	p3 =	slt.u32 s22, $0xF8;
	[tilespmem:s21+$0xFFFFFFC0] =	vst v3  }
0x399: {  	v3 =	vld [tilespmem:s23+$0xFFFFFFB0];
	[tilespmem:s21+$0xFFFFFFD0] =	vst v0  }
0x39a: {  	v0 =	vld [tilespmem:s23+$0xFFFFFFC0];
	[tilespmem:s21+$0xFFFFFFE0] =	vst v1  }
0x39b: {  	v1 =	vld [tilespmem:s23+$0xFFFFFFD0];
	[tilespmem:s21+$0xFFFFFFF0] =	vst v2  }
0x39c: {  	v2 =	vld [tilespmem:s23+$0xFFFFFFE0];
	[tilespmem:s21+$0xFFFFFF90] =	vst v4  }
0x39d: {  	v4 =	vld [tilespmem:s23+$0xFFFFFFF0]  }
0x39e: {  	v7 =	vld [tilespmem:s23+$0xFFFFFF90]  }
0x39f: {  	v6 =	vld.idx.msk [tilespmem:v6+s15+$0x0], $0xffff  }
0x3a0: {  	v8 =	vld.idx.msk [tilespmem:v5+s15+$0x0], $0xffff  }
0x3a1: {  	v5 =	vld.idx.msk [tilespmem:v3+s15+$0x0], $0xffff  }
.Ltmp21:
0x3a2: {  	v3 =	vld.idx.msk [tilespmem:v0+s15+$0x0], $0xffff;
	(pc) =	sbr.rel @p3 .LBB2_41-.Ltmp21, $4  }
0x3a3: {  	v0 =	vld.idx.msk [tilespmem:v1+s15+$0x0], $0xffff  }
0x3a4: {  	s21 =	sadd.s32 $0x80, s21;
	v1 =	vld.idx.msk [tilespmem:v2+s15+$0x0], $0xffff  }
0x3a5: {  	v2 =	vld.idx.msk [tilespmem:v4+s15+$0x0], $0xffff;
	[tilespmem:s21+$0x0] =	vst v6  }
0x3a6: {  	s23 =	sadd.s32 $0x80, s23;
	v4 =	vld.idx.msk [tilespmem:v7+s15+$0x0], $0xffff;
	[tilespmem:s21+$0xFFFFFFA0] =	vst v8  }
0x3a7: {  	[tilespmem:s21+$0xFFFFFFB0] =	vst v5  }
0x3a8: {  	[tilespmem:s21+$0xFFFFFFC0] =	vst v3  }
0x3a9: {  	[tilespmem:s21+$0xFFFFFFD0] =	vst v0  }
0x3aa: {  	[tilespmem:s21+$0xFFFFFFE0] =	vst v1  }
0x3ab: {  	[tilespmem:s21+$0xFFFFFFF0] =	vst v2  }
0x3ac: {  	[tilespmem:s21+$0xFFFFFF90] =	vst v4  }
0x3ad: {  	[hbm4b:s26+s12] =	stream.strided.scatter [tilespmem:s17], [sflag:$0x2], $0x1000, s14, s12, $0x38;
	[tilespmem:$0x1E700] =	vst v63  }
0x3ae: {  	_ =	swait.ge [sflag:s18], $0x1000  }
0x3af: {  	[sflag:s18] =	ssyncset.done $0x0  }
0x3b0: {  	s24 =	simm.s32 $0x2070;
	[sflag:s18] =	ssyncadd.s32 $0xFFFFF000  }
0x3b1: {  	v0 =	vld [tilespmem:s24+$0x0]  }
0x3b2: {  	v1 =	vld [tilespmem:s24+$0xFFFFFFA0]  }
0x3b3: {  	v2 =	vld [tilespmem:s24+$0xFFFFFFB0]  }
0x3b4: {  	v3 =	vld [tilespmem:s24+$0xFFFFFFC0]  }
0x3b5: {  	v4 =	vld [tilespmem:s24+$0xFFFFFFD0]  }
0x3b6: {  	v6 =	vld [tilespmem:s24+$0xFFFFFFE0]  }
0x3b7: {  	v7 =	vld [tilespmem:s24+$0xFFFFFFF0]  }
0x3b8: {  	v8 =	vld [tilespmem:s24+$0xFFFFFF90]  }
0x3b9: {  	v9 =	vld.idx.msk [tilespmem:v0+s15+$0x0], $0xffff  }
0x3ba: {  	v10 =	vld.idx.msk [tilespmem:v1+s15+$0x0], $0xffff  }
0x3bb: {  	v5 =	vld.idx.msk [tilespmem:v2+s15+$0x0], $0xffff  }
0x3bc: {  	v3 =	vld.idx.msk [tilespmem:v3+s15+$0x0], $0xffff  }
0x3bd: {  	v0 =	vld.idx.msk [tilespmem:v4+s15+$0x0], $0xffff  }
0x3be: {  	s21 =	simm.s32 $0x1C740;
	v1 =	vld.idx.msk [tilespmem:v6+s15+$0x0], $0xffff  }
0x3bf: {  	v2 =	vld.idx.msk [tilespmem:v7+s15+$0x0], $0xffff;
	[tilespmem:s21+$0x30] =	vst v9  }
0x3c0: {  	s22 =	simm.s32 $0x0;
	s23 =	simm.s32 $0x20F0;
	v4 =	vld.idx.msk [tilespmem:v8+s15+$0x0], $0xffff;
	[tilespmem:s21+$0xFFFFFFD0] =	vst v10  }
.LBB2_43:
0x3c1: {  	v6 =	vld [tilespmem:s23+$0x0];
	s22 =	sadd.s32 $0x8, s22;
	[tilespmem:s21+$0xFFFFFFE0] =	vst v5  }
0x3c2: {  	v5 =	vld [tilespmem:s23+$0xFFFFFFA0];
	p3 =	slt.u32 s22, $0xF8;
	[tilespmem:s21+$0xFFFFFFF0] =	vst v3  }
0x3c3: {  	v3 =	vld [tilespmem:s23+$0xFFFFFFB0];
	[tilespmem:s21+$0x0] =	vst v0  }
0x3c4: {  	v0 =	vld [tilespmem:s23+$0xFFFFFFC0];
	[tilespmem:s21+$0x10] =	vst v1  }
0x3c5: {  	v1 =	vld [tilespmem:s23+$0xFFFFFFD0];
	[tilespmem:s21+$0x20] =	vst v2  }
0x3c6: {  	v2 =	vld [tilespmem:s23+$0xFFFFFFE0];
	[tilespmem:s21+$0xFFFFFFC0] =	vst v4  }
0x3c7: {  	v4 =	vld [tilespmem:s23+$0xFFFFFFF0]  }
0x3c8: {  	v7 =	vld [tilespmem:s23+$0xFFFFFF90]  }
0x3c9: {  	v6 =	vld.idx.msk [tilespmem:v6+s15+$0x0], $0xffff  }
0x3ca: {  	v8 =	vld.idx.msk [tilespmem:v5+s15+$0x0], $0xffff  }
0x3cb: {  	v5 =	vld.idx.msk [tilespmem:v3+s15+$0x0], $0xffff  }
.Ltmp22:
0x3cc: {  	v3 =	vld.idx.msk [tilespmem:v0+s15+$0x0], $0xffff;
	(pc) =	sbr.rel @p3 .LBB2_43-.Ltmp22, $4  }
0x3cd: {  	v0 =	vld.idx.msk [tilespmem:v1+s15+$0x0], $0xffff  }
0x3ce: {  	s21 =	sadd.s32 $0x80, s21;
	v1 =	vld.idx.msk [tilespmem:v2+s15+$0x0], $0xffff  }
0x3cf: {  	v2 =	vld.idx.msk [tilespmem:v4+s15+$0x0], $0xffff;
	[tilespmem:s21+$0x30] =	vst v6  }
0x3d0: {  	s23 =	sadd.s32 $0x80, s23;
	v4 =	vld.idx.msk [tilespmem:v7+s15+$0x0], $0xffff;
	[tilespmem:s21+$0xFFFFFFD0] =	vst v8  }
0x3d1: {  	[tilespmem:s21+$0xFFFFFFE0] =	vst v5  }
0x3d2: {  	[tilespmem:s21+$0xFFFFFFF0] =	vst v3  }
0x3d3: {  	[tilespmem:s21+$0x0] =	vst v0  }
0x3d4: {  	[tilespmem:s21+$0x10] =	vst v1  }
0x3d5: {  	[tilespmem:s21+$0x20] =	vst v2  }
0x3d6: {  	[tilespmem:s21+$0xFFFFFFC0] =	vst v4  }
0x3d7: {  	[hbm4b:s28+s12] =	stream.strided.scatter [tilespmem:s16], [sflag:$0x1], $0x1000, s14, s12, $0x38;
	[tilespmem:$0x1E700] =	vst v63  }
0x3d8: {  	_ =	swait.ge [sflag:s19], $0x1000  }
0x3d9: {  	[sflag:s19] =	ssyncset.done $0x0  }
0x3da: {  	s24 =	simm.s32 $0x3070;
	[sflag:s19] =	ssyncadd.s32 $0xFFFFF000  }
0x3db: {  	v0 =	vld [tilespmem:s24+$0x0]  }
0x3dc: {  	v1 =	vld [tilespmem:s24+$0xFFFFFFA0]  }
0x3dd: {  	v2 =	vld [tilespmem:s24+$0xFFFFFFB0]  }
0x3de: {  	v3 =	vld [tilespmem:s24+$0xFFFFFFC0]  }
0x3df: {  	v4 =	vld [tilespmem:s24+$0xFFFFFFD0]  }
0x3e0: {  	v6 =	vld [tilespmem:s24+$0xFFFFFFE0]  }
0x3e1: {  	v7 =	vld [tilespmem:s24+$0xFFFFFFF0]  }
0x3e2: {  	v8 =	vld [tilespmem:s24+$0xFFFFFF90]  }
0x3e3: {  	v9 =	vld.idx.msk [tilespmem:v0+s15+$0x0], $0xffff  }
0x3e4: {  	v10 =	vld.idx.msk [tilespmem:v1+s15+$0x0], $0xffff  }
0x3e5: {  	v5 =	vld.idx.msk [tilespmem:v2+s15+$0x0], $0xffff  }
0x3e6: {  	v3 =	vld.idx.msk [tilespmem:v3+s15+$0x0], $0xffff  }
0x3e7: {  	v0 =	vld.idx.msk [tilespmem:v4+s15+$0x0], $0xffff  }
0x3e8: {  	s21 =	simm.s32 $0x1D770;
	v1 =	vld.idx.msk [tilespmem:v6+s15+$0x0], $0xffff  }
0x3e9: {  	v2 =	vld.idx.msk [tilespmem:v7+s15+$0x0], $0xffff;
	[tilespmem:s21+$0x0] =	vst v9  }
0x3ea: {  	s22 =	simm.s32 $0x0;
	s23 =	simm.s32 $0x30F0;
	v4 =	vld.idx.msk [tilespmem:v8+s15+$0x0], $0xffff;
	[tilespmem:s21+$0xFFFFFFA0] =	vst v10  }
.LBB2_45:
0x3eb: {  	v6 =	vld [tilespmem:s23+$0x0];
	s22 =	sadd.s32 $0x8, s22;
	[tilespmem:s21+$0xFFFFFFB0] =	vst v5  }
0x3ec: {  	v5 =	vld [tilespmem:s23+$0xFFFFFFA0];
	p3 =	slt.u32 s22, $0xF8;
	[tilespmem:s21+$0xFFFFFFC0] =	vst v3  }
0x3ed: {  	v3 =	vld [tilespmem:s23+$0xFFFFFFB0];
	[tilespmem:s21+$0xFFFFFFD0] =	vst v0  }
0x3ee: {  	v0 =	vld [tilespmem:s23+$0xFFFFFFC0];
	[tilespmem:s21+$0xFFFFFFE0] =	vst v1  }
0x3ef: {  	v1 =	vld [tilespmem:s23+$0xFFFFFFD0];
	[tilespmem:s21+$0xFFFFFFF0] =	vst v2  }
0x3f0: {  	v2 =	vld [tilespmem:s23+$0xFFFFFFE0];
	[tilespmem:s21+$0xFFFFFF90] =	vst v4  }
0x3f1: {  	v4 =	vld [tilespmem:s23+$0xFFFFFFF0]  }
0x3f2: {  	v7 =	vld [tilespmem:s23+$0xFFFFFF90]  }
0x3f3: {  	v6 =	vld.idx.msk [tilespmem:v6+s15+$0x0], $0xffff  }
0x3f4: {  	v8 =	vld.idx.msk [tilespmem:v5+s15+$0x0], $0xffff  }
0x3f5: {  	v5 =	vld.idx.msk [tilespmem:v3+s15+$0x0], $0xffff  }
.Ltmp23:
0x3f6: {  	v3 =	vld.idx.msk [tilespmem:v0+s15+$0x0], $0xffff;
	(pc) =	sbr.rel @p3 .LBB2_45-.Ltmp23, $4  }
0x3f7: {  	v0 =	vld.idx.msk [tilespmem:v1+s15+$0x0], $0xffff  }
0x3f8: {  	s21 =	sadd.s32 $0x80, s21;
	v1 =	vld.idx.msk [tilespmem:v2+s15+$0x0], $0xffff  }
0x3f9: {  	v2 =	vld.idx.msk [tilespmem:v4+s15+$0x0], $0xffff;
	[tilespmem:s21+$0x0] =	vst v6  }
0x3fa: {  	s23 =	sadd.s32 $0x80, s23;
	v4 =	vld.idx.msk [tilespmem:v7+s15+$0x0], $0xffff;
	[tilespmem:s21+$0xFFFFFFA0] =	vst v8  }
0x3fb: {  	[tilespmem:s21+$0xFFFFFFB0] =	vst v5  }
0x3fc: {  	[tilespmem:s21+$0xFFFFFFC0] =	vst v3  }
0x3fd: {  	[tilespmem:s21+$0xFFFFFFD0] =	vst v0  }
0x3fe: {  	[tilespmem:s21+$0xFFFFFFE0] =	vst v1  }
0x3ff: {  	[tilespmem:s21+$0xFFFFFFF0] =	vst v2  }
0x400: {  	s22 =	simm.s32 @!p2 $0x400;
	[tilespmem:s21+$0xFFFFFF90] =	vst v4  }
0x401: {  	[hbm4b:s29+s12] =	stream.strided.scatter [tilespmem:s17], [sflag:$0x2], $0x1000, s14, s12, $0x38;
	[tilespmem:$0x1E700] =	vst v63  }
0x402: {  	s23 =	simm.s32 @!p2 $0x4000;
	s21 =	simm.s32 @!p2 $0x80;
	s24 =	rddreg [dreg:$0x10]  }
0x403: {  	[tilespmem:s23], [sflag:$0x3] =	stream.strided.gather @!p2 [hbm4b:s24+s21], $0x18700, s22, s21, $0x38;
	[tilespmem:$0x1E700] =	vst v63  }
0x404: {  	s21 =	simm.s32 @!p2 $0x3  }
0x405: {  	_ =	swait.ge @!p2 [sflag:s21], $0x18700  }
0x406: {  	s22 =	simm.s32 @p6 $0x400;
	s23 =	simm.s32 @p6 $0x4000;
	[sflag:s21] =	ssyncset.done @!p2 $0x0  }
0x407: {  	s24 =	rddreg [dreg:$0x11];
	[sflag:s21] =	ssyncadd.s32 @!p2 $0xFFFE7900;
	s21 =	simm.s32 @p6 $0x80  }
0x408: {  	[tilespmem:s23], [sflag:$0x3] =	stream.strided.gather @p6 [hbm4b:s24+s21], $0x18700, s22, s21, $0x38;
	[tilespmem:$0x1E700] =	vst v63  }
0x409: {  	s21 =	simm.s32 @p6 $0x3  }
0x40a: {  	_ =	swait.ge @p6 [sflag:s21], $0x18700  }
0x40b: {  	s22 =	simm.s32 @p5 $0x400;
	s23 =	simm.s32 @p5 $0x4000;
	[sflag:s21] =	ssyncset.done @p6 $0x0  }
0x40c: {  	s24 =	rddreg [dreg:$0x1a];
	[sflag:s21] =	ssyncadd.s32 @p6 $0xFFFE7900;
	s21 =	simm.s32 @p5 $0x80  }
0x40d: {  	[tilespmem:s23], [sflag:$0x3] =	stream.strided.gather @p5 [hbm4b:s24+s21], $0x18700, s22, s21, $0x38;
	[tilespmem:$0x1E700] =	vst v63  }
0x40e: {  	s21 =	simm.s32 @p5 $0x3  }
0x40f: {  	_ =	swait.ge @p5 [sflag:s21], $0x18700  }
0x410: {  	s24 =	sld [smem:$0x7EB]  }
0x411: {  	s22 =	simm.s32 @p4 $0x400;
	[sflag:s21] =	ssyncset.done @p5 $0x0  }
0x412: {  	s23 =	simm.s32 @p4 $0x4000;
	[sflag:s21] =	ssyncadd.s32 @p5 $0xFFFE7900;
	s21 =	simm.s32 @p4 $0x80  }
0x413: {  	[tilespmem:s23], [sflag:$0x3] =	stream.strided.gather @p4 [hbm4b:s24+s21], $0x18700, s22, s21, $0x38;
	[tilespmem:$0x1E700] =	vst v63  }
0x414: {  	s21 =	simm.s32 @p4 $0x3  }
0x415: {  	_ =	swait.ge @p4 [sflag:s21], $0x18700  }
0x416: {  	[sflag:s21] =	ssyncset.done @p4 $0x0  }
0x417: {  	[sflag:s21] =	ssyncadd.s32 @p4 $0xFFFE7900  }
0x418: {  	_ =	swait.ge [sflag:s18], $0x1000  }
0x419: {  	[sflag:s18] =	ssyncset.done $0x0  }
0x41a: {  	s24 =	simm.s32 $0x40;
	[sflag:s18] =	ssyncadd.s32 $0xFFFFF000  }
0x41b: {  	v0 =	vld [tilespmem:s24+$0x30]  }
0x41c: {  	v1 =	vld [tilespmem:s24+$0xFFFFFFD0]  }
0x41d: {  	v2 =	vld [tilespmem:s24+$0xFFFFFFE0]  }
0x41e: {  	v3 =	vld [tilespmem:s24+$0xFFFFFFF0]  }
0x41f: {  	v4 =	vld [tilespmem:s24+$0x0]  }
0x420: {  	v6 =	vld [tilespmem:s24+$0x10]  }
0x421: {  	v7 =	vld [tilespmem:s24+$0x20]  }
0x422: {  	v8 =	vld [tilespmem:s24+$0xFFFFFFC0]  }
0x423: {  	v9 =	vld.idx.msk [tilespmem:v0+s15+$0x0], $0xffff  }
0x424: {  	v10 =	vld.idx.msk [tilespmem:v1+s15+$0x0], $0xffff  }
0x425: {  	v5 =	vld.idx.msk [tilespmem:v2+s15+$0x0], $0xffff  }
0x426: {  	v3 =	vld.idx.msk [tilespmem:v3+s15+$0x0], $0xffff  }
0x427: {  	v0 =	vld.idx.msk [tilespmem:v4+s15+$0x0], $0xffff  }
0x428: {  	s21 =	simm.s32 $0x1C740;
	v1 =	vld.idx.msk [tilespmem:v6+s15+$0x0], $0xffff  }
0x429: {  	v2 =	vld.idx.msk [tilespmem:v7+s15+$0x0], $0xffff;
	[tilespmem:s21+$0x30] =	vst v9  }
0x42a: {  	s22 =	simm.s32 $0x0;
	s23 =	simm.s32 $0xC0;
	v4 =	vld.idx.msk [tilespmem:v8+s15+$0x0], $0xffff;
	[tilespmem:s21+$0xFFFFFFD0] =	vst v10  }
.LBB2_47:
0x42b: {  	v6 =	vld [tilespmem:s23+$0x30];
	s22 =	sadd.s32 $0x8, s22;
	[tilespmem:s21+$0xFFFFFFE0] =	vst v5  }
0x42c: {  	v5 =	vld [tilespmem:s23+$0xFFFFFFD0];
	p3 =	slt.u32 s22, $0xF8;
	[tilespmem:s21+$0xFFFFFFF0] =	vst v3  }
0x42d: {  	v3 =	vld [tilespmem:s23+$0xFFFFFFE0];
	[tilespmem:s21+$0x0] =	vst v0  }
0x42e: {  	v0 =	vld [tilespmem:s23+$0xFFFFFFF0];
	[tilespmem:s21+$0x10] =	vst v1  }
0x42f: {  	v1 =	vld [tilespmem:s23+$0x0];
	[tilespmem:s21+$0x20] =	vst v2  }
0x430: {  	v2 =	vld [tilespmem:s23+$0x10];
	[tilespmem:s21+$0xFFFFFFC0] =	vst v4  }
0x431: {  	v4 =	vld [tilespmem:s23+$0x20]  }
0x432: {  	v7 =	vld [tilespmem:s23+$0xFFFFFFC0]  }
0x433: {  	v6 =	vld.idx.msk [tilespmem:v6+s15+$0x0], $0xffff  }
0x434: {  	v8 =	vld.idx.msk [tilespmem:v5+s15+$0x0], $0xffff  }
0x435: {  	v5 =	vld.idx.msk [tilespmem:v3+s15+$0x0], $0xffff  }
.Ltmp24:
0x436: {  	v3 =	vld.idx.msk [tilespmem:v0+s15+$0x0], $0xffff;
	(pc) =	sbr.rel @p3 .LBB2_47-.Ltmp24, $4  }
0x437: {  	v0 =	vld.idx.msk [tilespmem:v1+s15+$0x0], $0xffff  }
0x438: {  	s21 =	sadd.s32 $0x80, s21;
	v1 =	vld.idx.msk [tilespmem:v2+s15+$0x0], $0xffff  }
0x439: {  	v2 =	vld.idx.msk [tilespmem:v4+s15+$0x0], $0xffff;
	[tilespmem:s21+$0x30] =	vst v6  }
0x43a: {  	s23 =	sadd.s32 $0x80, s23;
	v4 =	vld.idx.msk [tilespmem:v7+s15+$0x0], $0xffff;
	[tilespmem:s21+$0xFFFFFFD0] =	vst v8  }
0x43b: {  	[tilespmem:s21+$0xFFFFFFE0] =	vst v5  }
0x43c: {  	[tilespmem:s21+$0xFFFFFFF0] =	vst v3  }
0x43d: {  	[tilespmem:s21+$0x0] =	vst v0  }
0x43e: {  	[tilespmem:s21+$0x10] =	vst v1  }
0x43f: {  	[tilespmem:s21+$0x20] =	vst v2  }
0x440: {  	[tilespmem:s21+$0xFFFFFFC0] =	vst v4  }
0x441: {  	[hbm4b:s30+s12] =	stream.strided.scatter [tilespmem:s16], [sflag:$0x1], $0x1000, s14, s12, $0x38;
	[tilespmem:$0x1E700] =	vst v63  }
0x442: {  	_ =	swait.ge [sflag:s19], $0x1000  }
0x443: {  	[sflag:s19] =	ssyncset.done $0x0  }
0x444: {  	s24 =	simm.s32 $0x1070;
	[sflag:s19] =	ssyncadd.s32 $0xFFFFF000  }
0x445: {  	v0 =	vld [tilespmem:s24+$0x0]  }
0x446: {  	v1 =	vld [tilespmem:s24+$0xFFFFFFA0]  }
0x447: {  	v2 =	vld [tilespmem:s24+$0xFFFFFFB0]  }
0x448: {  	v3 =	vld [tilespmem:s24+$0xFFFFFFC0]  }
0x449: {  	v4 =	vld [tilespmem:s24+$0xFFFFFFD0]  }
0x44a: {  	v6 =	vld [tilespmem:s24+$0xFFFFFFE0]  }
0x44b: {  	v7 =	vld [tilespmem:s24+$0xFFFFFFF0]  }
0x44c: {  	v8 =	vld [tilespmem:s24+$0xFFFFFF90]  }
0x44d: {  	v9 =	vld.idx.msk [tilespmem:v0+s15+$0x0], $0xffff  }
0x44e: {  	v10 =	vld.idx.msk [tilespmem:v1+s15+$0x0], $0xffff  }
0x44f: {  	v5 =	vld.idx.msk [tilespmem:v2+s15+$0x0], $0xffff  }
0x450: {  	v3 =	vld.idx.msk [tilespmem:v3+s15+$0x0], $0xffff  }
0x451: {  	v0 =	vld.idx.msk [tilespmem:v4+s15+$0x0], $0xffff  }
0x452: {  	s21 =	simm.s32 $0x1D770;
	v1 =	vld.idx.msk [tilespmem:v6+s15+$0x0], $0xffff  }
0x453: {  	v2 =	vld.idx.msk [tilespmem:v7+s15+$0x0], $0xffff;
	[tilespmem:s21+$0x0] =	vst v9  }
0x454: {  	s22 =	simm.s32 $0x0;
	s23 =	simm.s32 $0x10F0;
	v4 =	vld.idx.msk [tilespmem:v8+s15+$0x0], $0xffff;
	[tilespmem:s21+$0xFFFFFFA0] =	vst v10  }
.LBB2_49:
0x455: {  	v6 =	vld [tilespmem:s23+$0x0];
	s22 =	sadd.s32 $0x8, s22;
	[tilespmem:s21+$0xFFFFFFB0] =	vst v5  }
0x456: {  	v5 =	vld [tilespmem:s23+$0xFFFFFFA0];
	p3 =	slt.u32 s22, $0xF8;
	[tilespmem:s21+$0xFFFFFFC0] =	vst v3  }
0x457: {  	v3 =	vld [tilespmem:s23+$0xFFFFFFB0];
	[tilespmem:s21+$0xFFFFFFD0] =	vst v0  }
0x458: {  	v0 =	vld [tilespmem:s23+$0xFFFFFFC0];
	[tilespmem:s21+$0xFFFFFFE0] =	vst v1  }
0x459: {  	v1 =	vld [tilespmem:s23+$0xFFFFFFD0];
	[tilespmem:s21+$0xFFFFFFF0] =	vst v2  }
0x45a: {  	v2 =	vld [tilespmem:s23+$0xFFFFFFE0];
	[tilespmem:s21+$0xFFFFFF90] =	vst v4  }
0x45b: {  	v4 =	vld [tilespmem:s23+$0xFFFFFFF0]  }
0x45c: {  	v7 =	vld [tilespmem:s23+$0xFFFFFF90]  }
0x45d: {  	v6 =	vld.idx.msk [tilespmem:v6+s15+$0x0], $0xffff  }
0x45e: {  	v8 =	vld.idx.msk [tilespmem:v5+s15+$0x0], $0xffff  }
0x45f: {  	v5 =	vld.idx.msk [tilespmem:v3+s15+$0x0], $0xffff  }
.Ltmp25:
0x460: {  	v3 =	vld.idx.msk [tilespmem:v0+s15+$0x0], $0xffff;
	(pc) =	sbr.rel @p3 .LBB2_49-.Ltmp25, $4  }
0x461: {  	v0 =	vld.idx.msk [tilespmem:v1+s15+$0x0], $0xffff  }
0x462: {  	s21 =	sadd.s32 $0x80, s21;
	v1 =	vld.idx.msk [tilespmem:v2+s15+$0x0], $0xffff  }
0x463: {  	v2 =	vld.idx.msk [tilespmem:v4+s15+$0x0], $0xffff;
	[tilespmem:s21+$0x0] =	vst v6  }
0x464: {  	s23 =	sadd.s32 $0x80, s23;
	v4 =	vld.idx.msk [tilespmem:v7+s15+$0x0], $0xffff;
	[tilespmem:s21+$0xFFFFFFA0] =	vst v8  }
0x465: {  	[tilespmem:s21+$0xFFFFFFB0] =	vst v5  }
0x466: {  	[tilespmem:s21+$0xFFFFFFC0] =	vst v3  }
0x467: {  	[tilespmem:s21+$0xFFFFFFD0] =	vst v0  }
0x468: {  	[tilespmem:s21+$0xFFFFFFE0] =	vst v1  }
0x469: {  	[tilespmem:s21+$0xFFFFFFF0] =	vst v2  }
0x46a: {  	[tilespmem:s21+$0xFFFFFF90] =	vst v4  }
0x46b: {  	[hbm4b:s31+s12] =	stream.strided.scatter [tilespmem:s17], [sflag:$0x2], $0x1000, s14, s12, $0x38;
	[tilespmem:$0x1E700] =	vst v63  }
0x46c: {  	_ =	swait.ge [sflag:s18], $0x1000  }
0x46d: {  	[sflag:s18] =	ssyncset.done $0x0  }
0x46e: {  	s24 =	simm.s32 $0x2070;
	[sflag:s18] =	ssyncadd.s32 $0xFFFFF000  }
0x46f: {  	v0 =	vld [tilespmem:s24+$0x0]  }
0x470: {  	v1 =	vld [tilespmem:s24+$0xFFFFFFA0]  }
0x471: {  	v2 =	vld [tilespmem:s24+$0xFFFFFFB0]  }
0x472: {  	v3 =	vld [tilespmem:s24+$0xFFFFFFC0]  }
0x473: {  	v4 =	vld [tilespmem:s24+$0xFFFFFFD0]  }
0x474: {  	v6 =	vld [tilespmem:s24+$0xFFFFFFE0]  }
0x475: {  	v7 =	vld [tilespmem:s24+$0xFFFFFFF0]  }
0x476: {  	v8 =	vld [tilespmem:s24+$0xFFFFFF90]  }
0x477: {  	v9 =	vld.idx.msk [tilespmem:v0+s15+$0x0], $0xffff  }
0x478: {  	v10 =	vld.idx.msk [tilespmem:v1+s15+$0x0], $0xffff  }
0x479: {  	v5 =	vld.idx.msk [tilespmem:v2+s15+$0x0], $0xffff  }
0x47a: {  	v3 =	vld.idx.msk [tilespmem:v3+s15+$0x0], $0xffff  }
0x47b: {  	v0 =	vld.idx.msk [tilespmem:v4+s15+$0x0], $0xffff  }
0x47c: {  	s21 =	simm.s32 $0x1C740;
	v1 =	vld.idx.msk [tilespmem:v6+s15+$0x0], $0xffff  }
0x47d: {  	v2 =	vld.idx.msk [tilespmem:v7+s15+$0x0], $0xffff;
	[tilespmem:s21+$0x30] =	vst v9  }
0x47e: {  	s22 =	simm.s32 $0x0;
	s23 =	simm.s32 $0x20F0;
	v4 =	vld.idx.msk [tilespmem:v8+s15+$0x0], $0xffff;
	[tilespmem:s21+$0xFFFFFFD0] =	vst v10  }
.LBB2_51:
0x47f: {  	v6 =	vld [tilespmem:s23+$0x0];
	s22 =	sadd.s32 $0x8, s22;
	[tilespmem:s21+$0xFFFFFFE0] =	vst v5  }
0x480: {  	v5 =	vld [tilespmem:s23+$0xFFFFFFA0];
	p3 =	slt.u32 s22, $0xF8;
	[tilespmem:s21+$0xFFFFFFF0] =	vst v3  }
0x481: {  	v3 =	vld [tilespmem:s23+$0xFFFFFFB0];
	[tilespmem:s21+$0x0] =	vst v0  }
0x482: {  	v0 =	vld [tilespmem:s23+$0xFFFFFFC0];
	[tilespmem:s21+$0x10] =	vst v1  }
0x483: {  	v1 =	vld [tilespmem:s23+$0xFFFFFFD0];
	[tilespmem:s21+$0x20] =	vst v2  }
0x484: {  	v2 =	vld [tilespmem:s23+$0xFFFFFFE0];
	[tilespmem:s21+$0xFFFFFFC0] =	vst v4  }
0x485: {  	v4 =	vld [tilespmem:s23+$0xFFFFFFF0]  }
0x486: {  	v7 =	vld [tilespmem:s23+$0xFFFFFF90]  }
0x487: {  	v6 =	vld.idx.msk [tilespmem:v6+s15+$0x0], $0xffff  }
0x488: {  	v8 =	vld.idx.msk [tilespmem:v5+s15+$0x0], $0xffff  }
0x489: {  	v5 =	vld.idx.msk [tilespmem:v3+s15+$0x0], $0xffff  }
.Ltmp26:
0x48a: {  	v3 =	vld.idx.msk [tilespmem:v0+s15+$0x0], $0xffff;
	(pc) =	sbr.rel @p3 .LBB2_51-.Ltmp26, $4  }
0x48b: {  	v0 =	vld.idx.msk [tilespmem:v1+s15+$0x0], $0xffff  }
0x48c: {  	s21 =	sadd.s32 $0x80, s21;
	v1 =	vld.idx.msk [tilespmem:v2+s15+$0x0], $0xffff  }
0x48d: {  	v2 =	vld.idx.msk [tilespmem:v4+s15+$0x0], $0xffff;
	[tilespmem:s21+$0x30] =	vst v6  }
0x48e: {  	s23 =	sadd.s32 $0x80, s23;
	v4 =	vld.idx.msk [tilespmem:v7+s15+$0x0], $0xffff;
	[tilespmem:s21+$0xFFFFFFD0] =	vst v8  }
0x48f: {  	[tilespmem:s21+$0xFFFFFFE0] =	vst v5  }
0x490: {  	[tilespmem:s21+$0xFFFFFFF0] =	vst v3  }
0x491: {  	[tilespmem:s21+$0x0] =	vst v0  }
0x492: {  	[tilespmem:s21+$0x10] =	vst v1  }
0x493: {  	[tilespmem:s21+$0x20] =	vst v2  }
0x494: {  	[tilespmem:s21+$0xFFFFFFC0] =	vst v4  }
0x495: {  	[hbm4b:s0+s12] =	stream.strided.scatter [tilespmem:s16], [sflag:$0x1], $0x1000, s14, s12, $0x38;
	[tilespmem:$0x1E700] =	vst v63  }
0x496: {  	_ =	swait.ge [sflag:s19], $0x1000  }
0x497: {  	[sflag:s19] =	ssyncset.done $0x0  }
0x498: {  	s24 =	simm.s32 $0x3070;
	[sflag:s19] =	ssyncadd.s32 $0xFFFFF000  }
0x499: {  	v0 =	vld [tilespmem:s24+$0x0]  }
0x49a: {  	v1 =	vld [tilespmem:s24+$0xFFFFFFA0]  }
0x49b: {  	v2 =	vld [tilespmem:s24+$0xFFFFFFB0]  }
0x49c: {  	v3 =	vld [tilespmem:s24+$0xFFFFFFC0]  }
0x49d: {  	v4 =	vld [tilespmem:s24+$0xFFFFFFD0]  }
0x49e: {  	v6 =	vld [tilespmem:s24+$0xFFFFFFE0]  }
0x49f: {  	v7 =	vld [tilespmem:s24+$0xFFFFFFF0]  }
0x4a0: {  	v8 =	vld [tilespmem:s24+$0xFFFFFF90]  }
0x4a1: {  	v9 =	vld.idx.msk [tilespmem:v0+s15+$0x0], $0xffff  }
0x4a2: {  	v10 =	vld.idx.msk [tilespmem:v1+s15+$0x0], $0xffff  }
0x4a3: {  	v5 =	vld.idx.msk [tilespmem:v2+s15+$0x0], $0xffff  }
0x4a4: {  	v3 =	vld.idx.msk [tilespmem:v3+s15+$0x0], $0xffff  }
0x4a5: {  	v0 =	vld.idx.msk [tilespmem:v4+s15+$0x0], $0xffff  }
0x4a6: {  	s21 =	simm.s32 $0x1D770;
	v1 =	vld.idx.msk [tilespmem:v6+s15+$0x0], $0xffff  }
0x4a7: {  	v2 =	vld.idx.msk [tilespmem:v7+s15+$0x0], $0xffff;
	[tilespmem:s21+$0x0] =	vst v9  }
0x4a8: {  	s22 =	simm.s32 $0x0;
	s23 =	simm.s32 $0x30F0;
	v4 =	vld.idx.msk [tilespmem:v8+s15+$0x0], $0xffff;
	[tilespmem:s21+$0xFFFFFFA0] =	vst v10  }
.LBB2_53:
0x4a9: {  	v6 =	vld [tilespmem:s23+$0x0];
	s22 =	sadd.s32 $0x8, s22;
	[tilespmem:s21+$0xFFFFFFB0] =	vst v5  }
0x4aa: {  	v5 =	vld [tilespmem:s23+$0xFFFFFFA0];
	p3 =	slt.u32 s22, $0xF8;
	[tilespmem:s21+$0xFFFFFFC0] =	vst v3  }
0x4ab: {  	v3 =	vld [tilespmem:s23+$0xFFFFFFB0];
	[tilespmem:s21+$0xFFFFFFD0] =	vst v0  }
0x4ac: {  	v0 =	vld [tilespmem:s23+$0xFFFFFFC0];
	[tilespmem:s21+$0xFFFFFFE0] =	vst v1  }
0x4ad: {  	v1 =	vld [tilespmem:s23+$0xFFFFFFD0];
	[tilespmem:s21+$0xFFFFFFF0] =	vst v2  }
0x4ae: {  	v2 =	vld [tilespmem:s23+$0xFFFFFFE0];
	[tilespmem:s21+$0xFFFFFF90] =	vst v4  }
0x4af: {  	v4 =	vld [tilespmem:s23+$0xFFFFFFF0]  }
0x4b0: {  	v7 =	vld [tilespmem:s23+$0xFFFFFF90]  }
0x4b1: {  	v6 =	vld.idx.msk [tilespmem:v6+s15+$0x0], $0xffff  }
0x4b2: {  	v8 =	vld.idx.msk [tilespmem:v5+s15+$0x0], $0xffff  }
0x4b3: {  	v5 =	vld.idx.msk [tilespmem:v3+s15+$0x0], $0xffff  }
.Ltmp27:
0x4b4: {  	v3 =	vld.idx.msk [tilespmem:v0+s15+$0x0], $0xffff;
	(pc) =	sbr.rel @p3 .LBB2_53-.Ltmp27, $4  }
0x4b5: {  	v0 =	vld.idx.msk [tilespmem:v1+s15+$0x0], $0xffff  }
0x4b6: {  	s21 =	sadd.s32 $0x80, s21;
	v1 =	vld.idx.msk [tilespmem:v2+s15+$0x0], $0xffff  }
0x4b7: {  	v2 =	vld.idx.msk [tilespmem:v4+s15+$0x0], $0xffff;
	[tilespmem:s21+$0x0] =	vst v6  }
0x4b8: {  	s23 =	sadd.s32 $0x80, s23;
	v4 =	vld.idx.msk [tilespmem:v7+s15+$0x0], $0xffff;
	[tilespmem:s21+$0xFFFFFFA0] =	vst v8  }
0x4b9: {  	[tilespmem:s21+$0xFFFFFFB0] =	vst v5  }
0x4ba: {  	[tilespmem:s21+$0xFFFFFFC0] =	vst v3  }
0x4bb: {  	[tilespmem:s21+$0xFFFFFFD0] =	vst v0  }
0x4bc: {  	[tilespmem:s21+$0xFFFFFFE0] =	vst v1  }
0x4bd: {  	[tilespmem:s21+$0xFFFFFFF0] =	vst v2  }
0x4be: {  	s22 =	simm.s32 @!p2 $0x400;
	[tilespmem:s21+$0xFFFFFF90] =	vst v4  }
0x4bf: {  	[hbm4b:s5+s12] =	stream.strided.scatter [tilespmem:s17], [sflag:$0x2], $0x1000, s14, s12, $0x38;
	[tilespmem:$0x1E700] =	vst v63  }
0x4c0: {  	s23 =	simm.s32 @!p2 $0x4000;
	s21 =	simm.s32 @!p2 $0x80;
	s24 =	rddreg [dreg:$0x12]  }
0x4c1: {  	[tilespmem:s23], [sflag:$0x3] =	stream.strided.gather @!p2 [hbm4b:s24+s21], $0x18700, s22, s21, $0x38;
	[tilespmem:$0x1E700] =	vst v63  }
0x4c2: {  	s21 =	simm.s32 @!p2 $0x3  }
0x4c3: {  	_ =	swait.ge @!p2 [sflag:s21], $0x18700  }
0x4c4: {  	s22 =	simm.s32 @p6 $0x400;
	s23 =	simm.s32 @p6 $0x4000;
	[sflag:s21] =	ssyncset.done @!p2 $0x0  }
0x4c5: {  	s24 =	rddreg [dreg:$0x13];
	[sflag:s21] =	ssyncadd.s32 @!p2 $0xFFFE7900;
	s21 =	simm.s32 @p6 $0x80  }
0x4c6: {  	[tilespmem:s23], [sflag:$0x3] =	stream.strided.gather @p6 [hbm4b:s24+s21], $0x18700, s22, s21, $0x38;
	[tilespmem:$0x1E700] =	vst v63  }
0x4c7: {  	s21 =	simm.s32 @p6 $0x3  }
0x4c8: {  	_ =	swait.ge @p6 [sflag:s21], $0x18700  }
0x4c9: {  	s22 =	simm.s32 @p5 $0x400;
	s23 =	simm.s32 @p5 $0x4000;
	[sflag:s21] =	ssyncset.done @p6 $0x0  }
0x4ca: {  	s24 =	rddreg [dreg:$0x1b];
	[sflag:s21] =	ssyncadd.s32 @p6 $0xFFFE7900;
	s21 =	simm.s32 @p5 $0x80  }
0x4cb: {  	[tilespmem:s23], [sflag:$0x3] =	stream.strided.gather @p5 [hbm4b:s24+s21], $0x18700, s22, s21, $0x38;
	[tilespmem:$0x1E700] =	vst v63  }
0x4cc: {  	s21 =	simm.s32 @p5 $0x3  }
0x4cd: {  	_ =	swait.ge @p5 [sflag:s21], $0x18700  }
0x4ce: {  	s24 =	sld [smem:$0x7EC]  }
0x4cf: {  	s22 =	simm.s32 @p4 $0x400;
	[sflag:s21] =	ssyncset.done @p5 $0x0  }
0x4d0: {  	s23 =	simm.s32 @p4 $0x4000;
	[sflag:s21] =	ssyncadd.s32 @p5 $0xFFFE7900;
	s21 =	simm.s32 @p4 $0x80  }
0x4d1: {  	[tilespmem:s23], [sflag:$0x3] =	stream.strided.gather @p4 [hbm4b:s24+s21], $0x18700, s22, s21, $0x38;
	[tilespmem:$0x1E700] =	vst v63  }
0x4d2: {  	s21 =	simm.s32 @p4 $0x3  }
0x4d3: {  	_ =	swait.ge @p4 [sflag:s21], $0x18700  }
0x4d4: {  	[sflag:s21] =	ssyncset.done @p4 $0x0  }
0x4d5: {  	[sflag:s21] =	ssyncadd.s32 @p4 $0xFFFE7900  }
0x4d6: {  	_ =	swait.ge [sflag:s18], $0x1000  }
0x4d7: {  	[sflag:s18] =	ssyncset.done $0x0  }
0x4d8: {  	s24 =	simm.s32 $0x40;
	[sflag:s18] =	ssyncadd.s32 $0xFFFFF000  }
0x4d9: {  	v0 =	vld [tilespmem:s24+$0x30]  }
0x4da: {  	v1 =	vld [tilespmem:s24+$0xFFFFFFD0]  }
0x4db: {  	v2 =	vld [tilespmem:s24+$0xFFFFFFE0]  }
0x4dc: {  	v3 =	vld [tilespmem:s24+$0xFFFFFFF0]  }
0x4dd: {  	v4 =	vld [tilespmem:s24+$0x0]  }
0x4de: {  	v6 =	vld [tilespmem:s24+$0x10]  }
0x4df: {  	v7 =	vld [tilespmem:s24+$0x20]  }
0x4e0: {  	v8 =	vld [tilespmem:s24+$0xFFFFFFC0]  }
0x4e1: {  	v9 =	vld.idx.msk [tilespmem:v0+s15+$0x0], $0xffff  }
0x4e2: {  	v10 =	vld.idx.msk [tilespmem:v1+s15+$0x0], $0xffff  }
0x4e3: {  	v5 =	vld.idx.msk [tilespmem:v2+s15+$0x0], $0xffff  }
0x4e4: {  	v3 =	vld.idx.msk [tilespmem:v3+s15+$0x0], $0xffff  }
0x4e5: {  	v0 =	vld.idx.msk [tilespmem:v4+s15+$0x0], $0xffff  }
0x4e6: {  	s21 =	simm.s32 $0x1C740;
	v1 =	vld.idx.msk [tilespmem:v6+s15+$0x0], $0xffff  }
0x4e7: {  	v2 =	vld.idx.msk [tilespmem:v7+s15+$0x0], $0xffff;
	[tilespmem:s21+$0x30] =	vst v9  }
0x4e8: {  	s22 =	simm.s32 $0x0;
	s23 =	simm.s32 $0xC0;
	v4 =	vld.idx.msk [tilespmem:v8+s15+$0x0], $0xffff;
	[tilespmem:s21+$0xFFFFFFD0] =	vst v10  }
.LBB2_55:
0x4e9: {  	v6 =	vld [tilespmem:s23+$0x30];
	s22 =	sadd.s32 $0x8, s22;
	[tilespmem:s21+$0xFFFFFFE0] =	vst v5  }
0x4ea: {  	v5 =	vld [tilespmem:s23+$0xFFFFFFD0];
	p3 =	slt.u32 s22, $0xF8;
	[tilespmem:s21+$0xFFFFFFF0] =	vst v3  }
0x4eb: {  	v3 =	vld [tilespmem:s23+$0xFFFFFFE0];
	[tilespmem:s21+$0x0] =	vst v0  }
0x4ec: {  	v0 =	vld [tilespmem:s23+$0xFFFFFFF0];
	[tilespmem:s21+$0x10] =	vst v1  }
0x4ed: {  	v1 =	vld [tilespmem:s23+$0x0];
	[tilespmem:s21+$0x20] =	vst v2  }
0x4ee: {  	v2 =	vld [tilespmem:s23+$0x10];
	[tilespmem:s21+$0xFFFFFFC0] =	vst v4  }
0x4ef: {  	v4 =	vld [tilespmem:s23+$0x20]  }
0x4f0: {  	v7 =	vld [tilespmem:s23+$0xFFFFFFC0]  }
0x4f1: {  	v6 =	vld.idx.msk [tilespmem:v6+s15+$0x0], $0xffff  }
0x4f2: {  	v8 =	vld.idx.msk [tilespmem:v5+s15+$0x0], $0xffff  }
0x4f3: {  	v5 =	vld.idx.msk [tilespmem:v3+s15+$0x0], $0xffff  }
.Ltmp28:
0x4f4: {  	v3 =	vld.idx.msk [tilespmem:v0+s15+$0x0], $0xffff;
	(pc) =	sbr.rel @p3 .LBB2_55-.Ltmp28, $4  }
0x4f5: {  	v0 =	vld.idx.msk [tilespmem:v1+s15+$0x0], $0xffff  }
0x4f6: {  	s21 =	sadd.s32 $0x80, s21;
	v1 =	vld.idx.msk [tilespmem:v2+s15+$0x0], $0xffff  }
0x4f7: {  	v2 =	vld.idx.msk [tilespmem:v4+s15+$0x0], $0xffff;
	[tilespmem:s21+$0x30] =	vst v6  }
0x4f8: {  	s23 =	sadd.s32 $0x80, s23;
	v4 =	vld.idx.msk [tilespmem:v7+s15+$0x0], $0xffff;
	[tilespmem:s21+$0xFFFFFFD0] =	vst v8  }
0x4f9: {  	[tilespmem:s21+$0xFFFFFFE0] =	vst v5  }
0x4fa: {  	[tilespmem:s21+$0xFFFFFFF0] =	vst v3  }
0x4fb: {  	[tilespmem:s21+$0x0] =	vst v0  }
0x4fc: {  	[tilespmem:s21+$0x10] =	vst v1  }
0x4fd: {  	[tilespmem:s21+$0x20] =	vst v2  }
0x4fe: {  	[tilespmem:s21+$0xFFFFFFC0] =	vst v4  }
0x4ff: {  	[hbm4b:s3+s12] =	stream.strided.scatter [tilespmem:s16], [sflag:$0x1], $0x1000, s14, s12, $0x38;
	[tilespmem:$0x1E700] =	vst v63  }
0x500: {  	_ =	swait.ge [sflag:s19], $0x1000  }
0x501: {  	[sflag:s19] =	ssyncset.done $0x0  }
0x502: {  	s24 =	simm.s32 $0x1070;
	[sflag:s19] =	ssyncadd.s32 $0xFFFFF000  }
0x503: {  	v0 =	vld [tilespmem:s24+$0x0]  }
0x504: {  	v1 =	vld [tilespmem:s24+$0xFFFFFFA0]  }
0x505: {  	v2 =	vld [tilespmem:s24+$0xFFFFFFB0]  }
0x506: {  	v3 =	vld [tilespmem:s24+$0xFFFFFFC0]  }
0x507: {  	v4 =	vld [tilespmem:s24+$0xFFFFFFD0]  }
0x508: {  	v6 =	vld [tilespmem:s24+$0xFFFFFFE0]  }
0x509: {  	v7 =	vld [tilespmem:s24+$0xFFFFFFF0]  }
0x50a: {  	v8 =	vld [tilespmem:s24+$0xFFFFFF90]  }
0x50b: {  	v9 =	vld.idx.msk [tilespmem:v0+s15+$0x0], $0xffff  }
0x50c: {  	v10 =	vld.idx.msk [tilespmem:v1+s15+$0x0], $0xffff  }
0x50d: {  	v5 =	vld.idx.msk [tilespmem:v2+s15+$0x0], $0xffff  }
0x50e: {  	v3 =	vld.idx.msk [tilespmem:v3+s15+$0x0], $0xffff  }
0x50f: {  	v0 =	vld.idx.msk [tilespmem:v4+s15+$0x0], $0xffff  }
0x510: {  	s21 =	simm.s32 $0x1D770;
	v1 =	vld.idx.msk [tilespmem:v6+s15+$0x0], $0xffff  }
0x511: {  	v2 =	vld.idx.msk [tilespmem:v7+s15+$0x0], $0xffff;
	[tilespmem:s21+$0x0] =	vst v9  }
0x512: {  	s22 =	simm.s32 $0x0;
	s23 =	simm.s32 $0x10F0;
	v4 =	vld.idx.msk [tilespmem:v8+s15+$0x0], $0xffff;
	[tilespmem:s21+$0xFFFFFFA0] =	vst v10  }
.LBB2_57:
0x513: {  	v6 =	vld [tilespmem:s23+$0x0];
	s22 =	sadd.s32 $0x8, s22;
	[tilespmem:s21+$0xFFFFFFB0] =	vst v5  }
0x514: {  	v5 =	vld [tilespmem:s23+$0xFFFFFFA0];
	p3 =	slt.u32 s22, $0xF8;
	[tilespmem:s21+$0xFFFFFFC0] =	vst v3  }
0x515: {  	v3 =	vld [tilespmem:s23+$0xFFFFFFB0];
	[tilespmem:s21+$0xFFFFFFD0] =	vst v0  }
0x516: {  	v0 =	vld [tilespmem:s23+$0xFFFFFFC0];
	[tilespmem:s21+$0xFFFFFFE0] =	vst v1  }
0x517: {  	v1 =	vld [tilespmem:s23+$0xFFFFFFD0];
	[tilespmem:s21+$0xFFFFFFF0] =	vst v2  }
0x518: {  	v2 =	vld [tilespmem:s23+$0xFFFFFFE0];
	[tilespmem:s21+$0xFFFFFF90] =	vst v4  }
0x519: {  	v4 =	vld [tilespmem:s23+$0xFFFFFFF0]  }
0x51a: {  	v7 =	vld [tilespmem:s23+$0xFFFFFF90]  }
0x51b: {  	v6 =	vld.idx.msk [tilespmem:v6+s15+$0x0], $0xffff  }
0x51c: {  	v8 =	vld.idx.msk [tilespmem:v5+s15+$0x0], $0xffff  }
0x51d: {  	v5 =	vld.idx.msk [tilespmem:v3+s15+$0x0], $0xffff  }
.Ltmp29:
0x51e: {  	v3 =	vld.idx.msk [tilespmem:v0+s15+$0x0], $0xffff;
	(pc) =	sbr.rel @p3 .LBB2_57-.Ltmp29, $4  }
0x51f: {  	v0 =	vld.idx.msk [tilespmem:v1+s15+$0x0], $0xffff  }
0x520: {  	s21 =	sadd.s32 $0x80, s21;
	v1 =	vld.idx.msk [tilespmem:v2+s15+$0x0], $0xffff  }
0x521: {  	v2 =	vld.idx.msk [tilespmem:v4+s15+$0x0], $0xffff;
	[tilespmem:s21+$0x0] =	vst v6  }
0x522: {  	s23 =	sadd.s32 $0x80, s23;
	v4 =	vld.idx.msk [tilespmem:v7+s15+$0x0], $0xffff;
	[tilespmem:s21+$0xFFFFFFA0] =	vst v8  }
0x523: {  	[tilespmem:s21+$0xFFFFFFB0] =	vst v5  }
0x524: {  	[tilespmem:s21+$0xFFFFFFC0] =	vst v3  }
0x525: {  	[tilespmem:s21+$0xFFFFFFD0] =	vst v0  }
0x526: {  	[tilespmem:s21+$0xFFFFFFE0] =	vst v1  }
0x527: {  	[tilespmem:s21+$0xFFFFFFF0] =	vst v2  }
0x528: {  	[tilespmem:s21+$0xFFFFFF90] =	vst v4  }
0x529: {  	[hbm4b:s4+s12] =	stream.strided.scatter [tilespmem:s17], [sflag:$0x2], $0x1000, s14, s12, $0x38;
	[tilespmem:$0x1E700] =	vst v63  }
0x52a: {  	_ =	swait.ge [sflag:s18], $0x1000  }
0x52b: {  	[sflag:s18] =	ssyncset.done $0x0  }
0x52c: {  	s24 =	simm.s32 $0x2070;
	[sflag:s18] =	ssyncadd.s32 $0xFFFFF000  }
0x52d: {  	v0 =	vld [tilespmem:s24+$0x0]  }
0x52e: {  	v1 =	vld [tilespmem:s24+$0xFFFFFFA0]  }
0x52f: {  	v2 =	vld [tilespmem:s24+$0xFFFFFFB0]  }
0x530: {  	v3 =	vld [tilespmem:s24+$0xFFFFFFC0]  }
0x531: {  	v4 =	vld [tilespmem:s24+$0xFFFFFFD0]  }
0x532: {  	v6 =	vld [tilespmem:s24+$0xFFFFFFE0]  }
0x533: {  	v7 =	vld [tilespmem:s24+$0xFFFFFFF0]  }
0x534: {  	v8 =	vld [tilespmem:s24+$0xFFFFFF90]  }
0x535: {  	v9 =	vld.idx.msk [tilespmem:v0+s15+$0x0], $0xffff  }
0x536: {  	v10 =	vld.idx.msk [tilespmem:v1+s15+$0x0], $0xffff  }
0x537: {  	v5 =	vld.idx.msk [tilespmem:v2+s15+$0x0], $0xffff  }
0x538: {  	v3 =	vld.idx.msk [tilespmem:v3+s15+$0x0], $0xffff  }
0x539: {  	v0 =	vld.idx.msk [tilespmem:v4+s15+$0x0], $0xffff  }
0x53a: {  	s21 =	simm.s32 $0x1C740;
	v1 =	vld.idx.msk [tilespmem:v6+s15+$0x0], $0xffff  }
0x53b: {  	v2 =	vld.idx.msk [tilespmem:v7+s15+$0x0], $0xffff;
	[tilespmem:s21+$0x30] =	vst v9  }
0x53c: {  	s22 =	simm.s32 $0x0;
	s23 =	simm.s32 $0x20F0;
	v4 =	vld.idx.msk [tilespmem:v8+s15+$0x0], $0xffff;
	[tilespmem:s21+$0xFFFFFFD0] =	vst v10  }
.LBB2_59:
0x53d: {  	v6 =	vld [tilespmem:s23+$0x0];
	s22 =	sadd.s32 $0x8, s22;
	[tilespmem:s21+$0xFFFFFFE0] =	vst v5  }
0x53e: {  	v5 =	vld [tilespmem:s23+$0xFFFFFFA0];
	p3 =	slt.u32 s22, $0xF8;
	[tilespmem:s21+$0xFFFFFFF0] =	vst v3  }
0x53f: {  	v3 =	vld [tilespmem:s23+$0xFFFFFFB0];
	[tilespmem:s21+$0x0] =	vst v0  }
0x540: {  	v0 =	vld [tilespmem:s23+$0xFFFFFFC0];
	[tilespmem:s21+$0x10] =	vst v1  }
0x541: {  	v1 =	vld [tilespmem:s23+$0xFFFFFFD0];
	[tilespmem:s21+$0x20] =	vst v2  }
0x542: {  	v2 =	vld [tilespmem:s23+$0xFFFFFFE0];
	[tilespmem:s21+$0xFFFFFFC0] =	vst v4  }
0x543: {  	v4 =	vld [tilespmem:s23+$0xFFFFFFF0]  }
0x544: {  	v7 =	vld [tilespmem:s23+$0xFFFFFF90]  }
0x545: {  	v6 =	vld.idx.msk [tilespmem:v6+s15+$0x0], $0xffff  }
0x546: {  	v8 =	vld.idx.msk [tilespmem:v5+s15+$0x0], $0xffff  }
0x547: {  	v5 =	vld.idx.msk [tilespmem:v3+s15+$0x0], $0xffff  }
.Ltmp30:
0x548: {  	v3 =	vld.idx.msk [tilespmem:v0+s15+$0x0], $0xffff;
	(pc) =	sbr.rel @p3 .LBB2_59-.Ltmp30, $4  }
0x549: {  	v0 =	vld.idx.msk [tilespmem:v1+s15+$0x0], $0xffff  }
0x54a: {  	s21 =	sadd.s32 $0x80, s21;
	v1 =	vld.idx.msk [tilespmem:v2+s15+$0x0], $0xffff  }
0x54b: {  	v2 =	vld.idx.msk [tilespmem:v4+s15+$0x0], $0xffff;
	[tilespmem:s21+$0x30] =	vst v6  }
0x54c: {  	s23 =	sadd.s32 $0x80, s23;
	v4 =	vld.idx.msk [tilespmem:v7+s15+$0x0], $0xffff;
	[tilespmem:s21+$0xFFFFFFD0] =	vst v8  }
0x54d: {  	[tilespmem:s21+$0xFFFFFFE0] =	vst v5  }
0x54e: {  	[tilespmem:s21+$0xFFFFFFF0] =	vst v3  }
0x54f: {  	[tilespmem:s21+$0x0] =	vst v0  }
0x550: {  	[tilespmem:s21+$0x10] =	vst v1  }
0x551: {  	[tilespmem:s21+$0x20] =	vst v2  }
0x552: {  	[tilespmem:s21+$0xFFFFFFC0] =	vst v4  }
0x553: {  	[hbm4b:s1+s12] =	stream.strided.scatter [tilespmem:s16], [sflag:$0x1], $0x1000, s14, s12, $0x38;
	[tilespmem:$0x1E700] =	vst v63  }
0x554: {  	_ =	swait.ge [sflag:s19], $0x1000  }
0x555: {  	[sflag:s19] =	ssyncset.done $0x0  }
0x556: {  	s24 =	simm.s32 $0x3070;
	[sflag:s19] =	ssyncadd.s32 $0xFFFFF000  }
0x557: {  	v0 =	vld [tilespmem:s24+$0x0]  }
0x558: {  	v1 =	vld [tilespmem:s24+$0xFFFFFFA0]  }
0x559: {  	v2 =	vld [tilespmem:s24+$0xFFFFFFB0]  }
0x55a: {  	v3 =	vld [tilespmem:s24+$0xFFFFFFC0]  }
0x55b: {  	v4 =	vld [tilespmem:s24+$0xFFFFFFD0]  }
0x55c: {  	v6 =	vld [tilespmem:s24+$0xFFFFFFE0]  }
0x55d: {  	v7 =	vld [tilespmem:s24+$0xFFFFFFF0]  }
0x55e: {  	v8 =	vld [tilespmem:s24+$0xFFFFFF90]  }
0x55f: {  	v9 =	vld.idx.msk [tilespmem:v0+s15+$0x0], $0xffff  }
0x560: {  	v10 =	vld.idx.msk [tilespmem:v1+s15+$0x0], $0xffff  }
0x561: {  	v5 =	vld.idx.msk [tilespmem:v2+s15+$0x0], $0xffff  }
0x562: {  	v3 =	vld.idx.msk [tilespmem:v3+s15+$0x0], $0xffff  }
0x563: {  	v0 =	vld.idx.msk [tilespmem:v4+s15+$0x0], $0xffff  }
0x564: {  	s21 =	simm.s32 $0x1D770;
	v1 =	vld.idx.msk [tilespmem:v6+s15+$0x0], $0xffff  }
0x565: {  	v2 =	vld.idx.msk [tilespmem:v7+s15+$0x0], $0xffff;
	[tilespmem:s21+$0x0] =	vst v9  }
0x566: {  	s22 =	simm.s32 $0x0;
	s23 =	simm.s32 $0x30F0;
	v4 =	vld.idx.msk [tilespmem:v8+s15+$0x0], $0xffff;
	[tilespmem:s21+$0xFFFFFFA0] =	vst v10  }
.LBB2_61:
0x567: {  	v6 =	vld [tilespmem:s23+$0x0];
	s22 =	sadd.s32 $0x8, s22;
	[tilespmem:s21+$0xFFFFFFB0] =	vst v5  }
0x568: {  	v5 =	vld [tilespmem:s23+$0xFFFFFFA0];
	p3 =	slt.u32 s22, $0xF8;
	[tilespmem:s21+$0xFFFFFFC0] =	vst v3  }
0x569: {  	v3 =	vld [tilespmem:s23+$0xFFFFFFB0];
	[tilespmem:s21+$0xFFFFFFD0] =	vst v0  }
0x56a: {  	v0 =	vld [tilespmem:s23+$0xFFFFFFC0];
	[tilespmem:s21+$0xFFFFFFE0] =	vst v1  }
0x56b: {  	v1 =	vld [tilespmem:s23+$0xFFFFFFD0];
	[tilespmem:s21+$0xFFFFFFF0] =	vst v2  }
0x56c: {  	v2 =	vld [tilespmem:s23+$0xFFFFFFE0];
	[tilespmem:s21+$0xFFFFFF90] =	vst v4  }
0x56d: {  	v4 =	vld [tilespmem:s23+$0xFFFFFFF0]  }
0x56e: {  	v7 =	vld [tilespmem:s23+$0xFFFFFF90]  }
0x56f: {  	v6 =	vld.idx.msk [tilespmem:v6+s15+$0x0], $0xffff  }
0x570: {  	v8 =	vld.idx.msk [tilespmem:v5+s15+$0x0], $0xffff  }
0x571: {  	v5 =	vld.idx.msk [tilespmem:v3+s15+$0x0], $0xffff  }
.Ltmp31:
0x572: {  	v3 =	vld.idx.msk [tilespmem:v0+s15+$0x0], $0xffff;
	(pc) =	sbr.rel @p3 .LBB2_61-.Ltmp31, $4  }
0x573: {  	v0 =	vld.idx.msk [tilespmem:v1+s15+$0x0], $0xffff  }
0x574: {  	s21 =	sadd.s32 $0x80, s21;
	v1 =	vld.idx.msk [tilespmem:v2+s15+$0x0], $0xffff  }
0x575: {  	v2 =	vld.idx.msk [tilespmem:v4+s15+$0x0], $0xffff;
	[tilespmem:s21+$0x0] =	vst v6  }
0x576: {  	s23 =	sadd.s32 $0x80, s23;
	v4 =	vld.idx.msk [tilespmem:v7+s15+$0x0], $0xffff;
	[tilespmem:s21+$0xFFFFFFA0] =	vst v8  }
0x577: {  	[tilespmem:s21+$0xFFFFFFB0] =	vst v5  }
0x578: {  	[tilespmem:s21+$0xFFFFFFC0] =	vst v3  }
0x579: {  	[tilespmem:s21+$0xFFFFFFD0] =	vst v0  }
0x57a: {  	[tilespmem:s21+$0xFFFFFFE0] =	vst v1  }
0x57b: {  	[tilespmem:s21+$0xFFFFFFF0] =	vst v2  }
0x57c: {  	s22 =	simm.s32 @!p2 $0x400;
	[tilespmem:s21+$0xFFFFFF90] =	vst v4  }
0x57d: {  	[hbm4b:s2+s12] =	stream.strided.scatter [tilespmem:s17], [sflag:$0x2], $0x1000, s14, s12, $0x38;
	[tilespmem:$0x1E700] =	vst v63  }
0x57e: {  	s23 =	simm.s32 @!p2 $0x4000;
	s21 =	simm.s32 @!p2 $0x80;
	s24 =	rddreg [dreg:$0x14]  }
0x57f: {  	[tilespmem:s23], [sflag:$0x3] =	stream.strided.gather @!p2 [hbm4b:s24+s21], $0x18700, s22, s21, $0x38;
	[tilespmem:$0x1E700] =	vst v63  }
0x580: {  	s21 =	simm.s32 @!p2 $0x3  }
0x581: {  	_ =	swait.ge @!p2 [sflag:s21], $0x18700  }
0x582: {  	s22 =	simm.s32 @p6 $0x400;
	s23 =	simm.s32 @p6 $0x4000;
	[sflag:s21] =	ssyncset.done @!p2 $0x0  }
0x583: {  	s24 =	rddreg [dreg:$0x15];
	[sflag:s21] =	ssyncadd.s32 @!p2 $0xFFFE7900;
	s21 =	simm.s32 @p6 $0x80  }
0x584: {  	[tilespmem:s23], [sflag:$0x3] =	stream.strided.gather @p6 [hbm4b:s24+s21], $0x18700, s22, s21, $0x38;
	[tilespmem:$0x1E700] =	vst v63  }
0x585: {  	s21 =	simm.s32 @p6 $0x3  }
0x586: {  	_ =	swait.ge @p6 [sflag:s21], $0x18700  }
0x587: {  	s22 =	simm.s32 @p5 $0x400;
	s23 =	simm.s32 @p5 $0x4000;
	[sflag:s21] =	ssyncset.done @p6 $0x0  }
0x588: {  	s24 =	rddreg [dreg:$0x1c];
	[sflag:s21] =	ssyncadd.s32 @p6 $0xFFFE7900;
	s21 =	simm.s32 @p5 $0x80  }
0x589: {  	[tilespmem:s23], [sflag:$0x3] =	stream.strided.gather @p5 [hbm4b:s24+s21], $0x18700, s22, s21, $0x38;
	[tilespmem:$0x1E700] =	vst v63  }
0x58a: {  	s21 =	simm.s32 @p5 $0x3  }
0x58b: {  	_ =	swait.ge @p5 [sflag:s21], $0x18700  }
0x58c: {  	s24 =	sld [smem:$0x7ED]  }
0x58d: {  	s22 =	simm.s32 @p4 $0x400;
	[sflag:s21] =	ssyncset.done @p5 $0x0  }
0x58e: {  	s23 =	simm.s32 @p4 $0x4000;
	[sflag:s21] =	ssyncadd.s32 @p5 $0xFFFE7900;
	s21 =	simm.s32 @p4 $0x80  }
0x58f: {  	[tilespmem:s23], [sflag:$0x3] =	stream.strided.gather @p4 [hbm4b:s24+s21], $0x18700, s22, s21, $0x38;
	[tilespmem:$0x1E700] =	vst v63  }
0x590: {  	s21 =	simm.s32 @p4 $0x3  }
0x591: {  	_ =	swait.ge @p4 [sflag:s21], $0x18700  }
0x592: {  	[sflag:s21] =	ssyncset.done @p4 $0x0  }
0x593: {  	[sflag:s21] =	ssyncadd.s32 @p4 $0xFFFE7900  }
0x594: {  	_ =	swait.ge [sflag:s18], $0x1000  }
0x595: {  	[sflag:s18] =	ssyncset.done $0x0  }
0x596: {  	s24 =	simm.s32 $0x40;
	[sflag:s18] =	ssyncadd.s32 $0xFFFFF000  }
0x597: {  	v0 =	vld [tilespmem:s24+$0x30]  }
0x598: {  	v1 =	vld [tilespmem:s24+$0xFFFFFFD0]  }
0x599: {  	v2 =	vld [tilespmem:s24+$0xFFFFFFE0]  }
0x59a: {  	v3 =	vld [tilespmem:s24+$0xFFFFFFF0]  }
0x59b: {  	v4 =	vld [tilespmem:s24+$0x0]  }
0x59c: {  	v6 =	vld [tilespmem:s24+$0x10]  }
0x59d: {  	v7 =	vld [tilespmem:s24+$0x20]  }
0x59e: {  	v8 =	vld [tilespmem:s24+$0xFFFFFFC0]  }
0x59f: {  	v9 =	vld.idx.msk [tilespmem:v0+s15+$0x0], $0xffff  }
0x5a0: {  	v10 =	vld.idx.msk [tilespmem:v1+s15+$0x0], $0xffff  }
0x5a1: {  	v5 =	vld.idx.msk [tilespmem:v2+s15+$0x0], $0xffff  }
0x5a2: {  	v3 =	vld.idx.msk [tilespmem:v3+s15+$0x0], $0xffff  }
0x5a3: {  	v0 =	vld.idx.msk [tilespmem:v4+s15+$0x0], $0xffff  }
0x5a4: {  	s21 =	simm.s32 $0x1C740;
	v1 =	vld.idx.msk [tilespmem:v6+s15+$0x0], $0xffff  }
0x5a5: {  	v2 =	vld.idx.msk [tilespmem:v7+s15+$0x0], $0xffff;
	[tilespmem:s21+$0x30] =	vst v9  }
0x5a6: {  	s22 =	simm.s32 $0x0;
	s23 =	simm.s32 $0xC0;
	v4 =	vld.idx.msk [tilespmem:v8+s15+$0x0], $0xffff;
	[tilespmem:s21+$0xFFFFFFD0] =	vst v10  }
.LBB2_63:
0x5a7: {  	v6 =	vld [tilespmem:s23+$0x30];
	s22 =	sadd.s32 $0x8, s22;
	[tilespmem:s21+$0xFFFFFFE0] =	vst v5  }
0x5a8: {  	v5 =	vld [tilespmem:s23+$0xFFFFFFD0];
	p3 =	slt.u32 s22, $0xF8;
	[tilespmem:s21+$0xFFFFFFF0] =	vst v3  }
0x5a9: {  	v3 =	vld [tilespmem:s23+$0xFFFFFFE0];
	[tilespmem:s21+$0x0] =	vst v0  }
0x5aa: {  	v0 =	vld [tilespmem:s23+$0xFFFFFFF0];
	[tilespmem:s21+$0x10] =	vst v1  }
0x5ab: {  	v1 =	vld [tilespmem:s23+$0x0];
	[tilespmem:s21+$0x20] =	vst v2  }
0x5ac: {  	v2 =	vld [tilespmem:s23+$0x10];
	[tilespmem:s21+$0xFFFFFFC0] =	vst v4  }
0x5ad: {  	v4 =	vld [tilespmem:s23+$0x20]  }
0x5ae: {  	v7 =	vld [tilespmem:s23+$0xFFFFFFC0]  }
0x5af: {  	v6 =	vld.idx.msk [tilespmem:v6+s15+$0x0], $0xffff  }
0x5b0: {  	v8 =	vld.idx.msk [tilespmem:v5+s15+$0x0], $0xffff  }
0x5b1: {  	v5 =	vld.idx.msk [tilespmem:v3+s15+$0x0], $0xffff  }
.Ltmp32:
0x5b2: {  	v3 =	vld.idx.msk [tilespmem:v0+s15+$0x0], $0xffff;
	(pc) =	sbr.rel @p3 .LBB2_63-.Ltmp32, $4  }
0x5b3: {  	v0 =	vld.idx.msk [tilespmem:v1+s15+$0x0], $0xffff  }
0x5b4: {  	s21 =	sadd.s32 $0x80, s21;
	v1 =	vld.idx.msk [tilespmem:v2+s15+$0x0], $0xffff  }
0x5b5: {  	v2 =	vld.idx.msk [tilespmem:v4+s15+$0x0], $0xffff;
	[tilespmem:s21+$0x30] =	vst v6  }
0x5b6: {  	s23 =	sadd.s32 $0x80, s23;
	v4 =	vld.idx.msk [tilespmem:v7+s15+$0x0], $0xffff;
	[tilespmem:s21+$0xFFFFFFD0] =	vst v8  }
0x5b7: {  	[tilespmem:s21+$0xFFFFFFE0] =	vst v5  }
0x5b8: {  	[tilespmem:s21+$0xFFFFFFF0] =	vst v3  }
0x5b9: {  	[tilespmem:s21+$0x0] =	vst v0  }
0x5ba: {  	[tilespmem:s21+$0x10] =	vst v1  }
0x5bb: {  	[tilespmem:s21+$0x20] =	vst v2  }
0x5bc: {  	[tilespmem:s21+$0xFFFFFFC0] =	vst v4  }
0x5bd: {  	[hbm4b:s6+s12] =	stream.strided.scatter [tilespmem:s16], [sflag:$0x1], $0x1000, s14, s12, $0x38;
	[tilespmem:$0x1E700] =	vst v63  }
0x5be: {  	_ =	swait.ge [sflag:s19], $0x1000  }
0x5bf: {  	[sflag:s19] =	ssyncset.done $0x0  }
0x5c0: {  	s24 =	simm.s32 $0x1070;
	[sflag:s19] =	ssyncadd.s32 $0xFFFFF000  }
0x5c1: {  	v0 =	vld [tilespmem:s24+$0x0]  }
0x5c2: {  	v1 =	vld [tilespmem:s24+$0xFFFFFFA0]  }
0x5c3: {  	v2 =	vld [tilespmem:s24+$0xFFFFFFB0]  }
0x5c4: {  	v3 =	vld [tilespmem:s24+$0xFFFFFFC0]  }
0x5c5: {  	v4 =	vld [tilespmem:s24+$0xFFFFFFD0]  }
0x5c6: {  	v6 =	vld [tilespmem:s24+$0xFFFFFFE0]  }
0x5c7: {  	v7 =	vld [tilespmem:s24+$0xFFFFFFF0]  }
0x5c8: {  	v8 =	vld [tilespmem:s24+$0xFFFFFF90]  }
0x5c9: {  	v9 =	vld.idx.msk [tilespmem:v0+s15+$0x0], $0xffff  }
0x5ca: {  	v10 =	vld.idx.msk [tilespmem:v1+s15+$0x0], $0xffff  }
0x5cb: {  	v5 =	vld.idx.msk [tilespmem:v2+s15+$0x0], $0xffff  }
0x5cc: {  	v3 =	vld.idx.msk [tilespmem:v3+s15+$0x0], $0xffff  }
0x5cd: {  	v0 =	vld.idx.msk [tilespmem:v4+s15+$0x0], $0xffff  }
0x5ce: {  	s21 =	simm.s32 $0x1D770;
	v1 =	vld.idx.msk [tilespmem:v6+s15+$0x0], $0xffff  }
0x5cf: {  	v2 =	vld.idx.msk [tilespmem:v7+s15+$0x0], $0xffff;
	[tilespmem:s21+$0x0] =	vst v9  }
0x5d0: {  	s22 =	simm.s32 $0x0;
	s23 =	simm.s32 $0x10F0;
	v4 =	vld.idx.msk [tilespmem:v8+s15+$0x0], $0xffff;
	[tilespmem:s21+$0xFFFFFFA0] =	vst v10  }
.LBB2_65:
0x5d1: {  	v6 =	vld [tilespmem:s23+$0x0];
	s22 =	sadd.s32 $0x8, s22;
	[tilespmem:s21+$0xFFFFFFB0] =	vst v5  }
0x5d2: {  	v5 =	vld [tilespmem:s23+$0xFFFFFFA0];
	p3 =	slt.u32 s22, $0xF8;
	[tilespmem:s21+$0xFFFFFFC0] =	vst v3  }
0x5d3: {  	v3 =	vld [tilespmem:s23+$0xFFFFFFB0];
	[tilespmem:s21+$0xFFFFFFD0] =	vst v0  }
0x5d4: {  	v0 =	vld [tilespmem:s23+$0xFFFFFFC0];
	[tilespmem:s21+$0xFFFFFFE0] =	vst v1  }
0x5d5: {  	v1 =	vld [tilespmem:s23+$0xFFFFFFD0];
	[tilespmem:s21+$0xFFFFFFF0] =	vst v2  }
0x5d6: {  	v2 =	vld [tilespmem:s23+$0xFFFFFFE0];
	[tilespmem:s21+$0xFFFFFF90] =	vst v4  }
0x5d7: {  	v4 =	vld [tilespmem:s23+$0xFFFFFFF0]  }
0x5d8: {  	v7 =	vld [tilespmem:s23+$0xFFFFFF90]  }
0x5d9: {  	v6 =	vld.idx.msk [tilespmem:v6+s15+$0x0], $0xffff  }
0x5da: {  	v8 =	vld.idx.msk [tilespmem:v5+s15+$0x0], $0xffff  }
0x5db: {  	v5 =	vld.idx.msk [tilespmem:v3+s15+$0x0], $0xffff  }
.Ltmp33:
0x5dc: {  	v3 =	vld.idx.msk [tilespmem:v0+s15+$0x0], $0xffff;
	(pc) =	sbr.rel @p3 .LBB2_65-.Ltmp33, $4  }
0x5dd: {  	v0 =	vld.idx.msk [tilespmem:v1+s15+$0x0], $0xffff  }
0x5de: {  	s21 =	sadd.s32 $0x80, s21;
	v1 =	vld.idx.msk [tilespmem:v2+s15+$0x0], $0xffff  }
0x5df: {  	v2 =	vld.idx.msk [tilespmem:v4+s15+$0x0], $0xffff;
	[tilespmem:s21+$0x0] =	vst v6  }
0x5e0: {  	s23 =	sadd.s32 $0x80, s23;
	v4 =	vld.idx.msk [tilespmem:v7+s15+$0x0], $0xffff;
	[tilespmem:s21+$0xFFFFFFA0] =	vst v8  }
0x5e1: {  	[tilespmem:s21+$0xFFFFFFB0] =	vst v5  }
0x5e2: {  	[tilespmem:s21+$0xFFFFFFC0] =	vst v3  }
0x5e3: {  	[tilespmem:s21+$0xFFFFFFD0] =	vst v0  }
0x5e4: {  	[tilespmem:s21+$0xFFFFFFE0] =	vst v1  }
0x5e5: {  	[tilespmem:s21+$0xFFFFFFF0] =	vst v2  }
0x5e6: {  	[tilespmem:s21+$0xFFFFFF90] =	vst v4  }
0x5e7: {  	[hbm4b:s8+s12] =	stream.strided.scatter [tilespmem:s17], [sflag:$0x2], $0x1000, s14, s12, $0x38;
	[tilespmem:$0x1E700] =	vst v63  }
0x5e8: {  	_ =	swait.ge [sflag:s18], $0x1000  }
0x5e9: {  	[sflag:s18] =	ssyncset.done $0x0  }
0x5ea: {  	s24 =	simm.s32 $0x2070;
	[sflag:s18] =	ssyncadd.s32 $0xFFFFF000  }
0x5eb: {  	v0 =	vld [tilespmem:s24+$0x0]  }
0x5ec: {  	v1 =	vld [tilespmem:s24+$0xFFFFFFA0]  }
0x5ed: {  	v2 =	vld [tilespmem:s24+$0xFFFFFFB0]  }
0x5ee: {  	v3 =	vld [tilespmem:s24+$0xFFFFFFC0]  }
0x5ef: {  	v4 =	vld [tilespmem:s24+$0xFFFFFFD0]  }
0x5f0: {  	v6 =	vld [tilespmem:s24+$0xFFFFFFE0]  }
0x5f1: {  	v7 =	vld [tilespmem:s24+$0xFFFFFFF0]  }
0x5f2: {  	v8 =	vld [tilespmem:s24+$0xFFFFFF90]  }
0x5f3: {  	v9 =	vld.idx.msk [tilespmem:v0+s15+$0x0], $0xffff  }
0x5f4: {  	v10 =	vld.idx.msk [tilespmem:v1+s15+$0x0], $0xffff  }
0x5f5: {  	v5 =	vld.idx.msk [tilespmem:v2+s15+$0x0], $0xffff  }
0x5f6: {  	v3 =	vld.idx.msk [tilespmem:v3+s15+$0x0], $0xffff  }
0x5f7: {  	v0 =	vld.idx.msk [tilespmem:v4+s15+$0x0], $0xffff  }
0x5f8: {  	s21 =	simm.s32 $0x1C740;
	v1 =	vld.idx.msk [tilespmem:v6+s15+$0x0], $0xffff  }
0x5f9: {  	v2 =	vld.idx.msk [tilespmem:v7+s15+$0x0], $0xffff;
	[tilespmem:s21+$0x30] =	vst v9  }
0x5fa: {  	s22 =	simm.s32 $0x0;
	s23 =	simm.s32 $0x20F0;
	v4 =	vld.idx.msk [tilespmem:v8+s15+$0x0], $0xffff;
	[tilespmem:s21+$0xFFFFFFD0] =	vst v10  }
.LBB2_67:
0x5fb: {  	v6 =	vld [tilespmem:s23+$0x0];
	s22 =	sadd.s32 $0x8, s22;
	[tilespmem:s21+$0xFFFFFFE0] =	vst v5  }
0x5fc: {  	v5 =	vld [tilespmem:s23+$0xFFFFFFA0];
	p3 =	slt.u32 s22, $0xF8;
	[tilespmem:s21+$0xFFFFFFF0] =	vst v3  }
0x5fd: {  	v3 =	vld [tilespmem:s23+$0xFFFFFFB0];
	[tilespmem:s21+$0x0] =	vst v0  }
0x5fe: {  	v0 =	vld [tilespmem:s23+$0xFFFFFFC0];
	[tilespmem:s21+$0x10] =	vst v1  }
0x5ff: {  	v1 =	vld [tilespmem:s23+$0xFFFFFFD0];
	[tilespmem:s21+$0x20] =	vst v2  }
0x600: {  	v2 =	vld [tilespmem:s23+$0xFFFFFFE0];
	[tilespmem:s21+$0xFFFFFFC0] =	vst v4  }
0x601: {  	v4 =	vld [tilespmem:s23+$0xFFFFFFF0]  }
0x602: {  	v7 =	vld [tilespmem:s23+$0xFFFFFF90]  }
0x603: {  	v6 =	vld.idx.msk [tilespmem:v6+s15+$0x0], $0xffff  }
0x604: {  	v8 =	vld.idx.msk [tilespmem:v5+s15+$0x0], $0xffff  }
0x605: {  	v5 =	vld.idx.msk [tilespmem:v3+s15+$0x0], $0xffff  }
.Ltmp34:
0x606: {  	v3 =	vld.idx.msk [tilespmem:v0+s15+$0x0], $0xffff;
	(pc) =	sbr.rel @p3 .LBB2_67-.Ltmp34, $4  }
0x607: {  	v0 =	vld.idx.msk [tilespmem:v1+s15+$0x0], $0xffff  }
0x608: {  	s21 =	sadd.s32 $0x80, s21;
	v1 =	vld.idx.msk [tilespmem:v2+s15+$0x0], $0xffff  }
0x609: {  	v2 =	vld.idx.msk [tilespmem:v4+s15+$0x0], $0xffff;
	[tilespmem:s21+$0x30] =	vst v6  }
0x60a: {  	s23 =	sadd.s32 $0x80, s23;
	v4 =	vld.idx.msk [tilespmem:v7+s15+$0x0], $0xffff;
	[tilespmem:s21+$0xFFFFFFD0] =	vst v8  }
0x60b: {  	[tilespmem:s21+$0xFFFFFFE0] =	vst v5  }
0x60c: {  	[tilespmem:s21+$0xFFFFFFF0] =	vst v3  }
0x60d: {  	[tilespmem:s21+$0x0] =	vst v0  }
0x60e: {  	[tilespmem:s21+$0x10] =	vst v1  }
0x60f: {  	[tilespmem:s21+$0x20] =	vst v2  }
0x610: {  	[tilespmem:s21+$0xFFFFFFC0] =	vst v4  }
0x611: {  	[hbm4b:s10+s12] =	stream.strided.scatter [tilespmem:s16], [sflag:$0x1], $0x1000, s14, s12, $0x38;
	[tilespmem:$0x1E700] =	vst v63  }
0x612: {  	_ =	swait.ge [sflag:s19], $0x1000  }
0x613: {  	[sflag:s19] =	ssyncset.done $0x0  }
0x614: {  	s24 =	simm.s32 $0x3070;
	[sflag:s19] =	ssyncadd.s32 $0xFFFFF000  }
0x615: {  	v0 =	vld [tilespmem:s24+$0x0]  }
0x616: {  	v1 =	vld [tilespmem:s24+$0xFFFFFFA0]  }
0x617: {  	v2 =	vld [tilespmem:s24+$0xFFFFFFB0]  }
0x618: {  	v3 =	vld [tilespmem:s24+$0xFFFFFFC0]  }
0x619: {  	v4 =	vld [tilespmem:s24+$0xFFFFFFD0]  }
0x61a: {  	v6 =	vld [tilespmem:s24+$0xFFFFFFE0]  }
0x61b: {  	v7 =	vld [tilespmem:s24+$0xFFFFFFF0]  }
0x61c: {  	v8 =	vld [tilespmem:s24+$0xFFFFFF90]  }
0x61d: {  	v9 =	vld.idx.msk [tilespmem:v0+s15+$0x0], $0xffff  }
0x61e: {  	v10 =	vld.idx.msk [tilespmem:v1+s15+$0x0], $0xffff  }
0x61f: {  	v5 =	vld.idx.msk [tilespmem:v2+s15+$0x0], $0xffff  }
0x620: {  	v3 =	vld.idx.msk [tilespmem:v3+s15+$0x0], $0xffff  }
0x621: {  	v0 =	vld.idx.msk [tilespmem:v4+s15+$0x0], $0xffff  }
0x622: {  	s21 =	simm.s32 $0x1D770;
	v1 =	vld.idx.msk [tilespmem:v6+s15+$0x0], $0xffff  }
0x623: {  	v2 =	vld.idx.msk [tilespmem:v7+s15+$0x0], $0xffff;
	[tilespmem:s21+$0x0] =	vst v9  }
0x624: {  	s22 =	simm.s32 $0x0;
	s23 =	simm.s32 $0x30F0;
	v4 =	vld.idx.msk [tilespmem:v8+s15+$0x0], $0xffff;
	[tilespmem:s21+$0xFFFFFFA0] =	vst v10  }
.LBB2_69:
0x625: {  	v6 =	vld [tilespmem:s23+$0x0];
	s22 =	sadd.s32 $0x8, s22;
	[tilespmem:s21+$0xFFFFFFB0] =	vst v5  }
0x626: {  	v5 =	vld [tilespmem:s23+$0xFFFFFFA0];
	p3 =	slt.u32 s22, $0xF8;
	[tilespmem:s21+$0xFFFFFFC0] =	vst v3  }
0x627: {  	v3 =	vld [tilespmem:s23+$0xFFFFFFB0];
	[tilespmem:s21+$0xFFFFFFD0] =	vst v0  }
0x628: {  	v0 =	vld [tilespmem:s23+$0xFFFFFFC0];
	[tilespmem:s21+$0xFFFFFFE0] =	vst v1  }
0x629: {  	v1 =	vld [tilespmem:s23+$0xFFFFFFD0];
	[tilespmem:s21+$0xFFFFFFF0] =	vst v2  }
0x62a: {  	v2 =	vld [tilespmem:s23+$0xFFFFFFE0];
	[tilespmem:s21+$0xFFFFFF90] =	vst v4  }
0x62b: {  	v4 =	vld [tilespmem:s23+$0xFFFFFFF0]  }
0x62c: {  	v7 =	vld [tilespmem:s23+$0xFFFFFF90]  }
0x62d: {  	v6 =	vld.idx.msk [tilespmem:v6+s15+$0x0], $0xffff  }
0x62e: {  	v8 =	vld.idx.msk [tilespmem:v5+s15+$0x0], $0xffff  }
0x62f: {  	v5 =	vld.idx.msk [tilespmem:v3+s15+$0x0], $0xffff  }
.Ltmp35:
0x630: {  	v3 =	vld.idx.msk [tilespmem:v0+s15+$0x0], $0xffff;
	(pc) =	sbr.rel @p3 .LBB2_69-.Ltmp35, $4  }
0x631: {  	v0 =	vld.idx.msk [tilespmem:v1+s15+$0x0], $0xffff  }
0x632: {  	s21 =	sadd.s32 $0x80, s21;
	v1 =	vld.idx.msk [tilespmem:v2+s15+$0x0], $0xffff  }
0x633: {  	v2 =	vld.idx.msk [tilespmem:v4+s15+$0x0], $0xffff;
	[tilespmem:s21+$0x0] =	vst v6  }
0x634: {  	s23 =	sadd.s32 $0x80, s23;
	v4 =	vld.idx.msk [tilespmem:v7+s15+$0x0], $0xffff;
	[tilespmem:s21+$0xFFFFFFA0] =	vst v8  }
0x635: {  	[tilespmem:s21+$0xFFFFFFB0] =	vst v5  }
0x636: {  	[tilespmem:s21+$0xFFFFFFC0] =	vst v3  }
0x637: {  	[tilespmem:s21+$0xFFFFFFD0] =	vst v0  }
0x638: {  	[tilespmem:s21+$0xFFFFFFE0] =	vst v1  }
0x639: {  	[tilespmem:s21+$0xFFFFFFF0] =	vst v2  }
0x63a: {  	[tilespmem:s21+$0xFFFFFF90] =	vst v4  }
0x63b: {  	[hbm4b:s11+s12] =	stream.strided.scatter [tilespmem:s17], [sflag:$0x2], $0x1000, s14, s12, $0x38;
	[tilespmem:$0x1E700] =	vst v63  }
0x63c: {  	_ =	swait.ge [sflag:s18], $0x1000  }
0x63d: {  	[sflag:s18] =	ssyncset.done $0x0  }
0x63e: {  	[sflag:s18] =	ssyncadd.s32 $0xFFFFF000  }
0x63f: {  	_ =	swait.ge [sflag:s19], $0x1000  }
0x640: {  	s24 =	sld [smem:$0x7EE];
	_ =	sdelay $0x1  }
0x641: {  	s20 =	sadd.s32 $0x1, s20  }
0x642: {  	p0 =	sne.s32 s20, s24  }
.Ltmp36:
0x643: {  	_ = 	snop;
	(pc) =	sbr.rel @p0 .LBB2_1-.Ltmp36, $3  }
0x644: {  	_ =	sdelay $0x1  }
0x645: {  	[sflag:s19] =	ssyncset.done $0x0  }
0x646: {  	[sflag:s19] =	ssyncadd.s32 $0xFFFFF000  }
0x647: {  	_ =	sfence.sel $0x180000  }
0x648: {  	[bflag:$0x0] =	sbarrier.arrive $0xFFFF  }
0x649: {  	_ =	strace $0x90000047  }
0x64a: {  	s0 =	stileid.u32;
	[bflag:$0x2] =	sbarrier.arrive $0xFFFF  }
0x64b: {  	p0 =	sne.s32 s0, $0x0;
	s0 =	rddreg [dreg:$0x6]  }
0x64c: {  	s0 =	sadd.s32 @!p0 $0x100000, s0  }
0x64d: {  	[sflag:s0] =	ssyncadd.tile.s32 @!p0 $0x1;
	_ =	shalt  }
.Lfunc_end2:
_tile_overlayer_lowered:
.L_overlay_start_2:
0x64e: {  	(tag) =	ssettag $0x2  }
0x64f: {  	s0 =	rddreg [dreg:$0x0];
	s2 =	stileid.u32  }
0x650: {  	s1 =	rddreg [dreg:$0x1];
	p0 =	sne.s32 s2, $0x0  }
0x651: {  	s3 =	rddreg [dreg:$0x2];
	[bflag:$0x3] =	sbarrier.arrive $0xFFFF;
	s2 =	simm.s32 @!p0 $0x1C03  }
0x652: {  	[timem:s3], [sflag:s2] =	dma.local @!p0 [hbm:s0], s1  }
0x653: {  	s0 =	simm.s32 @!p0 $0x3  }
0x654: {  	_ =	swait.ge @!p0 [sflag:s0], s1  }
0x655: {  	s1 =	ssub.s32 @!p0 $0x0, s1;
	[sflag:s0] =	ssyncset.done @!p0 $0x0  }
0x656: {  	[sflag:s0] =	ssyncadd.s32 @!p0 s1  }
0x657: {  	[bflag:$0x3] =	sbarrier.arrive $0xFFFF  }
0x658: {  	_ =	shalt  }

</sc_bundles>
